<compile_context>
chip_gen: v7x
topology: tpu7x:2x2x1
jax: 0.10.2.dev20260603
libtpu: 0.0.44.dev20260713+nightly
codegen_flags: <defaults>
</compile_context>

<pallas_src>
import functools

import jax
import jax.numpy as jnp
from jax import lax
from jax.experimental import pallas as pl
from jax.experimental.pallas import tpu as pltpu
from jax.experimental.pallas import tpu_sc as plsc

CAP = 100000
DIM = 256
BATCH = 1024
L = 16
NT = 16
BLK = 256
NB = 392
NPAD = NB * BLK
MPAD = 400
CHUNK = 2000
CROWS = 32
NCORES = 2
CORE_ROWS = CAP // NCORES
NCH = 2 * ((CORE_ROWS // 15) // (2 * CROWS))
ROWS_PER_TILE = NCH * CROWS
TAIL_ROWS = CORE_ROWS - 15 * ROWS_PER_TILE
TAIL_CH = TAIL_ROWS // CROWS
TAIL_LEFT = TAIL_ROWS - TAIL_CH * CROWS

_MESH = plsc.VectorSubcoreMesh(
    core_axis_name="c", subcore_axis_name="s", num_cores=NCORES,
    num_subcores=NT)


@functools.partial(
    pl.kernel,
    out_type=jax.ShapeDtypeStruct((CAP, DIM), jnp.float32),
    mesh=_MESH,
    scratch_types=[
        pltpu.VMEM((NPAD,), jnp.float32),
        pltpu.VMEM((MPAD,), jnp.float32),
        pltpu.VMEM((2 * 16,), jnp.float32),
        pltpu.VMEM((BATCH,), jnp.float32),
        pltpu.VMEM((BATCH,), jnp.int32),
        pltpu.VMEM((CHUNK,), jnp.float32),
        pltpu.VMEM((CHUNK,), jnp.float32),
        pltpu.VMEM((32, DIM), jnp.float32),
        pltpu.VMEM((32, DIM), jnp.float32),
        pltpu.VMEM((32,), jnp.int32),
        pltpu.VMEM((32,), jnp.int32),
        pltpu.VMEM((64,), jnp.int32),
        pltpu.VMEM((80,), jnp.int32),
        pltpu.VMEM((80,), jnp.int32),
        pltpu.VMEM_SHARED((BATCH,), jnp.int32),
        pltpu.SemaphoreType.DMA,
        pltpu.SemaphoreType.DMA,
        pltpu.SemaphoreType.DMA,
        pltpu.SemaphoreType.DMA,
        pltpu.SemaphoreType.DMA,
    ],
    compiler_params=pltpu.CompilerParams(needs_layout_passes=False),
)
def _sc_kernel(mem_h, uc_h, imp_h, exp_h, out_h,
               S, M, T2, nrm, sel_v, ucb, ipb, ebuf, cbuf, gidx, sidx, frv,
               cslot, crow, sel_sh, sem, sema, semb, semra, semrb):
    wid = lax.axis_index("s")
    cid = lax.axis_index("c")
    lo = cid * CORE_ROWS
    iota = lax.iota(jnp.int32, L)
    INF = jnp.float32(jnp.inf)
    BIG = jnp.int32(1 << 30)

    def load1(ref, idx, zero):
        off = (idx // L) * L
        lane = idx - off
        v = ref[pl.ds(off, L)]
        return jnp.sum(jnp.where(iota == lane, v, zero))

    def store1(ref, idx, val):
        off = (idx // L) * L
        lane = idx - off
        vv = ref[pl.ds(off, L)]
        ref[pl.ds(off, L)] = jnp.where(iota == lane, val, vv)

    @pl.when(wid == 0)
    def _tile0():
        def nchunk(c, carry):
            pltpu.sync_copy(exp_h.at[pl.ds(c * 32, 32)], ebuf)

            def nrow(r, carry2):
                acc = ebuf[r, pl.ds(0, L)] * ebuf[r, pl.ds(0, L)]
                for k in range(1, DIM // L):
                    v = ebuf[r, pl.ds(k * L, L)]
                    acc = acc + v * v
                store1(nrm, c * 32 + r, jnp.sum(acc))
                return carry2

            return lax.fori_loop(0, 32, nrow, carry)

        lax.fori_loop(0, BATCH // 32, nchunk, 0)

        def nsq(v, carry):
            x = nrm[pl.ds(v * L, L)]
            b = plsc.bitcast(x, jnp.int32)
            y = plsc.bitcast((b >> 1) + jnp.int32(0x1FBD1DF5), jnp.float32)
            for _ in range(4):
                y = jnp.float32(0.5) * (y + x / y)
            nrm[pl.ds(v * L, L)] = y
            return carry

        lax.fori_loop(0, BATCH // L, nsq, 0)

        def ptail(v, carry):
            S[pl.ds(CAP + v * L, L)] = jnp.full((L,), INF, jnp.float32)
            return carry

        lax.fori_loop(0, (NPAD - CAP) // L, ptail, 0)

        def schunk(c, carry):
            pltpu.sync_copy(uc_h.at[pl.ds(c * CHUNK, CHUNK)], ucb)
            pltpu.sync_copy(imp_h.at[pl.ds(c * CHUNK, CHUNK)], ipb)

            def sv(v, carry2):
                S[pl.ds(c * CHUNK + v * L, L)] = (
                    ucb[pl.ds(v * L, L)] * ipb[pl.ds(v * L, L)])
                return carry2

            return lax.fori_loop(0, CHUNK // L, sv, carry)

        lax.fori_loop(0, CAP // CHUNK, schunk, 0)

        def mb(bidx, carry):
            mn = S[pl.ds(bidx * BLK, L)]
            for k in range(1, BLK // L):
                mn = jnp.minimum(mn, S[pl.ds(bidx * BLK + k * L, L)])
            store1(M, bidx, jnp.min(mn))
            return carry

        M[pl.ds(MPAD - L, L)] = jnp.full((L,), INF, jnp.float32)
        lax.fori_loop(0, NB, mb, 0)

        T2[pl.ds(L, L)] = jnp.full((L,), INF, jnp.float32)

        def t2b(j, carry):
            store1(T2, j, jnp.min(M[pl.ds(j * L, L)]))
            return carry

        lax.fori_loop(0, MPAD // L, t2b, 0)

        def step(i, carry):
            t0 = T2[pl.ds(0, L)]
            t1 = T2[pl.ds(L, L)]
            m = jnp.min(jnp.minimum(t0, t1))
            cand = jnp.where(t0 == m, iota,
                             jnp.where(t1 == m, iota + L, BIG))
            g = jnp.min(cand)
            v1 = M[pl.ds(g * L, L)]
            bstar = g * L + plsc.all_reduce_ffs(v1 == m)[0]
            base = bstar * BLK

            candv = jnp.full((L,), BIG, jnp.int32)
            for k in range(BLK // L):
                vk = S[pl.ds(base + k * L, L)]
                candv = jnp.minimum(
                    candv, jnp.where(vk == m, iota + k * L, BIG))
            r = base + jnp.min(candv)
            store1(sel_v, i, r)

            nv = load1(nrm, i, jnp.float32(0.0))
            off = (r // L) * L
            lane = r - off
            vv = S[pl.ds(off, L)]
            S[pl.ds(off, L)] = jnp.where(iota == lane, nv, vv)

            mn = S[pl.ds(base, L)]
            for k in range(1, BLK // L):
                mn = jnp.minimum(mn, S[pl.ds(base + k * L, L)])
            store1(M, bstar, jnp.min(mn))
            store1(T2, g, jnp.min(M[pl.ds(g * L, L)]))
            return carry

        lax.fori_loop(0, BATCH, step, 0)
        pltpu.sync_copy(sel_v, sel_sh)

    @pl.when(wid > 0)
    def _copy():
        start = lo + (wid - 1) * ROWS_PER_TILE
        pltpu.async_copy(mem_h.at[pl.ds(start, CROWS)], ebuf, semra)
        pltpu.async_copy(mem_h.at[pl.ds(start + CROWS, CROWS)], cbuf, semrb)

        def cpair(p, carry):
            c0 = start + (2 * p) * CROWS
            c1 = c0 + CROWS
            pltpu.make_async_copy(
                mem_h.at[pl.ds(c0, CROWS)], ebuf, semra).wait()
            pltpu.async_copy(ebuf, out_h.at[pl.ds(c0, CROWS)], sema)
            pltpu.make_async_copy(
                mem_h.at[pl.ds(c1, CROWS)], cbuf, semrb).wait()
            pltpu.async_copy(cbuf, out_h.at[pl.ds(c1, CROWS)], semb)

            @pl.when(p < NCH // 2 - 1)
            def _():
                pltpu.make_async_copy(
                    ebuf, out_h.at[pl.ds(c0, CROWS)], sema).wait()
                pltpu.async_copy(
                    mem_h.at[pl.ds(c0 + 2 * CROWS, CROWS)], ebuf, semra)
                pltpu.make_async_copy(
                    cbuf, out_h.at[pl.ds(c1, CROWS)], semb).wait()
                pltpu.async_copy(
                    mem_h.at[pl.ds(c1 + 2 * CROWS, CROWS)], cbuf, semrb)

            return carry

        lax.fori_loop(0, NCH // 2, cpair, 0)
        e0 = start + (NCH - 2) * CROWS
        pltpu.make_async_copy(ebuf, out_h.at[pl.ds(e0, CROWS)], sema).wait()
        pltpu.make_async_copy(
            cbuf, out_h.at[pl.ds(e0 + CROWS, CROWS)], semb).wait()

    @pl.when(wid == NT - 1)
    def _copy_tail():
        t0 = lo + 15 * ROWS_PER_TILE

        def tbody(c, carry):
            pltpu.sync_copy(mem_h.at[pl.ds(t0 + c * CROWS, CROWS)], ebuf)
            pltpu.sync_copy(ebuf, out_h.at[pl.ds(t0 + c * CROWS, CROWS)])
            return carry

        lax.fori_loop(0, TAIL_CH, tbody, 0)
        if TAIL_LEFT:
            t1 = t0 + TAIL_CH * CROWS
            pltpu.sync_copy(mem_h.at[pl.ds(t1, TAIL_LEFT)],
                            ebuf.at[pl.ds(0, TAIL_LEFT)])
            pltpu.sync_copy(ebuf.at[pl.ds(0, TAIL_LEFT)],
                            out_h.at[pl.ds(t1, TAIL_LEFT)])

    plsc.subcore_barrier()

    pltpu.sync_copy(sel_sh, sel_v)

    def dstep(t, carry):
        i = wid * 64 + t
        slot = load1(sel_v, i, jnp.int32(0))
        runm = jnp.full((L,), jnp.int32(-1))
        for j in range(BATCH // L):
            v = sel_v[pl.ds(j * L, L)]
            cand = jnp.where(v == slot, iota + j * L, jnp.int32(-1))
            runm = jnp.maximum(runm, cand)
        store1(frv, t, jnp.max(runm))
        return carry

    lax.fori_loop(0, 64, dstep, 0)

    def cstep(t, cnt):
        i = wid * 64 + t
        slot = load1(sel_v, i, jnp.int32(0))
        row = load1(frv, t, jnp.int32(0))
        owned = (slot >= lo) & (slot < lo + CORE_ROWS)

        @pl.when(owned)
        def _():
            store1(cslot, cnt, slot)
            store1(crow, cnt, row)

        return jnp.where(owned, cnt + 1, cnt)

    total = lax.fori_loop(0, 64, cstep, jnp.int32(0))

    s0 = cslot[pl.ds(0, L)][0]
    r0 = crow[pl.ds(0, L)][0]
    for v in range(4):
        idxs = iota + v * L
        cs = cslot[pl.ds(v * L, L)]
        cr = crow[pl.ds(v * L, L)]
        cslot[pl.ds(v * L, L)] = jnp.where(idxs < total, cs, s0)
        crow[pl.ds(v * L, L)] = jnp.where(idxs < total, cr, r0)

    def sch(c, carry):
        for v in range(2):
            gidx[pl.ds(v * L, L)] = crow[pl.ds(c * 32 + v * L, L)]
            sidx[pl.ds(v * L, L)] = cslot[pl.ds(c * 32 + v * L, L)]
        pltpu.async_copy(exp_h.at[gidx], ebuf, sem).wait()
        pltpu.async_copy(ebuf, out_h.at[sidx], sem).wait()
        return carry

    lax.fori_loop(0, (total + 31) // 32, sch, 0)


def kernel(memory, usage_count, importance_score, temporal_index,
           encoded_experiences, next_index_start):
    del temporal_index, next_index_start
    return _sc_kernel(memory, usage_count, importance_score,
                      encoded_experiences)

# --- scband reference (transcript-rebuilt; emitter-appended) ---
"""Pipeline reference for scband-memory-bank-60550448939392 (READ-ONLY COPY).

The authoritative reference and input builder live on the scoring server;
editing this copy changes nothing except your own understanding.
"""

import jax, jax.numpy as jnp
import numpy as np

CAPACITY = 100000
DIM = 256
BATCH = 1024


def setup_inputs(seed: int = 0) -> dict:
    key = jax.random.key(seed)
    k1, k2, k3, k4 = jax.random.split(key, 4)
    return {
        "memory": jax.random.normal(k1, (CAPACITY, DIM), dtype=jnp.float32),
        "usage_count": jax.random.uniform(k2, (CAPACITY,), dtype=jnp.float32, minval=0.0, maxval=1.0),
        "importance_score": jax.random.uniform(k3, (CAPACITY,), dtype=jnp.float32, minval=0.0, maxval=1.0),
        "temporal_index": jnp.zeros((CAPACITY,), dtype=jnp.float32),
        "encoded_experiences": jax.random.normal(k4, (BATCH, DIM), dtype=jnp.float32),
        "next_index_start": CAPACITY,
    }


def reference(memory, usage_count, importance_score, temporal_index, encoded_experiences, next_index_start):
    # Faithful translation of MemoryBank.add in the full-capacity regime:
    # each incoming encoded_experience replaces the slot with the lowest
    # importance_score * usage_count (argmin), then updates usage/importance/temporal.
    def step(carry, exp):
        mem, uc, imp, ti, nidx = carry
        combined_score = imp * uc
        replace_idx = jnp.argmin(combined_score)
        mem = mem.at[replace_idx].set(exp)
        uc = uc.at[replace_idx].set(jnp.float32(1.0))
        imp = imp.at[replace_idx].set(jnp.linalg.norm(exp))
        ti = ti.at[replace_idx].set(nidx.astype(jnp.float32))
        return (mem, uc, imp, ti, nidx + 1), None

    init = (memory, usage_count, importance_score, temporal_index,
            jnp.asarray(next_index_start, dtype=jnp.int32))
    (mem, uc, imp, ti, nidx), _ = jax.lax.scan(step, init, encoded_experiences)
    return mem

if __name__ == "__main__":
    import jax
    _d = setup_inputs()
    print(jax.jit(kernel)(*tuple(_d.values())))

</pallas_src>

<mosaic_0001>
#map = affine_map<(d0, d1) -> (0, 0)>
#map1 = affine_map<(d0, d1) -> (0)>
module attributes {stable_mosaic.version = 14 : i64} {
  func.func @_sc_kernel(%arg0: i32, %arg1: i32, %arg2: memref<100000x256xf32, #tpu.memory_space<hbm>>, %arg3: memref<100000xf32, #tpu.memory_space<hbm>>, %arg4: memref<100000xf32, #tpu.memory_space<hbm>>, %arg5: memref<1024x256xf32, #tpu.memory_space<hbm>>, %arg6: memref<100000x256xf32, #tpu.memory_space<hbm>>, %arg7: memref<100352xf32, #tpu.memory_space<vmem>>, %arg8: memref<400xf32, #tpu.memory_space<vmem>>, %arg9: memref<32xf32, #tpu.memory_space<vmem>>, %arg10: memref<1024xf32, #tpu.memory_space<vmem>>, %arg11: memref<1024xi32, #tpu.memory_space<vmem>>, %arg12: memref<2000xf32, #tpu.memory_space<vmem>>, %arg13: memref<2000xf32, #tpu.memory_space<vmem>>, %arg14: memref<32x256xf32, #tpu.memory_space<vmem>>, %arg15: memref<32x256xf32, #tpu.memory_space<vmem>>, %arg16: memref<32xi32, #tpu.memory_space<vmem>>, %arg17: memref<32xi32, #tpu.memory_space<vmem>>, %arg18: memref<64xi32, #tpu.memory_space<vmem>>, %arg19: memref<80xi32, #tpu.memory_space<vmem>>, %arg20: memref<80xi32, #tpu.memory_space<vmem>>, %arg21: memref<1024xi32, #tpu.memory_space<vmem_shared>>, %arg22: memref<!tpu.dma_semaphore, #tpu.memory_space<semaphore_mem>>, %arg23: memref<!tpu.dma_semaphore, #tpu.memory_space<semaphore_mem>>, %arg24: memref<!tpu.dma_semaphore, #tpu.memory_space<semaphore_mem>>, %arg25: memref<!tpu.dma_semaphore, #tpu.memory_space<semaphore_mem>>, %arg26: memref<!tpu.dma_semaphore, #tpu.memory_space<semaphore_mem>>) attributes {dimension_semantics = [#tpu.dimension_semantics<core_parallel>, #tpu.dimension_semantics<subcore_parallel>], iteration_bounds = array<i64: 2, 16>, scalar_prefetch = 0 : i64, scratch_operands = 20 : i64, tpu.core_type = #tpu.core_type<sc_vector_subcore>, window_params = [{transform_indices = #map}, {transform_indices = #map1}, {transform_indices = #map1}, {transform_indices = #map}, {transform_indices = #map}]} {
    %mul3A = arith.constant 50000 : i32
    %mul3A_0 = arith.muli %arg0, %mul3A : i32
    %iota3A = tpu.iota {dimensions = array<i32: 0>} : vector<16xi32>
    %eq3A = arith.constant 0 : i32
    %eq3A_1 = arith.cmpi eq, %arg1, %eq3A : i32
    %convert_element_type3A = arith.extui %eq3A_1 : i1 to i32
    %cond3A = arith.constant 0x7F800000 : f32
    %cond3A_2 = arith.constant 1073741824 : i32
    %cond3A_3 = arith.constant 0 : i32
    %cond3A_4 = arith.cmpi ne, %convert_element_type3A, %cond3A_3 : i32
    scf.if %cond3A_4 {
      %scan3A_130 = arith.constant 0 : i32
      %scan3A_131 = arith.constant 0 : i32
      %scan3A_132 = arith.constant 32 : i32
      %scan3A_133 = arith.addi %scan3A_131, %scan3A_132 : i32
      %scan3A_134 = arith.constant 1 : i32
      scf.for %scan3A_178 = %scan3A_131 to %scan3A_133 step %scan3A_134  : i32 {
        %mul3A_179 = arith.constant 32 : i32
        %mul3A_180 = arith.muli %scan3A_178, %mul3A_179 : i32
        "tpu.region"() ({
          %run_scoped3A = tpu.sem_alloc : memref<!tpu.dma_semaphore, #tpu.memory_space<semaphore_mem>>
          %dma_start3A = arith.constant 0 : i32
          %dma_start3A_186 = tpu.memref_slice %arg5[%mul3A_180, %dma_start3A] : memref<1024x256xf32, #tpu.memory_space<hbm>> -> memref<32x256xf32, #tpu.memory_space<hbm>>
          %dma_start3A_187 = arith.constant 0 : i32
          %dma_start3A_188 = tpu.memref_slice %arg5[%mul3A_180, %dma_start3A_187] : memref<1024x256xf32, #tpu.memory_space<hbm>> -> memref<32x256xf32, #tpu.memory_space<hbm>>
          tpu.enqueue_dma source(%dma_start3A_188 : memref<32x256xf32, #tpu.memory_space<hbm>>) target(%arg14 : memref<32x256xf32, #tpu.memory_space<vmem>>) target_semaphore(%run_scoped3A : memref<!tpu.dma_semaphore, #tpu.memory_space<semaphore_mem>>)
          %dma_wait3A = arith.constant 0 : i32
          %dma_wait3A_189 = tpu.memref_slice %arg5[%mul3A_180, %dma_wait3A] : memref<1024x256xf32, #tpu.memory_space<hbm>> -> memref<32x256xf32, #tpu.memory_space<hbm>>
          %dma_wait3A_190 = arith.constant 0 : i32
          %dma_wait3A_191 = tpu.memref_slice %arg5[%mul3A_180, %dma_wait3A_190] : memref<1024x256xf32, #tpu.memory_space<hbm>> -> memref<32x256xf32, #tpu.memory_space<hbm>>
          tpu.wait_dma2 semaphore(%run_scoped3A : memref<!tpu.dma_semaphore, #tpu.memory_space<semaphore_mem>>) src(%dma_wait3A_191 : memref<32x256xf32, #tpu.memory_space<hbm>>) dst(%arg14 : memref<32x256xf32, #tpu.memory_space<vmem>>)
          tpu.yield
        }) : () -> ()
        %scan3A_181 = arith.constant 0 : i32
        %scan3A_182 = arith.constant 32 : i32
        %scan3A_183 = arith.addi %scan3A_181, %scan3A_182 : i32
        %scan3A_184 = arith.constant 1 : i32
        scf.for %scan3A_186 = %scan3A_181 to %scan3A_183 step %scan3A_184  : i32 {
          %get3A_187 = arith.index_cast %scan3A_186 : i32 to index
          %get3A_188 = arith.constant 0 : index
          %get3A_189 = tpu.vector_load %arg14[%get3A_187, %get3A_188] {strides = array<i32>} : memref<32x256xf32, #tpu.memory_space<vmem>>, vector<16xf32>,
          %get3A_190 = arith.index_cast %scan3A_186 : i32 to index
          %get3A_191 = arith.constant 0 : index
          %get3A_192 = tpu.vector_load %arg14[%get3A_190, %get3A_191] {strides = array<i32>} : memref<32x256xf32, #tpu.memory_space<vmem>>, vector<16xf32>,
          %mul3A_193 = arith.mulf %get3A_189, %get3A_192 : vector<16xf32>
          %get3A_194 = arith.index_cast %scan3A_186 : i32 to index
          %get3A_195 = arith.constant 16 : index
          %get3A_196 = tpu.vector_load %arg14[%get3A_194, %get3A_195] {strides = array<i32>} : memref<32x256xf32, #tpu.memory_space<vmem>>, vector<16xf32>,
          %mul3A_197 = arith.mulf %get3A_196, %get3A_196 : vector<16xf32>
          %add3A_198 = arith.addf %mul3A_193, %mul3A_197 : vector<16xf32>
          %get3A_199 = arith.index_cast %scan3A_186 : i32 to index
          %get3A_200 = arith.constant 32 : index
          %get3A_201 = tpu.vector_load %arg14[%get3A_199, %get3A_200] {strides = array<i32>} : memref<32x256xf32, #tpu.memory_space<vmem>>, vector<16xf32>,
          %mul3A_202 = arith.mulf %get3A_201, %get3A_201 : vector<16xf32>
          %add3A_203 = arith.addf %add3A_198, %mul3A_202 : vector<16xf32>
          %get3A_204 = arith.index_cast %scan3A_186 : i32 to index
          %get3A_205 = arith.constant 48 : index
          %get3A_206 = tpu.vector_load %arg14[%get3A_204, %get3A_205] {strides = array<i32>} : memref<32x256xf32, #tpu.memory_space<vmem>>, vector<16xf32>,
          %mul3A_207 = arith.mulf %get3A_206, %get3A_206 : vector<16xf32>
          %add3A_208 = arith.addf %add3A_203, %mul3A_207 : vector<16xf32>
          %get3A_209 = arith.index_cast %scan3A_186 : i32 to index
          %get3A_210 = arith.constant 64 : index
          %get3A_211 = tpu.vector_load %arg14[%get3A_209, %get3A_210] {strides = array<i32>} : memref<32x256xf32, #tpu.memory_space<vmem>>, vector<16xf32>,
          %mul3A_212 = arith.mulf %get3A_211, %get3A_211 : vector<16xf32>
          %add3A_213 = arith.addf %add3A_208, %mul3A_212 : vector<16xf32>
          %get3A_214 = arith.index_cast %scan3A_186 : i32 to index
          %get3A_215 = arith.constant 80 : index
          %get3A_216 = tpu.vector_load %arg14[%get3A_214, %get3A_215] {strides = array<i32>} : memref<32x256xf32, #tpu.memory_space<vmem>>, vector<16xf32>,
          %mul3A_217 = arith.mulf %get3A_216, %get3A_216 : vector<16xf32>
          %add3A_218 = arith.addf %add3A_213, %mul3A_217 : vector<16xf32>
          %get3A_219 = arith.index_cast %scan3A_186 : i32 to index
          %get3A_220 = arith.constant 96 : index
          %get3A_221 = tpu.vector_load %arg14[%get3A_219, %get3A_220] {strides = array<i32>} : memref<32x256xf32, #tpu.memory_space<vmem>>, vector<16xf32>,
          %mul3A_222 = arith.mulf %get3A_221, %get3A_221 : vector<16xf32>
          %add3A_223 = arith.addf %add3A_218, %mul3A_222 : vector<16xf32>
          %get3A_224 = arith.index_cast %scan3A_186 : i32 to index
          %get3A_225 = arith.constant 112 : index
          %get3A_226 = tpu.vector_load %arg14[%get3A_224, %get3A_225] {strides = array<i32>} : memref<32x256xf32, #tpu.memory_space<vmem>>, vector<16xf32>,
          %mul3A_227 = arith.mulf %get3A_226, %get3A_226 : vector<16xf32>
          %add3A_228 = arith.addf %add3A_223, %mul3A_227 : vector<16xf32>
          %get3A_229 = arith.index_cast %scan3A_186 : i32 to index
          %get3A_230 = arith.constant 128 : index
          %get3A_231 = tpu.vector_load %arg14[%get3A_229, %get3A_230] {strides = array<i32>} : memref<32x256xf32, #tpu.memory_space<vmem>>, vector<16xf32>,
          %mul3A_232 = arith.mulf %get3A_231, %get3A_231 : vector<16xf32>
          %add3A_233 = arith.addf %add3A_228, %mul3A_232 : vector<16xf32>
          %get3A_234 = arith.index_cast %scan3A_186 : i32 to index
          %get3A_235 = arith.constant 144 : index
          %get3A_236 = tpu.vector_load %arg14[%get3A_234, %get3A_235] {strides = array<i32>} : memref<32x256xf32, #tpu.memory_space<vmem>>, vector<16xf32>,
          %mul3A_237 = arith.mulf %get3A_236, %get3A_236 : vector<16xf32>
          %add3A_238 = arith.addf %add3A_233, %mul3A_237 : vector<16xf32>
          %get3A_239 = arith.index_cast %scan3A_186 : i32 to index
          %get3A_240 = arith.constant 160 : index
          %get3A_241 = tpu.vector_load %arg14[%get3A_239, %get3A_240] {strides = array<i32>} : memref<32x256xf32, #tpu.memory_space<vmem>>, vector<16xf32>,
          %mul3A_242 = arith.mulf %get3A_241, %get3A_241 : vector<16xf32>
          %add3A_243 = arith.addf %add3A_238, %mul3A_242 : vector<16xf32>
          %get3A_244 = arith.index_cast %scan3A_186 : i32 to index
          %get3A_245 = arith.constant 176 : index
          %get3A_246 = tpu.vector_load %arg14[%get3A_244, %get3A_245] {strides = array<i32>} : memref<32x256xf32, #tpu.memory_space<vmem>>, vector<16xf32>,
          %mul3A_247 = arith.mulf %get3A_246, %get3A_246 : vector<16xf32>
          %add3A_248 = arith.addf %add3A_243, %mul3A_247 : vector<16xf32>
          %get3A_249 = arith.index_cast %scan3A_186 : i32 to index
          %get3A_250 = arith.constant 192 : index
          %get3A_251 = tpu.vector_load %arg14[%get3A_249, %get3A_250] {strides = array<i32>} : memref<32x256xf32, #tpu.memory_space<vmem>>, vector<16xf32>,
          %mul3A_252 = arith.mulf %get3A_251, %get3A_251 : vector<16xf32>
          %add3A_253 = arith.addf %add3A_248, %mul3A_252 : vector<16xf32>
          %get3A_254 = arith.index_cast %scan3A_186 : i32 to index
          %get3A_255 = arith.constant 208 : index
          %get3A_256 = tpu.vector_load %arg14[%get3A_254, %get3A_255] {strides = array<i32>} : memref<32x256xf32, #tpu.memory_space<vmem>>, vector<16xf32>,
          %mul3A_257 = arith.mulf %get3A_256, %get3A_256 : vector<16xf32>
          %add3A_258 = arith.addf %add3A_253, %mul3A_257 : vector<16xf32>
          %get3A_259 = arith.index_cast %scan3A_186 : i32 to index
          %get3A_260 = arith.constant 224 : index
          %get3A_261 = tpu.vector_load %arg14[%get3A_259, %get3A_260] {strides = array<i32>} : memref<32x256xf32, #tpu.memory_space<vmem>>, vector<16xf32>,
          %mul3A_262 = arith.mulf %get3A_261, %get3A_261 : vector<16xf32>
          %add3A_263 = arith.addf %add3A_258, %mul3A_262 : vector<16xf32>
          %get3A_264 = arith.index_cast %scan3A_186 : i32 to index
          %get3A_265 = arith.constant 240 : index
          %get3A_266 = tpu.vector_load %arg14[%get3A_264, %get3A_265] {strides = array<i32>} : memref<32x256xf32, #tpu.memory_space<vmem>>, vector<16xf32>,
          %mul3A_267 = arith.mulf %get3A_266, %get3A_266 : vector<16xf32>
          %add3A_268 = arith.addf %add3A_263, %mul3A_267 : vector<16xf32>
          %mul3A_269 = arith.constant 32 : i32
          %mul3A_270 = arith.muli %scan3A_178, %mul3A_269 : i32
          %add3A_271 = arith.addi %mul3A_270, %scan3A_186 : i32
          %reduce_sum3A = arith.constant true
          %reduce_sum3A_272 = vector.broadcast %reduce_sum3A : i1 to vector<16xi1>
          %reduce_sum3A_273 = tpu.scan <sum>, %add3A_268 masked %reduce_sum3A_272 : vector<16xf32>, vector<16xi1> -> vector<16xf32>
          %reduce_sum3A_274 = vector.extract %reduce_sum3A_273[15] : f32 from vector<16xf32>
          %jit3A_275 = arith.constant 16 : i32
          %div3A_276 = arith.divsi %add3A_271, %jit3A_275 : i32
          %sign3A_277 = arith.constant 0 : i32
          %sign3A_278 = arith.cmpi sgt, %add3A_271, %sign3A_277 : i32
          %sign3A_279 = arith.extui %sign3A_278 : i1 to i32
          %sign3A_280 = arith.constant 0 : i32
          %sign3A_281 = arith.cmpi slt, %add3A_271, %sign3A_280 : i32
          %sign3A_282 = arith.extui %sign3A_281 : i1 to i32
          %sign3A_283 = arith.subi %sign3A_279, %sign3A_282 : i32
          %sign3A_284 = arith.constant 0 : i32
          %sign3A_285 = arith.cmpi sgt, %jit3A_275, %sign3A_284 : i32
          %sign3A_286 = arith.extui %sign3A_285 : i1 to i32
          %sign3A_287 = arith.constant 0 : i32
          %sign3A_288 = arith.cmpi slt, %jit3A_275, %sign3A_287 : i32
          %sign3A_289 = arith.extui %sign3A_288 : i1 to i32
          %sign3A_290 = arith.subi %sign3A_286, %sign3A_289 : i32
          %ne3A_291 = arith.cmpi ne, %sign3A_283, %sign3A_290 : i32
          %rem3A_292 = arith.remsi %add3A_271, %jit3A_275 : i32
          %ne3A_293 = arith.constant 0 : i32
          %ne3A_294 = arith.cmpi ne, %rem3A_292, %ne3A_293 : i32
          %and3A_295 = arith.andi %ne3A_291, %ne3A_294 : i1
          %sub3A_296 = arith.constant 1 : i32
          %sub3A_297 = arith.subi %div3A_276, %sub3A_296 : i32
          %select_n3A_298 = arith.select %and3A_295, %sub3A_297, %div3A_276 : i32
          %mul3A_299 = arith.constant 16 : i32
          %mul3A_300 = arith.muli %select_n3A_298, %mul3A_299 : i32
          %sub3A_301 = arith.subi %add3A_271, %mul3A_300 : i32
          %get3A_302 = arith.index_cast %mul3A_300 : i32 to index
          %get3A_303 = tpu.vector_load %arg10[%get3A_302] {strides = array<i32>} : memref<1024xf32, #tpu.memory_space<vmem>>, vector<16xf32>,
          %eq3A_304 = vector.broadcast %sub3A_301 : i32 to vector<16xi32>
          %eq3A_305 = arith.cmpi eq, %iota3A, %eq3A_304 : vector<16xi32>
          %broadcast_in_dim3A_306 = vector.broadcast %reduce_sum3A_274 : f32 to vector<16xf32>
          %select_n3A_307 = arith.select %eq3A_305, %broadcast_in_dim3A_306, %get3A_303 : vector<16xi1>, vector<16xf32>
          %swap3A_308 = arith.index_cast %mul3A_300 : i32 to index
          %swap3A_309 = tpu.vector_load %arg10[%swap3A_308] {strides = array<i32>} : memref<1024xf32, #tpu.memory_space<vmem>>, vector<16xf32>,
          tpu.vector_store %arg10[%swap3A_308], %select_n3A_307 {strides = array<i32>} : memref<1024xf32, #tpu.memory_space<vmem>>, vector<16xf32>,
        }
        %scan3A_185 = arith.constant 32 : i32
      }
      %scan3A_135 = arith.constant 32 : i32
      %scan3A_136 = arith.constant 0 : i32
      %scan3A_137 = arith.constant 0 : i32
      %scan3A_138 = arith.constant 64 : i32
      %scan3A_139 = arith.addi %scan3A_137, %scan3A_138 : i32
      %scan3A_140 = arith.constant 1 : i32
      scf.for %scan3A_178 = %scan3A_137 to %scan3A_139 step %scan3A_140  : i32 {
        %mul3A_179 = arith.constant 16 : i32
        %mul3A_180 = arith.muli %scan3A_178, %mul3A_179 : i32
        %get3A_181 = arith.index_cast %mul3A_180 : i32 to index
        %get3A_182 = tpu.vector_load %arg10[%get3A_181] {strides = array<i32>} : memref<1024xf32, #tpu.memory_space<vmem>>, vector<16xf32>,
        %bitcast3A = vector.bitcast %get3A_182 : vector<16xf32> to vector<16xi32>
        %shift_right_arithmetic3A = arith.constant 1 : i32
        %shift_right_arithmetic3A_183 = vector.broadcast %shift_right_arithmetic3A : i32 to vector<16xi32>
        %shift_right_arithmetic3A_184 = arith.shrsi %bitcast3A, %shift_right_arithmetic3A_183 : vector<16xi32>
        %add3A_185 = arith.constant 532487669 : i32
        %add3A_186 = vector.broadcast %add3A_185 : i32 to vector<16xi32>
        %add3A_187 = arith.addi %shift_right_arithmetic3A_184, %add3A_186 : vector<16xi32>
        %bitcast3A_188 = vector.bitcast %add3A_187 : vector<16xi32> to vector<16xf32>
        %div3A_189 = arith.divf %get3A_182, %bitcast3A_188 : vector<16xf32>
        %add3A_190 = arith.addf %bitcast3A_188, %div3A_189 : vector<16xf32>
        %mul3A_191 = arith.constant 5.000000e-01 : f32
        %mul3A_192 = vector.broadcast %mul3A_191 : f32 to vector<16xf32>
        %mul3A_193 = arith.mulf %mul3A_192, %add3A_190 : vector<16xf32>
        %div3A_194 = arith.divf %get3A_182, %mul3A_193 : vector<16xf32>
        %add3A_195 = arith.addf %mul3A_193, %div3A_194 : vector<16xf32>
        %mul3A_196 = arith.constant 5.000000e-01 : f32
        %mul3A_197 = vector.broadcast %mul3A_196 : f32 to vector<16xf32>
        %mul3A_198 = arith.mulf %mul3A_197, %add3A_195 : vector<16xf32>
        %div3A_199 = arith.divf %get3A_182, %mul3A_198 : vector<16xf32>
        %add3A_200 = arith.addf %mul3A_198, %div3A_199 : vector<16xf32>
        %mul3A_201 = arith.constant 5.000000e-01 : f32
        %mul3A_202 = vector.broadcast %mul3A_201 : f32 to vector<16xf32>
        %mul3A_203 = arith.mulf %mul3A_202, %add3A_200 : vector<16xf32>
        %div3A_204 = arith.divf %get3A_182, %mul3A_203 : vector<16xf32>
        %add3A_205 = arith.addf %mul3A_203, %div3A_204 : vector<16xf32>
        %mul3A_206 = arith.constant 5.000000e-01 : f32
        %mul3A_207 = vector.broadcast %mul3A_206 : f32 to vector<16xf32>
        %mul3A_208 = arith.mulf %mul3A_207, %add3A_205 : vector<16xf32>
        %mul3A_209 = arith.constant 16 : i32
        %mul3A_210 = arith.muli %scan3A_178, %mul3A_209 : i32
        %swap3A_211 = arith.index_cast %mul3A_210 : i32 to index
        %swap3A_212 = tpu.vector_load %arg10[%swap3A_211] {strides = array<i32>} : memref<1024xf32, #tpu.memory_space<vmem>>, vector<16xf32>,
        tpu.vector_store %arg10[%swap3A_211], %mul3A_208 {strides = array<i32>} : memref<1024xf32, #tpu.memory_space<vmem>>, vector<16xf32>,
      }
      %scan3A_141 = arith.constant 64 : i32
      %scan3A_142 = arith.constant 0 : i32
      %scan3A_143 = arith.constant 0 : i32
      %scan3A_144 = arith.constant 22 : i32
      %scan3A_145 = arith.addi %scan3A_143, %scan3A_144 : i32
      %scan3A_146 = arith.constant 1 : i32
      scf.for %scan3A_178 = %scan3A_143 to %scan3A_145 step %scan3A_146  : i32 {
        %broadcast_in_dim3A_179 = vector.broadcast %cond3A : f32 to vector<16xf32>
        %mul3A_180 = arith.constant 16 : i32
        %mul3A_181 = arith.muli %scan3A_178, %mul3A_180 : i32
        %add3A_182 = arith.constant 100000 : i32
        %add3A_183 = arith.addi %add3A_182, %mul3A_181 : i32
        %swap3A_184 = arith.index_cast %add3A_183 : i32 to index
        %swap3A_185 = tpu.vector_load %arg7[%swap3A_184] {strides = array<i32>} : memref<100352xf32, #tpu.memory_space<vmem>>, vector<16xf32>,
        tpu.vector_store %arg7[%swap3A_184], %broadcast_in_dim3A_179 {strides = array<i32>} : memref<100352xf32, #tpu.memory_space<vmem>>, vector<16xf32>,
      }
      %scan3A_147 = arith.constant 22 : i32
      %scan3A_148 = arith.constant 0 : i32
      %scan3A_149 = arith.constant 0 : i32
      %scan3A_150 = arith.constant 50 : i32
      %scan3A_151 = arith.addi %scan3A_149, %scan3A_150 : i32
      %scan3A_152 = arith.constant 1 : i32
      scf.for %scan3A_178 = %scan3A_149 to %scan3A_151 step %scan3A_152  : i32 {
        %mul3A_179 = arith.constant 2000 : i32
        %mul3A_180 = arith.muli %scan3A_178, %mul3A_179 : i32
        "tpu.region"() ({
          %run_scoped3A = tpu.sem_alloc : memref<!tpu.dma_semaphore, #tpu.memory_space<semaphore_mem>>
          %dma_start3A = tpu.memref_slice %arg3[%mul3A_180] : memref<100000xf32, #tpu.memory_space<hbm>> -> memref<2000xf32, #tpu.memory_space<hbm>>
          %dma_start3A_188 = tpu.memref_slice %arg3[%mul3A_180] : memref<100000xf32, #tpu.memory_space<hbm>> -> memref<2000xf32, #tpu.memory_space<hbm>>
          tpu.enqueue_dma source(%dma_start3A_188 : memref<2000xf32, #tpu.memory_space<hbm>>) target(%arg12 : memref<2000xf32, #tpu.memory_space<vmem>>) target_semaphore(%run_scoped3A : memref<!tpu.dma_semaphore, #tpu.memory_space<semaphore_mem>>)
          %dma_wait3A = tpu.memref_slice %arg3[%mul3A_180] : memref<100000xf32, #tpu.memory_space<hbm>> -> memref<2000xf32, #tpu.memory_space<hbm>>
          %dma_wait3A_189 = tpu.memref_slice %arg3[%mul3A_180] : memref<100000xf32, #tpu.memory_space<hbm>> -> memref<2000xf32, #tpu.memory_space<hbm>>
          tpu.wait_dma2 semaphore(%run_scoped3A : memref<!tpu.dma_semaphore, #tpu.memory_space<semaphore_mem>>) src(%dma_wait3A_189 : memref<2000xf32, #tpu.memory_space<hbm>>) dst(%arg12 : memref<2000xf32, #tpu.memory_space<vmem>>)
          tpu.yield
        }) : () -> ()
        %mul3A_181 = arith.constant 2000 : i32
        %mul3A_182 = arith.muli %scan3A_178, %mul3A_181 : i32
        "tpu.region"() ({
          %run_scoped3A = tpu.sem_alloc : memref<!tpu.dma_semaphore, #tpu.memory_space<semaphore_mem>>
          %dma_start3A = tpu.memref_slice %arg4[%mul3A_182] : memref<100000xf32, #tpu.memory_space<hbm>> -> memref<2000xf32, #tpu.memory_space<hbm>>
          %dma_start3A_188 = tpu.memref_slice %arg4[%mul3A_182] : memref<100000xf32, #tpu.memory_space<hbm>> -> memref<2000xf32, #tpu.memory_space<hbm>>
          tpu.enqueue_dma source(%dma_start3A_188 : memref<2000xf32, #tpu.memory_space<hbm>>) target(%arg13 : memref<2000xf32, #tpu.memory_space<vmem>>) target_semaphore(%run_scoped3A : memref<!tpu.dma_semaphore, #tpu.memory_space<semaphore_mem>>)
          %dma_wait3A = tpu.memref_slice %arg4[%mul3A_182] : memref<100000xf32, #tpu.memory_space<hbm>> -> memref<2000xf32, #tpu.memory_space<hbm>>
          %dma_wait3A_189 = tpu.memref_slice %arg4[%mul3A_182] : memref<100000xf32, #tpu.memory_space<hbm>> -> memref<2000xf32, #tpu.memory_space<hbm>>
          tpu.wait_dma2 semaphore(%run_scoped3A : memref<!tpu.dma_semaphore, #tpu.memory_space<semaphore_mem>>) src(%dma_wait3A_189 : memref<2000xf32, #tpu.memory_space<hbm>>) dst(%arg13 : memref<2000xf32, #tpu.memory_space<vmem>>)
          tpu.yield
        }) : () -> ()
        %scan3A_183 = arith.constant 0 : i32
        %scan3A_184 = arith.constant 125 : i32
        %scan3A_185 = arith.addi %scan3A_183, %scan3A_184 : i32
        %scan3A_186 = arith.constant 1 : i32
        scf.for %scan3A_188 = %scan3A_183 to %scan3A_185 step %scan3A_186  : i32 {
          %mul3A_189 = arith.constant 16 : i32
          %mul3A_190 = arith.muli %scan3A_188, %mul3A_189 : i32
          %get3A_191 = arith.index_cast %mul3A_190 : i32 to index
          %get3A_192 = tpu.vector_load %arg12[%get3A_191] {strides = array<i32>} : memref<2000xf32, #tpu.memory_space<vmem>>, vector<16xf32>,
          %mul3A_193 = arith.constant 16 : i32
          %mul3A_194 = arith.muli %scan3A_188, %mul3A_193 : i32
          %get3A_195 = arith.index_cast %mul3A_194 : i32 to index
          %get3A_196 = tpu.vector_load %arg13[%get3A_195] {strides = array<i32>} : memref<2000xf32, #tpu.memory_space<vmem>>, vector<16xf32>,
          %mul3A_197 = arith.mulf %get3A_192, %get3A_196 : vector<16xf32>
          %mul3A_198 = arith.constant 2000 : i32
          %mul3A_199 = arith.muli %scan3A_178, %mul3A_198 : i32
          %mul3A_200 = arith.constant 16 : i32
          %mul3A_201 = arith.muli %scan3A_188, %mul3A_200 : i32
          %add3A_202 = arith.addi %mul3A_199, %mul3A_201 : i32
          %swap3A_203 = arith.index_cast %add3A_202 : i32 to index
          %swap3A_204 = tpu.vector_load %arg7[%swap3A_203] {strides = array<i32>} : memref<100352xf32, #tpu.memory_space<vmem>>, vector<16xf32>,
          tpu.vector_store %arg7[%swap3A_203], %mul3A_197 {strides = array<i32>} : memref<100352xf32, #tpu.memory_space<vmem>>, vector<16xf32>,
        }
        %scan3A_187 = arith.constant 125 : i32
      }
      %scan3A_153 = arith.constant 50 : i32
      %broadcast_in_dim3A_154 = vector.broadcast %cond3A : f32 to vector<16xf32>
      %swap3A_155 = arith.constant 384 : index
      %swap3A_156 = tpu.vector_load %arg8[%swap3A_155] {strides = array<i32>} : memref<400xf32, #tpu.memory_space<vmem>>, vector<16xf32>,
      tpu.vector_store %arg8[%swap3A_155], %broadcast_in_dim3A_154 {strides = array<i32>} : memref<400xf32, #tpu.memory_space<vmem>>, vector<16xf32>,
      %scan3A_157 = arith.constant 0 : i32
      %scan3A_158 = arith.constant 0 : i32
      %scan3A_159 = arith.constant 392 : i32
      %scan3A_160 = arith.addi %scan3A_158, %scan3A_159 : i32
      %scan3A_161 = arith.constant 1 : i32
      scf.for %scan3A_178 = %scan3A_158 to %scan3A_160 step %scan3A_161  : i32 {
        %mul3A_179 = arith.constant 256 : i32
        %mul3A_180 = arith.muli %scan3A_178, %mul3A_179 : i32
        %get3A_181 = arith.index_cast %mul3A_180 : i32 to index
        %get3A_182 = tpu.vector_load %arg7[%get3A_181] {strides = array<i32>} : memref<100352xf32, #tpu.memory_space<vmem>>, vector<16xf32>,
        %mul3A_183 = arith.constant 256 : i32
        %mul3A_184 = arith.muli %scan3A_178, %mul3A_183 : i32
        %add3A_185 = arith.constant 16 : i32
        %add3A_186 = arith.addi %mul3A_184, %add3A_185 : i32
        %get3A_187 = arith.index_cast %add3A_186 : i32 to index
        %get3A_188 = tpu.vector_load %arg7[%get3A_187] {strides = array<i32>} : memref<100352xf32, #tpu.memory_space<vmem>>, vector<16xf32>,
        %min3A = arith.minimumf %get3A_182, %get3A_188 : vector<16xf32>
        %mul3A_189 = arith.constant 256 : i32
        %mul3A_190 = arith.muli %scan3A_178, %mul3A_189 : i32
        %add3A_191 = arith.constant 32 : i32
        %add3A_192 = arith.addi %mul3A_190, %add3A_191 : i32
        %get3A_193 = arith.index_cast %add3A_192 : i32 to index
        %get3A_194 = tpu.vector_load %arg7[%get3A_193] {strides = array<i32>} : memref<100352xf32, #tpu.memory_space<vmem>>, vector<16xf32>,
        %min3A_195 = arith.minimumf %min3A, %get3A_194 : vector<16xf32>
        %mul3A_196 = arith.constant 256 : i32
        %mul3A_197 = arith.muli %scan3A_178, %mul3A_196 : i32
        %add3A_198 = arith.constant 48 : i32
        %add3A_199 = arith.addi %mul3A_197, %add3A_198 : i32
        %get3A_200 = arith.index_cast %add3A_199 : i32 to index
        %get3A_201 = tpu.vector_load %arg7[%get3A_200] {strides = array<i32>} : memref<100352xf32, #tpu.memory_space<vmem>>, vector<16xf32>,
        %min3A_202 = arith.minimumf %min3A_195, %get3A_201 : vector<16xf32>
        %mul3A_203 = arith.constant 256 : i32
        %mul3A_204 = arith.muli %scan3A_178, %mul3A_203 : i32
        %add3A_205 = arith.constant 64 : i32
        %add3A_206 = arith.addi %mul3A_204, %add3A_205 : i32
        %get3A_207 = arith.index_cast %add3A_206 : i32 to index
        %get3A_208 = tpu.vector_load %arg7[%get3A_207] {strides = array<i32>} : memref<100352xf32, #tpu.memory_space<vmem>>, vector<16xf32>,
        %min3A_209 = arith.minimumf %min3A_202, %get3A_208 : vector<16xf32>
        %mul3A_210 = arith.constant 256 : i32
        %mul3A_211 = arith.muli %scan3A_178, %mul3A_210 : i32
        %add3A_212 = arith.constant 80 : i32
        %add3A_213 = arith.addi %mul3A_211, %add3A_212 : i32
        %get3A_214 = arith.index_cast %add3A_213 : i32 to index
        %get3A_215 = tpu.vector_load %arg7[%get3A_214] {strides = array<i32>} : memref<100352xf32, #tpu.memory_space<vmem>>, vector<16xf32>,
        %min3A_216 = arith.minimumf %min3A_209, %get3A_215 : vector<16xf32>
        %mul3A_217 = arith.constant 256 : i32
        %mul3A_218 = arith.muli %scan3A_178, %mul3A_217 : i32
        %add3A_219 = arith.constant 96 : i32
        %add3A_220 = arith.addi %mul3A_218, %add3A_219 : i32
        %get3A_221 = arith.index_cast %add3A_220 : i32 to index
        %get3A_222 = tpu.vector_load %arg7[%get3A_221] {strides = array<i32>} : memref<100352xf32, #tpu.memory_space<vmem>>, vector<16xf32>,
        %min3A_223 = arith.minimumf %min3A_216, %get3A_222 : vector<16xf32>
        %mul3A_224 = arith.constant 256 : i32
        %mul3A_225 = arith.muli %scan3A_178, %mul3A_224 : i32
        %add3A_226 = arith.constant 112 : i32
        %add3A_227 = arith.addi %mul3A_225, %add3A_226 : i32
        %get3A_228 = arith.index_cast %add3A_227 : i32 to index
        %get3A_229 = tpu.vector_load %arg7[%get3A_228] {strides = array<i32>} : memref<100352xf32, #tpu.memory_space<vmem>>, vector<16xf32>,
        %min3A_230 = arith.minimumf %min3A_223, %get3A_229 : vector<16xf32>
        %mul3A_231 = arith.constant 256 : i32
        %mul3A_232 = arith.muli %scan3A_178, %mul3A_231 : i32
        %add3A_233 = arith.constant 128 : i32
        %add3A_234 = arith.addi %mul3A_232, %add3A_233 : i32
        %get3A_235 = arith.index_cast %add3A_234 : i32 to index
        %get3A_236 = tpu.vector_load %arg7[%get3A_235] {strides = array<i32>} : memref<100352xf32, #tpu.memory_space<vmem>>, vector<16xf32>,
        %min3A_237 = arith.minimumf %min3A_230, %get3A_236 : vector<16xf32>
        %mul3A_238 = arith.constant 256 : i32
        %mul3A_239 = arith.muli %scan3A_178, %mul3A_238 : i32
        %add3A_240 = arith.constant 144 : i32
        %add3A_241 = arith.addi %mul3A_239, %add3A_240 : i32
        %get3A_242 = arith.index_cast %add3A_241 : i32 to index
        %get3A_243 = tpu.vector_load %arg7[%get3A_242] {strides = array<i32>} : memref<100352xf32, #tpu.memory_space<vmem>>, vector<16xf32>,
        %min3A_244 = arith.minimumf %min3A_237, %get3A_243 : vector<16xf32>
        %mul3A_245 = arith.constant 256 : i32
        %mul3A_246 = arith.muli %scan3A_178, %mul3A_245 : i32
        %add3A_247 = arith.constant 160 : i32
        %add3A_248 = arith.addi %mul3A_246, %add3A_247 : i32
        %get3A_249 = arith.index_cast %add3A_248 : i32 to index
        %get3A_250 = tpu.vector_load %arg7[%get3A_249] {strides = array<i32>} : memref<100352xf32, #tpu.memory_space<vmem>>, vector<16xf32>,
        %min3A_251 = arith.minimumf %min3A_244, %get3A_250 : vector<16xf32>
        %mul3A_252 = arith.constant 256 : i32
        %mul3A_253 = arith.muli %scan3A_178, %mul3A_252 : i32
        %add3A_254 = arith.constant 176 : i32
        %add3A_255 = arith.addi %mul3A_253, %add3A_254 : i32
        %get3A_256 = arith.index_cast %add3A_255 : i32 to index
        %get3A_257 = tpu.vector_load %arg7[%get3A_256] {strides = array<i32>} : memref<100352xf32, #tpu.memory_space<vmem>>, vector<16xf32>,
        %min3A_258 = arith.minimumf %min3A_251, %get3A_257 : vector<16xf32>
        %mul3A_259 = arith.constant 256 : i32
        %mul3A_260 = arith.muli %scan3A_178, %mul3A_259 : i32
        %add3A_261 = arith.constant 192 : i32
        %add3A_262 = arith.addi %mul3A_260, %add3A_261 : i32
        %get3A_263 = arith.index_cast %add3A_262 : i32 to index
        %get3A_264 = tpu.vector_load %arg7[%get3A_263] {strides = array<i32>} : memref<100352xf32, #tpu.memory_space<vmem>>, vector<16xf32>,
        %min3A_265 = arith.minimumf %min3A_258, %get3A_264 : vector<16xf32>
        %mul3A_266 = arith.constant 256 : i32
        %mul3A_267 = arith.muli %scan3A_178, %mul3A_266 : i32
        %add3A_268 = arith.constant 208 : i32
        %add3A_269 = arith.addi %mul3A_267, %add3A_268 : i32
        %get3A_270 = arith.index_cast %add3A_269 : i32 to index
        %get3A_271 = tpu.vector_load %arg7[%get3A_270] {strides = array<i32>} : memref<100352xf32, #tpu.memory_space<vmem>>, vector<16xf32>,
        %min3A_272 = arith.minimumf %min3A_265, %get3A_271 : vector<16xf32>
        %mul3A_273 = arith.constant 256 : i32
        %mul3A_274 = arith.muli %scan3A_178, %mul3A_273 : i32
        %add3A_275 = arith.constant 224 : i32
        %add3A_276 = arith.addi %mul3A_274, %add3A_275 : i32
        %get3A_277 = arith.index_cast %add3A_276 : i32 to index
        %get3A_278 = tpu.vector_load %arg7[%get3A_277] {strides = array<i32>} : memref<100352xf32, #tpu.memory_space<vmem>>, vector<16xf32>,
        %min3A_279 = arith.minimumf %min3A_272, %get3A_278 : vector<16xf32>
        %mul3A_280 = arith.constant 256 : i32
        %mul3A_281 = arith.muli %scan3A_178, %mul3A_280 : i32
        %add3A_282 = arith.constant 240 : i32
        %add3A_283 = arith.addi %mul3A_281, %add3A_282 : i32
        %get3A_284 = arith.index_cast %add3A_283 : i32 to index
        %get3A_285 = tpu.vector_load %arg7[%get3A_284] {strides = array<i32>} : memref<100352xf32, #tpu.memory_space<vmem>>, vector<16xf32>,
        %min3A_286 = arith.minimumf %min3A_279, %get3A_285 : vector<16xf32>
        %reduce_min3A = arith.constant true
        %reduce_min3A_287 = vector.broadcast %reduce_min3A : i1 to vector<16xi1>
        %reduce_min3A_288 = tpu.scan <min>, %min3A_286 masked %reduce_min3A_287 : vector<16xf32>, vector<16xi1> -> vector<16xf32>
        %reduce_min3A_289 = vector.extract %reduce_min3A_288[15] : f32 from vector<16xf32>
        %jit3A_290 = arith.constant 16 : i32
        %div3A_291 = arith.divsi %scan3A_178, %jit3A_290 : i32
        %sign3A_292 = arith.constant 0 : i32
        %sign3A_293 = arith.cmpi sgt, %scan3A_178, %sign3A_292 : i32
        %sign3A_294 = arith.extui %sign3A_293 : i1 to i32
        %sign3A_295 = arith.constant 0 : i32
        %sign3A_296 = arith.cmpi slt, %scan3A_178, %sign3A_295 : i32
        %sign3A_297 = arith.extui %sign3A_296 : i1 to i32
        %sign3A_298 = arith.subi %sign3A_294, %sign3A_297 : i32
        %sign3A_299 = arith.constant 0 : i32
        %sign3A_300 = arith.cmpi sgt, %jit3A_290, %sign3A_299 : i32
        %sign3A_301 = arith.extui %sign3A_300 : i1 to i32
        %sign3A_302 = arith.constant 0 : i32
        %sign3A_303 = arith.cmpi slt, %jit3A_290, %sign3A_302 : i32
        %sign3A_304 = arith.extui %sign3A_303 : i1 to i32
        %sign3A_305 = arith.subi %sign3A_301, %sign3A_304 : i32
        %ne3A_306 = arith.cmpi ne, %sign3A_298, %sign3A_305 : i32
        %rem3A_307 = arith.remsi %scan3A_178, %jit3A_290 : i32
        %ne3A_308 = arith.constant 0 : i32
        %ne3A_309 = arith.cmpi ne, %rem3A_307, %ne3A_308 : i32
        %and3A_310 = arith.andi %ne3A_306, %ne3A_309 : i1
        %sub3A_311 = arith.constant 1 : i32
        %sub3A_312 = arith.subi %div3A_291, %sub3A_311 : i32
        %select_n3A_313 = arith.select %and3A_310, %sub3A_312, %div3A_291 : i32
        %mul3A_314 = arith.constant 16 : i32
        %mul3A_315 = arith.muli %select_n3A_313, %mul3A_314 : i32
        %sub3A_316 = arith.subi %scan3A_178, %mul3A_315 : i32
        %get3A_317 = arith.index_cast %mul3A_315 : i32 to index
        %get3A_318 = tpu.vector_load %arg8[%get3A_317] {strides = array<i32>} : memref<400xf32, #tpu.memory_space<vmem>>, vector<16xf32>,
        %eq3A_319 = vector.broadcast %sub3A_316 : i32 to vector<16xi32>
        %eq3A_320 = arith.cmpi eq, %iota3A, %eq3A_319 : vector<16xi32>
        %broadcast_in_dim3A_321 = vector.broadcast %reduce_min3A_289 : f32 to vector<16xf32>
        %select_n3A_322 = arith.select %eq3A_320, %broadcast_in_dim3A_321, %get3A_318 : vector<16xi1>, vector<16xf32>
        %swap3A_323 = arith.index_cast %mul3A_315 : i32 to index
        %swap3A_324 = tpu.vector_load %arg8[%swap3A_323] {strides = array<i32>} : memref<400xf32, #tpu.memory_space<vmem>>, vector<16xf32>,
        tpu.vector_store %arg8[%swap3A_323], %select_n3A_322 {strides = array<i32>} : memref<400xf32, #tpu.memory_space<vmem>>, vector<16xf32>,
      }
      %scan3A_162 = arith.constant 392 : i32
      %broadcast_in_dim3A_163 = vector.broadcast %cond3A : f32 to vector<16xf32>
      %swap3A_164 = arith.constant 16 : index
      %swap3A_165 = tpu.vector_load %arg9[%swap3A_164] {strides = array<i32>} : memref<32xf32, #tpu.memory_space<vmem>>, vector<16xf32>,
      tpu.vector_store %arg9[%swap3A_164], %broadcast_in_dim3A_163 {strides = array<i32>} : memref<32xf32, #tpu.memory_space<vmem>>, vector<16xf32>,
      %scan3A_166 = arith.constant 0 : i32
      %scan3A_167 = arith.constant 0 : i32
      %scan3A_168 = arith.constant 25 : i32
      %scan3A_169 = arith.addi %scan3A_167, %scan3A_168 : i32
      %scan3A_170 = arith.constant 1 : i32
      scf.for %scan3A_178 = %scan3A_167 to %scan3A_169 step %scan3A_170  : i32 {
        %mul3A_179 = arith.constant 16 : i32
        %mul3A_180 = arith.muli %scan3A_178, %mul3A_179 : i32
        %get3A_181 = arith.index_cast %mul3A_180 : i32 to index
        %get3A_182 = tpu.vector_load %arg8[%get3A_181] {strides = array<i32>} : memref<400xf32, #tpu.memory_space<vmem>>, vector<16xf32>,
        %reduce_min3A = arith.constant true
        %reduce_min3A_183 = vector.broadcast %reduce_min3A : i1 to vector<16xi1>
        %reduce_min3A_184 = tpu.scan <min>, %get3A_182 masked %reduce_min3A_183 : vector<16xf32>, vector<16xi1> -> vector<16xf32>
        %reduce_min3A_185 = vector.extract %reduce_min3A_184[15] : f32 from vector<16xf32>
        %jit3A_186 = arith.constant 16 : i32
        %div3A_187 = arith.divsi %scan3A_178, %jit3A_186 : i32
        %sign3A_188 = arith.constant 0 : i32
        %sign3A_189 = arith.cmpi sgt, %scan3A_178, %sign3A_188 : i32
        %sign3A_190 = arith.extui %sign3A_189 : i1 to i32
        %sign3A_191 = arith.constant 0 : i32
        %sign3A_192 = arith.cmpi slt, %scan3A_178, %sign3A_191 : i32
        %sign3A_193 = arith.extui %sign3A_192 : i1 to i32
        %sign3A_194 = arith.subi %sign3A_190, %sign3A_193 : i32
        %sign3A_195 = arith.constant 0 : i32
        %sign3A_196 = arith.cmpi sgt, %jit3A_186, %sign3A_195 : i32
        %sign3A_197 = arith.extui %sign3A_196 : i1 to i32
        %sign3A_198 = arith.constant 0 : i32
        %sign3A_199 = arith.cmpi slt, %jit3A_186, %sign3A_198 : i32
        %sign3A_200 = arith.extui %sign3A_199 : i1 to i32
        %sign3A_201 = arith.subi %sign3A_197, %sign3A_200 : i32
        %ne3A_202 = arith.cmpi ne, %sign3A_194, %sign3A_201 : i32
        %rem3A_203 = arith.remsi %scan3A_178, %jit3A_186 : i32
        %ne3A_204 = arith.constant 0 : i32
        %ne3A_205 = arith.cmpi ne, %rem3A_203, %ne3A_204 : i32
        %and3A_206 = arith.andi %ne3A_202, %ne3A_205 : i1
        %sub3A_207 = arith.constant 1 : i32
        %sub3A_208 = arith.subi %div3A_187, %sub3A_207 : i32
        %select_n3A_209 = arith.select %and3A_206, %sub3A_208, %div3A_187 : i32
        %mul3A_210 = arith.constant 16 : i32
        %mul3A_211 = arith.muli %select_n3A_209, %mul3A_210 : i32
        %sub3A_212 = arith.subi %scan3A_178, %mul3A_211 : i32
        %get3A_213 = arith.index_cast %mul3A_211 : i32 to index
        %get3A_214 = tpu.vector_load %arg9[%get3A_213] {strides = array<i32>} : memref<32xf32, #tpu.memory_space<vmem>>, vector<16xf32>,
        %eq3A_215 = vector.broadcast %sub3A_212 : i32 to vector<16xi32>
        %eq3A_216 = arith.cmpi eq, %iota3A, %eq3A_215 : vector<16xi32>
        %broadcast_in_dim3A_217 = vector.broadcast %reduce_min3A_185 : f32 to vector<16xf32>
        %select_n3A_218 = arith.select %eq3A_216, %broadcast_in_dim3A_217, %get3A_214 : vector<16xi1>, vector<16xf32>
        %swap3A_219 = arith.index_cast %mul3A_211 : i32 to index
        %swap3A_220 = tpu.vector_load %arg9[%swap3A_219] {strides = array<i32>} : memref<32xf32, #tpu.memory_space<vmem>>, vector<16xf32>,
        tpu.vector_store %arg9[%swap3A_219], %select_n3A_218 {strides = array<i32>} : memref<32xf32, #tpu.memory_space<vmem>>, vector<16xf32>,
      }
      %scan3A_171 = arith.constant 25 : i32
      %scan3A_172 = arith.constant 0 : i32
      %scan3A_173 = arith.constant 0 : i32
      %scan3A_174 = arith.constant 1024 : i32
      %scan3A_175 = arith.addi %scan3A_173, %scan3A_174 : i32
      %scan3A_176 = arith.constant 1 : i32
      scf.for %scan3A_178 = %scan3A_173 to %scan3A_175 step %scan3A_176  : i32 {
        %get3A_179 = arith.constant 0 : index
        %get3A_180 = tpu.vector_load %arg9[%get3A_179] {strides = array<i32>} : memref<32xf32, #tpu.memory_space<vmem>>, vector<16xf32>,
        %get3A_181 = arith.constant 16 : index
        %get3A_182 = tpu.vector_load %arg9[%get3A_181] {strides = array<i32>} : memref<32xf32, #tpu.memory_space<vmem>>, vector<16xf32>,
        %min3A = arith.minimumf %get3A_180, %get3A_182 : vector<16xf32>
        %reduce_min3A = arith.constant true
        %reduce_min3A_183 = vector.broadcast %reduce_min3A : i1 to vector<16xi1>
        %reduce_min3A_184 = tpu.scan <min>, %min3A masked %reduce_min3A_183 : vector<16xf32>, vector<16xi1> -> vector<16xf32>
        %reduce_min3A_185 = vector.extract %reduce_min3A_184[15] : f32 from vector<16xf32>
        %eq3A_186 = vector.broadcast %reduce_min3A_185 : f32 to vector<16xf32>
        %eq3A_187 = arith.cmpf oeq, %get3A_180, %eq3A_186 : vector<16xf32>
        %eq3A_188 = vector.broadcast %reduce_min3A_185 : f32 to vector<16xf32>
        %eq3A_189 = arith.cmpf oeq, %get3A_182, %eq3A_188 : vector<16xf32>
        %add3A_190 = arith.constant 16 : i32
        %add3A_191 = vector.broadcast %add3A_190 : i32 to vector<16xi32>
        %add3A_192 = arith.addi %iota3A, %add3A_191 : vector<16xi32>
        %broadcast_in_dim3A_193 = vector.broadcast %cond3A_2 : i32 to vector<16xi32>
        %select_n3A_194 = arith.select %eq3A_189, %add3A_192, %broadcast_in_dim3A_193 : vector<16xi1>, vector<16xi32>
        %select_n3A_195 = arith.select %eq3A_187, %iota3A, %select_n3A_194 : vector<16xi1>, vector<16xi32>
        %reduce_min3A_196 = arith.constant true
        %reduce_min3A_197 = vector.broadcast %reduce_min3A_196 : i1 to vector<16xi1>
        %reduce_min3A_198 = arith.constant -2147483648 : i32
        %reduce_min3A_199 = vector.broadcast %reduce_min3A_198 : i32 to vector<16xi32>
        %reduce_min3A_200 = arith.xori %select_n3A_195, %reduce_min3A_199 : vector<16xi32>
        %reduce_min3A_201 = tpu.scan <min>, %reduce_min3A_200 masked %reduce_min3A_197 : vector<16xi32>, vector<16xi1> -> vector<16xi32>
        %reduce_min3A_202 = arith.xori %reduce_min3A_201, %reduce_min3A_199 : vector<16xi32>
        %reduce_min3A_203 = vector.extract %reduce_min3A_202[15] : i32 from vector<16xi32>
        %mul3A_204 = arith.constant 16 : i32
        %mul3A_205 = arith.muli %reduce_min3A_203, %mul3A_204 : i32
        %get3A_206 = arith.index_cast %mul3A_205 : i32 to index
        %get3A_207 = tpu.vector_load %arg8[%get3A_206] {strides = array<i32>} : memref<400xf32, #tpu.memory_space<vmem>>, vector<16xf32>,
        %mul3A_208 = arith.constant 16 : i32
        %mul3A_209 = arith.muli %reduce_min3A_203, %mul3A_208 : i32
        %eq3A_210 = vector.broadcast %reduce_min3A_185 : f32 to vector<16xf32>
        %eq3A_211 = arith.cmpf oeq, %get3A_207, %eq3A_210 : vector<16xf32>
        %all_reduce_ffs3A = tpu.all_reduce %eq3A_211 {dim = 0 : i64, kind = #tpu.reduction_kind<find_first_set>} : vector<16xi1> -> vector<16xi32>
        %slice3A_212 = vector.extract_strided_slice %all_reduce_ffs3A {offsets = [0], sizes = [1], strides = [1]} : vector<16xi32> to vector<1xi32>
        %squeeze3A_213 = vector.extract %slice3A_212[0] : i32 from vector<1xi32>
        %add3A_214 = arith.addi %mul3A_209, %squeeze3A_213 : i32
        %mul3A_215 = arith.constant 256 : i32
        %mul3A_216 = arith.muli %add3A_214, %mul3A_215 : i32
        %broadcast_in_dim3A_217 = vector.broadcast %cond3A_2 : i32 to vector<16xi32>
        %add3A_218 = arith.constant 0 : i32
        %add3A_219 = arith.addi %mul3A_216, %add3A_218 : i32
        %get3A_220 = arith.index_cast %add3A_219 : i32 to index
        %get3A_221 = tpu.vector_load %arg7[%get3A_220] {strides = array<i32>} : memref<100352xf32, #tpu.memory_space<vmem>>, vector<16xf32>,
        %eq3A_222 = vector.broadcast %reduce_min3A_185 : f32 to vector<16xf32>
        %eq3A_223 = arith.cmpf oeq, %get3A_221, %eq3A_222 : vector<16xf32>
        %add3A_224 = arith.constant 0 : i32
        %add3A_225 = vector.broadcast %add3A_224 : i32 to vector<16xi32>
        %add3A_226 = arith.addi %iota3A, %add3A_225 : vector<16xi32>
        %broadcast_in_dim3A_227 = vector.broadcast %cond3A_2 : i32 to vector<16xi32>
        %select_n3A_228 = arith.select %eq3A_223, %add3A_226, %broadcast_in_dim3A_227 : vector<16xi1>, vector<16xi32>
        %min3A_229 = arith.minsi %broadcast_in_dim3A_217, %select_n3A_228 : vector<16xi32>
        %add3A_230 = arith.constant 16 : i32
        %add3A_231 = arith.addi %mul3A_216, %add3A_230 : i32
        %get3A_232 = arith.index_cast %add3A_231 : i32 to index
        %get3A_233 = tpu.vector_load %arg7[%get3A_232] {strides = array<i32>} : memref<100352xf32, #tpu.memory_space<vmem>>, vector<16xf32>,
        %eq3A_234 = vector.broadcast %reduce_min3A_185 : f32 to vector<16xf32>
        %eq3A_235 = arith.cmpf oeq, %get3A_233, %eq3A_234 : vector<16xf32>
        %add3A_236 = arith.constant 16 : i32
        %add3A_237 = vector.broadcast %add3A_236 : i32 to vector<16xi32>
        %add3A_238 = arith.addi %iota3A, %add3A_237 : vector<16xi32>
        %broadcast_in_dim3A_239 = vector.broadcast %cond3A_2 : i32 to vector<16xi32>
        %select_n3A_240 = arith.select %eq3A_235, %add3A_238, %broadcast_in_dim3A_239 : vector<16xi1>, vector<16xi32>
        %min3A_241 = arith.minsi %min3A_229, %select_n3A_240 : vector<16xi32>
        %add3A_242 = arith.constant 32 : i32
        %add3A_243 = arith.addi %mul3A_216, %add3A_242 : i32
        %get3A_244 = arith.index_cast %add3A_243 : i32 to index
        %get3A_245 = tpu.vector_load %arg7[%get3A_244] {strides = array<i32>} : memref<100352xf32, #tpu.memory_space<vmem>>, vector<16xf32>,
        %eq3A_246 = vector.broadcast %reduce_min3A_185 : f32 to vector<16xf32>
        %eq3A_247 = arith.cmpf oeq, %get3A_245, %eq3A_246 : vector<16xf32>
        %add3A_248 = arith.constant 32 : i32
        %add3A_249 = vector.broadcast %add3A_248 : i32 to vector<16xi32>
        %add3A_250 = arith.addi %iota3A, %add3A_249 : vector<16xi32>
        %broadcast_in_dim3A_251 = vector.broadcast %cond3A_2 : i32 to vector<16xi32>
        %select_n3A_252 = arith.select %eq3A_247, %add3A_250, %broadcast_in_dim3A_251 : vector<16xi1>, vector<16xi32>
        %min3A_253 = arith.minsi %min3A_241, %select_n3A_252 : vector<16xi32>
        %add3A_254 = arith.constant 48 : i32
        %add3A_255 = arith.addi %mul3A_216, %add3A_254 : i32
        %get3A_256 = arith.index_cast %add3A_255 : i32 to index
        %get3A_257 = tpu.vector_load %arg7[%get3A_256] {strides = array<i32>} : memref<100352xf32, #tpu.memory_space<vmem>>, vector<16xf32>,
        %eq3A_258 = vector.broadcast %reduce_min3A_185 : f32 to vector<16xf32>
        %eq3A_259 = arith.cmpf oeq, %get3A_257, %eq3A_258 : vector<16xf32>
        %add3A_260 = arith.constant 48 : i32
        %add3A_261 = vector.broadcast %add3A_260 : i32 to vector<16xi32>
        %add3A_262 = arith.addi %iota3A, %add3A_261 : vector<16xi32>
        %broadcast_in_dim3A_263 = vector.broadcast %cond3A_2 : i32 to vector<16xi32>
        %select_n3A_264 = arith.select %eq3A_259, %add3A_262, %broadcast_in_dim3A_263 : vector<16xi1>, vector<16xi32>
        %min3A_265 = arith.minsi %min3A_253, %select_n3A_264 : vector<16xi32>
        %add3A_266 = arith.constant 64 : i32
        %add3A_267 = arith.addi %mul3A_216, %add3A_266 : i32
        %get3A_268 = arith.index_cast %add3A_267 : i32 to index
        %get3A_269 = tpu.vector_load %arg7[%get3A_268] {strides = array<i32>} : memref<100352xf32, #tpu.memory_space<vmem>>, vector<16xf32>,
        %eq3A_270 = vector.broadcast %reduce_min3A_185 : f32 to vector<16xf32>
        %eq3A_271 = arith.cmpf oeq, %get3A_269, %eq3A_270 : vector<16xf32>
        %add3A_272 = arith.constant 64 : i32
        %add3A_273 = vector.broadcast %add3A_272 : i32 to vector<16xi32>
        %add3A_274 = arith.addi %iota3A, %add3A_273 : vector<16xi32>
        %broadcast_in_dim3A_275 = vector.broadcast %cond3A_2 : i32 to vector<16xi32>
        %select_n3A_276 = arith.select %eq3A_271, %add3A_274, %broadcast_in_dim3A_275 : vector<16xi1>, vector<16xi32>
        %min3A_277 = arith.minsi %min3A_265, %select_n3A_276 : vector<16xi32>
        %add3A_278 = arith.constant 80 : i32
        %add3A_279 = arith.addi %mul3A_216, %add3A_278 : i32
        %get3A_280 = arith.index_cast %add3A_279 : i32 to index
        %get3A_281 = tpu.vector_load %arg7[%get3A_280] {strides = array<i32>} : memref<100352xf32, #tpu.memory_space<vmem>>, vector<16xf32>,
        %eq3A_282 = vector.broadcast %reduce_min3A_185 : f32 to vector<16xf32>
        %eq3A_283 = arith.cmpf oeq, %get3A_281, %eq3A_282 : vector<16xf32>
        %add3A_284 = arith.constant 80 : i32
        %add3A_285 = vector.broadcast %add3A_284 : i32 to vector<16xi32>
        %add3A_286 = arith.addi %iota3A, %add3A_285 : vector<16xi32>
        %broadcast_in_dim3A_287 = vector.broadcast %cond3A_2 : i32 to vector<16xi32>
        %select_n3A_288 = arith.select %eq3A_283, %add3A_286, %broadcast_in_dim3A_287 : vector<16xi1>, vector<16xi32>
        %min3A_289 = arith.minsi %min3A_277, %select_n3A_288 : vector<16xi32>
        %add3A_290 = arith.constant 96 : i32
        %add3A_291 = arith.addi %mul3A_216, %add3A_290 : i32
        %get3A_292 = arith.index_cast %add3A_291 : i32 to index
        %get3A_293 = tpu.vector_load %arg7[%get3A_292] {strides = array<i32>} : memref<100352xf32, #tpu.memory_space<vmem>>, vector<16xf32>,
        %eq3A_294 = vector.broadcast %reduce_min3A_185 : f32 to vector<16xf32>
        %eq3A_295 = arith.cmpf oeq, %get3A_293, %eq3A_294 : vector<16xf32>
        %add3A_296 = arith.constant 96 : i32
        %add3A_297 = vector.broadcast %add3A_296 : i32 to vector<16xi32>
        %add3A_298 = arith.addi %iota3A, %add3A_297 : vector<16xi32>
        %broadcast_in_dim3A_299 = vector.broadcast %cond3A_2 : i32 to vector<16xi32>
        %select_n3A_300 = arith.select %eq3A_295, %add3A_298, %broadcast_in_dim3A_299 : vector<16xi1>, vector<16xi32>
        %min3A_301 = arith.minsi %min3A_289, %select_n3A_300 : vector<16xi32>
        %add3A_302 = arith.constant 112 : i32
        %add3A_303 = arith.addi %mul3A_216, %add3A_302 : i32
        %get3A_304 = arith.index_cast %add3A_303 : i32 to index
        %get3A_305 = tpu.vector_load %arg7[%get3A_304] {strides = array<i32>} : memref<100352xf32, #tpu.memory_space<vmem>>, vector<16xf32>,
        %eq3A_306 = vector.broadcast %reduce_min3A_185 : f32 to vector<16xf32>
        %eq3A_307 = arith.cmpf oeq, %get3A_305, %eq3A_306 : vector<16xf32>
        %add3A_308 = arith.constant 112 : i32
        %add3A_309 = vector.broadcast %add3A_308 : i32 to vector<16xi32>
        %add3A_310 = arith.addi %iota3A, %add3A_309 : vector<16xi32>
        %broadcast_in_dim3A_311 = vector.broadcast %cond3A_2 : i32 to vector<16xi32>
        %select_n3A_312 = arith.select %eq3A_307, %add3A_310, %broadcast_in_dim3A_311 : vector<16xi1>, vector<16xi32>
        %min3A_313 = arith.minsi %min3A_301, %select_n3A_312 : vector<16xi32>
        %add3A_314 = arith.constant 128 : i32
        %add3A_315 = arith.addi %mul3A_216, %add3A_314 : i32
        %get3A_316 = arith.index_cast %add3A_315 : i32 to index
        %get3A_317 = tpu.vector_load %arg7[%get3A_316] {strides = array<i32>} : memref<100352xf32, #tpu.memory_space<vmem>>, vector<16xf32>,
        %eq3A_318 = vector.broadcast %reduce_min3A_185 : f32 to vector<16xf32>
        %eq3A_319 = arith.cmpf oeq, %get3A_317, %eq3A_318 : vector<16xf32>
        %add3A_320 = arith.constant 128 : i32
        %add3A_321 = vector.broadcast %add3A_320 : i32 to vector<16xi32>
        %add3A_322 = arith.addi %iota3A, %add3A_321 : vector<16xi32>
        %broadcast_in_dim3A_323 = vector.broadcast %cond3A_2 : i32 to vector<16xi32>
        %select_n3A_324 = arith.select %eq3A_319, %add3A_322, %broadcast_in_dim3A_323 : vector<16xi1>, vector<16xi32>
        %min3A_325 = arith.minsi %min3A_313, %select_n3A_324 : vector<16xi32>
        %add3A_326 = arith.constant 144 : i32
        %add3A_327 = arith.addi %mul3A_216, %add3A_326 : i32
        %get3A_328 = arith.index_cast %add3A_327 : i32 to index
        %get3A_329 = tpu.vector_load %arg7[%get3A_328] {strides = array<i32>} : memref<100352xf32, #tpu.memory_space<vmem>>, vector<16xf32>,
        %eq3A_330 = vector.broadcast %reduce_min3A_185 : f32 to vector<16xf32>
        %eq3A_331 = arith.cmpf oeq, %get3A_329, %eq3A_330 : vector<16xf32>
        %add3A_332 = arith.constant 144 : i32
        %add3A_333 = vector.broadcast %add3A_332 : i32 to vector<16xi32>
        %add3A_334 = arith.addi %iota3A, %add3A_333 : vector<16xi32>
        %broadcast_in_dim3A_335 = vector.broadcast %cond3A_2 : i32 to vector<16xi32>
        %select_n3A_336 = arith.select %eq3A_331, %add3A_334, %broadcast_in_dim3A_335 : vector<16xi1>, vector<16xi32>
        %min3A_337 = arith.minsi %min3A_325, %select_n3A_336 : vector<16xi32>
        %add3A_338 = arith.constant 160 : i32
        %add3A_339 = arith.addi %mul3A_216, %add3A_338 : i32
        %get3A_340 = arith.index_cast %add3A_339 : i32 to index
        %get3A_341 = tpu.vector_load %arg7[%get3A_340] {strides = array<i32>} : memref<100352xf32, #tpu.memory_space<vmem>>, vector<16xf32>,
        %eq3A_342 = vector.broadcast %reduce_min3A_185 : f32 to vector<16xf32>
        %eq3A_343 = arith.cmpf oeq, %get3A_341, %eq3A_342 : vector<16xf32>
        %add3A_344 = arith.constant 160 : i32
        %add3A_345 = vector.broadcast %add3A_344 : i32 to vector<16xi32>
        %add3A_346 = arith.addi %iota3A, %add3A_345 : vector<16xi32>
        %broadcast_in_dim3A_347 = vector.broadcast %cond3A_2 : i32 to vector<16xi32>
        %select_n3A_348 = arith.select %eq3A_343, %add3A_346, %broadcast_in_dim3A_347 : vector<16xi1>, vector<16xi32>
        %min3A_349 = arith.minsi %min3A_337, %select_n3A_348 : vector<16xi32>
        %add3A_350 = arith.constant 176 : i32
        %add3A_351 = arith.addi %mul3A_216, %add3A_350 : i32
        %get3A_352 = arith.index_cast %add3A_351 : i32 to index
        %get3A_353 = tpu.vector_load %arg7[%get3A_352] {strides = array<i32>} : memref<100352xf32, #tpu.memory_space<vmem>>, vector<16xf32>,
        %eq3A_354 = vector.broadcast %reduce_min3A_185 : f32 to vector<16xf32>
        %eq3A_355 = arith.cmpf oeq, %get3A_353, %eq3A_354 : vector<16xf32>
        %add3A_356 = arith.constant 176 : i32
        %add3A_357 = vector.broadcast %add3A_356 : i32 to vector<16xi32>
        %add3A_358 = arith.addi %iota3A, %add3A_357 : vector<16xi32>
        %broadcast_in_dim3A_359 = vector.broadcast %cond3A_2 : i32 to vector<16xi32>
        %select_n3A_360 = arith.select %eq3A_355, %add3A_358, %broadcast_in_dim3A_359 : vector<16xi1>, vector<16xi32>
        %min3A_361 = arith.minsi %min3A_349, %select_n3A_360 : vector<16xi32>
        %add3A_362 = arith.constant 192 : i32
        %add3A_363 = arith.addi %mul3A_216, %add3A_362 : i32
        %get3A_364 = arith.index_cast %add3A_363 : i32 to index
        %get3A_365 = tpu.vector_load %arg7[%get3A_364] {strides = array<i32>} : memref<100352xf32, #tpu.memory_space<vmem>>, vector<16xf32>,
        %eq3A_366 = vector.broadcast %reduce_min3A_185 : f32 to vector<16xf32>
        %eq3A_367 = arith.cmpf oeq, %get3A_365, %eq3A_366 : vector<16xf32>
        %add3A_368 = arith.constant 192 : i32
        %add3A_369 = vector.broadcast %add3A_368 : i32 to vector<16xi32>
        %add3A_370 = arith.addi %iota3A, %add3A_369 : vector<16xi32>
        %broadcast_in_dim3A_371 = vector.broadcast %cond3A_2 : i32 to vector<16xi32>
        %select_n3A_372 = arith.select %eq3A_367, %add3A_370, %broadcast_in_dim3A_371 : vector<16xi1>, vector<16xi32>
        %min3A_373 = arith.minsi %min3A_361, %select_n3A_372 : vector<16xi32>
        %add3A_374 = arith.constant 208 : i32
        %add3A_375 = arith.addi %mul3A_216, %add3A_374 : i32
        %get3A_376 = arith.index_cast %add3A_375 : i32 to index
        %get3A_377 = tpu.vector_load %arg7[%get3A_376] {strides = array<i32>} : memref<100352xf32, #tpu.memory_space<vmem>>, vector<16xf32>,
        %eq3A_378 = vector.broadcast %reduce_min3A_185 : f32 to vector<16xf32>
        %eq3A_379 = arith.cmpf oeq, %get3A_377, %eq3A_378 : vector<16xf32>
        %add3A_380 = arith.constant 208 : i32
        %add3A_381 = vector.broadcast %add3A_380 : i32 to vector<16xi32>
        %add3A_382 = arith.addi %iota3A, %add3A_381 : vector<16xi32>
        %broadcast_in_dim3A_383 = vector.broadcast %cond3A_2 : i32 to vector<16xi32>
        %select_n3A_384 = arith.select %eq3A_379, %add3A_382, %broadcast_in_dim3A_383 : vector<16xi1>, vector<16xi32>
        %min3A_385 = arith.minsi %min3A_373, %select_n3A_384 : vector<16xi32>
        %add3A_386 = arith.constant 224 : i32
        %add3A_387 = arith.addi %mul3A_216, %add3A_386 : i32
        %get3A_388 = arith.index_cast %add3A_387 : i32 to index
        %get3A_389 = tpu.vector_load %arg7[%get3A_388] {strides = array<i32>} : memref<100352xf32, #tpu.memory_space<vmem>>, vector<16xf32>,
        %eq3A_390 = vector.broadcast %reduce_min3A_185 : f32 to vector<16xf32>
        %eq3A_391 = arith.cmpf oeq, %get3A_389, %eq3A_390 : vector<16xf32>
        %add3A_392 = arith.constant 224 : i32
        %add3A_393 = vector.broadcast %add3A_392 : i32 to vector<16xi32>
        %add3A_394 = arith.addi %iota3A, %add3A_393 : vector<16xi32>
        %broadcast_in_dim3A_395 = vector.broadcast %cond3A_2 : i32 to vector<16xi32>
        %select_n3A_396 = arith.select %eq3A_391, %add3A_394, %broadcast_in_dim3A_395 : vector<16xi1>, vector<16xi32>
        %min3A_397 = arith.minsi %min3A_385, %select_n3A_396 : vector<16xi32>
        %add3A_398 = arith.constant 240 : i32
        %add3A_399 = arith.addi %mul3A_216, %add3A_398 : i32
        %get3A_400 = arith.index_cast %add3A_399 : i32 to index
        %get3A_401 = tpu.vector_load %arg7[%get3A_400] {strides = array<i32>} : memref<100352xf32, #tpu.memory_space<vmem>>, vector<16xf32>,
        %eq3A_402 = vector.broadcast %reduce_min3A_185 : f32 to vector<16xf32>
        %eq3A_403 = arith.cmpf oeq, %get3A_401, %eq3A_402 : vector<16xf32>
        %add3A_404 = arith.constant 240 : i32
        %add3A_405 = vector.broadcast %add3A_404 : i32 to vector<16xi32>
        %add3A_406 = arith.addi %iota3A, %add3A_405 : vector<16xi32>
        %broadcast_in_dim3A_407 = vector.broadcast %cond3A_2 : i32 to vector<16xi32>
        %select_n3A_408 = arith.select %eq3A_403, %add3A_406, %broadcast_in_dim3A_407 : vector<16xi1>, vector<16xi32>
        %min3A_409 = arith.minsi %min3A_397, %select_n3A_408 : vector<16xi32>
        %reduce_min3A_410 = arith.constant true
        %reduce_min3A_411 = vector.broadcast %reduce_min3A_410 : i1 to vector<16xi1>
        %reduce_min3A_412 = arith.constant -2147483648 : i32
        %reduce_min3A_413 = vector.broadcast %reduce_min3A_412 : i32 to vector<16xi32>
        %reduce_min3A_414 = arith.xori %min3A_409, %reduce_min3A_413 : vector<16xi32>
        %reduce_min3A_415 = tpu.scan <min>, %reduce_min3A_414 masked %reduce_min3A_411 : vector<16xi32>, vector<16xi1> -> vector<16xi32>
        %reduce_min3A_416 = arith.xori %reduce_min3A_415, %reduce_min3A_413 : vector<16xi32>
        %reduce_min3A_417 = vector.extract %reduce_min3A_416[15] : i32 from vector<16xi32>
        %add3A_418 = arith.addi %mul3A_216, %reduce_min3A_417 : i32
        %jit3A_419 = arith.constant 16 : i32
        %div3A_420 = arith.divsi %scan3A_178, %jit3A_419 : i32
        %sign3A_421 = arith.constant 0 : i32
        %sign3A_422 = arith.cmpi sgt, %scan3A_178, %sign3A_421 : i32
        %sign3A_423 = arith.extui %sign3A_422 : i1 to i32
        %sign3A_424 = arith.constant 0 : i32
        %sign3A_425 = arith.cmpi slt, %scan3A_178, %sign3A_424 : i32
        %sign3A_426 = arith.extui %sign3A_425 : i1 to i32
        %sign3A_427 = arith.subi %sign3A_423, %sign3A_426 : i32
        %sign3A_428 = arith.constant 0 : i32
        %sign3A_429 = arith.cmpi sgt, %jit3A_419, %sign3A_428 : i32
        %sign3A_430 = arith.extui %sign3A_429 : i1 to i32
        %sign3A_431 = arith.constant 0 : i32
        %sign3A_432 = arith.cmpi slt, %jit3A_419, %sign3A_431 : i32
        %sign3A_433 = arith.extui %sign3A_432 : i1 to i32
        %sign3A_434 = arith.subi %sign3A_430, %sign3A_433 : i32
        %ne3A_435 = arith.cmpi ne, %sign3A_427, %sign3A_434 : i32
        %rem3A_436 = arith.remsi %scan3A_178, %jit3A_419 : i32
        %ne3A_437 = arith.constant 0 : i32
        %ne3A_438 = arith.cmpi ne, %rem3A_436, %ne3A_437 : i32
        %and3A_439 = arith.andi %ne3A_435, %ne3A_438 : i1
        %sub3A_440 = arith.constant 1 : i32
        %sub3A_441 = arith.subi %div3A_420, %sub3A_440 : i32
        %select_n3A_442 = arith.select %and3A_439, %sub3A_441, %div3A_420 : i32
        %mul3A_443 = arith.constant 16 : i32
        %mul3A_444 = arith.muli %select_n3A_442, %mul3A_443 : i32
        %sub3A_445 = arith.subi %scan3A_178, %mul3A_444 : i32
        %get3A_446 = arith.index_cast %mul3A_444 : i32 to index
        %get3A_447 = tpu.vector_load %arg11[%get3A_446] {strides = array<i32>} : memref<1024xi32, #tpu.memory_space<vmem>>, vector<16xi32>,
        %eq3A_448 = vector.broadcast %sub3A_445 : i32 to vector<16xi32>
        %eq3A_449 = arith.cmpi eq, %iota3A, %eq3A_448 : vector<16xi32>
        %broadcast_in_dim3A_450 = vector.broadcast %add3A_418 : i32 to vector<16xi32>
        %select_n3A_451 = arith.select %eq3A_449, %broadcast_in_dim3A_450, %get3A_447 : vector<16xi1>, vector<16xi32>
        %swap3A_452 = arith.index_cast %mul3A_444 : i32 to index
        %swap3A_453 = tpu.vector_load %arg11[%swap3A_452] {strides = array<i32>} : memref<1024xi32, #tpu.memory_space<vmem>>, vector<16xi32>,
        tpu.vector_store %arg11[%swap3A_452], %select_n3A_451 {strides = array<i32>} : memref<1024xi32, #tpu.memory_space<vmem>>, vector<16xi32>,
        %jit3A_454 = arith.constant 16 : i32
        %div3A_455 = arith.divsi %scan3A_178, %jit3A_454 : i32
        %sign3A_456 = arith.constant 0 : i32
        %sign3A_457 = arith.cmpi sgt, %scan3A_178, %sign3A_456 : i32
        %sign3A_458 = arith.extui %sign3A_457 : i1 to i32
        %sign3A_459 = arith.constant 0 : i32
        %sign3A_460 = arith.cmpi slt, %scan3A_178, %sign3A_459 : i32
        %sign3A_461 = arith.extui %sign3A_460 : i1 to i32
        %sign3A_462 = arith.subi %sign3A_458, %sign3A_461 : i32
        %sign3A_463 = arith.constant 0 : i32
        %sign3A_464 = arith.cmpi sgt, %jit3A_454, %sign3A_463 : i32
        %sign3A_465 = arith.extui %sign3A_464 : i1 to i32
        %sign3A_466 = arith.constant 0 : i32
        %sign3A_467 = arith.cmpi slt, %jit3A_454, %sign3A_466 : i32
        %sign3A_468 = arith.extui %sign3A_467 : i1 to i32
        %sign3A_469 = arith.subi %sign3A_465, %sign3A_468 : i32
        %ne3A_470 = arith.cmpi ne, %sign3A_462, %sign3A_469 : i32
        %rem3A_471 = arith.remsi %scan3A_178, %jit3A_454 : i32
        %ne3A_472 = arith.constant 0 : i32
        %ne3A_473 = arith.cmpi ne, %rem3A_471, %ne3A_472 : i32
        %and3A_474 = arith.andi %ne3A_470, %ne3A_473 : i1
        %sub3A_475 = arith.constant 1 : i32
        %sub3A_476 = arith.subi %div3A_455, %sub3A_475 : i32
        %select_n3A_477 = arith.select %and3A_474, %sub3A_476, %div3A_455 : i32
        %mul3A_478 = arith.constant 16 : i32
        %mul3A_479 = arith.muli %select_n3A_477, %mul3A_478 : i32
        %sub3A_480 = arith.subi %scan3A_178, %mul3A_479 : i32
        %get3A_481 = arith.index_cast %mul3A_479 : i32 to index
        %get3A_482 = tpu.vector_load %arg10[%get3A_481] {strides = array<i32>} : memref<1024xf32, #tpu.memory_space<vmem>>, vector<16xf32>,
        %eq3A_483 = vector.broadcast %sub3A_480 : i32 to vector<16xi32>
        %eq3A_484 = arith.cmpi eq, %iota3A, %eq3A_483 : vector<16xi32>
        %jit3A_485 = arith.constant 0.000000e+00 : f32
        %broadcast_in_dim3A_486 = vector.broadcast %jit3A_485 : f32 to vector<16xf32>
        %select_n3A_487 = arith.select %eq3A_484, %get3A_482, %broadcast_in_dim3A_486 : vector<16xi1>, vector<16xf32>
        %reduce_sum3A = arith.constant true
        %reduce_sum3A_488 = vector.broadcast %reduce_sum3A : i1 to vector<16xi1>
        %reduce_sum3A_489 = tpu.scan <sum>, %select_n3A_487 masked %reduce_sum3A_488 : vector<16xf32>, vector<16xi1> -> vector<16xf32>
        %reduce_sum3A_490 = vector.extract %reduce_sum3A_489[15] : f32 from vector<16xf32>
        %jit3A_491 = arith.constant 16 : i32
        %div3A_492 = arith.divsi %add3A_418, %jit3A_491 : i32
        %sign3A_493 = arith.constant 0 : i32
        %sign3A_494 = arith.cmpi sgt, %add3A_418, %sign3A_493 : i32
        %sign3A_495 = arith.extui %sign3A_494 : i1 to i32
        %sign3A_496 = arith.constant 0 : i32
        %sign3A_497 = arith.cmpi slt, %add3A_418, %sign3A_496 : i32
        %sign3A_498 = arith.extui %sign3A_497 : i1 to i32
        %sign3A_499 = arith.subi %sign3A_495, %sign3A_498 : i32
        %sign3A_500 = arith.constant 0 : i32
        %sign3A_501 = arith.cmpi sgt, %jit3A_491, %sign3A_500 : i32
        %sign3A_502 = arith.extui %sign3A_501 : i1 to i32
        %sign3A_503 = arith.constant 0 : i32
        %sign3A_504 = arith.cmpi slt, %jit3A_491, %sign3A_503 : i32
        %sign3A_505 = arith.extui %sign3A_504 : i1 to i32
        %sign3A_506 = arith.subi %sign3A_502, %sign3A_505 : i32
        %ne3A_507 = arith.cmpi ne, %sign3A_499, %sign3A_506 : i32
        %rem3A_508 = arith.remsi %add3A_418, %jit3A_491 : i32
        %ne3A_509 = arith.constant 0 : i32
        %ne3A_510 = arith.cmpi ne, %rem3A_508, %ne3A_509 : i32
        %and3A_511 = arith.andi %ne3A_507, %ne3A_510 : i1
        %sub3A_512 = arith.constant 1 : i32
        %sub3A_513 = arith.subi %div3A_492, %sub3A_512 : i32
        %select_n3A_514 = arith.select %and3A_511, %sub3A_513, %div3A_492 : i32
        %mul3A_515 = arith.constant 16 : i32
        %mul3A_516 = arith.muli %select_n3A_514, %mul3A_515 : i32
        %sub3A_517 = arith.subi %add3A_418, %mul3A_516 : i32
        %get3A_518 = arith.index_cast %mul3A_516 : i32 to index
        %get3A_519 = tpu.vector_load %arg7[%get3A_518] {strides = array<i32>} : memref<100352xf32, #tpu.memory_space<vmem>>, vector<16xf32>,
        %eq3A_520 = vector.broadcast %sub3A_517 : i32 to vector<16xi32>
        %eq3A_521 = arith.cmpi eq, %iota3A, %eq3A_520 : vector<16xi32>
        %broadcast_in_dim3A_522 = vector.broadcast %reduce_sum3A_490 : f32 to vector<16xf32>
        %select_n3A_523 = arith.select %eq3A_521, %broadcast_in_dim3A_522, %get3A_519 : vector<16xi1>, vector<16xf32>
        %swap3A_524 = arith.index_cast %mul3A_516 : i32 to index
        %swap3A_525 = tpu.vector_load %arg7[%swap3A_524] {strides = array<i32>} : memref<100352xf32, #tpu.memory_space<vmem>>, vector<16xf32>,
        tpu.vector_store %arg7[%swap3A_524], %select_n3A_523 {strides = array<i32>} : memref<100352xf32, #tpu.memory_space<vmem>>, vector<16xf32>,
        %get3A_526 = arith.index_cast %mul3A_216 : i32 to index
        %get3A_527 = tpu.vector_load %arg7[%get3A_526] {strides = array<i32>} : memref<100352xf32, #tpu.memory_space<vmem>>, vector<16xf32>,
        %add3A_528 = arith.constant 16 : i32
        %add3A_529 = arith.addi %mul3A_216, %add3A_528 : i32
        %get3A_530 = arith.index_cast %add3A_529 : i32 to index
        %get3A_531 = tpu.vector_load %arg7[%get3A_530] {strides = array<i32>} : memref<100352xf32, #tpu.memory_space<vmem>>, vector<16xf32>,
        %min3A_532 = arith.minimumf %get3A_527, %get3A_531 : vector<16xf32>
        %add3A_533 = arith.constant 32 : i32
        %add3A_534 = arith.addi %mul3A_216, %add3A_533 : i32
        %get3A_535 = arith.index_cast %add3A_534 : i32 to index
        %get3A_536 = tpu.vector_load %arg7[%get3A_535] {strides = array<i32>} : memref<100352xf32, #tpu.memory_space<vmem>>, vector<16xf32>,
        %min3A_537 = arith.minimumf %min3A_532, %get3A_536 : vector<16xf32>
        %add3A_538 = arith.constant 48 : i32
        %add3A_539 = arith.addi %mul3A_216, %add3A_538 : i32
        %get3A_540 = arith.index_cast %add3A_539 : i32 to index
        %get3A_541 = tpu.vector_load %arg7[%get3A_540] {strides = array<i32>} : memref<100352xf32, #tpu.memory_space<vmem>>, vector<16xf32>,
        %min3A_542 = arith.minimumf %min3A_537, %get3A_541 : vector<16xf32>
        %add3A_543 = arith.constant 64 : i32
        %add3A_544 = arith.addi %mul3A_216, %add3A_543 : i32
        %get3A_545 = arith.index_cast %add3A_544 : i32 to index
        %get3A_546 = tpu.vector_load %arg7[%get3A_545] {strides = array<i32>} : memref<100352xf32, #tpu.memory_space<vmem>>, vector<16xf32>,
        %min3A_547 = arith.minimumf %min3A_542, %get3A_546 : vector<16xf32>
        %add3A_548 = arith.constant 80 : i32
        %add3A_549 = arith.addi %mul3A_216, %add3A_548 : i32
        %get3A_550 = arith.index_cast %add3A_549 : i32 to index
        %get3A_551 = tpu.vector_load %arg7[%get3A_550] {strides = array<i32>} : memref<100352xf32, #tpu.memory_space<vmem>>, vector<16xf32>,
        %min3A_552 = arith.minimumf %min3A_547, %get3A_551 : vector<16xf32>
        %add3A_553 = arith.constant 96 : i32
        %add3A_554 = arith.addi %mul3A_216, %add3A_553 : i32
        %get3A_555 = arith.index_cast %add3A_554 : i32 to index
        %get3A_556 = tpu.vector_load %arg7[%get3A_555] {strides = array<i32>} : memref<100352xf32, #tpu.memory_space<vmem>>, vector<16xf32>,
        %min3A_557 = arith.minimumf %min3A_552, %get3A_556 : vector<16xf32>
        %add3A_558 = arith.constant 112 : i32
        %add3A_559 = arith.addi %mul3A_216, %add3A_558 : i32
        %get3A_560 = arith.index_cast %add3A_559 : i32 to index
        %get3A_561 = tpu.vector_load %arg7[%get3A_560] {strides = array<i32>} : memref<100352xf32, #tpu.memory_space<vmem>>, vector<16xf32>,
        %min3A_562 = arith.minimumf %min3A_557, %get3A_561 : vector<16xf32>
        %add3A_563 = arith.constant 128 : i32
        %add3A_564 = arith.addi %mul3A_216, %add3A_563 : i32
        %get3A_565 = arith.index_cast %add3A_564 : i32 to index
        %get3A_566 = tpu.vector_load %arg7[%get3A_565] {strides = array<i32>} : memref<100352xf32, #tpu.memory_space<vmem>>, vector<16xf32>,
        %min3A_567 = arith.minimumf %min3A_562, %get3A_566 : vector<16xf32>
        %add3A_568 = arith.constant 144 : i32
        %add3A_569 = arith.addi %mul3A_216, %add3A_568 : i32
        %get3A_570 = arith.index_cast %add3A_569 : i32 to index
        %get3A_571 = tpu.vector_load %arg7[%get3A_570] {strides = array<i32>} : memref<100352xf32, #tpu.memory_space<vmem>>, vector<16xf32>,
        %min3A_572 = arith.minimumf %min3A_567, %get3A_571 : vector<16xf32>
        %add3A_573 = arith.constant 160 : i32
        %add3A_574 = arith.addi %mul3A_216, %add3A_573 : i32
        %get3A_575 = arith.index_cast %add3A_574 : i32 to index
        %get3A_576 = tpu.vector_load %arg7[%get3A_575] {strides = array<i32>} : memref<100352xf32, #tpu.memory_space<vmem>>, vector<16xf32>,
        %min3A_577 = arith.minimumf %min3A_572, %get3A_576 : vector<16xf32>
        %add3A_578 = arith.constant 176 : i32
        %add3A_579 = arith.addi %mul3A_216, %add3A_578 : i32
        %get3A_580 = arith.index_cast %add3A_579 : i32 to index
        %get3A_581 = tpu.vector_load %arg7[%get3A_580] {strides = array<i32>} : memref<100352xf32, #tpu.memory_space<vmem>>, vector<16xf32>,
        %min3A_582 = arith.minimumf %min3A_577, %get3A_581 : vector<16xf32>
        %add3A_583 = arith.constant 192 : i32
        %add3A_584 = arith.addi %mul3A_216, %add3A_583 : i32
        %get3A_585 = arith.index_cast %add3A_584 : i32 to index
        %get3A_586 = tpu.vector_load %arg7[%get3A_585] {strides = array<i32>} : memref<100352xf32, #tpu.memory_space<vmem>>, vector<16xf32>,
        %min3A_587 = arith.minimumf %min3A_582, %get3A_586 : vector<16xf32>
        %add3A_588 = arith.constant 208 : i32
        %add3A_589 = arith.addi %mul3A_216, %add3A_588 : i32
        %get3A_590 = arith.index_cast %add3A_589 : i32 to index
        %get3A_591 = tpu.vector_load %arg7[%get3A_590] {strides = array<i32>} : memref<100352xf32, #tpu.memory_space<vmem>>, vector<16xf32>,
        %min3A_592 = arith.minimumf %min3A_587, %get3A_591 : vector<16xf32>
        %add3A_593 = arith.constant 224 : i32
        %add3A_594 = arith.addi %mul3A_216, %add3A_593 : i32
        %get3A_595 = arith.index_cast %add3A_594 : i32 to index
        %get3A_596 = tpu.vector_load %arg7[%get3A_595] {strides = array<i32>} : memref<100352xf32, #tpu.memory_space<vmem>>, vector<16xf32>,
        %min3A_597 = arith.minimumf %min3A_592, %get3A_596 : vector<16xf32>
        %add3A_598 = arith.constant 240 : i32
        %add3A_599 = arith.addi %mul3A_216, %add3A_598 : i32
        %get3A_600 = arith.index_cast %add3A_599 : i32 to index
        %get3A_601 = tpu.vector_load %arg7[%get3A_600] {strides = array<i32>} : memref<100352xf32, #tpu.memory_space<vmem>>, vector<16xf32>,
        %min3A_602 = arith.minimumf %min3A_597, %get3A_601 : vector<16xf32>
        %reduce_min3A_603 = arith.constant true
        %reduce_min3A_604 = vector.broadcast %reduce_min3A_603 : i1 to vector<16xi1>
        %reduce_min3A_605 = tpu.scan <min>, %min3A_602 masked %reduce_min3A_604 : vector<16xf32>, vector<16xi1> -> vector<16xf32>
        %reduce_min3A_606 = vector.extract %reduce_min3A_605[15] : f32 from vector<16xf32>
        %jit3A_607 = arith.constant 16 : i32
        %div3A_608 = arith.divsi %add3A_214, %jit3A_607 : i32
        %sign3A_609 = arith.constant 0 : i32
        %sign3A_610 = arith.cmpi sgt, %add3A_214, %sign3A_609 : i32
        %sign3A_611 = arith.extui %sign3A_610 : i1 to i32
        %sign3A_612 = arith.constant 0 : i32
        %sign3A_613 = arith.cmpi slt, %add3A_214, %sign3A_612 : i32
        %sign3A_614 = arith.extui %sign3A_613 : i1 to i32
        %sign3A_615 = arith.subi %sign3A_611, %sign3A_614 : i32
        %sign3A_616 = arith.constant 0 : i32
        %sign3A_617 = arith.cmpi sgt, %jit3A_607, %sign3A_616 : i32
        %sign3A_618 = arith.extui %sign3A_617 : i1 to i32
        %sign3A_619 = arith.constant 0 : i32
        %sign3A_620 = arith.cmpi slt, %jit3A_607, %sign3A_619 : i32
        %sign3A_621 = arith.extui %sign3A_620 : i1 to i32
        %sign3A_622 = arith.subi %sign3A_618, %sign3A_621 : i32
        %ne3A_623 = arith.cmpi ne, %sign3A_615, %sign3A_622 : i32
        %rem3A_624 = arith.remsi %add3A_214, %jit3A_607 : i32
        %ne3A_625 = arith.constant 0 : i32
        %ne3A_626 = arith.cmpi ne, %rem3A_624, %ne3A_625 : i32
        %and3A_627 = arith.andi %ne3A_623, %ne3A_626 : i1
        %sub3A_628 = arith.constant 1 : i32
        %sub3A_629 = arith.subi %div3A_608, %sub3A_628 : i32
        %select_n3A_630 = arith.select %and3A_627, %sub3A_629, %div3A_608 : i32
        %mul3A_631 = arith.constant 16 : i32
        %mul3A_632 = arith.muli %select_n3A_630, %mul3A_631 : i32
        %sub3A_633 = arith.subi %add3A_214, %mul3A_632 : i32
        %get3A_634 = arith.index_cast %mul3A_632 : i32 to index
        %get3A_635 = tpu.vector_load %arg8[%get3A_634] {strides = array<i32>} : memref<400xf32, #tpu.memory_space<vmem>>, vector<16xf32>,
        %eq3A_636 = vector.broadcast %sub3A_633 : i32 to vector<16xi32>
        %eq3A_637 = arith.cmpi eq, %iota3A, %eq3A_636 : vector<16xi32>
        %broadcast_in_dim3A_638 = vector.broadcast %reduce_min3A_606 : f32 to vector<16xf32>
        %select_n3A_639 = arith.select %eq3A_637, %broadcast_in_dim3A_638, %get3A_635 : vector<16xi1>, vector<16xf32>
        %swap3A_640 = arith.index_cast %mul3A_632 : i32 to index
        %swap3A_641 = tpu.vector_load %arg8[%swap3A_640] {strides = array<i32>} : memref<400xf32, #tpu.memory_space<vmem>>, vector<16xf32>,
        tpu.vector_store %arg8[%swap3A_640], %select_n3A_639 {strides = array<i32>} : memref<400xf32, #tpu.memory_space<vmem>>, vector<16xf32>,
        %mul3A_642 = arith.constant 16 : i32
        %mul3A_643 = arith.muli %reduce_min3A_203, %mul3A_642 : i32
        %get3A_644 = arith.index_cast %mul3A_643 : i32 to index
        %get3A_645 = tpu.vector_load %arg8[%get3A_644] {strides = array<i32>} : memref<400xf32, #tpu.memory_space<vmem>>, vector<16xf32>,
        %reduce_min3A_646 = arith.constant true
        %reduce_min3A_647 = vector.broadcast %reduce_min3A_646 : i1 to vector<16xi1>
        %reduce_min3A_648 = tpu.scan <min>, %get3A_645 masked %reduce_min3A_647 : vector<16xf32>, vector<16xi1> -> vector<16xf32>
        %reduce_min3A_649 = vector.extract %reduce_min3A_648[15] : f32 from vector<16xf32>
        %jit3A_650 = arith.constant 16 : i32
        %div3A_651 = arith.divsi %reduce_min3A_203, %jit3A_650 : i32
        %sign3A_652 = arith.constant 0 : i32
        %sign3A_653 = arith.cmpi sgt, %reduce_min3A_203, %sign3A_652 : i32
        %sign3A_654 = arith.extui %sign3A_653 : i1 to i32
        %sign3A_655 = arith.constant 0 : i32
        %sign3A_656 = arith.cmpi slt, %reduce_min3A_203, %sign3A_655 : i32
        %sign3A_657 = arith.extui %sign3A_656 : i1 to i32
        %sign3A_658 = arith.subi %sign3A_654, %sign3A_657 : i32
        %sign3A_659 = arith.constant 0 : i32
        %sign3A_660 = arith.cmpi sgt, %jit3A_650, %sign3A_659 : i32
        %sign3A_661 = arith.extui %sign3A_660 : i1 to i32
        %sign3A_662 = arith.constant 0 : i32
        %sign3A_663 = arith.cmpi slt, %jit3A_650, %sign3A_662 : i32
        %sign3A_664 = arith.extui %sign3A_663 : i1 to i32
        %sign3A_665 = arith.subi %sign3A_661, %sign3A_664 : i32
        %ne3A_666 = arith.cmpi ne, %sign3A_658, %sign3A_665 : i32
        %rem3A_667 = arith.remsi %reduce_min3A_203, %jit3A_650 : i32
        %ne3A_668 = arith.constant 0 : i32
        %ne3A_669 = arith.cmpi ne, %rem3A_667, %ne3A_668 : i32
        %and3A_670 = arith.andi %ne3A_666, %ne3A_669 : i1
        %sub3A_671 = arith.constant 1 : i32
        %sub3A_672 = arith.subi %div3A_651, %sub3A_671 : i32
        %select_n3A_673 = arith.select %and3A_670, %sub3A_672, %div3A_651 : i32
        %mul3A_674 = arith.constant 16 : i32
        %mul3A_675 = arith.muli %select_n3A_673, %mul3A_674 : i32
        %sub3A_676 = arith.subi %reduce_min3A_203, %mul3A_675 : i32
        %get3A_677 = arith.index_cast %mul3A_675 : i32 to index
        %get3A_678 = tpu.vector_load %arg9[%get3A_677] {strides = array<i32>} : memref<32xf32, #tpu.memory_space<vmem>>, vector<16xf32>,
        %eq3A_679 = vector.broadcast %sub3A_676 : i32 to vector<16xi32>
        %eq3A_680 = arith.cmpi eq, %iota3A, %eq3A_679 : vector<16xi32>
        %broadcast_in_dim3A_681 = vector.broadcast %reduce_min3A_649 : f32 to vector<16xf32>
        %select_n3A_682 = arith.select %eq3A_680, %broadcast_in_dim3A_681, %get3A_678 : vector<16xi1>, vector<16xf32>
        %swap3A_683 = arith.index_cast %mul3A_675 : i32 to index
        %swap3A_684 = tpu.vector_load %arg9[%swap3A_683] {strides = array<i32>} : memref<32xf32, #tpu.memory_space<vmem>>, vector<16xf32>,
        tpu.vector_store %arg9[%swap3A_683], %select_n3A_682 {strides = array<i32>} : memref<32xf32, #tpu.memory_space<vmem>>, vector<16xf32>,
      }
      %scan3A_177 = arith.constant 1024 : i32
      "tpu.region"() ({
        %run_scoped3A = tpu.sem_alloc : memref<!tpu.dma_semaphore, #tpu.memory_space<semaphore_mem>>
        tpu.enqueue_dma source(%arg11 : memref<1024xi32, #tpu.memory_space<vmem>>) target(%arg21 : memref<1024xi32, #tpu.memory_space<vmem_shared>>) target_semaphore(%run_scoped3A : memref<!tpu.dma_semaphore, #tpu.memory_space<semaphore_mem>>)
        tpu.wait_dma2 semaphore(%run_scoped3A : memref<!tpu.dma_semaphore, #tpu.memory_space<semaphore_mem>>) src(%arg11 : memref<1024xi32, #tpu.memory_space<vmem>>) dst(%arg21 : memref<1024xi32, #tpu.memory_space<vmem_shared>>)
        tpu.yield
      }) : () -> ()
    } else {
    }
    %gt3A = arith.constant 0 : i32
    %gt3A_5 = arith.cmpi sgt, %arg1, %gt3A : i32
    %convert_element_type3A_6 = arith.extui %gt3A_5 : i1 to i32
    %cond3A_7 = arith.constant 0 : i32
    %cond3A_8 = arith.cmpi ne, %convert_element_type3A_6, %cond3A_7 : i32
    scf.if %cond3A_8 {
      %sub3A_130 = arith.constant 1 : i32
      %sub3A_131 = arith.subi %arg1, %sub3A_130 : i32
      %mul3A_132 = arith.constant 3328 : i32
      %mul3A_133 = arith.muli %sub3A_131, %mul3A_132 : i32
      %add3A_134 = arith.addi %mul3A_0, %mul3A_133 : i32
      %dma_start3A = arith.constant 0 : i32
      %dma_start3A_135 = tpu.memref_slice %arg2[%add3A_134, %dma_start3A] : memref<100000x256xf32, #tpu.memory_space<hbm>> -> memref<32x256xf32, #tpu.memory_space<hbm>>
      %dma_start3A_136 = arith.constant 0 : i32
      %dma_start3A_137 = tpu.memref_slice %arg2[%add3A_134, %dma_start3A_136] : memref<100000x256xf32, #tpu.memory_space<hbm>> -> memref<32x256xf32, #tpu.memory_space<hbm>>
      tpu.enqueue_dma source(%dma_start3A_137 : memref<32x256xf32, #tpu.memory_space<hbm>>) target(%arg14 : memref<32x256xf32, #tpu.memory_space<vmem>>) target_semaphore(%arg25 : memref<!tpu.dma_semaphore, #tpu.memory_space<semaphore_mem>>)
      %add3A_138 = arith.constant 32 : i32
      %add3A_139 = arith.addi %add3A_134, %add3A_138 : i32
      %dma_start3A_140 = arith.constant 0 : i32
      %dma_start3A_141 = tpu.memref_slice %arg2[%add3A_139, %dma_start3A_140] : memref<100000x256xf32, #tpu.memory_space<hbm>> -> memref<32x256xf32, #tpu.memory_space<hbm>>
      %dma_start3A_142 = arith.constant 0 : i32
      %dma_start3A_143 = tpu.memref_slice %arg2[%add3A_139, %dma_start3A_142] : memref<100000x256xf32, #tpu.memory_space<hbm>> -> memref<32x256xf32, #tpu.memory_space<hbm>>
      tpu.enqueue_dma source(%dma_start3A_143 : memref<32x256xf32, #tpu.memory_space<hbm>>) target(%arg15 : memref<32x256xf32, #tpu.memory_space<vmem>>) target_semaphore(%arg26 : memref<!tpu.dma_semaphore, #tpu.memory_space<semaphore_mem>>)
      %scan3A_144 = arith.constant 0 : i32
      %scan3A_145 = arith.constant 0 : i32
      %scan3A_146 = arith.constant 52 : i32
      %scan3A_147 = arith.addi %scan3A_145, %scan3A_146 : i32
      %scan3A_148 = arith.constant 1 : i32
      scf.for %scan3A_161 = %scan3A_145 to %scan3A_147 step %scan3A_148  : i32 {
        %mul3A_162 = arith.constant 2 : i32
        %mul3A_163 = arith.muli %mul3A_162, %scan3A_161 : i32
        %mul3A_164 = arith.constant 32 : i32
        %mul3A_165 = arith.muli %mul3A_163, %mul3A_164 : i32
        %add3A_166 = arith.addi %add3A_134, %mul3A_165 : i32
        %add3A_167 = arith.constant 32 : i32
        %add3A_168 = arith.addi %add3A_166, %add3A_167 : i32
        %dma_wait3A_169 = arith.constant 0 : i32
        %dma_wait3A_170 = tpu.memref_slice %arg2[%add3A_166, %dma_wait3A_169] : memref<100000x256xf32, #tpu.memory_space<hbm>> -> memref<32x256xf32, #tpu.memory_space<hbm>>
        %dma_wait3A_171 = arith.constant 0 : i32
        %dma_wait3A_172 = tpu.memref_slice %arg2[%add3A_166, %dma_wait3A_171] : memref<100000x256xf32, #tpu.memory_space<hbm>> -> memref<32x256xf32, #tpu.memory_space<hbm>>
        tpu.wait_dma2 semaphore(%arg25 : memref<!tpu.dma_semaphore, #tpu.memory_space<semaphore_mem>>) src(%dma_wait3A_172 : memref<32x256xf32, #tpu.memory_space<hbm>>) dst(%arg14 : memref<32x256xf32, #tpu.memory_space<vmem>>)
        %dma_start3A_173 = arith.constant 0 : i32
        %dma_start3A_174 = tpu.memref_slice %arg6[%add3A_166, %dma_start3A_173] : memref<100000x256xf32, #tpu.memory_space<hbm>> -> memref<32x256xf32, #tpu.memory_space<hbm>>
        %dma_start3A_175 = arith.constant 0 : i32
        %dma_start3A_176 = tpu.memref_slice %arg6[%add3A_166, %dma_start3A_175] : memref<100000x256xf32, #tpu.memory_space<hbm>> -> memref<32x256xf32, #tpu.memory_space<hbm>>
        tpu.enqueue_dma source(%arg14 : memref<32x256xf32, #tpu.memory_space<vmem>>) target(%dma_start3A_176 : memref<32x256xf32, #tpu.memory_space<hbm>>) target_semaphore(%arg23 : memref<!tpu.dma_semaphore, #tpu.memory_space<semaphore_mem>>)
        %dma_wait3A_177 = arith.constant 0 : i32
        %dma_wait3A_178 = tpu.memref_slice %arg2[%add3A_168, %dma_wait3A_177] : memref<100000x256xf32, #tpu.memory_space<hbm>> -> memref<32x256xf32, #tpu.memory_space<hbm>>
        %dma_wait3A_179 = arith.constant 0 : i32
        %dma_wait3A_180 = tpu.memref_slice %arg2[%add3A_168, %dma_wait3A_179] : memref<100000x256xf32, #tpu.memory_space<hbm>> -> memref<32x256xf32, #tpu.memory_space<hbm>>
        tpu.wait_dma2 semaphore(%arg26 : memref<!tpu.dma_semaphore, #tpu.memory_space<semaphore_mem>>) src(%dma_wait3A_180 : memref<32x256xf32, #tpu.memory_space<hbm>>) dst(%arg15 : memref<32x256xf32, #tpu.memory_space<vmem>>)
        %dma_start3A_181 = arith.constant 0 : i32
        %dma_start3A_182 = tpu.memref_slice %arg6[%add3A_168, %dma_start3A_181] : memref<100000x256xf32, #tpu.memory_space<hbm>> -> memref<32x256xf32, #tpu.memory_space<hbm>>
        %dma_start3A_183 = arith.constant 0 : i32
        %dma_start3A_184 = tpu.memref_slice %arg6[%add3A_168, %dma_start3A_183] : memref<100000x256xf32, #tpu.memory_space<hbm>> -> memref<32x256xf32, #tpu.memory_space<hbm>>
        tpu.enqueue_dma source(%arg15 : memref<32x256xf32, #tpu.memory_space<vmem>>) target(%dma_start3A_184 : memref<32x256xf32, #tpu.memory_space<hbm>>) target_semaphore(%arg24 : memref<!tpu.dma_semaphore, #tpu.memory_space<semaphore_mem>>)
        %lt3A_185 = arith.constant 51 : i32
        %lt3A_186 = arith.cmpi slt, %scan3A_161, %lt3A_185 : i32
        %convert_element_type3A_187 = arith.extui %lt3A_186 : i1 to i32
        %cond3A_188 = arith.constant 0 : i32
        %cond3A_189 = arith.cmpi ne, %convert_element_type3A_187, %cond3A_188 : i32
        scf.if %cond3A_189 {
          %dma_wait3A_190 = arith.constant 0 : i32
          %dma_wait3A_191 = tpu.memref_slice %arg6[%add3A_166, %dma_wait3A_190] : memref<100000x256xf32, #tpu.memory_space<hbm>> -> memref<32x256xf32, #tpu.memory_space<hbm>>
          %dma_wait3A_192 = arith.constant 0 : i32
          %dma_wait3A_193 = tpu.memref_slice %arg6[%add3A_166, %dma_wait3A_192] : memref<100000x256xf32, #tpu.memory_space<hbm>> -> memref<32x256xf32, #tpu.memory_space<hbm>>
          tpu.wait_dma2 semaphore(%arg23 : memref<!tpu.dma_semaphore, #tpu.memory_space<semaphore_mem>>) src(%arg14 : memref<32x256xf32, #tpu.memory_space<vmem>>) dst(%dma_wait3A_193 : memref<32x256xf32, #tpu.memory_space<hbm>>)
          %add3A_194 = arith.constant 64 : i32
          %add3A_195 = arith.addi %add3A_166, %add3A_194 : i32
          %dma_start3A_196 = arith.constant 0 : i32
          %dma_start3A_197 = tpu.memref_slice %arg2[%add3A_195, %dma_start3A_196] : memref<100000x256xf32, #tpu.memory_space<hbm>> -> memref<32x256xf32, #tpu.memory_space<hbm>>
          %dma_start3A_198 = arith.constant 0 : i32
          %dma_start3A_199 = tpu.memref_slice %arg2[%add3A_195, %dma_start3A_198] : memref<100000x256xf32, #tpu.memory_space<hbm>> -> memref<32x256xf32, #tpu.memory_space<hbm>>
          tpu.enqueue_dma source(%dma_start3A_199 : memref<32x256xf32, #tpu.memory_space<hbm>>) target(%arg14 : memref<32x256xf32, #tpu.memory_space<vmem>>) target_semaphore(%arg25 : memref<!tpu.dma_semaphore, #tpu.memory_space<semaphore_mem>>)
          %dma_wait3A_200 = arith.constant 0 : i32
          %dma_wait3A_201 = tpu.memref_slice %arg6[%add3A_168, %dma_wait3A_200] : memref<100000x256xf32, #tpu.memory_space<hbm>> -> memref<32x256xf32, #tpu.memory_space<hbm>>
          %dma_wait3A_202 = arith.constant 0 : i32
          %dma_wait3A_203 = tpu.memref_slice %arg6[%add3A_168, %dma_wait3A_202] : memref<100000x256xf32, #tpu.memory_space<hbm>> -> memref<32x256xf32, #tpu.memory_space<hbm>>
          tpu.wait_dma2 semaphore(%arg24 : memref<!tpu.dma_semaphore, #tpu.memory_space<semaphore_mem>>) src(%arg15 : memref<32x256xf32, #tpu.memory_space<vmem>>) dst(%dma_wait3A_203 : memref<32x256xf32, #tpu.memory_space<hbm>>)
          %add3A_204 = arith.constant 64 : i32
          %add3A_205 = arith.addi %add3A_168, %add3A_204 : i32
          %dma_start3A_206 = arith.constant 0 : i32
          %dma_start3A_207 = tpu.memref_slice %arg2[%add3A_205, %dma_start3A_206] : memref<100000x256xf32, #tpu.memory_space<hbm>> -> memref<32x256xf32, #tpu.memory_space<hbm>>
          %dma_start3A_208 = arith.constant 0 : i32
          %dma_start3A_209 = tpu.memref_slice %arg2[%add3A_205, %dma_start3A_208] : memref<100000x256xf32, #tpu.memory_space<hbm>> -> memref<32x256xf32, #tpu.memory_space<hbm>>
          tpu.enqueue_dma source(%dma_start3A_209 : memref<32x256xf32, #tpu.memory_space<hbm>>) target(%arg15 : memref<32x256xf32, #tpu.memory_space<vmem>>) target_semaphore(%arg26 : memref<!tpu.dma_semaphore, #tpu.memory_space<semaphore_mem>>)
        } else {
        }
      }
      %scan3A_149 = arith.constant 52 : i32
      %add3A_150 = arith.constant 3264 : i32
      %add3A_151 = arith.addi %add3A_134, %add3A_150 : i32
      %dma_wait3A = arith.constant 0 : i32
      %dma_wait3A_152 = tpu.memref_slice %arg6[%add3A_151, %dma_wait3A] : memref<100000x256xf32, #tpu.memory_space<hbm>> -> memref<32x256xf32, #tpu.memory_space<hbm>>
      %dma_wait3A_153 = arith.constant 0 : i32
      %dma_wait3A_154 = tpu.memref_slice %arg6[%add3A_151, %dma_wait3A_153] : memref<100000x256xf32, #tpu.memory_space<hbm>> -> memref<32x256xf32, #tpu.memory_space<hbm>>
      tpu.wait_dma2 semaphore(%arg23 : memref<!tpu.dma_semaphore, #tpu.memory_space<semaphore_mem>>) src(%arg14 : memref<32x256xf32, #tpu.memory_space<vmem>>) dst(%dma_wait3A_154 : memref<32x256xf32, #tpu.memory_space<hbm>>)
      %add3A_155 = arith.constant 32 : i32
      %add3A_156 = arith.addi %add3A_151, %add3A_155 : i32
      %dma_wait3A_157 = arith.constant 0 : i32
      %dma_wait3A_158 = tpu.memref_slice %arg6[%add3A_156, %dma_wait3A_157] : memref<100000x256xf32, #tpu.memory_space<hbm>> -> memref<32x256xf32, #tpu.memory_space<hbm>>
      %dma_wait3A_159 = arith.constant 0 : i32
      %dma_wait3A_160 = tpu.memref_slice %arg6[%add3A_156, %dma_wait3A_159] : memref<100000x256xf32, #tpu.memory_space<hbm>> -> memref<32x256xf32, #tpu.memory_space<hbm>>
      tpu.wait_dma2 semaphore(%arg24 : memref<!tpu.dma_semaphore, #tpu.memory_space<semaphore_mem>>) src(%arg15 : memref<32x256xf32, #tpu.memory_space<vmem>>) dst(%dma_wait3A_160 : memref<32x256xf32, #tpu.memory_space<hbm>>)
    } else {
    }
    %eq3A_9 = arith.constant 15 : i32
    %eq3A_10 = arith.cmpi eq, %arg1, %eq3A_9 : i32
    %convert_element_type3A_11 = arith.extui %eq3A_10 : i1 to i32
    %cond3A_12 = arith.constant 0 : i32
    %cond3A_13 = arith.cmpi ne, %convert_element_type3A_11, %cond3A_12 : i32
    scf.if %cond3A_13 {
      %add3A_130 = arith.constant 49920 : i32
      %add3A_131 = arith.addi %mul3A_0, %add3A_130 : i32
      %scan3A_132 = arith.constant 0 : i32
      %scan3A_133 = arith.constant 0 : i32
      %scan3A_134 = arith.constant 2 : i32
      %scan3A_135 = arith.addi %scan3A_133, %scan3A_134 : i32
      %scan3A_136 = arith.constant 1 : i32
      scf.for %scan3A_140 = %scan3A_133 to %scan3A_135 step %scan3A_136  : i32 {
        %mul3A_141 = arith.constant 32 : i32
        %mul3A_142 = arith.muli %scan3A_140, %mul3A_141 : i32
        %add3A_143 = arith.addi %add3A_131, %mul3A_142 : i32
        "tpu.region"() ({
          %run_scoped3A = tpu.sem_alloc : memref<!tpu.dma_semaphore, #tpu.memory_space<semaphore_mem>>
          %dma_start3A = arith.constant 0 : i32
          %dma_start3A_147 = tpu.memref_slice %arg2[%add3A_143, %dma_start3A] : memref<100000x256xf32, #tpu.memory_space<hbm>> -> memref<32x256xf32, #tpu.memory_space<hbm>>
          %dma_start3A_148 = arith.constant 0 : i32
          %dma_start3A_149 = tpu.memref_slice %arg2[%add3A_143, %dma_start3A_148] : memref<100000x256xf32, #tpu.memory_space<hbm>> -> memref<32x256xf32, #tpu.memory_space<hbm>>
          tpu.enqueue_dma source(%dma_start3A_149 : memref<32x256xf32, #tpu.memory_space<hbm>>) target(%arg14 : memref<32x256xf32, #tpu.memory_space<vmem>>) target_semaphore(%run_scoped3A : memref<!tpu.dma_semaphore, #tpu.memory_space<semaphore_mem>>)
          %dma_wait3A = arith.constant 0 : i32
          %dma_wait3A_150 = tpu.memref_slice %arg2[%add3A_143, %dma_wait3A] : memref<100000x256xf32, #tpu.memory_space<hbm>> -> memref<32x256xf32, #tpu.memory_space<hbm>>
          %dma_wait3A_151 = arith.constant 0 : i32
          %dma_wait3A_152 = tpu.memref_slice %arg2[%add3A_143, %dma_wait3A_151] : memref<100000x256xf32, #tpu.memory_space<hbm>> -> memref<32x256xf32, #tpu.memory_space<hbm>>
          tpu.wait_dma2 semaphore(%run_scoped3A : memref<!tpu.dma_semaphore, #tpu.memory_space<semaphore_mem>>) src(%dma_wait3A_152 : memref<32x256xf32, #tpu.memory_space<hbm>>) dst(%arg14 : memref<32x256xf32, #tpu.memory_space<vmem>>)
          tpu.yield
        }) : () -> ()
        %mul3A_144 = arith.constant 32 : i32
        %mul3A_145 = arith.muli %scan3A_140, %mul3A_144 : i32
        %add3A_146 = arith.addi %add3A_131, %mul3A_145 : i32
        "tpu.region"() ({
          %run_scoped3A = tpu.sem_alloc : memref<!tpu.dma_semaphore, #tpu.memory_space<semaphore_mem>>
          %dma_start3A = arith.constant 0 : i32
          %dma_start3A_147 = tpu.memref_slice %arg6[%add3A_146, %dma_start3A] : memref<100000x256xf32, #tpu.memory_space<hbm>> -> memref<32x256xf32, #tpu.memory_space<hbm>>
          %dma_start3A_148 = arith.constant 0 : i32
          %dma_start3A_149 = tpu.memref_slice %arg6[%add3A_146, %dma_start3A_148] : memref<100000x256xf32, #tpu.memory_space<hbm>> -> memref<32x256xf32, #tpu.memory_space<hbm>>
          tpu.enqueue_dma source(%arg14 : memref<32x256xf32, #tpu.memory_space<vmem>>) target(%dma_start3A_149 : memref<32x256xf32, #tpu.memory_space<hbm>>) target_semaphore(%run_scoped3A : memref<!tpu.dma_semaphore, #tpu.memory_space<semaphore_mem>>)
          %dma_wait3A = arith.constant 0 : i32
          %dma_wait3A_150 = tpu.memref_slice %arg6[%add3A_146, %dma_wait3A] : memref<100000x256xf32, #tpu.memory_space<hbm>> -> memref<32x256xf32, #tpu.memory_space<hbm>>
          %dma_wait3A_151 = arith.constant 0 : i32
          %dma_wait3A_152 = tpu.memref_slice %arg6[%add3A_146, %dma_wait3A_151] : memref<100000x256xf32, #tpu.memory_space<hbm>> -> memref<32x256xf32, #tpu.memory_space<hbm>>
          tpu.wait_dma2 semaphore(%run_scoped3A : memref<!tpu.dma_semaphore, #tpu.memory_space<semaphore_mem>>) src(%arg14 : memref<32x256xf32, #tpu.memory_space<vmem>>) dst(%dma_wait3A_152 : memref<32x256xf32, #tpu.memory_space<hbm>>)
          tpu.yield
        }) : () -> ()
      }
      %scan3A_137 = arith.constant 2 : i32
      %add3A_138 = arith.constant 64 : i32
      %add3A_139 = arith.addi %add3A_131, %add3A_138 : i32
      "tpu.region"() ({
        %run_scoped3A = tpu.sem_alloc : memref<!tpu.dma_semaphore, #tpu.memory_space<semaphore_mem>>
        %dma_start3A = arith.constant 0 : i32
        %dma_start3A_140 = arith.constant 0 : i32
        %dma_start3A_141 = tpu.memref_slice %arg14[%dma_start3A, %dma_start3A_140] : memref<32x256xf32, #tpu.memory_space<vmem>> -> memref<16x256xf32, #tpu.memory_space<vmem>>
        %dma_start3A_142 = arith.constant 0 : i32
        %dma_start3A_143 = tpu.memref_slice %arg2[%add3A_139, %dma_start3A_142] : memref<100000x256xf32, #tpu.memory_space<hbm>> -> memref<16x256xf32, #tpu.memory_space<hbm>>
        %dma_start3A_144 = arith.constant 0 : i32
        %dma_start3A_145 = arith.constant 0 : i32
        %dma_start3A_146 = tpu.memref_slice %arg14[%dma_start3A_144, %dma_start3A_145] : memref<32x256xf32, #tpu.memory_space<vmem>> -> memref<16x256xf32, #tpu.memory_space<vmem>>
        %dma_start3A_147 = arith.constant 0 : i32
        %dma_start3A_148 = tpu.memref_slice %arg2[%add3A_139, %dma_start3A_147] : memref<100000x256xf32, #tpu.memory_space<hbm>> -> memref<16x256xf32, #tpu.memory_space<hbm>>
        tpu.enqueue_dma source(%dma_start3A_148 : memref<16x256xf32, #tpu.memory_space<hbm>>) target(%dma_start3A_146 : memref<16x256xf32, #tpu.memory_space<vmem>>) target_semaphore(%run_scoped3A : memref<!tpu.dma_semaphore, #tpu.memory_space<semaphore_mem>>)
        %dma_wait3A = arith.constant 0 : i32
        %dma_wait3A_149 = arith.constant 0 : i32
        %dma_wait3A_150 = tpu.memref_slice %arg14[%dma_wait3A, %dma_wait3A_149] : memref<32x256xf32, #tpu.memory_space<vmem>> -> memref<16x256xf32, #tpu.memory_space<vmem>>
        %dma_wait3A_151 = arith.constant 0 : i32
        %dma_wait3A_152 = tpu.memref_slice %arg2[%add3A_139, %dma_wait3A_151] : memref<100000x256xf32, #tpu.memory_space<hbm>> -> memref<16x256xf32, #tpu.memory_space<hbm>>
        %dma_wait3A_153 = arith.constant 0 : i32
        %dma_wait3A_154 = arith.constant 0 : i32
        %dma_wait3A_155 = tpu.memref_slice %arg14[%dma_wait3A_153, %dma_wait3A_154] : memref<32x256xf32, #tpu.memory_space<vmem>> -> memref<16x256xf32, #tpu.memory_space<vmem>>
        %dma_wait3A_156 = arith.constant 0 : i32
        %dma_wait3A_157 = tpu.memref_slice %arg2[%add3A_139, %dma_wait3A_156] : memref<100000x256xf32, #tpu.memory_space<hbm>> -> memref<16x256xf32, #tpu.memory_space<hbm>>
        tpu.wait_dma2 semaphore(%run_scoped3A : memref<!tpu.dma_semaphore, #tpu.memory_space<semaphore_mem>>) src(%dma_wait3A_157 : memref<16x256xf32, #tpu.memory_space<hbm>>) dst(%dma_wait3A_155 : memref<16x256xf32, #tpu.memory_space<vmem>>)
        tpu.yield
      }) : () -> ()
      "tpu.region"() ({
        %run_scoped3A = tpu.sem_alloc : memref<!tpu.dma_semaphore, #tpu.memory_space<semaphore_mem>>
        %dma_start3A = arith.constant 0 : i32
        %dma_start3A_140 = arith.constant 0 : i32
        %dma_start3A_141 = tpu.memref_slice %arg14[%dma_start3A, %dma_start3A_140] : memref<32x256xf32, #tpu.memory_space<vmem>> -> memref<16x256xf32, #tpu.memory_space<vmem>>
        %dma_start3A_142 = arith.constant 0 : i32
        %dma_start3A_143 = tpu.memref_slice %arg6[%add3A_139, %dma_start3A_142] : memref<100000x256xf32, #tpu.memory_space<hbm>> -> memref<16x256xf32, #tpu.memory_space<hbm>>
        %dma_start3A_144 = arith.constant 0 : i32
        %dma_start3A_145 = tpu.memref_slice %arg6[%add3A_139, %dma_start3A_144] : memref<100000x256xf32, #tpu.memory_space<hbm>> -> memref<16x256xf32, #tpu.memory_space<hbm>>
        %dma_start3A_146 = arith.constant 0 : i32
        %dma_start3A_147 = arith.constant 0 : i32
        %dma_start3A_148 = tpu.memref_slice %arg14[%dma_start3A_146, %dma_start3A_147] : memref<32x256xf32, #tpu.memory_space<vmem>> -> memref<16x256xf32, #tpu.memory_space<vmem>>
        tpu.enqueue_dma source(%dma_start3A_148 : memref<16x256xf32, #tpu.memory_space<vmem>>) target(%dma_start3A_145 : memref<16x256xf32, #tpu.memory_space<hbm>>) target_semaphore(%run_scoped3A : memref<!tpu.dma_semaphore, #tpu.memory_space<semaphore_mem>>)
        %dma_wait3A = arith.constant 0 : i32
        %dma_wait3A_149 = arith.constant 0 : i32
        %dma_wait3A_150 = tpu.memref_slice %arg14[%dma_wait3A, %dma_wait3A_149] : memref<32x256xf32, #tpu.memory_space<vmem>> -> memref<16x256xf32, #tpu.memory_space<vmem>>
        %dma_wait3A_151 = arith.constant 0 : i32
        %dma_wait3A_152 = tpu.memref_slice %arg6[%add3A_139, %dma_wait3A_151] : memref<100000x256xf32, #tpu.memory_space<hbm>> -> memref<16x256xf32, #tpu.memory_space<hbm>>
        %dma_wait3A_153 = arith.constant 0 : i32
        %dma_wait3A_154 = tpu.memref_slice %arg6[%add3A_139, %dma_wait3A_153] : memref<100000x256xf32, #tpu.memory_space<hbm>> -> memref<16x256xf32, #tpu.memory_space<hbm>>
        %dma_wait3A_155 = arith.constant 0 : i32
        %dma_wait3A_156 = arith.constant 0 : i32
        %dma_wait3A_157 = tpu.memref_slice %arg14[%dma_wait3A_155, %dma_wait3A_156] : memref<32x256xf32, #tpu.memory_space<vmem>> -> memref<16x256xf32, #tpu.memory_space<vmem>>
        tpu.wait_dma2 semaphore(%run_scoped3A : memref<!tpu.dma_semaphore, #tpu.memory_space<semaphore_mem>>) src(%dma_wait3A_157 : memref<16x256xf32, #tpu.memory_space<vmem>>) dst(%dma_wait3A_154 : memref<16x256xf32, #tpu.memory_space<hbm>>)
        tpu.yield
      }) : () -> ()
    } else {
    }
    %barrier3A = arith.constant 0 : index
    tpu.barrier barrier_id(%barrier3A)
    "tpu.region"() ({
      %run_scoped3A = tpu.sem_alloc : memref<!tpu.dma_semaphore, #tpu.memory_space<semaphore_mem>>
      tpu.enqueue_dma source(%arg21 : memref<1024xi32, #tpu.memory_space<vmem_shared>>) target(%arg11 : memref<1024xi32, #tpu.memory_space<vmem>>) target_semaphore(%run_scoped3A : memref<!tpu.dma_semaphore, #tpu.memory_space<semaphore_mem>>)
      tpu.wait_dma2 semaphore(%run_scoped3A : memref<!tpu.dma_semaphore, #tpu.memory_space<semaphore_mem>>) src(%arg21 : memref<1024xi32, #tpu.memory_space<vmem_shared>>) dst(%arg11 : memref<1024xi32, #tpu.memory_space<vmem>>)
      tpu.yield
    }) : () -> ()
    %scan3A = arith.constant 0 : i32
    %scan3A_14 = arith.constant 0 : i32
    %scan3A_15 = arith.constant 64 : i32
    %scan3A_16 = arith.addi %scan3A_14, %scan3A_15 : i32
    %scan3A_17 = arith.constant 1 : i32
    scf.for %scan3A_130 = %scan3A_14 to %scan3A_16 step %scan3A_17  : i32 {
      %mul3A_131 = arith.constant 64 : i32
      %mul3A_132 = arith.muli %arg1, %mul3A_131 : i32
      %add3A_133 = arith.addi %mul3A_132, %scan3A_130 : i32
      %jit3A_134 = arith.constant 16 : i32
      %div3A_135 = arith.divsi %add3A_133, %jit3A_134 : i32
      %sign3A_136 = arith.constant 0 : i32
      %sign3A_137 = arith.cmpi sgt, %add3A_133, %sign3A_136 : i32
      %sign3A_138 = arith.extui %sign3A_137 : i1 to i32
      %sign3A_139 = arith.constant 0 : i32
      %sign3A_140 = arith.cmpi slt, %add3A_133, %sign3A_139 : i32
      %sign3A_141 = arith.extui %sign3A_140 : i1 to i32
      %sign3A_142 = arith.subi %sign3A_138, %sign3A_141 : i32
      %sign3A_143 = arith.constant 0 : i32
      %sign3A_144 = arith.cmpi sgt, %jit3A_134, %sign3A_143 : i32
      %sign3A_145 = arith.extui %sign3A_144 : i1 to i32
      %sign3A_146 = arith.constant 0 : i32
      %sign3A_147 = arith.cmpi slt, %jit3A_134, %sign3A_146 : i32
      %sign3A_148 = arith.extui %sign3A_147 : i1 to i32
      %sign3A_149 = arith.subi %sign3A_145, %sign3A_148 : i32
      %ne3A_150 = arith.cmpi ne, %sign3A_142, %sign3A_149 : i32
      %rem3A_151 = arith.remsi %add3A_133, %jit3A_134 : i32
      %ne3A_152 = arith.constant 0 : i32
      %ne3A_153 = arith.cmpi ne, %rem3A_151, %ne3A_152 : i32
      %and3A_154 = arith.andi %ne3A_150, %ne3A_153 : i1
      %sub3A_155 = arith.constant 1 : i32
      %sub3A_156 = arith.subi %div3A_135, %sub3A_155 : i32
      %select_n3A_157 = arith.select %and3A_154, %sub3A_156, %div3A_135 : i32
      %mul3A_158 = arith.constant 16 : i32
      %mul3A_159 = arith.muli %select_n3A_157, %mul3A_158 : i32
      %sub3A_160 = arith.subi %add3A_133, %mul3A_159 : i32
      %get3A_161 = arith.index_cast %mul3A_159 : i32 to index
      %get3A_162 = tpu.vector_load %arg11[%get3A_161] {strides = array<i32>} : memref<1024xi32, #tpu.memory_space<vmem>>, vector<16xi32>,
      %eq3A_163 = vector.broadcast %sub3A_160 : i32 to vector<16xi32>
      %eq3A_164 = arith.cmpi eq, %iota3A, %eq3A_163 : vector<16xi32>
      %jit3A_165 = arith.constant 0 : i32
      %broadcast_in_dim3A_166 = vector.broadcast %jit3A_165 : i32 to vector<16xi32>
      %select_n3A_167 = arith.select %eq3A_164, %get3A_162, %broadcast_in_dim3A_166 : vector<16xi1>, vector<16xi32>
      %reduce_sum3A = arith.constant true
      %reduce_sum3A_168 = vector.broadcast %reduce_sum3A : i1 to vector<16xi1>
      %reduce_sum3A_169 = tpu.scan <sum>, %select_n3A_167 masked %reduce_sum3A_168 : vector<16xi32>, vector<16xi1> -> vector<16xi32>
      %reduce_sum3A_170 = vector.extract %reduce_sum3A_169[15] : i32 from vector<16xi32>
      %broadcast_in_dim3A_171 = arith.constant -1 : i32
      %broadcast_in_dim3A_172 = vector.broadcast %broadcast_in_dim3A_171 : i32 to vector<16xi32>
      %get3A_173 = arith.constant 0 : index
      %get3A_174 = tpu.vector_load %arg11[%get3A_173] {strides = array<i32>} : memref<1024xi32, #tpu.memory_space<vmem>>, vector<16xi32>,
      %eq3A_175 = vector.broadcast %reduce_sum3A_170 : i32 to vector<16xi32>
      %eq3A_176 = arith.cmpi eq, %get3A_174, %eq3A_175 : vector<16xi32>
      %add3A_177 = arith.constant 0 : i32
      %add3A_178 = vector.broadcast %add3A_177 : i32 to vector<16xi32>
      %add3A_179 = arith.addi %iota3A, %add3A_178 : vector<16xi32>
      %jit3A_180 = arith.constant -1 : i32
      %broadcast_in_dim3A_181 = vector.broadcast %jit3A_180 : i32 to vector<16xi32>
      %select_n3A_182 = arith.select %eq3A_176, %add3A_179, %broadcast_in_dim3A_181 : vector<16xi1>, vector<16xi32>
      %max3A = arith.maxsi %broadcast_in_dim3A_172, %select_n3A_182 : vector<16xi32>
      %get3A_183 = arith.constant 16 : index
      %get3A_184 = tpu.vector_load %arg11[%get3A_183] {strides = array<i32>} : memref<1024xi32, #tpu.memory_space<vmem>>, vector<16xi32>,
      %eq3A_185 = vector.broadcast %reduce_sum3A_170 : i32 to vector<16xi32>
      %eq3A_186 = arith.cmpi eq, %get3A_184, %eq3A_185 : vector<16xi32>
      %add3A_187 = arith.constant 16 : i32
      %add3A_188 = vector.broadcast %add3A_187 : i32 to vector<16xi32>
      %add3A_189 = arith.addi %iota3A, %add3A_188 : vector<16xi32>
      %jit3A_190 = arith.constant -1 : i32
      %broadcast_in_dim3A_191 = vector.broadcast %jit3A_190 : i32 to vector<16xi32>
      %select_n3A_192 = arith.select %eq3A_186, %add3A_189, %broadcast_in_dim3A_191 : vector<16xi1>, vector<16xi32>
      %max3A_193 = arith.maxsi %max3A, %select_n3A_192 : vector<16xi32>
      %get3A_194 = arith.constant 32 : index
      %get3A_195 = tpu.vector_load %arg11[%get3A_194] {strides = array<i32>} : memref<1024xi32, #tpu.memory_space<vmem>>, vector<16xi32>,
      %eq3A_196 = vector.broadcast %reduce_sum3A_170 : i32 to vector<16xi32>
      %eq3A_197 = arith.cmpi eq, %get3A_195, %eq3A_196 : vector<16xi32>
      %add3A_198 = arith.constant 32 : i32
      %add3A_199 = vector.broadcast %add3A_198 : i32 to vector<16xi32>
      %add3A_200 = arith.addi %iota3A, %add3A_199 : vector<16xi32>
      %jit3A_201 = arith.constant -1 : i32
      %broadcast_in_dim3A_202 = vector.broadcast %jit3A_201 : i32 to vector<16xi32>
      %select_n3A_203 = arith.select %eq3A_197, %add3A_200, %broadcast_in_dim3A_202 : vector<16xi1>, vector<16xi32>
      %max3A_204 = arith.maxsi %max3A_193, %select_n3A_203 : vector<16xi32>
      %get3A_205 = arith.constant 48 : index
      %get3A_206 = tpu.vector_load %arg11[%get3A_205] {strides = array<i32>} : memref<1024xi32, #tpu.memory_space<vmem>>, vector<16xi32>,
      %eq3A_207 = vector.broadcast %reduce_sum3A_170 : i32 to vector<16xi32>
      %eq3A_208 = arith.cmpi eq, %get3A_206, %eq3A_207 : vector<16xi32>
      %add3A_209 = arith.constant 48 : i32
      %add3A_210 = vector.broadcast %add3A_209 : i32 to vector<16xi32>
      %add3A_211 = arith.addi %iota3A, %add3A_210 : vector<16xi32>
      %jit3A_212 = arith.constant -1 : i32
      %broadcast_in_dim3A_213 = vector.broadcast %jit3A_212 : i32 to vector<16xi32>
      %select_n3A_214 = arith.select %eq3A_208, %add3A_211, %broadcast_in_dim3A_213 : vector<16xi1>, vector<16xi32>
      %max3A_215 = arith.maxsi %max3A_204, %select_n3A_214 : vector<16xi32>
      %get3A_216 = arith.constant 64 : index
      %get3A_217 = tpu.vector_load %arg11[%get3A_216] {strides = array<i32>} : memref<1024xi32, #tpu.memory_space<vmem>>, vector<16xi32>,
      %eq3A_218 = vector.broadcast %reduce_sum3A_170 : i32 to vector<16xi32>
      %eq3A_219 = arith.cmpi eq, %get3A_217, %eq3A_218 : vector<16xi32>
      %add3A_220 = arith.constant 64 : i32
      %add3A_221 = vector.broadcast %add3A_220 : i32 to vector<16xi32>
      %add3A_222 = arith.addi %iota3A, %add3A_221 : vector<16xi32>
      %jit3A_223 = arith.constant -1 : i32
      %broadcast_in_dim3A_224 = vector.broadcast %jit3A_223 : i32 to vector<16xi32>
      %select_n3A_225 = arith.select %eq3A_219, %add3A_222, %broadcast_in_dim3A_224 : vector<16xi1>, vector<16xi32>
      %max3A_226 = arith.maxsi %max3A_215, %select_n3A_225 : vector<16xi32>
      %get3A_227 = arith.constant 80 : index
      %get3A_228 = tpu.vector_load %arg11[%get3A_227] {strides = array<i32>} : memref<1024xi32, #tpu.memory_space<vmem>>, vector<16xi32>,
      %eq3A_229 = vector.broadcast %reduce_sum3A_170 : i32 to vector<16xi32>
      %eq3A_230 = arith.cmpi eq, %get3A_228, %eq3A_229 : vector<16xi32>
      %add3A_231 = arith.constant 80 : i32
      %add3A_232 = vector.broadcast %add3A_231 : i32 to vector<16xi32>
      %add3A_233 = arith.addi %iota3A, %add3A_232 : vector<16xi32>
      %jit3A_234 = arith.constant -1 : i32
      %broadcast_in_dim3A_235 = vector.broadcast %jit3A_234 : i32 to vector<16xi32>
      %select_n3A_236 = arith.select %eq3A_230, %add3A_233, %broadcast_in_dim3A_235 : vector<16xi1>, vector<16xi32>
      %max3A_237 = arith.maxsi %max3A_226, %select_n3A_236 : vector<16xi32>
      %get3A_238 = arith.constant 96 : index
      %get3A_239 = tpu.vector_load %arg11[%get3A_238] {strides = array<i32>} : memref<1024xi32, #tpu.memory_space<vmem>>, vector<16xi32>,
      %eq3A_240 = vector.broadcast %reduce_sum3A_170 : i32 to vector<16xi32>
      %eq3A_241 = arith.cmpi eq, %get3A_239, %eq3A_240 : vector<16xi32>
      %add3A_242 = arith.constant 96 : i32
      %add3A_243 = vector.broadcast %add3A_242 : i32 to vector<16xi32>
      %add3A_244 = arith.addi %iota3A, %add3A_243 : vector<16xi32>
      %jit3A_245 = arith.constant -1 : i32
      %broadcast_in_dim3A_246 = vector.broadcast %jit3A_245 : i32 to vector<16xi32>
      %select_n3A_247 = arith.select %eq3A_241, %add3A_244, %broadcast_in_dim3A_246 : vector<16xi1>, vector<16xi32>
      %max3A_248 = arith.maxsi %max3A_237, %select_n3A_247 : vector<16xi32>
      %get3A_249 = arith.constant 112 : index
      %get3A_250 = tpu.vector_load %arg11[%get3A_249] {strides = array<i32>} : memref<1024xi32, #tpu.memory_space<vmem>>, vector<16xi32>,
      %eq3A_251 = vector.broadcast %reduce_sum3A_170 : i32 to vector<16xi32>
      %eq3A_252 = arith.cmpi eq, %get3A_250, %eq3A_251 : vector<16xi32>
      %add3A_253 = arith.constant 112 : i32
      %add3A_254 = vector.broadcast %add3A_253 : i32 to vector<16xi32>
      %add3A_255 = arith.addi %iota3A, %add3A_254 : vector<16xi32>
      %jit3A_256 = arith.constant -1 : i32
      %broadcast_in_dim3A_257 = vector.broadcast %jit3A_256 : i32 to vector<16xi32>
      %select_n3A_258 = arith.select %eq3A_252, %add3A_255, %broadcast_in_dim3A_257 : vector<16xi1>, vector<16xi32>
      %max3A_259 = arith.maxsi %max3A_248, %select_n3A_258 : vector<16xi32>
      %get3A_260 = arith.constant 128 : index
      %get3A_261 = tpu.vector_load %arg11[%get3A_260] {strides = array<i32>} : memref<1024xi32, #tpu.memory_space<vmem>>, vector<16xi32>,
      %eq3A_262 = vector.broadcast %reduce_sum3A_170 : i32 to vector<16xi32>
      %eq3A_263 = arith.cmpi eq, %get3A_261, %eq3A_262 : vector<16xi32>
      %add3A_264 = arith.constant 128 : i32
      %add3A_265 = vector.broadcast %add3A_264 : i32 to vector<16xi32>
      %add3A_266 = arith.addi %iota3A, %add3A_265 : vector<16xi32>
      %jit3A_267 = arith.constant -1 : i32
      %broadcast_in_dim3A_268 = vector.broadcast %jit3A_267 : i32 to vector<16xi32>
      %select_n3A_269 = arith.select %eq3A_263, %add3A_266, %broadcast_in_dim3A_268 : vector<16xi1>, vector<16xi32>
      %max3A_270 = arith.maxsi %max3A_259, %select_n3A_269 : vector<16xi32>
      %get3A_271 = arith.constant 144 : index
      %get3A_272 = tpu.vector_load %arg11[%get3A_271] {strides = array<i32>} : memref<1024xi32, #tpu.memory_space<vmem>>, vector<16xi32>,
      %eq3A_273 = vector.broadcast %reduce_sum3A_170 : i32 to vector<16xi32>
      %eq3A_274 = arith.cmpi eq, %get3A_272, %eq3A_273 : vector<16xi32>
      %add3A_275 = arith.constant 144 : i32
      %add3A_276 = vector.broadcast %add3A_275 : i32 to vector<16xi32>
      %add3A_277 = arith.addi %iota3A, %add3A_276 : vector<16xi32>
      %jit3A_278 = arith.constant -1 : i32
      %broadcast_in_dim3A_279 = vector.broadcast %jit3A_278 : i32 to vector<16xi32>
      %select_n3A_280 = arith.select %eq3A_274, %add3A_277, %broadcast_in_dim3A_279 : vector<16xi1>, vector<16xi32>
      %max3A_281 = arith.maxsi %max3A_270, %select_n3A_280 : vector<16xi32>
      %get3A_282 = arith.constant 160 : index
      %get3A_283 = tpu.vector_load %arg11[%get3A_282] {strides = array<i32>} : memref<1024xi32, #tpu.memory_space<vmem>>, vector<16xi32>,
      %eq3A_284 = vector.broadcast %reduce_sum3A_170 : i32 to vector<16xi32>
      %eq3A_285 = arith.cmpi eq, %get3A_283, %eq3A_284 : vector<16xi32>
      %add3A_286 = arith.constant 160 : i32
      %add3A_287 = vector.broadcast %add3A_286 : i32 to vector<16xi32>
      %add3A_288 = arith.addi %iota3A, %add3A_287 : vector<16xi32>
      %jit3A_289 = arith.constant -1 : i32
      %broadcast_in_dim3A_290 = vector.broadcast %jit3A_289 : i32 to vector<16xi32>
      %select_n3A_291 = arith.select %eq3A_285, %add3A_288, %broadcast_in_dim3A_290 : vector<16xi1>, vector<16xi32>
      %max3A_292 = arith.maxsi %max3A_281, %select_n3A_291 : vector<16xi32>
      %get3A_293 = arith.constant 176 : index
      %get3A_294 = tpu.vector_load %arg11[%get3A_293] {strides = array<i32>} : memref<1024xi32, #tpu.memory_space<vmem>>, vector<16xi32>,
      %eq3A_295 = vector.broadcast %reduce_sum3A_170 : i32 to vector<16xi32>
      %eq3A_296 = arith.cmpi eq, %get3A_294, %eq3A_295 : vector<16xi32>
      %add3A_297 = arith.constant 176 : i32
      %add3A_298 = vector.broadcast %add3A_297 : i32 to vector<16xi32>
      %add3A_299 = arith.addi %iota3A, %add3A_298 : vector<16xi32>
      %jit3A_300 = arith.constant -1 : i32
      %broadcast_in_dim3A_301 = vector.broadcast %jit3A_300 : i32 to vector<16xi32>
      %select_n3A_302 = arith.select %eq3A_296, %add3A_299, %broadcast_in_dim3A_301 : vector<16xi1>, vector<16xi32>
      %max3A_303 = arith.maxsi %max3A_292, %select_n3A_302 : vector<16xi32>
      %get3A_304 = arith.constant 192 : index
      %get3A_305 = tpu.vector_load %arg11[%get3A_304] {strides = array<i32>} : memref<1024xi32, #tpu.memory_space<vmem>>, vector<16xi32>,
      %eq3A_306 = vector.broadcast %reduce_sum3A_170 : i32 to vector<16xi32>
      %eq3A_307 = arith.cmpi eq, %get3A_305, %eq3A_306 : vector<16xi32>
      %add3A_308 = arith.constant 192 : i32
      %add3A_309 = vector.broadcast %add3A_308 : i32 to vector<16xi32>
      %add3A_310 = arith.addi %iota3A, %add3A_309 : vector<16xi32>
      %jit3A_311 = arith.constant -1 : i32
      %broadcast_in_dim3A_312 = vector.broadcast %jit3A_311 : i32 to vector<16xi32>
      %select_n3A_313 = arith.select %eq3A_307, %add3A_310, %broadcast_in_dim3A_312 : vector<16xi1>, vector<16xi32>
      %max3A_314 = arith.maxsi %max3A_303, %select_n3A_313 : vector<16xi32>
      %get3A_315 = arith.constant 208 : index
      %get3A_316 = tpu.vector_load %arg11[%get3A_315] {strides = array<i32>} : memref<1024xi32, #tpu.memory_space<vmem>>, vector<16xi32>,
      %eq3A_317 = vector.broadcast %reduce_sum3A_170 : i32 to vector<16xi32>
      %eq3A_318 = arith.cmpi eq, %get3A_316, %eq3A_317 : vector<16xi32>
      %add3A_319 = arith.constant 208 : i32
      %add3A_320 = vector.broadcast %add3A_319 : i32 to vector<16xi32>
      %add3A_321 = arith.addi %iota3A, %add3A_320 : vector<16xi32>
      %jit3A_322 = arith.constant -1 : i32
      %broadcast_in_dim3A_323 = vector.broadcast %jit3A_322 : i32 to vector<16xi32>
      %select_n3A_324 = arith.select %eq3A_318, %add3A_321, %broadcast_in_dim3A_323 : vector<16xi1>, vector<16xi32>
      %max3A_325 = arith.maxsi %max3A_314, %select_n3A_324 : vector<16xi32>
      %get3A_326 = arith.constant 224 : index
      %get3A_327 = tpu.vector_load %arg11[%get3A_326] {strides = array<i32>} : memref<1024xi32, #tpu.memory_space<vmem>>, vector<16xi32>,
      %eq3A_328 = vector.broadcast %reduce_sum3A_170 : i32 to vector<16xi32>
      %eq3A_329 = arith.cmpi eq, %get3A_327, %eq3A_328 : vector<16xi32>
      %add3A_330 = arith.constant 224 : i32
      %add3A_331 = vector.broadcast %add3A_330 : i32 to vector<16xi32>
      %add3A_332 = arith.addi %iota3A, %add3A_331 : vector<16xi32>
      %jit3A_333 = arith.constant -1 : i32
      %broadcast_in_dim3A_334 = vector.broadcast %jit3A_333 : i32 to vector<16xi32>
      %select_n3A_335 = arith.select %eq3A_329, %add3A_332, %broadcast_in_dim3A_334 : vector<16xi1>, vector<16xi32>
      %max3A_336 = arith.maxsi %max3A_325, %select_n3A_335 : vector<16xi32>
      %get3A_337 = arith.constant 240 : index
      %get3A_338 = tpu.vector_load %arg11[%get3A_337] {strides = array<i32>} : memref<1024xi32, #tpu.memory_space<vmem>>, vector<16xi32>,
      %eq3A_339 = vector.broadcast %reduce_sum3A_170 : i32 to vector<16xi32>
      %eq3A_340 = arith.cmpi eq, %get3A_338, %eq3A_339 : vector<16xi32>
      %add3A_341 = arith.constant 240 : i32
      %add3A_342 = vector.broadcast %add3A_341 : i32 to vector<16xi32>
      %add3A_343 = arith.addi %iota3A, %add3A_342 : vector<16xi32>
      %jit3A_344 = arith.constant -1 : i32
      %broadcast_in_dim3A_345 = vector.broadcast %jit3A_344 : i32 to vector<16xi32>
      %select_n3A_346 = arith.select %eq3A_340, %add3A_343, %broadcast_in_dim3A_345 : vector<16xi1>, vector<16xi32>
      %max3A_347 = arith.maxsi %max3A_336, %select_n3A_346 : vector<16xi32>
      %get3A_348 = arith.constant 256 : index
      %get3A_349 = tpu.vector_load %arg11[%get3A_348] {strides = array<i32>} : memref<1024xi32, #tpu.memory_space<vmem>>, vector<16xi32>,
      %eq3A_350 = vector.broadcast %reduce_sum3A_170 : i32 to vector<16xi32>
      %eq3A_351 = arith.cmpi eq, %get3A_349, %eq3A_350 : vector<16xi32>
      %add3A_352 = arith.constant 256 : i32
      %add3A_353 = vector.broadcast %add3A_352 : i32 to vector<16xi32>
      %add3A_354 = arith.addi %iota3A, %add3A_353 : vector<16xi32>
      %jit3A_355 = arith.constant -1 : i32
      %broadcast_in_dim3A_356 = vector.broadcast %jit3A_355 : i32 to vector<16xi32>
      %select_n3A_357 = arith.select %eq3A_351, %add3A_354, %broadcast_in_dim3A_356 : vector<16xi1>, vector<16xi32>
      %max3A_358 = arith.maxsi %max3A_347, %select_n3A_357 : vector<16xi32>
      %get3A_359 = arith.constant 272 : index
      %get3A_360 = tpu.vector_load %arg11[%get3A_359] {strides = array<i32>} : memref<1024xi32, #tpu.memory_space<vmem>>, vector<16xi32>,
      %eq3A_361 = vector.broadcast %reduce_sum3A_170 : i32 to vector<16xi32>
      %eq3A_362 = arith.cmpi eq, %get3A_360, %eq3A_361 : vector<16xi32>
      %add3A_363 = arith.constant 272 : i32
      %add3A_364 = vector.broadcast %add3A_363 : i32 to vector<16xi32>
      %add3A_365 = arith.addi %iota3A, %add3A_364 : vector<16xi32>
      %jit3A_366 = arith.constant -1 : i32
      %broadcast_in_dim3A_367 = vector.broadcast %jit3A_366 : i32 to vector<16xi32>
      %select_n3A_368 = arith.select %eq3A_362, %add3A_365, %broadcast_in_dim3A_367 : vector<16xi1>, vector<16xi32>
      %max3A_369 = arith.maxsi %max3A_358, %select_n3A_368 : vector<16xi32>
      %get3A_370 = arith.constant 288 : index
      %get3A_371 = tpu.vector_load %arg11[%get3A_370] {strides = array<i32>} : memref<1024xi32, #tpu.memory_space<vmem>>, vector<16xi32>,
      %eq3A_372 = vector.broadcast %reduce_sum3A_170 : i32 to vector<16xi32>
      %eq3A_373 = arith.cmpi eq, %get3A_371, %eq3A_372 : vector<16xi32>
      %add3A_374 = arith.constant 288 : i32
      %add3A_375 = vector.broadcast %add3A_374 : i32 to vector<16xi32>
      %add3A_376 = arith.addi %iota3A, %add3A_375 : vector<16xi32>
      %jit3A_377 = arith.constant -1 : i32
      %broadcast_in_dim3A_378 = vector.broadcast %jit3A_377 : i32 to vector<16xi32>
      %select_n3A_379 = arith.select %eq3A_373, %add3A_376, %broadcast_in_dim3A_378 : vector<16xi1>, vector<16xi32>
      %max3A_380 = arith.maxsi %max3A_369, %select_n3A_379 : vector<16xi32>
      %get3A_381 = arith.constant 304 : index
      %get3A_382 = tpu.vector_load %arg11[%get3A_381] {strides = array<i32>} : memref<1024xi32, #tpu.memory_space<vmem>>, vector<16xi32>,
      %eq3A_383 = vector.broadcast %reduce_sum3A_170 : i32 to vector<16xi32>
      %eq3A_384 = arith.cmpi eq, %get3A_382, %eq3A_383 : vector<16xi32>
      %add3A_385 = arith.constant 304 : i32
      %add3A_386 = vector.broadcast %add3A_385 : i32 to vector<16xi32>
      %add3A_387 = arith.addi %iota3A, %add3A_386 : vector<16xi32>
      %jit3A_388 = arith.constant -1 : i32
      %broadcast_in_dim3A_389 = vector.broadcast %jit3A_388 : i32 to vector<16xi32>
      %select_n3A_390 = arith.select %eq3A_384, %add3A_387, %broadcast_in_dim3A_389 : vector<16xi1>, vector<16xi32>
      %max3A_391 = arith.maxsi %max3A_380, %select_n3A_390 : vector<16xi32>
      %get3A_392 = arith.constant 320 : index
      %get3A_393 = tpu.vector_load %arg11[%get3A_392] {strides = array<i32>} : memref<1024xi32, #tpu.memory_space<vmem>>, vector<16xi32>,
      %eq3A_394 = vector.broadcast %reduce_sum3A_170 : i32 to vector<16xi32>
      %eq3A_395 = arith.cmpi eq, %get3A_393, %eq3A_394 : vector<16xi32>
      %add3A_396 = arith.constant 320 : i32
      %add3A_397 = vector.broadcast %add3A_396 : i32 to vector<16xi32>
      %add3A_398 = arith.addi %iota3A, %add3A_397 : vector<16xi32>
      %jit3A_399 = arith.constant -1 : i32
      %broadcast_in_dim3A_400 = vector.broadcast %jit3A_399 : i32 to vector<16xi32>
      %select_n3A_401 = arith.select %eq3A_395, %add3A_398, %broadcast_in_dim3A_400 : vector<16xi1>, vector<16xi32>
      %max3A_402 = arith.maxsi %max3A_391, %select_n3A_401 : vector<16xi32>
      %get3A_403 = arith.constant 336 : index
      %get3A_404 = tpu.vector_load %arg11[%get3A_403] {strides = array<i32>} : memref<1024xi32, #tpu.memory_space<vmem>>, vector<16xi32>,
      %eq3A_405 = vector.broadcast %reduce_sum3A_170 : i32 to vector<16xi32>
      %eq3A_406 = arith.cmpi eq, %get3A_404, %eq3A_405 : vector<16xi32>
      %add3A_407 = arith.constant 336 : i32
      %add3A_408 = vector.broadcast %add3A_407 : i32 to vector<16xi32>
      %add3A_409 = arith.addi %iota3A, %add3A_408 : vector<16xi32>
      %jit3A_410 = arith.constant -1 : i32
      %broadcast_in_dim3A_411 = vector.broadcast %jit3A_410 : i32 to vector<16xi32>
      %select_n3A_412 = arith.select %eq3A_406, %add3A_409, %broadcast_in_dim3A_411 : vector<16xi1>, vector<16xi32>
      %max3A_413 = arith.maxsi %max3A_402, %select_n3A_412 : vector<16xi32>
      %get3A_414 = arith.constant 352 : index
      %get3A_415 = tpu.vector_load %arg11[%get3A_414] {strides = array<i32>} : memref<1024xi32, #tpu.memory_space<vmem>>, vector<16xi32>,
      %eq3A_416 = vector.broadcast %reduce_sum3A_170 : i32 to vector<16xi32>
      %eq3A_417 = arith.cmpi eq, %get3A_415, %eq3A_416 : vector<16xi32>
      %add3A_418 = arith.constant 352 : i32
      %add3A_419 = vector.broadcast %add3A_418 : i32 to vector<16xi32>
      %add3A_420 = arith.addi %iota3A, %add3A_419 : vector<16xi32>
      %jit3A_421 = arith.constant -1 : i32
      %broadcast_in_dim3A_422 = vector.broadcast %jit3A_421 : i32 to vector<16xi32>
      %select_n3A_423 = arith.select %eq3A_417, %add3A_420, %broadcast_in_dim3A_422 : vector<16xi1>, vector<16xi32>
      %max3A_424 = arith.maxsi %max3A_413, %select_n3A_423 : vector<16xi32>
      %get3A_425 = arith.constant 368 : index
      %get3A_426 = tpu.vector_load %arg11[%get3A_425] {strides = array<i32>} : memref<1024xi32, #tpu.memory_space<vmem>>, vector<16xi32>,
      %eq3A_427 = vector.broadcast %reduce_sum3A_170 : i32 to vector<16xi32>
      %eq3A_428 = arith.cmpi eq, %get3A_426, %eq3A_427 : vector<16xi32>
      %add3A_429 = arith.constant 368 : i32
      %add3A_430 = vector.broadcast %add3A_429 : i32 to vector<16xi32>
      %add3A_431 = arith.addi %iota3A, %add3A_430 : vector<16xi32>
      %jit3A_432 = arith.constant -1 : i32
      %broadcast_in_dim3A_433 = vector.broadcast %jit3A_432 : i32 to vector<16xi32>
      %select_n3A_434 = arith.select %eq3A_428, %add3A_431, %broadcast_in_dim3A_433 : vector<16xi1>, vector<16xi32>
      %max3A_435 = arith.maxsi %max3A_424, %select_n3A_434 : vector<16xi32>
      %get3A_436 = arith.constant 384 : index
      %get3A_437 = tpu.vector_load %arg11[%get3A_436] {strides = array<i32>} : memref<1024xi32, #tpu.memory_space<vmem>>, vector<16xi32>,
      %eq3A_438 = vector.broadcast %reduce_sum3A_170 : i32 to vector<16xi32>
      %eq3A_439 = arith.cmpi eq, %get3A_437, %eq3A_438 : vector<16xi32>
      %add3A_440 = arith.constant 384 : i32
      %add3A_441 = vector.broadcast %add3A_440 : i32 to vector<16xi32>
      %add3A_442 = arith.addi %iota3A, %add3A_441 : vector<16xi32>
      %jit3A_443 = arith.constant -1 : i32
      %broadcast_in_dim3A_444 = vector.broadcast %jit3A_443 : i32 to vector<16xi32>
      %select_n3A_445 = arith.select %eq3A_439, %add3A_442, %broadcast_in_dim3A_444 : vector<16xi1>, vector<16xi32>
      %max3A_446 = arith.maxsi %max3A_435, %select_n3A_445 : vector<16xi32>
      %get3A_447 = arith.constant 400 : index
      %get3A_448 = tpu.vector_load %arg11[%get3A_447] {strides = array<i32>} : memref<1024xi32, #tpu.memory_space<vmem>>, vector<16xi32>,
      %eq3A_449 = vector.broadcast %reduce_sum3A_170 : i32 to vector<16xi32>
      %eq3A_450 = arith.cmpi eq, %get3A_448, %eq3A_449 : vector<16xi32>
      %add3A_451 = arith.constant 400 : i32
      %add3A_452 = vector.broadcast %add3A_451 : i32 to vector<16xi32>
      %add3A_453 = arith.addi %iota3A, %add3A_452 : vector<16xi32>
      %jit3A_454 = arith.constant -1 : i32
      %broadcast_in_dim3A_455 = vector.broadcast %jit3A_454 : i32 to vector<16xi32>
      %select_n3A_456 = arith.select %eq3A_450, %add3A_453, %broadcast_in_dim3A_455 : vector<16xi1>, vector<16xi32>
      %max3A_457 = arith.maxsi %max3A_446, %select_n3A_456 : vector<16xi32>
      %get3A_458 = arith.constant 416 : index
      %get3A_459 = tpu.vector_load %arg11[%get3A_458] {strides = array<i32>} : memref<1024xi32, #tpu.memory_space<vmem>>, vector<16xi32>,
      %eq3A_460 = vector.broadcast %reduce_sum3A_170 : i32 to vector<16xi32>
      %eq3A_461 = arith.cmpi eq, %get3A_459, %eq3A_460 : vector<16xi32>
      %add3A_462 = arith.constant 416 : i32
      %add3A_463 = vector.broadcast %add3A_462 : i32 to vector<16xi32>
      %add3A_464 = arith.addi %iota3A, %add3A_463 : vector<16xi32>
      %jit3A_465 = arith.constant -1 : i32
      %broadcast_in_dim3A_466 = vector.broadcast %jit3A_465 : i32 to vector<16xi32>
      %select_n3A_467 = arith.select %eq3A_461, %add3A_464, %broadcast_in_dim3A_466 : vector<16xi1>, vector<16xi32>
      %max3A_468 = arith.maxsi %max3A_457, %select_n3A_467 : vector<16xi32>
      %get3A_469 = arith.constant 432 : index
      %get3A_470 = tpu.vector_load %arg11[%get3A_469] {strides = array<i32>} : memref<1024xi32, #tpu.memory_space<vmem>>, vector<16xi32>,
      %eq3A_471 = vector.broadcast %reduce_sum3A_170 : i32 to vector<16xi32>
      %eq3A_472 = arith.cmpi eq, %get3A_470, %eq3A_471 : vector<16xi32>
      %add3A_473 = arith.constant 432 : i32
      %add3A_474 = vector.broadcast %add3A_473 : i32 to vector<16xi32>
      %add3A_475 = arith.addi %iota3A, %add3A_474 : vector<16xi32>
      %jit3A_476 = arith.constant -1 : i32
      %broadcast_in_dim3A_477 = vector.broadcast %jit3A_476 : i32 to vector<16xi32>
      %select_n3A_478 = arith.select %eq3A_472, %add3A_475, %broadcast_in_dim3A_477 : vector<16xi1>, vector<16xi32>
      %max3A_479 = arith.maxsi %max3A_468, %select_n3A_478 : vector<16xi32>
      %get3A_480 = arith.constant 448 : index
      %get3A_481 = tpu.vector_load %arg11[%get3A_480] {strides = array<i32>} : memref<1024xi32, #tpu.memory_space<vmem>>, vector<16xi32>,
      %eq3A_482 = vector.broadcast %reduce_sum3A_170 : i32 to vector<16xi32>
      %eq3A_483 = arith.cmpi eq, %get3A_481, %eq3A_482 : vector<16xi32>
      %add3A_484 = arith.constant 448 : i32
      %add3A_485 = vector.broadcast %add3A_484 : i32 to vector<16xi32>
      %add3A_486 = arith.addi %iota3A, %add3A_485 : vector<16xi32>
      %jit3A_487 = arith.constant -1 : i32
      %broadcast_in_dim3A_488 = vector.broadcast %jit3A_487 : i32 to vector<16xi32>
      %select_n3A_489 = arith.select %eq3A_483, %add3A_486, %broadcast_in_dim3A_488 : vector<16xi1>, vector<16xi32>
      %max3A_490 = arith.maxsi %max3A_479, %select_n3A_489 : vector<16xi32>
      %get3A_491 = arith.constant 464 : index
      %get3A_492 = tpu.vector_load %arg11[%get3A_491] {strides = array<i32>} : memref<1024xi32, #tpu.memory_space<vmem>>, vector<16xi32>,
      %eq3A_493 = vector.broadcast %reduce_sum3A_170 : i32 to vector<16xi32>
      %eq3A_494 = arith.cmpi eq, %get3A_492, %eq3A_493 : vector<16xi32>
      %add3A_495 = arith.constant 464 : i32
      %add3A_496 = vector.broadcast %add3A_495 : i32 to vector<16xi32>
      %add3A_497 = arith.addi %iota3A, %add3A_496 : vector<16xi32>
      %jit3A_498 = arith.constant -1 : i32
      %broadcast_in_dim3A_499 = vector.broadcast %jit3A_498 : i32 to vector<16xi32>
      %select_n3A_500 = arith.select %eq3A_494, %add3A_497, %broadcast_in_dim3A_499 : vector<16xi1>, vector<16xi32>
      %max3A_501 = arith.maxsi %max3A_490, %select_n3A_500 : vector<16xi32>
      %get3A_502 = arith.constant 480 : index
      %get3A_503 = tpu.vector_load %arg11[%get3A_502] {strides = array<i32>} : memref<1024xi32, #tpu.memory_space<vmem>>, vector<16xi32>,
      %eq3A_504 = vector.broadcast %reduce_sum3A_170 : i32 to vector<16xi32>
      %eq3A_505 = arith.cmpi eq, %get3A_503, %eq3A_504 : vector<16xi32>
      %add3A_506 = arith.constant 480 : i32
      %add3A_507 = vector.broadcast %add3A_506 : i32 to vector<16xi32>
      %add3A_508 = arith.addi %iota3A, %add3A_507 : vector<16xi32>
      %jit3A_509 = arith.constant -1 : i32
      %broadcast_in_dim3A_510 = vector.broadcast %jit3A_509 : i32 to vector<16xi32>
      %select_n3A_511 = arith.select %eq3A_505, %add3A_508, %broadcast_in_dim3A_510 : vector<16xi1>, vector<16xi32>
      %max3A_512 = arith.maxsi %max3A_501, %select_n3A_511 : vector<16xi32>
      %get3A_513 = arith.constant 496 : index
      %get3A_514 = tpu.vector_load %arg11[%get3A_513] {strides = array<i32>} : memref<1024xi32, #tpu.memory_space<vmem>>, vector<16xi32>,
      %eq3A_515 = vector.broadcast %reduce_sum3A_170 : i32 to vector<16xi32>
      %eq3A_516 = arith.cmpi eq, %get3A_514, %eq3A_515 : vector<16xi32>
      %add3A_517 = arith.constant 496 : i32
      %add3A_518 = vector.broadcast %add3A_517 : i32 to vector<16xi32>
      %add3A_519 = arith.addi %iota3A, %add3A_518 : vector<16xi32>
      %jit3A_520 = arith.constant -1 : i32
      %broadcast_in_dim3A_521 = vector.broadcast %jit3A_520 : i32 to vector<16xi32>
      %select_n3A_522 = arith.select %eq3A_516, %add3A_519, %broadcast_in_dim3A_521 : vector<16xi1>, vector<16xi32>
      %max3A_523 = arith.maxsi %max3A_512, %select_n3A_522 : vector<16xi32>
      %get3A_524 = arith.constant 512 : index
      %get3A_525 = tpu.vector_load %arg11[%get3A_524] {strides = array<i32>} : memref<1024xi32, #tpu.memory_space<vmem>>, vector<16xi32>,
      %eq3A_526 = vector.broadcast %reduce_sum3A_170 : i32 to vector<16xi32>
      %eq3A_527 = arith.cmpi eq, %get3A_525, %eq3A_526 : vector<16xi32>
      %add3A_528 = arith.constant 512 : i32
      %add3A_529 = vector.broadcast %add3A_528 : i32 to vector<16xi32>
      %add3A_530 = arith.addi %iota3A, %add3A_529 : vector<16xi32>
      %jit3A_531 = arith.constant -1 : i32
      %broadcast_in_dim3A_532 = vector.broadcast %jit3A_531 : i32 to vector<16xi32>
      %select_n3A_533 = arith.select %eq3A_527, %add3A_530, %broadcast_in_dim3A_532 : vector<16xi1>, vector<16xi32>
      %max3A_534 = arith.maxsi %max3A_523, %select_n3A_533 : vector<16xi32>
      %get3A_535 = arith.constant 528 : index
      %get3A_536 = tpu.vector_load %arg11[%get3A_535] {strides = array<i32>} : memref<1024xi32, #tpu.memory_space<vmem>>, vector<16xi32>,
      %eq3A_537 = vector.broadcast %reduce_sum3A_170 : i32 to vector<16xi32>
      %eq3A_538 = arith.cmpi eq, %get3A_536, %eq3A_537 : vector<16xi32>
      %add3A_539 = arith.constant 528 : i32
      %add3A_540 = vector.broadcast %add3A_539 : i32 to vector<16xi32>
      %add3A_541 = arith.addi %iota3A, %add3A_540 : vector<16xi32>
      %jit3A_542 = arith.constant -1 : i32
      %broadcast_in_dim3A_543 = vector.broadcast %jit3A_542 : i32 to vector<16xi32>
      %select_n3A_544 = arith.select %eq3A_538, %add3A_541, %broadcast_in_dim3A_543 : vector<16xi1>, vector<16xi32>
      %max3A_545 = arith.maxsi %max3A_534, %select_n3A_544 : vector<16xi32>
      %get3A_546 = arith.constant 544 : index
      %get3A_547 = tpu.vector_load %arg11[%get3A_546] {strides = array<i32>} : memref<1024xi32, #tpu.memory_space<vmem>>, vector<16xi32>,
      %eq3A_548 = vector.broadcast %reduce_sum3A_170 : i32 to vector<16xi32>
      %eq3A_549 = arith.cmpi eq, %get3A_547, %eq3A_548 : vector<16xi32>
      %add3A_550 = arith.constant 544 : i32
      %add3A_551 = vector.broadcast %add3A_550 : i32 to vector<16xi32>
      %add3A_552 = arith.addi %iota3A, %add3A_551 : vector<16xi32>
      %jit3A_553 = arith.constant -1 : i32
      %broadcast_in_dim3A_554 = vector.broadcast %jit3A_553 : i32 to vector<16xi32>
      %select_n3A_555 = arith.select %eq3A_549, %add3A_552, %broadcast_in_dim3A_554 : vector<16xi1>, vector<16xi32>
      %max3A_556 = arith.maxsi %max3A_545, %select_n3A_555 : vector<16xi32>
      %get3A_557 = arith.constant 560 : index
      %get3A_558 = tpu.vector_load %arg11[%get3A_557] {strides = array<i32>} : memref<1024xi32, #tpu.memory_space<vmem>>, vector<16xi32>,
      %eq3A_559 = vector.broadcast %reduce_sum3A_170 : i32 to vector<16xi32>
      %eq3A_560 = arith.cmpi eq, %get3A_558, %eq3A_559 : vector<16xi32>
      %add3A_561 = arith.constant 560 : i32
      %add3A_562 = vector.broadcast %add3A_561 : i32 to vector<16xi32>
      %add3A_563 = arith.addi %iota3A, %add3A_562 : vector<16xi32>
      %jit3A_564 = arith.constant -1 : i32
      %broadcast_in_dim3A_565 = vector.broadcast %jit3A_564 : i32 to vector<16xi32>
      %select_n3A_566 = arith.select %eq3A_560, %add3A_563, %broadcast_in_dim3A_565 : vector<16xi1>, vector<16xi32>
      %max3A_567 = arith.maxsi %max3A_556, %select_n3A_566 : vector<16xi32>
      %get3A_568 = arith.constant 576 : index
      %get3A_569 = tpu.vector_load %arg11[%get3A_568] {strides = array<i32>} : memref<1024xi32, #tpu.memory_space<vmem>>, vector<16xi32>,
      %eq3A_570 = vector.broadcast %reduce_sum3A_170 : i32 to vector<16xi32>
      %eq3A_571 = arith.cmpi eq, %get3A_569, %eq3A_570 : vector<16xi32>
      %add3A_572 = arith.constant 576 : i32
      %add3A_573 = vector.broadcast %add3A_572 : i32 to vector<16xi32>
      %add3A_574 = arith.addi %iota3A, %add3A_573 : vector<16xi32>
      %jit3A_575 = arith.constant -1 : i32
      %broadcast_in_dim3A_576 = vector.broadcast %jit3A_575 : i32 to vector<16xi32>
      %select_n3A_577 = arith.select %eq3A_571, %add3A_574, %broadcast_in_dim3A_576 : vector<16xi1>, vector<16xi32>
      %max3A_578 = arith.maxsi %max3A_567, %select_n3A_577 : vector<16xi32>
      %get3A_579 = arith.constant 592 : index
      %get3A_580 = tpu.vector_load %arg11[%get3A_579] {strides = array<i32>} : memref<1024xi32, #tpu.memory_space<vmem>>, vector<16xi32>,
      %eq3A_581 = vector.broadcast %reduce_sum3A_170 : i32 to vector<16xi32>
      %eq3A_582 = arith.cmpi eq, %get3A_580, %eq3A_581 : vector<16xi32>
      %add3A_583 = arith.constant 592 : i32
      %add3A_584 = vector.broadcast %add3A_583 : i32 to vector<16xi32>
      %add3A_585 = arith.addi %iota3A, %add3A_584 : vector<16xi32>
      %jit3A_586 = arith.constant -1 : i32
      %broadcast_in_dim3A_587 = vector.broadcast %jit3A_586 : i32 to vector<16xi32>
      %select_n3A_588 = arith.select %eq3A_582, %add3A_585, %broadcast_in_dim3A_587 : vector<16xi1>, vector<16xi32>
      %max3A_589 = arith.maxsi %max3A_578, %select_n3A_588 : vector<16xi32>
      %get3A_590 = arith.constant 608 : index
      %get3A_591 = tpu.vector_load %arg11[%get3A_590] {strides = array<i32>} : memref<1024xi32, #tpu.memory_space<vmem>>, vector<16xi32>,
      %eq3A_592 = vector.broadcast %reduce_sum3A_170 : i32 to vector<16xi32>
      %eq3A_593 = arith.cmpi eq, %get3A_591, %eq3A_592 : vector<16xi32>
      %add3A_594 = arith.constant 608 : i32
      %add3A_595 = vector.broadcast %add3A_594 : i32 to vector<16xi32>
      %add3A_596 = arith.addi %iota3A, %add3A_595 : vector<16xi32>
      %jit3A_597 = arith.constant -1 : i32
      %broadcast_in_dim3A_598 = vector.broadcast %jit3A_597 : i32 to vector<16xi32>
      %select_n3A_599 = arith.select %eq3A_593, %add3A_596, %broadcast_in_dim3A_598 : vector<16xi1>, vector<16xi32>
      %max3A_600 = arith.maxsi %max3A_589, %select_n3A_599 : vector<16xi32>
      %get3A_601 = arith.constant 624 : index
      %get3A_602 = tpu.vector_load %arg11[%get3A_601] {strides = array<i32>} : memref<1024xi32, #tpu.memory_space<vmem>>, vector<16xi32>,
      %eq3A_603 = vector.broadcast %reduce_sum3A_170 : i32 to vector<16xi32>
      %eq3A_604 = arith.cmpi eq, %get3A_602, %eq3A_603 : vector<16xi32>
      %add3A_605 = arith.constant 624 : i32
      %add3A_606 = vector.broadcast %add3A_605 : i32 to vector<16xi32>
      %add3A_607 = arith.addi %iota3A, %add3A_606 : vector<16xi32>
      %jit3A_608 = arith.constant -1 : i32
      %broadcast_in_dim3A_609 = vector.broadcast %jit3A_608 : i32 to vector<16xi32>
      %select_n3A_610 = arith.select %eq3A_604, %add3A_607, %broadcast_in_dim3A_609 : vector<16xi1>, vector<16xi32>
      %max3A_611 = arith.maxsi %max3A_600, %select_n3A_610 : vector<16xi32>
      %get3A_612 = arith.constant 640 : index
      %get3A_613 = tpu.vector_load %arg11[%get3A_612] {strides = array<i32>} : memref<1024xi32, #tpu.memory_space<vmem>>, vector<16xi32>,
      %eq3A_614 = vector.broadcast %reduce_sum3A_170 : i32 to vector<16xi32>
      %eq3A_615 = arith.cmpi eq, %get3A_613, %eq3A_614 : vector<16xi32>
      %add3A_616 = arith.constant 640 : i32
      %add3A_617 = vector.broadcast %add3A_616 : i32 to vector<16xi32>
      %add3A_618 = arith.addi %iota3A, %add3A_617 : vector<16xi32>
      %jit3A_619 = arith.constant -1 : i32
      %broadcast_in_dim3A_620 = vector.broadcast %jit3A_619 : i32 to vector<16xi32>
      %select_n3A_621 = arith.select %eq3A_615, %add3A_618, %broadcast_in_dim3A_620 : vector<16xi1>, vector<16xi32>
      %max3A_622 = arith.maxsi %max3A_611, %select_n3A_621 : vector<16xi32>
      %get3A_623 = arith.constant 656 : index
      %get3A_624 = tpu.vector_load %arg11[%get3A_623] {strides = array<i32>} : memref<1024xi32, #tpu.memory_space<vmem>>, vector<16xi32>,
      %eq3A_625 = vector.broadcast %reduce_sum3A_170 : i32 to vector<16xi32>
      %eq3A_626 = arith.cmpi eq, %get3A_624, %eq3A_625 : vector<16xi32>
      %add3A_627 = arith.constant 656 : i32
      %add3A_628 = vector.broadcast %add3A_627 : i32 to vector<16xi32>
      %add3A_629 = arith.addi %iota3A, %add3A_628 : vector<16xi32>
      %jit3A_630 = arith.constant -1 : i32
      %broadcast_in_dim3A_631 = vector.broadcast %jit3A_630 : i32 to vector<16xi32>
      %select_n3A_632 = arith.select %eq3A_626, %add3A_629, %broadcast_in_dim3A_631 : vector<16xi1>, vector<16xi32>
      %max3A_633 = arith.maxsi %max3A_622, %select_n3A_632 : vector<16xi32>
      %get3A_634 = arith.constant 672 : index
      %get3A_635 = tpu.vector_load %arg11[%get3A_634] {strides = array<i32>} : memref<1024xi32, #tpu.memory_space<vmem>>, vector<16xi32>,
      %eq3A_636 = vector.broadcast %reduce_sum3A_170 : i32 to vector<16xi32>
      %eq3A_637 = arith.cmpi eq, %get3A_635, %eq3A_636 : vector<16xi32>
      %add3A_638 = arith.constant 672 : i32
      %add3A_639 = vector.broadcast %add3A_638 : i32 to vector<16xi32>
      %add3A_640 = arith.addi %iota3A, %add3A_639 : vector<16xi32>
      %jit3A_641 = arith.constant -1 : i32
      %broadcast_in_dim3A_642 = vector.broadcast %jit3A_641 : i32 to vector<16xi32>
      %select_n3A_643 = arith.select %eq3A_637, %add3A_640, %broadcast_in_dim3A_642 : vector<16xi1>, vector<16xi32>
      %max3A_644 = arith.maxsi %max3A_633, %select_n3A_643 : vector<16xi32>
      %get3A_645 = arith.constant 688 : index
      %get3A_646 = tpu.vector_load %arg11[%get3A_645] {strides = array<i32>} : memref<1024xi32, #tpu.memory_space<vmem>>, vector<16xi32>,
      %eq3A_647 = vector.broadcast %reduce_sum3A_170 : i32 to vector<16xi32>
      %eq3A_648 = arith.cmpi eq, %get3A_646, %eq3A_647 : vector<16xi32>
      %add3A_649 = arith.constant 688 : i32
      %add3A_650 = vector.broadcast %add3A_649 : i32 to vector<16xi32>
      %add3A_651 = arith.addi %iota3A, %add3A_650 : vector<16xi32>
      %jit3A_652 = arith.constant -1 : i32
      %broadcast_in_dim3A_653 = vector.broadcast %jit3A_652 : i32 to vector<16xi32>
      %select_n3A_654 = arith.select %eq3A_648, %add3A_651, %broadcast_in_dim3A_653 : vector<16xi1>, vector<16xi32>
      %max3A_655 = arith.maxsi %max3A_644, %select_n3A_654 : vector<16xi32>
      %get3A_656 = arith.constant 704 : index
      %get3A_657 = tpu.vector_load %arg11[%get3A_656] {strides = array<i32>} : memref<1024xi32, #tpu.memory_space<vmem>>, vector<16xi32>,
      %eq3A_658 = vector.broadcast %reduce_sum3A_170 : i32 to vector<16xi32>
      %eq3A_659 = arith.cmpi eq, %get3A_657, %eq3A_658 : vector<16xi32>
      %add3A_660 = arith.constant 704 : i32
      %add3A_661 = vector.broadcast %add3A_660 : i32 to vector<16xi32>
      %add3A_662 = arith.addi %iota3A, %add3A_661 : vector<16xi32>
      %jit3A_663 = arith.constant -1 : i32
      %broadcast_in_dim3A_664 = vector.broadcast %jit3A_663 : i32 to vector<16xi32>
      %select_n3A_665 = arith.select %eq3A_659, %add3A_662, %broadcast_in_dim3A_664 : vector<16xi1>, vector<16xi32>
      %max3A_666 = arith.maxsi %max3A_655, %select_n3A_665 : vector<16xi32>
      %get3A_667 = arith.constant 720 : index
      %get3A_668 = tpu.vector_load %arg11[%get3A_667] {strides = array<i32>} : memref<1024xi32, #tpu.memory_space<vmem>>, vector<16xi32>,
      %eq3A_669 = vector.broadcast %reduce_sum3A_170 : i32 to vector<16xi32>
      %eq3A_670 = arith.cmpi eq, %get3A_668, %eq3A_669 : vector<16xi32>
      %add3A_671 = arith.constant 720 : i32
      %add3A_672 = vector.broadcast %add3A_671 : i32 to vector<16xi32>
      %add3A_673 = arith.addi %iota3A, %add3A_672 : vector<16xi32>
      %jit3A_674 = arith.constant -1 : i32
      %broadcast_in_dim3A_675 = vector.broadcast %jit3A_674 : i32 to vector<16xi32>
      %select_n3A_676 = arith.select %eq3A_670, %add3A_673, %broadcast_in_dim3A_675 : vector<16xi1>, vector<16xi32>
      %max3A_677 = arith.maxsi %max3A_666, %select_n3A_676 : vector<16xi32>
      %get3A_678 = arith.constant 736 : index
      %get3A_679 = tpu.vector_load %arg11[%get3A_678] {strides = array<i32>} : memref<1024xi32, #tpu.memory_space<vmem>>, vector<16xi32>,
      %eq3A_680 = vector.broadcast %reduce_sum3A_170 : i32 to vector<16xi32>
      %eq3A_681 = arith.cmpi eq, %get3A_679, %eq3A_680 : vector<16xi32>
      %add3A_682 = arith.constant 736 : i32
      %add3A_683 = vector.broadcast %add3A_682 : i32 to vector<16xi32>
      %add3A_684 = arith.addi %iota3A, %add3A_683 : vector<16xi32>
      %jit3A_685 = arith.constant -1 : i32
      %broadcast_in_dim3A_686 = vector.broadcast %jit3A_685 : i32 to vector<16xi32>
      %select_n3A_687 = arith.select %eq3A_681, %add3A_684, %broadcast_in_dim3A_686 : vector<16xi1>, vector<16xi32>
      %max3A_688 = arith.maxsi %max3A_677, %select_n3A_687 : vector<16xi32>
      %get3A_689 = arith.constant 752 : index
      %get3A_690 = tpu.vector_load %arg11[%get3A_689] {strides = array<i32>} : memref<1024xi32, #tpu.memory_space<vmem>>, vector<16xi32>,
      %eq3A_691 = vector.broadcast %reduce_sum3A_170 : i32 to vector<16xi32>
      %eq3A_692 = arith.cmpi eq, %get3A_690, %eq3A_691 : vector<16xi32>
      %add3A_693 = arith.constant 752 : i32
      %add3A_694 = vector.broadcast %add3A_693 : i32 to vector<16xi32>
      %add3A_695 = arith.addi %iota3A, %add3A_694 : vector<16xi32>
      %jit3A_696 = arith.constant -1 : i32
      %broadcast_in_dim3A_697 = vector.broadcast %jit3A_696 : i32 to vector<16xi32>
      %select_n3A_698 = arith.select %eq3A_692, %add3A_695, %broadcast_in_dim3A_697 : vector<16xi1>, vector<16xi32>
      %max3A_699 = arith.maxsi %max3A_688, %select_n3A_698 : vector<16xi32>
      %get3A_700 = arith.constant 768 : index
      %get3A_701 = tpu.vector_load %arg11[%get3A_700] {strides = array<i32>} : memref<1024xi32, #tpu.memory_space<vmem>>, vector<16xi32>,
      %eq3A_702 = vector.broadcast %reduce_sum3A_170 : i32 to vector<16xi32>
      %eq3A_703 = arith.cmpi eq, %get3A_701, %eq3A_702 : vector<16xi32>
      %add3A_704 = arith.constant 768 : i32
      %add3A_705 = vector.broadcast %add3A_704 : i32 to vector<16xi32>
      %add3A_706 = arith.addi %iota3A, %add3A_705 : vector<16xi32>
      %jit3A_707 = arith.constant -1 : i32
      %broadcast_in_dim3A_708 = vector.broadcast %jit3A_707 : i32 to vector<16xi32>
      %select_n3A_709 = arith.select %eq3A_703, %add3A_706, %broadcast_in_dim3A_708 : vector<16xi1>, vector<16xi32>
      %max3A_710 = arith.maxsi %max3A_699, %select_n3A_709 : vector<16xi32>
      %get3A_711 = arith.constant 784 : index
      %get3A_712 = tpu.vector_load %arg11[%get3A_711] {strides = array<i32>} : memref<1024xi32, #tpu.memory_space<vmem>>, vector<16xi32>,
      %eq3A_713 = vector.broadcast %reduce_sum3A_170 : i32 to vector<16xi32>
      %eq3A_714 = arith.cmpi eq, %get3A_712, %eq3A_713 : vector<16xi32>
      %add3A_715 = arith.constant 784 : i32
      %add3A_716 = vector.broadcast %add3A_715 : i32 to vector<16xi32>
      %add3A_717 = arith.addi %iota3A, %add3A_716 : vector<16xi32>
      %jit3A_718 = arith.constant -1 : i32
      %broadcast_in_dim3A_719 = vector.broadcast %jit3A_718 : i32 to vector<16xi32>
      %select_n3A_720 = arith.select %eq3A_714, %add3A_717, %broadcast_in_dim3A_719 : vector<16xi1>, vector<16xi32>
      %max3A_721 = arith.maxsi %max3A_710, %select_n3A_720 : vector<16xi32>
      %get3A_722 = arith.constant 800 : index
      %get3A_723 = tpu.vector_load %arg11[%get3A_722] {strides = array<i32>} : memref<1024xi32, #tpu.memory_space<vmem>>, vector<16xi32>,
      %eq3A_724 = vector.broadcast %reduce_sum3A_170 : i32 to vector<16xi32>
      %eq3A_725 = arith.cmpi eq, %get3A_723, %eq3A_724 : vector<16xi32>
      %add3A_726 = arith.constant 800 : i32
      %add3A_727 = vector.broadcast %add3A_726 : i32 to vector<16xi32>
      %add3A_728 = arith.addi %iota3A, %add3A_727 : vector<16xi32>
      %jit3A_729 = arith.constant -1 : i32
      %broadcast_in_dim3A_730 = vector.broadcast %jit3A_729 : i32 to vector<16xi32>
      %select_n3A_731 = arith.select %eq3A_725, %add3A_728, %broadcast_in_dim3A_730 : vector<16xi1>, vector<16xi32>
      %max3A_732 = arith.maxsi %max3A_721, %select_n3A_731 : vector<16xi32>
      %get3A_733 = arith.constant 816 : index
      %get3A_734 = tpu.vector_load %arg11[%get3A_733] {strides = array<i32>} : memref<1024xi32, #tpu.memory_space<vmem>>, vector<16xi32>,
      %eq3A_735 = vector.broadcast %reduce_sum3A_170 : i32 to vector<16xi32>
      %eq3A_736 = arith.cmpi eq, %get3A_734, %eq3A_735 : vector<16xi32>
      %add3A_737 = arith.constant 816 : i32
      %add3A_738 = vector.broadcast %add3A_737 : i32 to vector<16xi32>
      %add3A_739 = arith.addi %iota3A, %add3A_738 : vector<16xi32>
      %jit3A_740 = arith.constant -1 : i32
      %broadcast_in_dim3A_741 = vector.broadcast %jit3A_740 : i32 to vector<16xi32>
      %select_n3A_742 = arith.select %eq3A_736, %add3A_739, %broadcast_in_dim3A_741 : vector<16xi1>, vector<16xi32>
      %max3A_743 = arith.maxsi %max3A_732, %select_n3A_742 : vector<16xi32>
      %get3A_744 = arith.constant 832 : index
      %get3A_745 = tpu.vector_load %arg11[%get3A_744] {strides = array<i32>} : memref<1024xi32, #tpu.memory_space<vmem>>, vector<16xi32>,
      %eq3A_746 = vector.broadcast %reduce_sum3A_170 : i32 to vector<16xi32>
      %eq3A_747 = arith.cmpi eq, %get3A_745, %eq3A_746 : vector<16xi32>
      %add3A_748 = arith.constant 832 : i32
      %add3A_749 = vector.broadcast %add3A_748 : i32 to vector<16xi32>
      %add3A_750 = arith.addi %iota3A, %add3A_749 : vector<16xi32>
      %jit3A_751 = arith.constant -1 : i32
      %broadcast_in_dim3A_752 = vector.broadcast %jit3A_751 : i32 to vector<16xi32>
      %select_n3A_753 = arith.select %eq3A_747, %add3A_750, %broadcast_in_dim3A_752 : vector<16xi1>, vector<16xi32>
      %max3A_754 = arith.maxsi %max3A_743, %select_n3A_753 : vector<16xi32>
      %get3A_755 = arith.constant 848 : index
      %get3A_756 = tpu.vector_load %arg11[%get3A_755] {strides = array<i32>} : memref<1024xi32, #tpu.memory_space<vmem>>, vector<16xi32>,
      %eq3A_757 = vector.broadcast %reduce_sum3A_170 : i32 to vector<16xi32>
      %eq3A_758 = arith.cmpi eq, %get3A_756, %eq3A_757 : vector<16xi32>
      %add3A_759 = arith.constant 848 : i32
      %add3A_760 = vector.broadcast %add3A_759 : i32 to vector<16xi32>
      %add3A_761 = arith.addi %iota3A, %add3A_760 : vector<16xi32>
      %jit3A_762 = arith.constant -1 : i32
      %broadcast_in_dim3A_763 = vector.broadcast %jit3A_762 : i32 to vector<16xi32>
      %select_n3A_764 = arith.select %eq3A_758, %add3A_761, %broadcast_in_dim3A_763 : vector<16xi1>, vector<16xi32>
      %max3A_765 = arith.maxsi %max3A_754, %select_n3A_764 : vector<16xi32>
      %get3A_766 = arith.constant 864 : index
      %get3A_767 = tpu.vector_load %arg11[%get3A_766] {strides = array<i32>} : memref<1024xi32, #tpu.memory_space<vmem>>, vector<16xi32>,
      %eq3A_768 = vector.broadcast %reduce_sum3A_170 : i32 to vector<16xi32>
      %eq3A_769 = arith.cmpi eq, %get3A_767, %eq3A_768 : vector<16xi32>
      %add3A_770 = arith.constant 864 : i32
      %add3A_771 = vector.broadcast %add3A_770 : i32 to vector<16xi32>
      %add3A_772 = arith.addi %iota3A, %add3A_771 : vector<16xi32>
      %jit3A_773 = arith.constant -1 : i32
      %broadcast_in_dim3A_774 = vector.broadcast %jit3A_773 : i32 to vector<16xi32>
      %select_n3A_775 = arith.select %eq3A_769, %add3A_772, %broadcast_in_dim3A_774 : vector<16xi1>, vector<16xi32>
      %max3A_776 = arith.maxsi %max3A_765, %select_n3A_775 : vector<16xi32>
      %get3A_777 = arith.constant 880 : index
      %get3A_778 = tpu.vector_load %arg11[%get3A_777] {strides = array<i32>} : memref<1024xi32, #tpu.memory_space<vmem>>, vector<16xi32>,
      %eq3A_779 = vector.broadcast %reduce_sum3A_170 : i32 to vector<16xi32>
      %eq3A_780 = arith.cmpi eq, %get3A_778, %eq3A_779 : vector<16xi32>
      %add3A_781 = arith.constant 880 : i32
      %add3A_782 = vector.broadcast %add3A_781 : i32 to vector<16xi32>
      %add3A_783 = arith.addi %iota3A, %add3A_782 : vector<16xi32>
      %jit3A_784 = arith.constant -1 : i32
      %broadcast_in_dim3A_785 = vector.broadcast %jit3A_784 : i32 to vector<16xi32>
      %select_n3A_786 = arith.select %eq3A_780, %add3A_783, %broadcast_in_dim3A_785 : vector<16xi1>, vector<16xi32>
      %max3A_787 = arith.maxsi %max3A_776, %select_n3A_786 : vector<16xi32>
      %get3A_788 = arith.constant 896 : index
      %get3A_789 = tpu.vector_load %arg11[%get3A_788] {strides = array<i32>} : memref<1024xi32, #tpu.memory_space<vmem>>, vector<16xi32>,
      %eq3A_790 = vector.broadcast %reduce_sum3A_170 : i32 to vector<16xi32>
      %eq3A_791 = arith.cmpi eq, %get3A_789, %eq3A_790 : vector<16xi32>
      %add3A_792 = arith.constant 896 : i32
      %add3A_793 = vector.broadcast %add3A_792 : i32 to vector<16xi32>
      %add3A_794 = arith.addi %iota3A, %add3A_793 : vector<16xi32>
      %jit3A_795 = arith.constant -1 : i32
      %broadcast_in_dim3A_796 = vector.broadcast %jit3A_795 : i32 to vector<16xi32>
      %select_n3A_797 = arith.select %eq3A_791, %add3A_794, %broadcast_in_dim3A_796 : vector<16xi1>, vector<16xi32>
      %max3A_798 = arith.maxsi %max3A_787, %select_n3A_797 : vector<16xi32>
      %get3A_799 = arith.constant 912 : index
      %get3A_800 = tpu.vector_load %arg11[%get3A_799] {strides = array<i32>} : memref<1024xi32, #tpu.memory_space<vmem>>, vector<16xi32>,
      %eq3A_801 = vector.broadcast %reduce_sum3A_170 : i32 to vector<16xi32>
      %eq3A_802 = arith.cmpi eq, %get3A_800, %eq3A_801 : vector<16xi32>
      %add3A_803 = arith.constant 912 : i32
      %add3A_804 = vector.broadcast %add3A_803 : i32 to vector<16xi32>
      %add3A_805 = arith.addi %iota3A, %add3A_804 : vector<16xi32>
      %jit3A_806 = arith.constant -1 : i32
      %broadcast_in_dim3A_807 = vector.broadcast %jit3A_806 : i32 to vector<16xi32>
      %select_n3A_808 = arith.select %eq3A_802, %add3A_805, %broadcast_in_dim3A_807 : vector<16xi1>, vector<16xi32>
      %max3A_809 = arith.maxsi %max3A_798, %select_n3A_808 : vector<16xi32>
      %get3A_810 = arith.constant 928 : index
      %get3A_811 = tpu.vector_load %arg11[%get3A_810] {strides = array<i32>} : memref<1024xi32, #tpu.memory_space<vmem>>, vector<16xi32>,
      %eq3A_812 = vector.broadcast %reduce_sum3A_170 : i32 to vector<16xi32>
      %eq3A_813 = arith.cmpi eq, %get3A_811, %eq3A_812 : vector<16xi32>
      %add3A_814 = arith.constant 928 : i32
      %add3A_815 = vector.broadcast %add3A_814 : i32 to vector<16xi32>
      %add3A_816 = arith.addi %iota3A, %add3A_815 : vector<16xi32>
      %jit3A_817 = arith.constant -1 : i32
      %broadcast_in_dim3A_818 = vector.broadcast %jit3A_817 : i32 to vector<16xi32>
      %select_n3A_819 = arith.select %eq3A_813, %add3A_816, %broadcast_in_dim3A_818 : vector<16xi1>, vector<16xi32>
      %max3A_820 = arith.maxsi %max3A_809, %select_n3A_819 : vector<16xi32>
      %get3A_821 = arith.constant 944 : index
      %get3A_822 = tpu.vector_load %arg11[%get3A_821] {strides = array<i32>} : memref<1024xi32, #tpu.memory_space<vmem>>, vector<16xi32>,
      %eq3A_823 = vector.broadcast %reduce_sum3A_170 : i32 to vector<16xi32>
      %eq3A_824 = arith.cmpi eq, %get3A_822, %eq3A_823 : vector<16xi32>
      %add3A_825 = arith.constant 944 : i32
      %add3A_826 = vector.broadcast %add3A_825 : i32 to vector<16xi32>
      %add3A_827 = arith.addi %iota3A, %add3A_826 : vector<16xi32>
      %jit3A_828 = arith.constant -1 : i32
      %broadcast_in_dim3A_829 = vector.broadcast %jit3A_828 : i32 to vector<16xi32>
      %select_n3A_830 = arith.select %eq3A_824, %add3A_827, %broadcast_in_dim3A_829 : vector<16xi1>, vector<16xi32>
      %max3A_831 = arith.maxsi %max3A_820, %select_n3A_830 : vector<16xi32>
      %get3A_832 = arith.constant 960 : index
      %get3A_833 = tpu.vector_load %arg11[%get3A_832] {strides = array<i32>} : memref<1024xi32, #tpu.memory_space<vmem>>, vector<16xi32>,
      %eq3A_834 = vector.broadcast %reduce_sum3A_170 : i32 to vector<16xi32>
      %eq3A_835 = arith.cmpi eq, %get3A_833, %eq3A_834 : vector<16xi32>
      %add3A_836 = arith.constant 960 : i32
      %add3A_837 = vector.broadcast %add3A_836 : i32 to vector<16xi32>
      %add3A_838 = arith.addi %iota3A, %add3A_837 : vector<16xi32>
      %jit3A_839 = arith.constant -1 : i32
      %broadcast_in_dim3A_840 = vector.broadcast %jit3A_839 : i32 to vector<16xi32>
      %select_n3A_841 = arith.select %eq3A_835, %add3A_838, %broadcast_in_dim3A_840 : vector<16xi1>, vector<16xi32>
      %max3A_842 = arith.maxsi %max3A_831, %select_n3A_841 : vector<16xi32>
      %get3A_843 = arith.constant 976 : index
      %get3A_844 = tpu.vector_load %arg11[%get3A_843] {strides = array<i32>} : memref<1024xi32, #tpu.memory_space<vmem>>, vector<16xi32>,
      %eq3A_845 = vector.broadcast %reduce_sum3A_170 : i32 to vector<16xi32>
      %eq3A_846 = arith.cmpi eq, %get3A_844, %eq3A_845 : vector<16xi32>
      %add3A_847 = arith.constant 976 : i32
      %add3A_848 = vector.broadcast %add3A_847 : i32 to vector<16xi32>
      %add3A_849 = arith.addi %iota3A, %add3A_848 : vector<16xi32>
      %jit3A_850 = arith.constant -1 : i32
      %broadcast_in_dim3A_851 = vector.broadcast %jit3A_850 : i32 to vector<16xi32>
      %select_n3A_852 = arith.select %eq3A_846, %add3A_849, %broadcast_in_dim3A_851 : vector<16xi1>, vector<16xi32>
      %max3A_853 = arith.maxsi %max3A_842, %select_n3A_852 : vector<16xi32>
      %get3A_854 = arith.constant 992 : index
      %get3A_855 = tpu.vector_load %arg11[%get3A_854] {strides = array<i32>} : memref<1024xi32, #tpu.memory_space<vmem>>, vector<16xi32>,
      %eq3A_856 = vector.broadcast %reduce_sum3A_170 : i32 to vector<16xi32>
      %eq3A_857 = arith.cmpi eq, %get3A_855, %eq3A_856 : vector<16xi32>
      %add3A_858 = arith.constant 992 : i32
      %add3A_859 = vector.broadcast %add3A_858 : i32 to vector<16xi32>
      %add3A_860 = arith.addi %iota3A, %add3A_859 : vector<16xi32>
      %jit3A_861 = arith.constant -1 : i32
      %broadcast_in_dim3A_862 = vector.broadcast %jit3A_861 : i32 to vector<16xi32>
      %select_n3A_863 = arith.select %eq3A_857, %add3A_860, %broadcast_in_dim3A_862 : vector<16xi1>, vector<16xi32>
      %max3A_864 = arith.maxsi %max3A_853, %select_n3A_863 : vector<16xi32>
      %get3A_865 = arith.constant 1008 : index
      %get3A_866 = tpu.vector_load %arg11[%get3A_865] {strides = array<i32>} : memref<1024xi32, #tpu.memory_space<vmem>>, vector<16xi32>,
      %eq3A_867 = vector.broadcast %reduce_sum3A_170 : i32 to vector<16xi32>
      %eq3A_868 = arith.cmpi eq, %get3A_866, %eq3A_867 : vector<16xi32>
      %add3A_869 = arith.constant 1008 : i32
      %add3A_870 = vector.broadcast %add3A_869 : i32 to vector<16xi32>
      %add3A_871 = arith.addi %iota3A, %add3A_870 : vector<16xi32>
      %jit3A_872 = arith.constant -1 : i32
      %broadcast_in_dim3A_873 = vector.broadcast %jit3A_872 : i32 to vector<16xi32>
      %select_n3A_874 = arith.select %eq3A_868, %add3A_871, %broadcast_in_dim3A_873 : vector<16xi1>, vector<16xi32>
      %max3A_875 = arith.maxsi %max3A_864, %select_n3A_874 : vector<16xi32>
      %reduce_max3A = arith.constant true
      %reduce_max3A_876 = vector.broadcast %reduce_max3A : i1 to vector<16xi1>
      %reduce_max3A_877 = arith.constant -2147483648 : i32
      %reduce_max3A_878 = vector.broadcast %reduce_max3A_877 : i32 to vector<16xi32>
      %reduce_max3A_879 = arith.xori %max3A_875, %reduce_max3A_878 : vector<16xi32>
      %reduce_max3A_880 = tpu.scan <max>, %reduce_max3A_879 masked %reduce_max3A_876 : vector<16xi32>, vector<16xi1> -> vector<16xi32>
      %reduce_max3A_881 = arith.xori %reduce_max3A_880, %reduce_max3A_878 : vector<16xi32>
      %reduce_max3A_882 = vector.extract %reduce_max3A_881[15] : i32 from vector<16xi32>
      %jit3A_883 = arith.constant 16 : i32
      %div3A_884 = arith.divsi %scan3A_130, %jit3A_883 : i32
      %sign3A_885 = arith.constant 0 : i32
      %sign3A_886 = arith.cmpi sgt, %scan3A_130, %sign3A_885 : i32
      %sign3A_887 = arith.extui %sign3A_886 : i1 to i32
      %sign3A_888 = arith.constant 0 : i32
      %sign3A_889 = arith.cmpi slt, %scan3A_130, %sign3A_888 : i32
      %sign3A_890 = arith.extui %sign3A_889 : i1 to i32
      %sign3A_891 = arith.subi %sign3A_887, %sign3A_890 : i32
      %sign3A_892 = arith.constant 0 : i32
      %sign3A_893 = arith.cmpi sgt, %jit3A_883, %sign3A_892 : i32
      %sign3A_894 = arith.extui %sign3A_893 : i1 to i32
      %sign3A_895 = arith.constant 0 : i32
      %sign3A_896 = arith.cmpi slt, %jit3A_883, %sign3A_895 : i32
      %sign3A_897 = arith.extui %sign3A_896 : i1 to i32
      %sign3A_898 = arith.subi %sign3A_894, %sign3A_897 : i32
      %ne3A_899 = arith.cmpi ne, %sign3A_891, %sign3A_898 : i32
      %rem3A_900 = arith.remsi %scan3A_130, %jit3A_883 : i32
      %ne3A_901 = arith.constant 0 : i32
      %ne3A_902 = arith.cmpi ne, %rem3A_900, %ne3A_901 : i32
      %and3A_903 = arith.andi %ne3A_899, %ne3A_902 : i1
      %sub3A_904 = arith.constant 1 : i32
      %sub3A_905 = arith.subi %div3A_884, %sub3A_904 : i32
      %select_n3A_906 = arith.select %and3A_903, %sub3A_905, %div3A_884 : i32
      %mul3A_907 = arith.constant 16 : i32
      %mul3A_908 = arith.muli %select_n3A_906, %mul3A_907 : i32
      %sub3A_909 = arith.subi %scan3A_130, %mul3A_908 : i32
      %get3A_910 = arith.index_cast %mul3A_908 : i32 to index
      %get3A_911 = tpu.vector_load %arg18[%get3A_910] {strides = array<i32>} : memref<64xi32, #tpu.memory_space<vmem>>, vector<16xi32>,
      %eq3A_912 = vector.broadcast %sub3A_909 : i32 to vector<16xi32>
      %eq3A_913 = arith.cmpi eq, %iota3A, %eq3A_912 : vector<16xi32>
      %broadcast_in_dim3A_914 = vector.broadcast %reduce_max3A_882 : i32 to vector<16xi32>
      %select_n3A_915 = arith.select %eq3A_913, %broadcast_in_dim3A_914, %get3A_911 : vector<16xi1>, vector<16xi32>
      %swap3A_916 = arith.index_cast %mul3A_908 : i32 to index
      %swap3A_917 = tpu.vector_load %arg18[%swap3A_916] {strides = array<i32>} : memref<64xi32, #tpu.memory_space<vmem>>, vector<16xi32>,
      tpu.vector_store %arg18[%swap3A_916], %select_n3A_915 {strides = array<i32>} : memref<64xi32, #tpu.memory_space<vmem>>, vector<16xi32>,
    }
    %scan3A_18 = arith.constant 64 : i32
    %scan3A_19 = arith.constant 0 : i32
    %scan3A_20 = arith.constant 0 : i32
    %scan3A_21 = arith.constant 64 : i32
    %scan3A_22 = arith.addi %scan3A_20, %scan3A_21 : i32
    %scan3A_23 = arith.constant 1 : i32
    %scan3A_24 = scf.for %scan3A_130 = %scan3A_20 to %scan3A_22 step %scan3A_23 iter_args(%scan3A_131 = %scan3A_19) -> (i32)  : i32 {
      %mul3A_132 = arith.constant 64 : i32
      %mul3A_133 = arith.muli %arg1, %mul3A_132 : i32
      %add3A_134 = arith.addi %mul3A_133, %scan3A_130 : i32
      %jit3A_135 = arith.constant 16 : i32
      %div3A_136 = arith.divsi %add3A_134, %jit3A_135 : i32
      %sign3A_137 = arith.constant 0 : i32
      %sign3A_138 = arith.cmpi sgt, %add3A_134, %sign3A_137 : i32
      %sign3A_139 = arith.extui %sign3A_138 : i1 to i32
      %sign3A_140 = arith.constant 0 : i32
      %sign3A_141 = arith.cmpi slt, %add3A_134, %sign3A_140 : i32
      %sign3A_142 = arith.extui %sign3A_141 : i1 to i32
      %sign3A_143 = arith.subi %sign3A_139, %sign3A_142 : i32
      %sign3A_144 = arith.constant 0 : i32
      %sign3A_145 = arith.cmpi sgt, %jit3A_135, %sign3A_144 : i32
      %sign3A_146 = arith.extui %sign3A_145 : i1 to i32
      %sign3A_147 = arith.constant 0 : i32
      %sign3A_148 = arith.cmpi slt, %jit3A_135, %sign3A_147 : i32
      %sign3A_149 = arith.extui %sign3A_148 : i1 to i32
      %sign3A_150 = arith.subi %sign3A_146, %sign3A_149 : i32
      %ne3A_151 = arith.cmpi ne, %sign3A_143, %sign3A_150 : i32
      %rem3A_152 = arith.remsi %add3A_134, %jit3A_135 : i32
      %ne3A_153 = arith.constant 0 : i32
      %ne3A_154 = arith.cmpi ne, %rem3A_152, %ne3A_153 : i32
      %and3A_155 = arith.andi %ne3A_151, %ne3A_154 : i1
      %sub3A_156 = arith.constant 1 : i32
      %sub3A_157 = arith.subi %div3A_136, %sub3A_156 : i32
      %select_n3A_158 = arith.select %and3A_155, %sub3A_157, %div3A_136 : i32
      %mul3A_159 = arith.constant 16 : i32
      %mul3A_160 = arith.muli %select_n3A_158, %mul3A_159 : i32
      %sub3A_161 = arith.subi %add3A_134, %mul3A_160 : i32
      %get3A_162 = arith.index_cast %mul3A_160 : i32 to index
      %get3A_163 = tpu.vector_load %arg11[%get3A_162] {strides = array<i32>} : memref<1024xi32, #tpu.memory_space<vmem>>, vector<16xi32>,
      %eq3A_164 = vector.broadcast %sub3A_161 : i32 to vector<16xi32>
      %eq3A_165 = arith.cmpi eq, %iota3A, %eq3A_164 : vector<16xi32>
      %jit3A_166 = arith.constant 0 : i32
      %broadcast_in_dim3A_167 = vector.broadcast %jit3A_166 : i32 to vector<16xi32>
      %select_n3A_168 = arith.select %eq3A_165, %get3A_163, %broadcast_in_dim3A_167 : vector<16xi1>, vector<16xi32>
      %reduce_sum3A = arith.constant true
      %reduce_sum3A_169 = vector.broadcast %reduce_sum3A : i1 to vector<16xi1>
      %reduce_sum3A_170 = tpu.scan <sum>, %select_n3A_168 masked %reduce_sum3A_169 : vector<16xi32>, vector<16xi1> -> vector<16xi32>
      %reduce_sum3A_171 = vector.extract %reduce_sum3A_170[15] : i32 from vector<16xi32>
      %jit3A_172 = arith.constant 16 : i32
      %div3A_173 = arith.divsi %scan3A_130, %jit3A_172 : i32
      %sign3A_174 = arith.constant 0 : i32
      %sign3A_175 = arith.cmpi sgt, %scan3A_130, %sign3A_174 : i32
      %sign3A_176 = arith.extui %sign3A_175 : i1 to i32
      %sign3A_177 = arith.constant 0 : i32
      %sign3A_178 = arith.cmpi slt, %scan3A_130, %sign3A_177 : i32
      %sign3A_179 = arith.extui %sign3A_178 : i1 to i32
      %sign3A_180 = arith.subi %sign3A_176, %sign3A_179 : i32
      %sign3A_181 = arith.constant 0 : i32
      %sign3A_182 = arith.cmpi sgt, %jit3A_172, %sign3A_181 : i32
      %sign3A_183 = arith.extui %sign3A_182 : i1 to i32
      %sign3A_184 = arith.constant 0 : i32
      %sign3A_185 = arith.cmpi slt, %jit3A_172, %sign3A_184 : i32
      %sign3A_186 = arith.extui %sign3A_185 : i1 to i32
      %sign3A_187 = arith.subi %sign3A_183, %sign3A_186 : i32
      %ne3A_188 = arith.cmpi ne, %sign3A_180, %sign3A_187 : i32
      %rem3A_189 = arith.remsi %scan3A_130, %jit3A_172 : i32
      %ne3A_190 = arith.constant 0 : i32
      %ne3A_191 = arith.cmpi ne, %rem3A_189, %ne3A_190 : i32
      %and3A_192 = arith.andi %ne3A_188, %ne3A_191 : i1
      %sub3A_193 = arith.constant 1 : i32
      %sub3A_194 = arith.subi %div3A_173, %sub3A_193 : i32
      %select_n3A_195 = arith.select %and3A_192, %sub3A_194, %div3A_173 : i32
      %mul3A_196 = arith.constant 16 : i32
      %mul3A_197 = arith.muli %select_n3A_195, %mul3A_196 : i32
      %sub3A_198 = arith.subi %scan3A_130, %mul3A_197 : i32
      %get3A_199 = arith.index_cast %mul3A_197 : i32 to index
      %get3A_200 = tpu.vector_load %arg18[%get3A_199] {strides = array<i32>} : memref<64xi32, #tpu.memory_space<vmem>>, vector<16xi32>,
      %eq3A_201 = vector.broadcast %sub3A_198 : i32 to vector<16xi32>
      %eq3A_202 = arith.cmpi eq, %iota3A, %eq3A_201 : vector<16xi32>
      %jit3A_203 = arith.constant 0 : i32
      %broadcast_in_dim3A_204 = vector.broadcast %jit3A_203 : i32 to vector<16xi32>
      %select_n3A_205 = arith.select %eq3A_202, %get3A_200, %broadcast_in_dim3A_204 : vector<16xi1>, vector<16xi32>
      %reduce_sum3A_206 = arith.constant true
      %reduce_sum3A_207 = vector.broadcast %reduce_sum3A_206 : i1 to vector<16xi1>
      %reduce_sum3A_208 = tpu.scan <sum>, %select_n3A_205 masked %reduce_sum3A_207 : vector<16xi32>, vector<16xi1> -> vector<16xi32>
      %reduce_sum3A_209 = vector.extract %reduce_sum3A_208[15] : i32 from vector<16xi32>
      %ge3A = arith.cmpi sge, %reduce_sum3A_171, %mul3A_0 : i32
      %add3A_210 = arith.constant 50000 : i32
      %add3A_211 = arith.addi %mul3A_0, %add3A_210 : i32
      %lt3A_212 = arith.cmpi slt, %reduce_sum3A_171, %add3A_211 : i32
      %and3A_213 = arith.andi %ge3A, %lt3A_212 : i1
      %convert_element_type3A_214 = arith.extui %and3A_213 : i1 to i32
      %cond3A_215 = arith.constant 0 : i32
      %cond3A_216 = arith.cmpi ne, %convert_element_type3A_214, %cond3A_215 : i32
      scf.if %cond3A_216 {
        %jit3A_220 = arith.constant 16 : i32
        %div3A_221 = arith.divsi %scan3A_131, %jit3A_220 : i32
        %sign3A_222 = arith.constant 0 : i32
        %sign3A_223 = arith.cmpi sgt, %scan3A_131, %sign3A_222 : i32
        %sign3A_224 = arith.extui %sign3A_223 : i1 to i32
        %sign3A_225 = arith.constant 0 : i32
        %sign3A_226 = arith.cmpi slt, %scan3A_131, %sign3A_225 : i32
        %sign3A_227 = arith.extui %sign3A_226 : i1 to i32
        %sign3A_228 = arith.subi %sign3A_224, %sign3A_227 : i32
        %sign3A_229 = arith.constant 0 : i32
        %sign3A_230 = arith.cmpi sgt, %jit3A_220, %sign3A_229 : i32
        %sign3A_231 = arith.extui %sign3A_230 : i1 to i32
        %sign3A_232 = arith.constant 0 : i32
        %sign3A_233 = arith.cmpi slt, %jit3A_220, %sign3A_232 : i32
        %sign3A_234 = arith.extui %sign3A_233 : i1 to i32
        %sign3A_235 = arith.subi %sign3A_231, %sign3A_234 : i32
        %ne3A_236 = arith.cmpi ne, %sign3A_228, %sign3A_235 : i32
        %rem3A_237 = arith.remsi %scan3A_131, %jit3A_220 : i32
        %ne3A_238 = arith.constant 0 : i32
        %ne3A_239 = arith.cmpi ne, %rem3A_237, %ne3A_238 : i32
        %and3A_240 = arith.andi %ne3A_236, %ne3A_239 : i1
        %sub3A_241 = arith.constant 1 : i32
        %sub3A_242 = arith.subi %div3A_221, %sub3A_241 : i32
        %select_n3A_243 = arith.select %and3A_240, %sub3A_242, %div3A_221 : i32
        %mul3A_244 = arith.constant 16 : i32
        %mul3A_245 = arith.muli %select_n3A_243, %mul3A_244 : i32
        %sub3A_246 = arith.subi %scan3A_131, %mul3A_245 : i32
        %get3A_247 = arith.index_cast %mul3A_245 : i32 to index
        %get3A_248 = tpu.vector_load %arg19[%get3A_247] {strides = array<i32>} : memref<80xi32, #tpu.memory_space<vmem>>, vector<16xi32>,
        %eq3A_249 = vector.broadcast %sub3A_246 : i32 to vector<16xi32>
        %eq3A_250 = arith.cmpi eq, %iota3A, %eq3A_249 : vector<16xi32>
        %broadcast_in_dim3A_251 = vector.broadcast %reduce_sum3A_171 : i32 to vector<16xi32>
        %select_n3A_252 = arith.select %eq3A_250, %broadcast_in_dim3A_251, %get3A_248 : vector<16xi1>, vector<16xi32>
        %swap3A_253 = arith.index_cast %mul3A_245 : i32 to index
        %swap3A_254 = tpu.vector_load %arg19[%swap3A_253] {strides = array<i32>} : memref<80xi32, #tpu.memory_space<vmem>>, vector<16xi32>,
        tpu.vector_store %arg19[%swap3A_253], %select_n3A_252 {strides = array<i32>} : memref<80xi32, #tpu.memory_space<vmem>>, vector<16xi32>,
        %jit3A_255 = arith.constant 16 : i32
        %div3A_256 = arith.divsi %scan3A_131, %jit3A_255 : i32
        %sign3A_257 = arith.constant 0 : i32
        %sign3A_258 = arith.cmpi sgt, %scan3A_131, %sign3A_257 : i32
        %sign3A_259 = arith.extui %sign3A_258 : i1 to i32
        %sign3A_260 = arith.constant 0 : i32
        %sign3A_261 = arith.cmpi slt, %scan3A_131, %sign3A_260 : i32
        %sign3A_262 = arith.extui %sign3A_261 : i1 to i32
        %sign3A_263 = arith.subi %sign3A_259, %sign3A_262 : i32
        %sign3A_264 = arith.constant 0 : i32
        %sign3A_265 = arith.cmpi sgt, %jit3A_255, %sign3A_264 : i32
        %sign3A_266 = arith.extui %sign3A_265 : i1 to i32
        %sign3A_267 = arith.constant 0 : i32
        %sign3A_268 = arith.cmpi slt, %jit3A_255, %sign3A_267 : i32
        %sign3A_269 = arith.extui %sign3A_268 : i1 to i32
        %sign3A_270 = arith.subi %sign3A_266, %sign3A_269 : i32
        %ne3A_271 = arith.cmpi ne, %sign3A_263, %sign3A_270 : i32
        %rem3A_272 = arith.remsi %scan3A_131, %jit3A_255 : i32
        %ne3A_273 = arith.constant 0 : i32
        %ne3A_274 = arith.cmpi ne, %rem3A_272, %ne3A_273 : i32
        %and3A_275 = arith.andi %ne3A_271, %ne3A_274 : i1
        %sub3A_276 = arith.constant 1 : i32
        %sub3A_277 = arith.subi %div3A_256, %sub3A_276 : i32
        %select_n3A_278 = arith.select %and3A_275, %sub3A_277, %div3A_256 : i32
        %mul3A_279 = arith.constant 16 : i32
        %mul3A_280 = arith.muli %select_n3A_278, %mul3A_279 : i32
        %sub3A_281 = arith.subi %scan3A_131, %mul3A_280 : i32
        %get3A_282 = arith.index_cast %mul3A_280 : i32 to index
        %get3A_283 = tpu.vector_load %arg20[%get3A_282] {strides = array<i32>} : memref<80xi32, #tpu.memory_space<vmem>>, vector<16xi32>,
        %eq3A_284 = vector.broadcast %sub3A_281 : i32 to vector<16xi32>
        %eq3A_285 = arith.cmpi eq, %iota3A, %eq3A_284 : vector<16xi32>
        %broadcast_in_dim3A_286 = vector.broadcast %reduce_sum3A_209 : i32 to vector<16xi32>
        %select_n3A_287 = arith.select %eq3A_285, %broadcast_in_dim3A_286, %get3A_283 : vector<16xi1>, vector<16xi32>
        %swap3A_288 = arith.index_cast %mul3A_280 : i32 to index
        %swap3A_289 = tpu.vector_load %arg20[%swap3A_288] {strides = array<i32>} : memref<80xi32, #tpu.memory_space<vmem>>, vector<16xi32>,
        tpu.vector_store %arg20[%swap3A_288], %select_n3A_287 {strides = array<i32>} : memref<80xi32, #tpu.memory_space<vmem>>, vector<16xi32>,
      } else {
      }
      %add3A_217 = arith.constant 1 : i32
      %add3A_218 = arith.addi %scan3A_131, %add3A_217 : i32
      %select_n3A_219 = arith.select %and3A_213, %add3A_218, %scan3A_131 : i32
      scf.yield %select_n3A_219 : i32
    }
    %scan3A_25 = arith.constant 64 : i32
    %get3A = arith.constant 0 : index
    %get3A_26 = tpu.vector_load %arg19[%get3A] {strides = array<i32>} : memref<80xi32, #tpu.memory_space<vmem>>, vector<16xi32>,
    %slice3A = vector.extract_strided_slice %get3A_26 {offsets = [0], sizes = [1], strides = [1]} : vector<16xi32> to vector<1xi32>
    %squeeze3A = vector.extract %slice3A[0] : i32 from vector<1xi32>
    %get3A_27 = arith.constant 0 : index
    %get3A_28 = tpu.vector_load %arg20[%get3A_27] {strides = array<i32>} : memref<80xi32, #tpu.memory_space<vmem>>, vector<16xi32>,
    %slice3A_29 = vector.extract_strided_slice %get3A_28 {offsets = [0], sizes = [1], strides = [1]} : vector<16xi32> to vector<1xi32>
    %squeeze3A_30 = vector.extract %slice3A_29[0] : i32 from vector<1xi32>
    %add3A = arith.constant 0 : i32
    %add3A_31 = vector.broadcast %add3A : i32 to vector<16xi32>
    %add3A_32 = arith.addi %iota3A, %add3A_31 : vector<16xi32>
    %get3A_33 = arith.constant 0 : index
    %get3A_34 = tpu.vector_load %arg19[%get3A_33] {strides = array<i32>} : memref<80xi32, #tpu.memory_space<vmem>>, vector<16xi32>,
    %get3A_35 = arith.constant 0 : index
    %get3A_36 = tpu.vector_load %arg20[%get3A_35] {strides = array<i32>} : memref<80xi32, #tpu.memory_space<vmem>>, vector<16xi32>,
    %lt3A = vector.broadcast %scan3A_24 : i32 to vector<16xi32>
    %lt3A_37 = arith.cmpi slt, %add3A_32, %lt3A : vector<16xi32>
    %broadcast_in_dim3A = vector.broadcast %squeeze3A : i32 to vector<16xi32>
    %select_n3A = arith.select %lt3A_37, %get3A_34, %broadcast_in_dim3A : vector<16xi1>, vector<16xi32>
    %swap3A = arith.constant 0 : index
    %swap3A_38 = tpu.vector_load %arg19[%swap3A] {strides = array<i32>} : memref<80xi32, #tpu.memory_space<vmem>>, vector<16xi32>,
    tpu.vector_store %arg19[%swap3A], %select_n3A {strides = array<i32>} : memref<80xi32, #tpu.memory_space<vmem>>, vector<16xi32>,
    %lt3A_39 = vector.broadcast %scan3A_24 : i32 to vector<16xi32>
    %lt3A_40 = arith.cmpi slt, %add3A_32, %lt3A_39 : vector<16xi32>
    %broadcast_in_dim3A_41 = vector.broadcast %squeeze3A_30 : i32 to vector<16xi32>
    %select_n3A_42 = arith.select %lt3A_40, %get3A_36, %broadcast_in_dim3A_41 : vector<16xi1>, vector<16xi32>
    %swap3A_43 = arith.constant 0 : index
    %swap3A_44 = tpu.vector_load %arg20[%swap3A_43] {strides = array<i32>} : memref<80xi32, #tpu.memory_space<vmem>>, vector<16xi32>,
    tpu.vector_store %arg20[%swap3A_43], %select_n3A_42 {strides = array<i32>} : memref<80xi32, #tpu.memory_space<vmem>>, vector<16xi32>,
    %add3A_45 = arith.constant 16 : i32
    %add3A_46 = vector.broadcast %add3A_45 : i32 to vector<16xi32>
    %add3A_47 = arith.addi %iota3A, %add3A_46 : vector<16xi32>
    %get3A_48 = arith.constant 16 : index
    %get3A_49 = tpu.vector_load %arg19[%get3A_48] {strides = array<i32>} : memref<80xi32, #tpu.memory_space<vmem>>, vector<16xi32>,
    %get3A_50 = arith.constant 16 : index
    %get3A_51 = tpu.vector_load %arg20[%get3A_50] {strides = array<i32>} : memref<80xi32, #tpu.memory_space<vmem>>, vector<16xi32>,
    %lt3A_52 = vector.broadcast %scan3A_24 : i32 to vector<16xi32>
    %lt3A_53 = arith.cmpi slt, %add3A_47, %lt3A_52 : vector<16xi32>
    %broadcast_in_dim3A_54 = vector.broadcast %squeeze3A : i32 to vector<16xi32>
    %select_n3A_55 = arith.select %lt3A_53, %get3A_49, %broadcast_in_dim3A_54 : vector<16xi1>, vector<16xi32>
    %swap3A_56 = arith.constant 16 : index
    %swap3A_57 = tpu.vector_load %arg19[%swap3A_56] {strides = array<i32>} : memref<80xi32, #tpu.memory_space<vmem>>, vector<16xi32>,
    tpu.vector_store %arg19[%swap3A_56], %select_n3A_55 {strides = array<i32>} : memref<80xi32, #tpu.memory_space<vmem>>, vector<16xi32>,
    %lt3A_58 = vector.broadcast %scan3A_24 : i32 to vector<16xi32>
    %lt3A_59 = arith.cmpi slt, %add3A_47, %lt3A_58 : vector<16xi32>
    %broadcast_in_dim3A_60 = vector.broadcast %squeeze3A_30 : i32 to vector<16xi32>
    %select_n3A_61 = arith.select %lt3A_59, %get3A_51, %broadcast_in_dim3A_60 : vector<16xi1>, vector<16xi32>
    %swap3A_62 = arith.constant 16 : index
    %swap3A_63 = tpu.vector_load %arg20[%swap3A_62] {strides = array<i32>} : memref<80xi32, #tpu.memory_space<vmem>>, vector<16xi32>,
    tpu.vector_store %arg20[%swap3A_62], %select_n3A_61 {strides = array<i32>} : memref<80xi32, #tpu.memory_space<vmem>>, vector<16xi32>,
    %add3A_64 = arith.constant 32 : i32
    %add3A_65 = vector.broadcast %add3A_64 : i32 to vector<16xi32>
    %add3A_66 = arith.addi %iota3A, %add3A_65 : vector<16xi32>
    %get3A_67 = arith.constant 32 : index
    %get3A_68 = tpu.vector_load %arg19[%get3A_67] {strides = array<i32>} : memref<80xi32, #tpu.memory_space<vmem>>, vector<16xi32>,
    %get3A_69 = arith.constant 32 : index
    %get3A_70 = tpu.vector_load %arg20[%get3A_69] {strides = array<i32>} : memref<80xi32, #tpu.memory_space<vmem>>, vector<16xi32>,
    %lt3A_71 = vector.broadcast %scan3A_24 : i32 to vector<16xi32>
    %lt3A_72 = arith.cmpi slt, %add3A_66, %lt3A_71 : vector<16xi32>
    %broadcast_in_dim3A_73 = vector.broadcast %squeeze3A : i32 to vector<16xi32>
    %select_n3A_74 = arith.select %lt3A_72, %get3A_68, %broadcast_in_dim3A_73 : vector<16xi1>, vector<16xi32>
    %swap3A_75 = arith.constant 32 : index
    %swap3A_76 = tpu.vector_load %arg19[%swap3A_75] {strides = array<i32>} : memref<80xi32, #tpu.memory_space<vmem>>, vector<16xi32>,
    tpu.vector_store %arg19[%swap3A_75], %select_n3A_74 {strides = array<i32>} : memref<80xi32, #tpu.memory_space<vmem>>, vector<16xi32>,
    %lt3A_77 = vector.broadcast %scan3A_24 : i32 to vector<16xi32>
    %lt3A_78 = arith.cmpi slt, %add3A_66, %lt3A_77 : vector<16xi32>
    %broadcast_in_dim3A_79 = vector.broadcast %squeeze3A_30 : i32 to vector<16xi32>
    %select_n3A_80 = arith.select %lt3A_78, %get3A_70, %broadcast_in_dim3A_79 : vector<16xi1>, vector<16xi32>
    %swap3A_81 = arith.constant 32 : index
    %swap3A_82 = tpu.vector_load %arg20[%swap3A_81] {strides = array<i32>} : memref<80xi32, #tpu.memory_space<vmem>>, vector<16xi32>,
    tpu.vector_store %arg20[%swap3A_81], %select_n3A_80 {strides = array<i32>} : memref<80xi32, #tpu.memory_space<vmem>>, vector<16xi32>,
    %add3A_83 = arith.constant 48 : i32
    %add3A_84 = vector.broadcast %add3A_83 : i32 to vector<16xi32>
    %add3A_85 = arith.addi %iota3A, %add3A_84 : vector<16xi32>
    %get3A_86 = arith.constant 48 : index
    %get3A_87 = tpu.vector_load %arg19[%get3A_86] {strides = array<i32>} : memref<80xi32, #tpu.memory_space<vmem>>, vector<16xi32>,
    %get3A_88 = arith.constant 48 : index
    %get3A_89 = tpu.vector_load %arg20[%get3A_88] {strides = array<i32>} : memref<80xi32, #tpu.memory_space<vmem>>, vector<16xi32>,
    %lt3A_90 = vector.broadcast %scan3A_24 : i32 to vector<16xi32>
    %lt3A_91 = arith.cmpi slt, %add3A_85, %lt3A_90 : vector<16xi32>
    %broadcast_in_dim3A_92 = vector.broadcast %squeeze3A : i32 to vector<16xi32>
    %select_n3A_93 = arith.select %lt3A_91, %get3A_87, %broadcast_in_dim3A_92 : vector<16xi1>, vector<16xi32>
    %swap3A_94 = arith.constant 48 : index
    %swap3A_95 = tpu.vector_load %arg19[%swap3A_94] {strides = array<i32>} : memref<80xi32, #tpu.memory_space<vmem>>, vector<16xi32>,
    tpu.vector_store %arg19[%swap3A_94], %select_n3A_93 {strides = array<i32>} : memref<80xi32, #tpu.memory_space<vmem>>, vector<16xi32>,
    %lt3A_96 = vector.broadcast %scan3A_24 : i32 to vector<16xi32>
    %lt3A_97 = arith.cmpi slt, %add3A_85, %lt3A_96 : vector<16xi32>
    %broadcast_in_dim3A_98 = vector.broadcast %squeeze3A_30 : i32 to vector<16xi32>
    %select_n3A_99 = arith.select %lt3A_97, %get3A_89, %broadcast_in_dim3A_98 : vector<16xi1>, vector<16xi32>
    %swap3A_100 = arith.constant 48 : index
    %swap3A_101 = tpu.vector_load %arg20[%swap3A_100] {strides = array<i32>} : memref<80xi32, #tpu.memory_space<vmem>>, vector<16xi32>,
    tpu.vector_store %arg20[%swap3A_100], %select_n3A_99 {strides = array<i32>} : memref<80xi32, #tpu.memory_space<vmem>>, vector<16xi32>,
    %add3A_102 = arith.constant 31 : i32
    %add3A_103 = arith.addi %scan3A_24, %add3A_102 : i32
    %jit3A = arith.constant 32 : i32
    %div3A = arith.divsi %add3A_103, %jit3A : i32
    %sign3A = arith.constant 0 : i32
    %sign3A_104 = arith.cmpi sgt, %add3A_103, %sign3A : i32
    %sign3A_105 = arith.extui %sign3A_104 : i1 to i32
    %sign3A_106 = arith.constant 0 : i32
    %sign3A_107 = arith.cmpi slt, %add3A_103, %sign3A_106 : i32
    %sign3A_108 = arith.extui %sign3A_107 : i1 to i32
    %sign3A_109 = arith.subi %sign3A_105, %sign3A_108 : i32
    %sign3A_110 = arith.constant 0 : i32
    %sign3A_111 = arith.cmpi sgt, %jit3A, %sign3A_110 : i32
    %sign3A_112 = arith.extui %sign3A_111 : i1 to i32
    %sign3A_113 = arith.constant 0 : i32
    %sign3A_114 = arith.cmpi slt, %jit3A, %sign3A_113 : i32
    %sign3A_115 = arith.extui %sign3A_114 : i1 to i32
    %sign3A_116 = arith.subi %sign3A_112, %sign3A_115 : i32
    %ne3A = arith.cmpi ne, %sign3A_109, %sign3A_116 : i32
    %rem3A = arith.remsi %add3A_103, %jit3A : i32
    %ne3A_117 = arith.constant 0 : i32
    %ne3A_118 = arith.cmpi ne, %rem3A, %ne3A_117 : i32
    %and3A = arith.andi %ne3A, %ne3A_118 : i1
    %sub3A = arith.constant 1 : i32
    %sub3A_119 = arith.subi %div3A, %sub3A : i32
    %select_n3A_120 = arith.select %and3A, %sub3A_119, %div3A : i32
    %while3A = arith.constant 0 : i32
    %while3A_121 = arith.constant 0 : i32
    %while3A_122 = arith.subi %select_n3A_120, %while3A_121 : i32
    %while3A_123 = arith.addi %while3A_121, %while3A_122 : i32
    %while3A_124 = arith.constant 1 : i32
    %while3A_125 = arith.divsi %while3A_122, %while3A_124 : i32
    %while3A_126 = arith.muli %while3A_125, %while3A_124 : i32
    %while3A_127 = arith.addi %while3A_121, %while3A_126 : i32
    %while3A_128 = arith.constant 1 : i32
    scf.for %while3A_130 = %while3A_121 to %while3A_127 step %while3A_128  : i32 {
      %mul3A_131 = arith.constant 32 : i32
      %mul3A_132 = arith.muli %while3A_130, %mul3A_131 : i32
      %add3A_133 = arith.constant 0 : i32
      %add3A_134 = arith.addi %mul3A_132, %add3A_133 : i32
      %get3A_135 = arith.index_cast %add3A_134 : i32 to index
      %get3A_136 = tpu.vector_load %arg20[%get3A_135] {strides = array<i32>} : memref<80xi32, #tpu.memory_space<vmem>>, vector<16xi32>,
      %swap3A_137 = arith.constant 0 : index
      %swap3A_138 = tpu.vector_load %arg16[%swap3A_137] {strides = array<i32>} : memref<32xi32, #tpu.memory_space<vmem>>, vector<16xi32>,
      tpu.vector_store %arg16[%swap3A_137], %get3A_136 {strides = array<i32>} : memref<32xi32, #tpu.memory_space<vmem>>, vector<16xi32>,
      %mul3A_139 = arith.constant 32 : i32
      %mul3A_140 = arith.muli %while3A_130, %mul3A_139 : i32
      %add3A_141 = arith.constant 0 : i32
      %add3A_142 = arith.addi %mul3A_140, %add3A_141 : i32
      %get3A_143 = arith.index_cast %add3A_142 : i32 to index
      %get3A_144 = tpu.vector_load %arg19[%get3A_143] {strides = array<i32>} : memref<80xi32, #tpu.memory_space<vmem>>, vector<16xi32>,
      %swap3A_145 = arith.constant 0 : index
      %swap3A_146 = tpu.vector_load %arg17[%swap3A_145] {strides = array<i32>} : memref<32xi32, #tpu.memory_space<vmem>>, vector<16xi32>,
      tpu.vector_store %arg17[%swap3A_145], %get3A_144 {strides = array<i32>} : memref<32xi32, #tpu.memory_space<vmem>>, vector<16xi32>,
      %mul3A_147 = arith.constant 32 : i32
      %mul3A_148 = arith.muli %while3A_130, %mul3A_147 : i32
      %add3A_149 = arith.constant 16 : i32
      %add3A_150 = arith.addi %mul3A_148, %add3A_149 : i32
      %get3A_151 = arith.index_cast %add3A_150 : i32 to index
      %get3A_152 = tpu.vector_load %arg20[%get3A_151] {strides = array<i32>} : memref<80xi32, #tpu.memory_space<vmem>>, vector<16xi32>,
      %swap3A_153 = arith.constant 16 : index
      %swap3A_154 = tpu.vector_load %arg16[%swap3A_153] {strides = array<i32>} : memref<32xi32, #tpu.memory_space<vmem>>, vector<16xi32>,
      tpu.vector_store %arg16[%swap3A_153], %get3A_152 {strides = array<i32>} : memref<32xi32, #tpu.memory_space<vmem>>, vector<16xi32>,
      %mul3A_155 = arith.constant 32 : i32
      %mul3A_156 = arith.muli %while3A_130, %mul3A_155 : i32
      %add3A_157 = arith.constant 16 : i32
      %add3A_158 = arith.addi %mul3A_156, %add3A_157 : i32
      %get3A_159 = arith.index_cast %add3A_158 : i32 to index
      %get3A_160 = tpu.vector_load %arg19[%get3A_159] {strides = array<i32>} : memref<80xi32, #tpu.memory_space<vmem>>, vector<16xi32>,
      %swap3A_161 = arith.constant 16 : index
      %swap3A_162 = tpu.vector_load %arg17[%swap3A_161] {strides = array<i32>} : memref<32xi32, #tpu.memory_space<vmem>>, vector<16xi32>,
      tpu.vector_store %arg17[%swap3A_161], %get3A_160 {strides = array<i32>} : memref<32xi32, #tpu.memory_space<vmem>>, vector<16xi32>,
      %dma_start3A = arith.constant 0 : i32
      %dma_start3A_163 = arith.constant 0 : i32
      %dma_start3A_164 = tpu.memref_slice %arg5[%dma_start3A, %dma_start3A_163] : memref<1024x256xf32, #tpu.memory_space<hbm>> -> memref<1024x256xf32, #tpu.memory_space<hbm>>
      tpu.enqueue_indirect_dma source(%dma_start3A_164 : memref<1024x256xf32, #tpu.memory_space<hbm>>) target(%arg14 : memref<32x256xf32, #tpu.memory_space<vmem>>) offsets(%arg16 : memref<32xi32, #tpu.memory_space<vmem>>) semaphore(%arg22 : memref<!tpu.dma_semaphore, #tpu.memory_space<semaphore_mem>>)
      %dma_wait3A = arith.constant 0 : i32
      %dma_wait3A_165 = arith.constant 0 : i32
      %dma_wait3A_166 = tpu.memref_slice %arg5[%dma_wait3A, %dma_wait3A_165] : memref<1024x256xf32, #tpu.memory_space<hbm>> -> memref<1024x256xf32, #tpu.memory_space<hbm>>
      tpu.wait_indirect_dma semaphore(%arg22 : memref<!tpu.dma_semaphore, #tpu.memory_space<semaphore_mem>>) src(%dma_wait3A_166 : memref<1024x256xf32, #tpu.memory_space<hbm>>) dst(%arg14 : memref<32x256xf32, #tpu.memory_space<vmem>>)
      %dma_start3A_167 = arith.constant 0 : i32
      %dma_start3A_168 = arith.constant 0 : i32
      %dma_start3A_169 = tpu.memref_slice %arg6[%dma_start3A_167, %dma_start3A_168] : memref<100000x256xf32, #tpu.memory_space<hbm>> -> memref<100000x256xf32, #tpu.memory_space<hbm>>
      tpu.enqueue_indirect_dma source(%arg14 : memref<32x256xf32, #tpu.memory_space<vmem>>) target(%dma_start3A_169 : memref<100000x256xf32, #tpu.memory_space<hbm>>) offsets(%arg17 : memref<32xi32, #tpu.memory_space<vmem>>) semaphore(%arg22 : memref<!tpu.dma_semaphore, #tpu.memory_space<semaphore_mem>>)
      %dma_wait3A_170 = arith.constant 0 : i32
      %dma_wait3A_171 = arith.constant 0 : i32
      %dma_wait3A_172 = tpu.memref_slice %arg6[%dma_wait3A_170, %dma_wait3A_171] : memref<100000x256xf32, #tpu.memory_space<hbm>> -> memref<100000x256xf32, #tpu.memory_space<hbm>>
      tpu.wait_indirect_dma semaphore(%arg22 : memref<!tpu.dma_semaphore, #tpu.memory_space<semaphore_mem>>) src(%arg14 : memref<32x256xf32, #tpu.memory_space<vmem>>) dst(%dma_wait3A_172 : memref<100000x256xf32, #tpu.memory_space<hbm>>)
    }
    %while3A_129 = arith.constant 1 : i32
    scf.for %while3A_130 = %while3A_127 to %while3A_123 step %while3A_129  : i32 {
      %mul3A_131 = arith.constant 32 : i32
      %mul3A_132 = arith.muli %while3A_130, %mul3A_131 : i32
      %add3A_133 = arith.constant 0 : i32
      %add3A_134 = arith.addi %mul3A_132, %add3A_133 : i32
      %get3A_135 = arith.index_cast %add3A_134 : i32 to index
      %get3A_136 = tpu.vector_load %arg20[%get3A_135] {strides = array<i32>} : memref<80xi32, #tpu.memory_space<vmem>>, vector<16xi32>,
      %swap3A_137 = arith.constant 0 : index
      %swap3A_138 = tpu.vector_load %arg16[%swap3A_137] {strides = array<i32>} : memref<32xi32, #tpu.memory_space<vmem>>, vector<16xi32>,
      tpu.vector_store %arg16[%swap3A_137], %get3A_136 {strides = array<i32>} : memref<32xi32, #tpu.memory_space<vmem>>, vector<16xi32>,
      %mul3A_139 = arith.constant 32 : i32
      %mul3A_140 = arith.muli %while3A_130, %mul3A_139 : i32
      %add3A_141 = arith.constant 0 : i32
      %add3A_142 = arith.addi %mul3A_140, %add3A_141 : i32
      %get3A_143 = arith.index_cast %add3A_142 : i32 to index
      %get3A_144 = tpu.vector_load %arg19[%get3A_143] {strides = array<i32>} : memref<80xi32, #tpu.memory_space<vmem>>, vector<16xi32>,
      %swap3A_145 = arith.constant 0 : index
      %swap3A_146 = tpu.vector_load %arg17[%swap3A_145] {strides = array<i32>} : memref<32xi32, #tpu.memory_space<vmem>>, vector<16xi32>,
      tpu.vector_store %arg17[%swap3A_145], %get3A_144 {strides = array<i32>} : memref<32xi32, #tpu.memory_space<vmem>>, vector<16xi32>,
      %mul3A_147 = arith.constant 32 : i32
      %mul3A_148 = arith.muli %while3A_130, %mul3A_147 : i32
      %add3A_149 = arith.constant 16 : i32
      %add3A_150 = arith.addi %mul3A_148, %add3A_149 : i32
      %get3A_151 = arith.index_cast %add3A_150 : i32 to index
      %get3A_152 = tpu.vector_load %arg20[%get3A_151] {strides = array<i32>} : memref<80xi32, #tpu.memory_space<vmem>>, vector<16xi32>,
      %swap3A_153 = arith.constant 16 : index
      %swap3A_154 = tpu.vector_load %arg16[%swap3A_153] {strides = array<i32>} : memref<32xi32, #tpu.memory_space<vmem>>, vector<16xi32>,
      tpu.vector_store %arg16[%swap3A_153], %get3A_152 {strides = array<i32>} : memref<32xi32, #tpu.memory_space<vmem>>, vector<16xi32>,
      %mul3A_155 = arith.constant 32 : i32
      %mul3A_156 = arith.muli %while3A_130, %mul3A_155 : i32
      %add3A_157 = arith.constant 16 : i32
      %add3A_158 = arith.addi %mul3A_156, %add3A_157 : i32
      %get3A_159 = arith.index_cast %add3A_158 : i32 to index
      %get3A_160 = tpu.vector_load %arg19[%get3A_159] {strides = array<i32>} : memref<80xi32, #tpu.memory_space<vmem>>, vector<16xi32>,
      %swap3A_161 = arith.constant 16 : index
      %swap3A_162 = tpu.vector_load %arg17[%swap3A_161] {strides = array<i32>} : memref<32xi32, #tpu.memory_space<vmem>>, vector<16xi32>,
      tpu.vector_store %arg17[%swap3A_161], %get3A_160 {strides = array<i32>} : memref<32xi32, #tpu.memory_space<vmem>>, vector<16xi32>,
      %dma_start3A = arith.constant 0 : i32
      %dma_start3A_163 = arith.constant 0 : i32
      %dma_start3A_164 = tpu.memref_slice %arg5[%dma_start3A, %dma_start3A_163] : memref<1024x256xf32, #tpu.memory_space<hbm>> -> memref<1024x256xf32, #tpu.memory_space<hbm>>
      tpu.enqueue_indirect_dma source(%dma_start3A_164 : memref<1024x256xf32, #tpu.memory_space<hbm>>) target(%arg14 : memref<32x256xf32, #tpu.memory_space<vmem>>) offsets(%arg16 : memref<32xi32, #tpu.memory_space<vmem>>) semaphore(%arg22 : memref<!tpu.dma_semaphore, #tpu.memory_space<semaphore_mem>>)
      %dma_wait3A = arith.constant 0 : i32
      %dma_wait3A_165 = arith.constant 0 : i32
      %dma_wait3A_166 = tpu.memref_slice %arg5[%dma_wait3A, %dma_wait3A_165] : memref<1024x256xf32, #tpu.memory_space<hbm>> -> memref<1024x256xf32, #tpu.memory_space<hbm>>
      tpu.wait_indirect_dma semaphore(%arg22 : memref<!tpu.dma_semaphore, #tpu.memory_space<semaphore_mem>>) src(%dma_wait3A_166 : memref<1024x256xf32, #tpu.memory_space<hbm>>) dst(%arg14 : memref<32x256xf32, #tpu.memory_space<vmem>>)
      %dma_start3A_167 = arith.constant 0 : i32
      %dma_start3A_168 = arith.constant 0 : i32
      %dma_start3A_169 = tpu.memref_slice %arg6[%dma_start3A_167, %dma_start3A_168] : memref<100000x256xf32, #tpu.memory_space<hbm>> -> memref<100000x256xf32, #tpu.memory_space<hbm>>
      tpu.enqueue_indirect_dma source(%arg14 : memref<32x256xf32, #tpu.memory_space<vmem>>) target(%dma_start3A_169 : memref<100000x256xf32, #tpu.memory_space<hbm>>) offsets(%arg17 : memref<32xi32, #tpu.memory_space<vmem>>) semaphore(%arg22 : memref<!tpu.dma_semaphore, #tpu.memory_space<semaphore_mem>>)
      %dma_wait3A_170 = arith.constant 0 : i32
      %dma_wait3A_171 = arith.constant 0 : i32
      %dma_wait3A_172 = tpu.memref_slice %arg6[%dma_wait3A_170, %dma_wait3A_171] : memref<100000x256xf32, #tpu.memory_space<hbm>> -> memref<100000x256xf32, #tpu.memory_space<hbm>>
      tpu.wait_indirect_dma semaphore(%arg22 : memref<!tpu.dma_semaphore, #tpu.memory_space<semaphore_mem>>) src(%arg14 : memref<32x256xf32, #tpu.memory_space<vmem>>) dst(%dma_wait3A_172 : memref<100000x256xf32, #tpu.memory_space<hbm>>)
    }
    return
  }
}

</mosaic_0001>

<sc_bundles>
// kernel: kernel.3.cloned.1.call-start
scs
__scs_entry_jumppad:
0x0: {  	(pc) =	sbr.rel $0x88, $3  }
0x1: {  	(tag) =	ssettag $0x0;
	lr =	simm.s32 $0x1  }
0x2: {  	[smem:$0x3F9D] =	sst lr;
	_ =	strace $0xD0000000  }
0x3: {  	_ = 	snop  }
0x4: {  	_ = 	snop  }
0x5: {  	_ = 	snop  }
0x6: {  	_ = 	snop  }
0x7: {  	_ = 	snop  }
__scs_overlays_trampoline_lowered:
0x8: {  	[smem:$0x3FAC] =	sst s0  }
0x9: {  	[smem:$0x3FAD] =	sst s1  }
0xa: {  	[smem:$0x3FAE] =	sst s2  }
0xb: {  	[smem:$0x3FAF] =	sst s3  }
0xc: {  	[smem:$0x3FB0] =	sst s4  }
0xd: {  	[smem:$0x3FB1] =	sst s5  }
0xe: {  	[smem:$0x3FB2] =	sst s6  }
0xf: {  	[smem:$0x3FB3] =	sst s7  }
0x10: {  	[smem:$0x3FB4] =	sst s8  }
0x11: {  	[smem:$0x3FB5] =	sst s9;
	s0 =	simm.s32 @!p0 $0x0  }
0x12: {  	s1 =	sld [smem:$0x3F9B];
	s0 =	simm.s32 @p0 $0x1  }
0x13: {  	[smem:$0x3FB6] =	sst s0;
	s0 =	simm.s32 @!p1 $0x0  }
0x14: {  	s2 =	sld [smem:$0x3F9A];
	s0 =	simm.s32 @p1 $0x1  }
0x15: {  	[smem:$0x3FB7] =	sst s0;
	s0 =	simm.s32 @!p2 $0x0  }
0x16: {  	s3 =	sld [smem:$0x3FDB];
	s0 =	simm.s32 @p2 $0x1  }
0x17: {  	s4 =	simm.s32 $0x1BF5;
	[smem:$0x3FB9] =	sst s0  }
0x18: {  	s0 =	sld [smem:$0x3F9C];
	_ =	swait.ge [sflag:s4], $0x0  }
0x19: {  	s7 =	sld [smem:$0x3F9D]  }
0x1a: {  	s8 =	sadd.s32 $0xFFFFE003, lr  }
0x1b: {  	s9 =	sadd.s32 $0xFFFFFEF7, lr;
	s5 =	simm.s32 $0xFFFFFFFF;
	p2 =	slt.u32 s8, $0xFFFFF086  }
0x1c: {  	p1 =	slt.u32 s9, $0xF7A;
	s5 =	simm.s32 @!p2 $0x0  }
0x1d: {  	s5 =	simm.s32 @p1 $0x1;
	p0 =	seq.s32 s7, s2  }
0x1e: {  	s7 =	smul.u32 @!p0 $0xF7A, s2;
	p2 =	seq.s32 @!p0 s5, $0x0  }
0x1f: {  	s9 =	smul.u32 $0xF7A, s1;
	s8 =	simm.s32 @!p0 $0x1BF5;
	p2 =	por !p2, p0  }
0x20: {  	[sflag:s8] =	ssyncset.s32 @!p0 $0xFFFFF086;
	s6 =	sadd.s32 @!p0 s3, s7;
	s7 =	simm.s32 @!p0 $0x108  }
0x21: {  	s3 =	sadd.s32 s3, s9;
	s6 =	sadd.s32 @!p0 $0x88, s6;
	s7 =	simm.s32 @p2 $0x1082  }
0x22: {  	[simem:s7], [sflag:s8] =	dma.local @!p0 [hbm:s6], $0xF7A  }
0x23: {  	s9 =	sor.u32 $0xD0000000, s2;
	s6 =	simm.s32 $0x108;
	_ =	swait.ge @!p0 [sflag:s8], $0x0  }
0x24: {  	s3 =	sadd.s32 $0x88, s3;
	s6 =	simm.s32 @!p1 $0x1082;
	[sflag:s4] =	ssyncset.s32 $0xFFFFF086  }
0x25: {  	[simem:s6], [sflag:s4] =	dma.local [hbm:s3], $0xF7A  }
0x26: {  	[smem:$0x3F9D] =	sst s1;
	(tag) =	ssettag s2;
	_ =	strace s9  }
0x27: {  	s1 =	sld [smem:$0x3FAD]  }
0x28: {  	s2 =	sld [smem:$0x3FAE]  }
0x29: {  	s4 =	sld [smem:$0x3FB0]  }
0x2a: {  	p0 =	seq.s32 s5, $0x0;
	s5 =	sld [smem:$0x3FB1]  }
0x2b: {  	s6 =	sld [smem:$0x3FB2]  }
0x2c: {  	s7 =	sld [smem:$0x3FB3]  }
0x2d: {  	s3 =	simm.s32 $0x108;
	s8 =	sld [smem:$0x3FB4]  }
0x2e: {  	s3 =	simm.s32 @!p0 $0x1082;
	s9 =	sld [smem:$0x3FB5]  }
0x2f: {  	lr =	sadd.s32 s0, s3;
	s0 =	sld [smem:$0x3FAC]  }
0x30: {  	s3 =	sld [smem:$0x3FAF]  }
0x31: {  	[smem:$0x3FB8] =	sst s10  }
0x32: {  	s10 =	sld [smem:$0x3FB6];
	_ =	sdelay $0x3  }
0x33: {  	p0 =	seq.s32 s10, $0x1;
	s10 =	sld [smem:$0x3FB8];
	_ =	sdelay $0x3  }
0x34: {  	[smem:$0x3FB8] =	sst s10  }
0x35: {  	s10 =	sld [smem:$0x3FB7];
	_ =	sdelay $0x3  }
0x36: {  	p1 =	seq.s32 s10, $0x1;
	s10 =	sld [smem:$0x3FB8];
	_ =	sdelay $0x3  }
0x37: {  	[smem:$0x3FB8] =	sst s10  }
0x38: {  	s10 =	sld [smem:$0x3FB9]  }
0x39: {  	_ = 	snop;
	(pc) =	sbr.ind lr, $3  }
0x3a: {  	_ = 	snop  }
0x3b: {  	_ = 	snop  }
0x3c: {  	p2 =	seq.s32 s10, $0x1;
	s10 =	sld [smem:$0x3FB8]  }
0x3d: {  	_ =	shalt  }
0x3e: {  	_ =	shalt  }
0x3f: {  	_ =	shalt  }
0x40: {  	_ =	shalt  }
0x41: {  	_ =	shalt  }
0x42: {  	_ =	shalt  }
0x43: {  	_ =	shalt  }
0x44: {  	_ =	shalt  }
0x45: {  	_ =	shalt  }
0x46: {  	_ =	shalt  }
0x47: {  	_ =	shalt  }
0x48: {  	_ =	shalt  }
0x49: {  	_ =	shalt  }
0x4a: {  	_ =	shalt  }
0x4b: {  	_ =	shalt  }
0x4c: {  	_ =	shalt  }
0x4d: {  	_ =	shalt  }
0x4e: {  	_ =	shalt  }
0x4f: {  	_ =	shalt  }
0x50: {  	_ =	shalt  }
0x51: {  	_ =	shalt  }
0x52: {  	_ =	shalt  }
0x53: {  	_ =	shalt  }
0x54: {  	_ =	shalt  }
0x55: {  	_ =	shalt  }
0x56: {  	_ =	shalt  }
0x57: {  	_ =	shalt  }
0x58: {  	_ =	shalt  }
0x59: {  	_ =	shalt  }
0x5a: {  	_ =	shalt  }
0x5b: {  	_ =	shalt  }
0x5c: {  	_ =	shalt  }
0x5d: {  	_ =	shalt  }
0x5e: {  	_ =	shalt  }
0x5f: {  	_ =	shalt  }
0x60: {  	_ =	shalt  }
0x61: {  	_ =	shalt  }
0x62: {  	_ =	shalt  }
0x63: {  	_ =	shalt  }
0x64: {  	_ =	shalt  }
0x65: {  	_ =	shalt  }
0x66: {  	_ =	shalt  }
0x67: {  	_ =	shalt  }
0x68: {  	_ =	shalt  }
0x69: {  	_ =	shalt  }
0x6a: {  	_ =	shalt  }
0x6b: {  	_ =	shalt  }
0x6c: {  	_ =	shalt  }
0x6d: {  	_ =	shalt  }
0x6e: {  	_ =	shalt  }
0x6f: {  	_ =	shalt  }
0x70: {  	_ =	shalt  }
0x71: {  	_ =	shalt  }
0x72: {  	_ =	shalt  }
0x73: {  	_ =	shalt  }
0x74: {  	_ =	shalt  }
0x75: {  	_ =	shalt  }
0x76: {  	_ =	shalt  }
0x77: {  	_ =	shalt  }
0x78: {  	_ =	shalt  }
0x79: {  	_ =	shalt  }
0x7a: {  	_ =	shalt  }
0x7b: {  	_ =	shalt  }
0x7c: {  	_ =	shalt  }
0x7d: {  	_ =	shalt  }
0x7e: {  	_ =	shalt  }
0x7f: {  	_ =	shalt  }
0x80: {  	_ =	shalt  }
0x81: {  	_ =	shalt  }
0x82: {  	_ =	shalt  }
0x83: {  	_ =	shalt  }
0x84: {  	_ =	shalt  }
0x85: {  	_ =	shalt  }
0x86: {  	_ =	shalt  }
0x87: {  	_ =	shalt  }
.Lfunc_end0:
.L_simem_size_0:
called_computation_lowered:
.L_overlay_start_0:
0x88: {  	s2 =	sld [smem:$0x3FD9]  }
0x89: {  	s3 =	sld [smem:$0x3FFE];
	_ =	sdelay $0x1  }
0x8a: {  	s1 =	srdreg.scid  }
0x8b: {  	s0 =	sand.u32 $0x1, s1  }
0x8c: {  	s18 =	sshll.u32 s0, $0xA;
	s2 =	sadd.s32 s3, s2  }
0x8d: {  	s2 =	sadd.s32 s2, s18  }
0x8e: {  	[smem:$0x3FC4] =	sst s2  }
0x8f: {  	_ = 	snop  }
0x90: {  	s2 =	sld [smem:$0x3FC9]  }
0x91: {  	s19 =	sld [smem:$0x3FC8]  }
0x92: {  	s4 =	sld [smem:$0x3FC7]  }
0x93: {  	s5 =	sld [smem:$0x3FC6]  }
0x94: {  	s6 =	sld [smem:$0x3FD0];
	(tm) =	ssettm $0x1  }
0x95: {  	s7 =	sld [smem:$0x3FFB];
	_ =	sdelay $0x3  }
0x96: {  	_ =	strace s7  }
0x97: {  	s7 =	sld [smem:$0x3FFC];
	_ =	sdelay $0x3  }
0x98: {  	_ =	strace s7  }
0x99: {  	s7 =	sld [smem:$0x3FFD];
	_ =	sdelay $0x3  }
0x9a: {  	_ =	strace s7  }
0x9b: {  	_ =	strace $0x8FFFFFFF  }
0x9c: {  	s20 =	sld [smem:$0x3FDB];
	_ =	sdelay $0x1  }
0x9d: {  	s8 =	simm.s32 $_scs_section_size  }
0x9e: {  	s9 =	simm.s32 $_size__tile_overlayer_lowered;
	s10 =	simm.s32 $_tile_overlayer_lowered  }
0x9f: {  	s23 =	simm.s32 $0x1BFF;
	s22 =	sshll.u32 s10, $0x1;
	s7 =	sadd.s32 s8, s20  }
0xa0: {  	s11 =	simm.s32 $0x0;
	s21 =	sshll.u32 s9, $0x1;
	s9 =	sadd.s32 s22, s7  }
0xa1: {  	[timem:s11], [sflag:s23] =	dma.local [hbm:s9], s21  }
0xa2: {  	_ =	swait.ge [sflag:s23], s21  }
0xa3: {  	s8 =	ssub.s32 $0x0, s21;
	[sflag:s23] =	ssyncset.done $0x0  }
0xa4: {  	[sflag:s23] =	ssyncadd.s32 s8;
	_ =	sdelay $0x1  }
0xa5: {  	s24 =	simm.s32 $0x1B8B  }
0xa6: {  	_ =	swait.ge [sflag:s24], $0x1  }
0xa7: {  	[sflag:s24] =	ssyncset.done $0x0  }
0xa8: {  	s25 =	simm.s32 $0x1B8E;
	[sflag:s24] =	ssyncadd.s32 $0xFFFFFFFF  }
0xa9: {  	s26 =	simm.s32 $execute0_lowered;
	[smem:$0x3FD2] =	sst s25  }
0xaa: {  	s8 =	sshll.u32 s26, $0x1;
	_ =	strace $0x80000046;
	[dreg:$0x1] =	wrdreg $0xFFFFFFFF  }
0xab: {  	s28 =	simm.s32 $_size_execute0_lowered;
	s7 =	sadd.s32 s7, s8;
	[dreg:$0x0] =	wrdreg $0x0  }
0xac: {  	s8 =	sshll.u32 s28, $0x1;
	[dreg:$0x2] =	wrdreg s7  }
0xad: {  	[dreg:$0x3] =	wrdreg s8  }
0xae: {  	[dreg:$0x4] =	wrdreg $0xC0  }
0xaf: {  	_ =	task [dreg:s11], $0x5FFFF  }
0xb0: {  	[dreg:$0x1] =	wrdreg $0xFFFFFFFF  }
0xb1: {  	[dreg:$0x0] =	wrdreg $0x60  }
0xb2: {  	[dreg:$0x2] =	wrdreg s2  }
0xb3: {  	[dreg:$0x3] =	wrdreg s19  }
0xb4: {  	[dreg:$0x4] =	wrdreg s4  }
0xb5: {  	[dreg:$0x5] =	wrdreg s5  }
0xb6: {  	[dreg:$0x6] =	wrdreg s6  }
0xb7: {  	[dreg:$0x7] =	wrdreg $0x1E5000  }
0xb8: {  	[dreg:$0x8] =	wrdreg $0x9  }
0xb9: {  	_ =	task.clear_ibuf [dreg:s11], $0x9FFFF;
	_ =	strace $0x90000046  }
0xba: {  	s29 =	simm.s32 $0x9;
	_ =	strace $0x80000048  }
0xbb: {  	_ =	swait.ge [sflag:s29], $0x1  }
0xbc: {  	[sflag:s29] =	ssyncadd.s32 $0xFFFFFFFF  }
0xbd: {  	_ =	strace $0x90000048  }
0xbe: {  	_ =	sfence  }
0xbf: {  	s30 =	sld [smem:$0x0];
	_ =	sdelay $0x2  }
0xc0: {  	s31 =	sshll.u32 s1, $0xD;
	s1 =	sshrl.u32 s1, $0x2  }
0xc1: {  	s3 =	sand.u32 $0x4000, s31;
	s1 =	sadd.s32 s1, s30  }
0xc2: {  	s0 =	sor.u32 s3, s0;
	s1 =	sshll.u32 s1, $0x11  }
0xc3: {  	s0 =	sor.u32 s1, s0  }
0xc4: {  	s0 =	sadd.s32 $0x8F2B, s0  }
0xc5: {  	[sflag:s0] =	ssyncadd.remote.s32 $0x1  }
0xc6: {  	_ =	sfence.sel $0xFFFF  }
0xc7: {  	[dreg:$0x0] =	wrdreg $0xFFFFFFFF;
	(pc) =	sbr.abs _section_cstart, $3  }
0xc8: {  	[dreg:$0x1] =	wrdreg $0xFFFFFFFF  }
0xc9: {  	_ =	task.clear_ibuf [dreg:s11], $0x2FFFF;
	_ =	strace $0x9FFFFFFF  }
0xca: {  	(tm) =	ssettm $0x7FFFFFFF  }
0xcb: {  	_ =	shalt  }
tec
execute0_lowered:
.L_overlay_start_1:
0x0: {  	(tag) =	ssettag $0x1  }
0x1: {  	s0 =	rddreg [dreg:$0x0]  }
0x2: {  	s28 =	rddreg [dreg:$0x1];
	s1 =	srdreg.scid  }
0x3: {  	s18 =	rddreg [dreg:$0x2];
	s2 =	sand.u32 $0x1, s1  }
0x4: {  	s1 =	stileid.u32;
	s3 =	smul.u32 $0xC350, s2  }
0x5: {  	s5 =	rddreg [dreg:$0x3];
	s8 =	simm.s32 $0x0;
	v0 =	vlaneseq.u32;
	s4 =	smul.u32 $0xD00, s1  }
0x6: {  	[smem:$0x7FF] =	sst s8;
	v9 =	vor.u32 $0x80000010, v0;
	v11 =	vor.u32 $0x800000F0, v0;
	s9 =	smul.u32 $0xC35000, s2  }
0x7: {  	s6 =	rddreg [dreg:$0x4];
	v10 =	vor.u32 $0x80000000, v0;
	_ =	strace $0x80000047;
	s14 =	smul.u32 $0x186A00, s2;
	[tilespmem:$0x1FEA0] =	vst v9  }
0x8: {  	s29 =	simm.s32 $0x1;
	s31 =	simm.s32 $0x1AA80;
	v12 =	vor.u32 $0x800000E0, v0;
	s16 =	smul.u32 $0x1A000, s1;
	[tilespmem:$0x1FEB0] =	vst v10  }
0x9: {  	v13 =	vor.u32 $0x800000D0, v0;
	s2 =	ssub.s32 $0x2, s2;
	s30 =	sshll.u32 s1, $0x6;
	s21 =	smul.u32 $0xD0000, s1;
	[tilespmem:$0x1FEC0] =	vst v11  }
0xa: {  	v14 =	vor.u32 $0x800000C0, v0;
	p0 =	sne.s32 s1, $0x0;
	p1 =	sne.s32 s1, $0xF;
	[tilespmem:$0x1FED0] =	vst v12;
	s17 =	sshrl.u32 s2, $0x1  }
0xb: {  	v15 =	vor.u32 $0x800000B0, v0;
	v16 =	vor.u32 $0x800000A0, v0;
	[tilespmem:$0x1FEE0] =	vst v13;
	s4 =	sadd.s32 s3, s4;
	s11 =	sshrl.u32 s9, $0x3;
	s2 =	ssub.s32 s2, s17  }
0xc: {  	v17 =	vor.u32 $0x80000090, v0;
	[tilespmem:$0x1FEF0] =	vst v14;
	s20 =	sadd.s32 s14, s6;
	s7 =	sshll.u32 s4, $0x5;
	s4 =	sadd.s32 $0xFFFFFFC0, s4  }
0xd: {  	[tilespmem:$0x1FF00] =	vst v15;
	s12 =	sadd.s32 $0x186800, s11;
	s15 =	sadd.s32 $0x186000, s11;
	s2 =	smax.u32 s2, $0x1  }
0xe: {  	[tilespmem:$0x1FF10] =	vst v16;
	s23 =	sadd.s32 $0x186400, s11;
	s20 =	sadd.s32 s16, s20;
	s11 =	simm.s32 $0x1C280  }
0xf: {  	v18 =	vor.u32 $0x80000080, v0;
	[tilespmem:$0x1FF20] =	vst v17;
	s16 =	simm.s32 $0x2;
	s25 =	sadd.s32 s0, s12;
	[dreg:$0xb] =	wrdreg s2  }
0x10: {  	v19 =	vor.u32 $0x80000070, v0;
	[tilespmem:$0x1FF30] =	vst v18;
	s7 =	sadd.s32 $0xFFFE6000, s7;
	s26 =	sadd.s32 s6, s12;
	[dreg:$0x9] =	wrdreg s25  }
0x11: {  	v20 =	vor.u32 $0x80000060, v0;
	v21 =	vor.u32 $0x80000050, v0;
	[tilespmem:$0x1FF40] =	vst v19;
	s13 =	sshll.u32 s4, $0x8;
	s19 =	sadd.s32 s0, s15;
	[dreg:$0xa] =	wrdreg s26  }
0x12: {  	v22 =	vor.u32 $0x80000040, v0;
	v23 =	vor.u32 $0x80000030, v0;
	[tilespmem:$0x1FF50] =	vst v20;
	s4 =	sshll.u32 s4, $0x5;
	s22 =	sadd.s32 s6, s15;
	[dreg:$0xe] =	wrdreg s19  }
0x13: {  	v46 =	vor.u32 $0x80000020, v0;
	v25 =	vor.u32 $0x10, v0;
	[tilespmem:$0x1FF60] =	vst v21;
	s24 =	sadd.s32 s0, s23;
	s10 =	sand.u32 $0x1FFFFE00, s7;
	[dreg:$0xf] =	wrdreg s22  }
0x14: {  	v56 =	vor.u32 $0x20, v0;
	v47 =	vor.u32 $0x30, v0;
	v32 =	vor.u32 $0x40, v0;
	[tilespmem:$0x1FF70] =	vst v22;
	s13 =	sadd.s32 $0x2000, s13;
	s7 =	sadd.s32 s0, s7;
	[dreg:$0x10] =	wrdreg s24  }
0x15: {  	v54 =	vor.u32 $0x50, v0;
	v49 =	vor.u32 $0x60, v0;
	v55 =	vor.u32 $0x70, v0;
	[tilespmem:$0x1FF80] =	vst v23;
	s25 =	sadd.s32 s6, s23;
	s26 =	sadd.s32 s21, s9;
	s24 =	simm.s32 $0x1A280  }
0x16: {  	v29 =	vor.u32 $0x80, v0;
	v53 =	vor.u32 $0x90, v0;
	v43 =	vor.u32 $0xA0, v0;
	[tilespmem:$0x1FF90] =	vst v46;
	s9 =	simm.s32 $0x1BA80;
	s10 =	sadd.s32 s0, s10;
	[dreg:$0x8] =	wrdreg s7  }
0x17: {  	v28 =	vor.u32 $0xB0, v0;
	v50 =	vor.u32 $0xC0, v0;
	v30 =	vor.u32 $0xD0, v0;
	[tilespmem:$0x1FFA0] =	vst v25;
	s12 =	sshrl.u32 s13, $0x3;
	s13 =	sadd.s32 s6, s4;
	[dreg:$0x11] =	wrdreg s25  }
.Ltmp0:
0x18: {  	v35 =	vor.u32 $0xE0, v0;
	v45 =	vor.u32 $0xF0, v0;
	v48 =	vor.u32 $0x100, v0;
	[tilespmem:$0x1FFB0] =	vst v54;
	s2 =	sadd.s32 $0xFFF32000, s26;
	s25 =	simm.s32 $0x6;
	(pc) =	sbr.rel .LBB2_1-.Ltmp0, $4  }
0x19: {  	v34 =	vor.u32 $0x110, v0;
	v51 =	vor.u32 $0x120, v0;
	v36 =	vor.u32 $0x130, v0;
	[tilespmem:$0x1FFC0] =	vst v43;
	s4 =	simm.s32 $0x1B280;
	s10 =	sadd.s32 $0x400, s10;
	[dreg:$0xc] =	wrdreg s13  }
0x1a: {  	v41 =	vor.u32 $0x140, v0;
	v44 =	vor.u32 $0x150, v0;
	v26 =	vor.u32 $0x160, v0;
	[tilespmem:$0x1FFD0] =	vst v48;
	s17 =	sadd.s32 s6, s12;
	[dreg:$0x12] =	wrdreg s2;
	s12 =	simm.s32 $0x4  }
0x1b: {  	v42 =	vor.u32 $0x170, v0;
	v40 =	vor.u32 $0x180, v0;
	v31 =	vor.u32 $0x190, v0;
	[tilespmem:$0x1FFE0] =	vst v47;
	s13 =	simm.s32 $0x5;
	s2 =	simm.s32 $0x0;
	[dreg:$0x7] =	wrdreg s10  }
0x1c: {  	v27 =	vor.u32 $0x1A0, v0;
	v33 =	vor.u32 $0x1B0, v0;
	v24 =	vor.u32 $0x1C0, v0;
	[tilespmem:$0x1FFF0] =	vst v55;
	s10 =	sadd.s32 $0xC350, s3;
	[dreg:$0xd] =	wrdreg s17;
	s17 =	simm.s32 $0x3  }
.LBB2_29:
0x1d: {  	s2 =	rddreg [dreg:$0x13]  }
0x1e: {  	s1 =	rddreg [dreg:$0xb];
	s2 =	sadd.s32 $0x1, s2  }
0x1f: {  	p2 =	sne.s32 s2, s1  }
.Ltmp1:
0x20: {  	v9 =	vld [tilespmem:$0x1FEA0];
	(pc) =	sbr.rel @!p2 .LBB2_30-.Ltmp1, $4  }
0x21: {  	v54 =	vld [tilespmem:$0x1FFB0]  }
0x22: {  	v55 =	vld [tilespmem:$0x1FFF0]  }
0x23: {  	v43 =	vld [tilespmem:$0x1FFC0]  }
0x24: {  	s18 =	rddreg [dreg:$0x2];
	v48 =	vld [tilespmem:$0x1FFD0]  }
.LBB2_1:
.Ltmp2:
0x25: {  	(pc) =	sbr.rel @!p0 .LBB2_2-.Ltmp2, $2  }
0x26: {  	_ =	sdelay $0x2  }
0x27: {  	[dreg:$0x13] =	wrdreg s2  }
0x28: {  	s1 =	rddreg [dreg:$0x8]  }
0x29: {  	[tilespmem:s24], [sflag:$0x4] =	stream.linear.gather [hbm4b:s1+s8], $0x2000, $0x38;
	[tilespmem:$0x1E540] =	vst v63  }
0x2a: {  	s21 =	rddreg [dreg:$0x7]  }
0x2b: {  	[tilespmem:s11], [sflag:$0x5] =	stream.linear.gather [hbm4b:s21+s8], $0x2000, $0x38;
	[tilespmem:$0x1E540] =	vst v63  }
0x2c: {  	_ =	swait.ge [sflag:s12], $0x2000  }
0x2d: {  	[sflag:s12] =	ssyncset.done $0x0  }
0x2e: {  	s22 =	sadd.s32 $0xFFFE6000, s20;
	[sflag:s12] =	ssyncadd.s32 $0xFFFFE000  }
0x2f: {  	[hbm4b:s22+s8] =	stream.linear.scatter [tilespmem:s24], [sflag:$0x2], $0x2000, $0x38;
	[tilespmem:$0x1E540] =	vst v63  }
0x30: {  	_ =	swait.ge [sflag:s13], $0x2000  }
0x31: {  	s2 =	rddreg [dreg:$0x12]  }
0x32: {  	[sflag:s13] =	ssyncset.done $0x0;
	s23 =	sshrl.u32 s2, $0x3  }
0x33: {  	[sflag:s13] =	ssyncadd.s32 $0xFFFFE000;
	s1 =	sadd.s32 s6, s23  }
0x34: {  	[hbm4b:s1+s8] =	stream.linear.scatter [tilespmem:s11], [sflag:$0x3], $0x2000, $0x38;
	[tilespmem:$0x1E540] =	vst v63  }
0x35: {  	s26 =	sadd.s32 $0x2000, s2;
	_ =	swait.ge [sflag:s16], $0x2000  }
0x36: {  	s1 =	sshrl.u32 s26, $0x3;
	[sflag:s16] =	ssyncset.done $0x0  }
0x37: {  	s1 =	sadd.s32 s0, s1;
	[sflag:s16] =	ssyncadd.s32 $0xFFFFE000  }
0x38: {  	[tilespmem:s24], [sflag:$0x4] =	stream.linear.gather [hbm4b:s1+s8], $0x2000, $0x38;
	[tilespmem:$0x1E540] =	vst v63  }
0x39: {  	s1 =	sadd.s32 $0x4000, s2;
	_ =	swait.ge [sflag:s17], $0x2000  }
0x3a: {  	s7 =	sshrl.u32 s1, $0x3;
	[sflag:s17] =	ssyncset.done $0x0  }
0x3b: {  	s2 =	simm.s32 $0xFFFE6800;
	s7 =	sadd.s32 s0, s7;
	[sflag:s17] =	ssyncadd.s32 $0xFFFFE000  }
.LBB2_20:
0x3c: {  	[tilespmem:s11], [sflag:$0x5] =	stream.linear.gather [hbm4b:s7+s8], $0x2000, $0x38;
	[tilespmem:$0x1E540] =	vst v63  }
0x3d: {  	s7 =	smov.u32 s2  }
0x3e: {  	p2 =	sne.s32 s2, $0xFFFFF000;
	s2 =	sadd.s32 $0x800, s2;
	_ =	swait.ge [sflag:s12], $0x2000  }
0x3f: {  	[sflag:s12] =	ssyncset.done $0x0  }
0x40: {  	s7 =	sadd.s32 s7, s20;
	[sflag:s12] =	ssyncadd.s32 $0xFFFFE000  }
0x41: {  	[hbm4b:s7+s8] =	stream.linear.scatter [tilespmem:s24], [sflag:$0x2], $0x2000, $0x38;
	[tilespmem:$0x1E540] =	vst v63  }
0x42: {  	_ =	swait.ge [sflag:s13], $0x2000  }
0x43: {  	s7 =	sshrl.u32 s1, $0x3;
	[sflag:s13] =	ssyncset.done $0x0  }
0x44: {  	s7 =	sadd.s32 s6, s7;
	[sflag:s13] =	ssyncadd.s32 $0xFFFFE000  }
0x45: {  	[hbm4b:s7+s8] =	stream.linear.scatter [tilespmem:s11], [sflag:$0x3], $0x2000, $0x38;
	[tilespmem:$0x1E540] =	vst v63  }
0x46: {  	s7 =	sadd.s32 $0x2000, s1;
	_ =	swait.ge [sflag:s16], $0x2000  }
0x47: {  	s7 =	sshrl.u32 s7, $0x3;
	[sflag:s16] =	ssyncset.done $0x0  }
.Ltmp3:
0x48: {  	s7 =	sadd.s32 s0, s7;
	[sflag:s16] =	ssyncadd.s32 $0xFFFFE000;
	(pc) =	sbr.rel @p2 .LBB2_20-.Ltmp3, $4  }
0x49: {  	[tilespmem:s24], [sflag:$0x4] =	stream.linear.gather [hbm4b:s7+s8], $0x2000, $0x38;
	[tilespmem:$0x1E540] =	vst v63  }
0x4a: {  	s1 =	sadd.s32 $0x4000, s1;
	_ =	swait.ge [sflag:s17], $0x2000  }
0x4b: {  	s7 =	sshrl.u32 s1, $0x3;
	[sflag:s17] =	ssyncset.done $0x0  }
0x4c: {  	s7 =	sadd.s32 s0, s7;
	[sflag:s17] =	ssyncadd.s32 $0xFFFFE000  }
0x4d: {  	[tilespmem:s11], [sflag:$0x5] =	stream.linear.gather [hbm4b:s7+s8], $0x2000, $0x38;
	[tilespmem:$0x1E540] =	vst v63  }
0x4e: {  	_ =	swait.ge [sflag:s12], $0x2000  }
0x4f: {  	[sflag:s12] =	ssyncset.done $0x0  }
0x50: {  	s1 =	rddreg [dreg:$0xc];
	[sflag:s12] =	ssyncadd.s32 $0xFFFFE000  }
0x51: {  	[hbm4b:s1+s8] =	stream.linear.scatter [tilespmem:s24], [sflag:$0x2], $0x2000, $0x38;
	[tilespmem:$0x1E540] =	vst v63  }
0x52: {  	_ =	swait.ge [sflag:s13], $0x2000  }
0x53: {  	[sflag:s13] =	ssyncset.done $0x0  }
0x54: {  	s26 =	rddreg [dreg:$0xd];
	[sflag:s13] =	ssyncadd.s32 $0xFFFFE000  }
0x55: {  	[hbm4b:s26+s8] =	stream.linear.scatter [tilespmem:s11], [sflag:$0x3], $0x2000, $0x38;
	[tilespmem:$0x1E540] =	vst v63  }
0x56: {  	_ =	swait.ge [sflag:s16], $0x2000  }
0x57: {  	[sflag:s16] =	ssyncset.done $0x0  }
0x58: {  	[sflag:s16] =	ssyncadd.s32 $0xFFFFE000  }
0x59: {  	_ =	swait.ge [sflag:s17], $0x2000  }
0x5a: {  	s2 =	simm.s32 @!p1 $0x1A280;
	[sflag:s17] =	ssyncset.done $0x0  }
0x5b: {  	s1 =	simm.s32 @!p1 $0x0;
	s7 =	rddreg [dreg:$0xe];
	[sflag:s17] =	ssyncadd.s32 $0xFFFFE000  }
0x5c: {  	[tilespmem:s2], [sflag:$0x6] =	stream.linear.gather @!p1 [hbm4b:s7+s1], $0x2000, $0x38;
	[tilespmem:$0x1E540] =	vst v63  }
0x5d: {  	s7 =	simm.s32 @!p1 $0x6  }
0x5e: {  	_ =	swait.ge @!p1 [sflag:s7], $0x2000  }
0x5f: {  	[sflag:s7] =	ssyncset.done @!p1 $0x0  }
0x60: {  	s14 =	rddreg [dreg:$0xf];
	[sflag:s7] =	ssyncadd.s32 @!p1 $0xFFFFE000  }
0x61: {  	[hbm4b:s14+s1] =	stream.linear.scatter @!p1 [tilespmem:s2], [sflag:$0x6], $0x2000, $0x38;
	[tilespmem:$0x1E540] =	vst v63  }
0x62: {  	_ =	swait.ge @!p1 [sflag:s7], $0x2000  }
0x63: {  	[sflag:s7] =	ssyncset.done @!p1 $0x0  }
0x64: {  	s14 =	rddreg [dreg:$0x10];
	[sflag:s7] =	ssyncadd.s32 @!p1 $0xFFFFE000  }
0x65: {  	[tilespmem:s2], [sflag:$0x6] =	stream.linear.gather @!p1 [hbm4b:s14+s1], $0x2000, $0x38;
	[tilespmem:$0x1E540] =	vst v63  }
0x66: {  	_ =	swait.ge @!p1 [sflag:s7], $0x2000  }
0x67: {  	[sflag:s7] =	ssyncset.done @!p1 $0x0  }
0x68: {  	s14 =	rddreg [dreg:$0x11];
	[sflag:s7] =	ssyncadd.s32 @!p1 $0xFFFFE000  }
0x69: {  	[hbm4b:s14+s1] =	stream.linear.scatter @!p1 [tilespmem:s2], [sflag:$0x6], $0x2000, $0x38;
	[tilespmem:$0x1E540] =	vst v63  }
0x6a: {  	_ =	swait.ge @!p1 [sflag:s7], $0x2000  }
0x6b: {  	[sflag:s7] =	ssyncset.done @!p1 $0x0  }
0x6c: {  	s14 =	rddreg [dreg:$0x9];
	[sflag:s7] =	ssyncadd.s32 @!p1 $0xFFFFE000  }
0x6d: {  	[tilespmem:s2], [sflag:$0x6] =	stream.linear.gather @!p1 [hbm4b:s14+s1], $0x1000, $0x38;
	[tilespmem:$0x1E540] =	vst v63  }
0x6e: {  	_ =	swait.ge @!p1 [sflag:s7], $0x1000  }
0x6f: {  	[sflag:s7] =	ssyncset.done @!p1 $0x0  }
0x70: {  	s14 =	rddreg [dreg:$0xa];
	[sflag:s7] =	ssyncadd.s32 @!p1 $0xFFFFF000  }
0x71: {  	[hbm4b:s14+s1] =	stream.linear.scatter @!p1 [tilespmem:s2], [sflag:$0x6], $0x1000, $0x38;
	[tilespmem:$0x1E540] =	vst v63  }
.Ltmp4:
0x72: {  	_ = 	snop;
	(pc) =	sbr.rel .LBB2_22-.Ltmp4, $4  }
0x73: {  	_ =	swait.ge @!p1 [sflag:s7], $0x1000  }
0x74: {  	[sflag:s7] =	ssyncset.done @!p1 $0x0  }
0x75: {  	[sflag:s7] =	ssyncadd.s32 @!p1 $0xFFFFF000  }
0x76: {  	s2 =	simm.s32 $0x18E80;
	s1 =	rddreg [dreg:$0x5]  }
.LBB2_2:
0x77: {  	s7 =	simm.s32 $0x0;
	s14 =	simm.s32 $0x0;
	s15 =	simm.s32 $0x0  }
.LBB2_3:
0x78: {  	s1 =	sshll.u32 s15, $0xA  }
0x79: {  	s1 =	sadd.s32 s5, s1  }
0x7a: {  	[tilespmem:s24], [sflag:$0x6] =	stream.linear.gather [hbm4b:s1+s7], $0x2000, $0x38;
	[tilespmem:$0x1E540] =	vst v63  }
0x7b: {  	_ =	swait.ge [sflag:s25], $0x2000  }
0x7c: {  	s19 =	sand.u32 $0x1800, s7;
	s2 =	sand.u32 $0x380, s7;
	[sflag:s25] =	ssyncset.done $0x0  }
0x7d: {  	s1 =	sor.u32 s2, s19;
	[sflag:s25] =	ssyncadd.s32 $0xFFFFE000  }
0x7e: {  	s2 =	sadd.s32 $0x1A280, s1;
	v1 =	vld [tilespmem:s1+$0x1A280]  }
0x7f: {  	v2 =	vld [tilespmem:s2+$0x10];
	_ =	sdelay $0x1  }
0x80: {  	v3 =	vld [tilespmem:s2+$0x20];
	_ =	sdelay $0x1  }
0x81: {  	v4 =	vld [tilespmem:s2+$0x30]  }
0x82: {  	v1 =	vmul.f32 v1, v1;
	v2 =	vmul.f32 v2, v2  }
0x83: {  	v5 =	vld [tilespmem:s2+$0x40]  }
0x84: {  	v1 =	vadd.f32 v2, v1;
	v2 =	vmul.f32 v3, v3  }
0x85: {  	v3 =	vld [tilespmem:s2+$0x50]  }
0x86: {  	v1 =	vadd.f32 v2, v1;
	v2 =	vmul.f32 v4, v4  }
0x87: {  	v57 =	vld [tilespmem:s2+$0x60]  }
0x88: {  	v1 =	vadd.f32 v2, v1;
	v2 =	vmul.f32 v5, v5  }
0x89: {  	v58 =	vld [tilespmem:s2+$0x70]  }
0x8a: {  	v1 =	vadd.f32 v2, v1;
	v2 =	vmul.f32 v3, v3  }
0x8b: {  	v3 =	vld [tilespmem:s2+$0x400]  }
0x8c: {  	v1 =	vadd.f32 v2, v1;
	v2 =	vmul.f32 v57, v57  }
0x8d: {  	v59 =	vld [tilespmem:s2+$0x410]  }
0x8e: {  	v1 =	vadd.f32 v2, v1;
	v2 =	vmul.f32 v58, v58  }
0x8f: {  	v60 =	vld [tilespmem:s2+$0x420]  }
0x90: {  	v1 =	vadd.f32 v2, v1;
	v2 =	vmul.f32 v3, v3  }
0x91: {  	v3 =	vld [tilespmem:s2+$0x430]  }
0x92: {  	v1 =	vadd.f32 v2, v1;
	v2 =	vmul.f32 v59, v59  }
0x93: {  	v61 =	vld [tilespmem:s2+$0x440]  }
0x94: {  	v1 =	vadd.f32 v2, v1;
	v2 =	vmul.f32 v60, v60  }
0x95: {  	v62 =	vld [tilespmem:s2+$0x450]  }
0x96: {  	v1 =	vadd.f32 v2, v1;
	v2 =	vmul.f32 v3, v3  }
0x97: {  	v3 =	vld [tilespmem:s2+$0x460]  }
0x98: {  	v1 =	vadd.f32 v2, v1;
	v2 =	vmul.f32 v61, v61  }
0x99: {  	v63 =	vld [tilespmem:s2+$0x470]  }
0x9a: {  	v1 =	vadd.f32 v2, v1;
	v2 =	vmul.f32 v62, v62;
	_ =	sdelay $0x1  }
0x9b: {  	v1 =	vadd.f32 v2, v1;
	v2 =	vmul.f32 v3, v3;
	_ =	sdelay $0x1  }
0x9c: {  	v1 =	vadd.f32 v2, v1;
	v2 =	vmul.f32 v63, v63;
	_ =	sdelay $0x1  }
0x9d: {  	v1 =	vadd.f32 v2, v1;
	_ =	sdelay $0x1  }
0x9e: {  	s21 =	sadd.s32 $0x0, s14;
	s23 =	sand.u32 $0xF, s7;
	(xrf2) =	vadd.scan.msk.f32 $0xffff, v1  }
0x9f: {  	p2 =	seq.s32 s21, $0x0;
	p3 =	sne.s32 s23, $0x0  }
0xa0: {  	p2 =	por !p2, !p3  }
0xa1: {  	p2 =	por !p2, !p2;
	s2 =	simm.s32 $0xFFFFFFFF  }
0xa2: {  	s2 =	simm.s32 @!p2 $0x0  }
0xa3: {  	s2 =	sshll.u32 s2, $0x4  }
0xa4: {  	s19 =	sadd.s32 s2, s21  }
0xa5: {  	s22 =	sand.u32 $0xFFFFFFF0, s19  }
0xa6: {  	s2 =	sadd.s32 s2, s14;
	v1 =	vld [tilespmem:s22+$0x18A80]  }
0xa7: {  	s2 =	sand.u32 $0xFFFFFFF0, s2  }
0xa8: {  	s1 =	ssub.s32 s21, s2;
	v2, _, _ =	vpop (xrf2)  }
0xa9: {  	s26 =	simm.s32 $0x80;
	v3 =	vmov s1;
	v2 =	vbroadcast v2, $0xF  }
0xaa: {  	s26 =	sand.u32 $0x380, s26;
	s19 =	smov.u32 s14;
	s2 =	simm.s32 $0x100;
	vm0 =	veq.s32 v3, v0  }
0xab: {  	s21 =	simm.s32 $0x100;
	s23 =	sand.u32 $0x1800, s2;
	s1 =	simm.s32 $0x0;
	v1 =	vsel vm0, v2, v1  }
.LBB2_4:
0xac: {  	p2 =	sne.s32 s21, $0xF80;
	s23 =	sor.u32 s26, s23;
	[tilespmem:s22+$0x18A80] =	vst v1  }
0xad: {  	s22 =	sadd.s32 $0x1A280, s23;
	v1 =	vld [tilespmem:s23+$0x1A280]  }
0xae: {  	v2 =	vld [tilespmem:s22+$0x10];
	_ =	sdelay $0x1  }
0xaf: {  	v3 =	vld [tilespmem:s22+$0x20];
	_ =	sdelay $0x1  }
0xb0: {  	v4 =	vld [tilespmem:s22+$0x30]  }
0xb1: {  	v1 =	vmul.f32 v1, v1;
	v2 =	vmul.f32 v2, v2  }
0xb2: {  	v5 =	vld [tilespmem:s22+$0x40]  }
0xb3: {  	v1 =	vadd.f32 v2, v1;
	v2 =	vmul.f32 v3, v3  }
0xb4: {  	v3 =	vld [tilespmem:s22+$0x50]  }
0xb5: {  	v1 =	vadd.f32 v2, v1;
	v2 =	vmul.f32 v4, v4  }
0xb6: {  	v4 =	vld [tilespmem:s22+$0x60]  }
0xb7: {  	v1 =	vadd.f32 v2, v1;
	v2 =	vmul.f32 v5, v5  }
0xb8: {  	v5 =	vld [tilespmem:s22+$0x70]  }
0xb9: {  	v1 =	vadd.f32 v2, v1;
	v2 =	vmul.f32 v3, v3  }
0xba: {  	v3 =	vld [tilespmem:s22+$0x400]  }
0xbb: {  	v1 =	vadd.f32 v2, v1;
	v2 =	vmul.f32 v4, v4  }
0xbc: {  	v4 =	vld [tilespmem:s22+$0x410]  }
0xbd: {  	v1 =	vadd.f32 v2, v1;
	v2 =	vmul.f32 v5, v5  }
0xbe: {  	v5 =	vld [tilespmem:s22+$0x420]  }
0xbf: {  	v1 =	vadd.f32 v2, v1;
	v2 =	vmul.f32 v3, v3  }
0xc0: {  	v3 =	vld [tilespmem:s22+$0x430]  }
0xc1: {  	v1 =	vadd.f32 v2, v1;
	v2 =	vmul.f32 v4, v4  }
0xc2: {  	v4 =	vld [tilespmem:s22+$0x440]  }
0xc3: {  	v1 =	vadd.f32 v2, v1;
	v2 =	vmul.f32 v5, v5  }
0xc4: {  	v5 =	vld [tilespmem:s22+$0x450]  }
0xc5: {  	v1 =	vadd.f32 v2, v1;
	v2 =	vmul.f32 v3, v3  }
0xc6: {  	v3 =	vld [tilespmem:s22+$0x460]  }
0xc7: {  	v1 =	vadd.f32 v2, v1;
	v2 =	vmul.f32 v4, v4  }
0xc8: {  	v4 =	vld [tilespmem:s22+$0x470]  }
0xc9: {  	v1 =	vadd.f32 v2, v1;
	v2 =	vmul.f32 v5, v5;
	_ =	sdelay $0x1  }
0xca: {  	v1 =	vadd.f32 v2, v1;
	v2 =	vmul.f32 v3, v3;
	_ =	sdelay $0x1  }
0xcb: {  	v1 =	vadd.f32 v2, v1;
	v2 =	vmul.f32 v4, v4;
	_ =	sdelay $0x1  }
0xcc: {  	v1 =	vadd.f32 v2, v1  }
0xcd: {  	s1 =	sadd.s32 $0x1, s1  }
0xce: {  	s23 =	sadd.s32 s1, s14;
	s22 =	sand.u32 $0xF, s1;
	(xrf2) =	vadd.scan.msk.f32 $0xffff, v1  }
0xcf: {  	p3 =	seq.s32 s23, $0x0;
	p4 =	sne.s32 s22, $0x0  }
0xd0: {  	p3 =	por !p3, !p4  }
0xd1: {  	s22 =	simm.s32 $0xFFFFFFFF;
	p3 =	por !p3, !p3  }
0xd2: {  	s22 =	simm.s32 @!p3 $0x0  }
0xd3: {  	s26 =	sshll.u32 s22, $0x4  }
0xd4: {  	s22 =	sadd.s32 s26, s23  }
0xd5: {  	s19 =	sadd.s32 $0x1, s19;
	s22 =	sand.u32 $0xFFFFFFF0, s22  }
0xd6: {  	s26 =	sadd.s32 s26, s19;
	v1 =	vld [tilespmem:s22+$0x18A80]  }
.Ltmp5:
0xd7: {  	s26 =	sand.u32 $0xFFFFFFF0, s26;
	(pc) =	sbr.rel @p2 .LBB2_4-.Ltmp5, $4  }
0xd8: {  	s23 =	ssub.s32 s23, s26;
	v2, _, _ =	vpop (xrf2)  }
0xd9: {  	v3 =	vmov s23;
	v2 =	vbroadcast v2, $0xF  }
0xda: {  	s2 =	sadd.s32 $0x100, s2;
	vm0 =	veq.s32 v3, v0  }
0xdb: {  	s26 =	sand.u32 $0x380, s21;
	s21 =	sadd.s32 $0x80, s21;
	s23 =	sand.u32 $0x1800, s2;
	v1 =	vsel vm0, v2, v1  }
0xdc: {  	s2 =	sor.u32 s26, s23;
	[tilespmem:s22+$0x18A80] =	vst v1  }
0xdd: {  	s21 =	sadd.s32 $0x1A280, s2;
	v1 =	vld [tilespmem:s2+$0x1A280]  }
0xde: {  	v2 =	vld [tilespmem:s21+$0x10];
	_ =	sdelay $0x1  }
0xdf: {  	v3 =	vld [tilespmem:s21+$0x20];
	_ =	sdelay $0x1  }
0xe0: {  	v4 =	vld [tilespmem:s21+$0x30]  }
0xe1: {  	v1 =	vmul.f32 v1, v1;
	v2 =	vmul.f32 v2, v2  }
0xe2: {  	v5 =	vld [tilespmem:s21+$0x40]  }
0xe3: {  	v1 =	vadd.f32 v2, v1;
	v2 =	vmul.f32 v3, v3  }
0xe4: {  	v3 =	vld [tilespmem:s21+$0x50]  }
0xe5: {  	v1 =	vadd.f32 v2, v1;
	v2 =	vmul.f32 v4, v4  }
0xe6: {  	v57 =	vld [tilespmem:s21+$0x60]  }
0xe7: {  	v1 =	vadd.f32 v2, v1;
	v2 =	vmul.f32 v5, v5  }
0xe8: {  	v58 =	vld [tilespmem:s21+$0x70]  }
0xe9: {  	v1 =	vadd.f32 v2, v1;
	v2 =	vmul.f32 v3, v3  }
0xea: {  	v3 =	vld [tilespmem:s21+$0x400]  }
0xeb: {  	v1 =	vadd.f32 v2, v1;
	v2 =	vmul.f32 v57, v57  }
0xec: {  	v59 =	vld [tilespmem:s21+$0x410]  }
0xed: {  	v1 =	vadd.f32 v2, v1;
	v2 =	vmul.f32 v58, v58  }
0xee: {  	v60 =	vld [tilespmem:s21+$0x420]  }
0xef: {  	v1 =	vadd.f32 v2, v1;
	v2 =	vmul.f32 v3, v3  }
0xf0: {  	v3 =	vld [tilespmem:s21+$0x430]  }
0xf1: {  	v1 =	vadd.f32 v2, v1;
	v2 =	vmul.f32 v59, v59  }
0xf2: {  	v61 =	vld [tilespmem:s21+$0x440]  }
0xf3: {  	v1 =	vadd.f32 v2, v1;
	v2 =	vmul.f32 v60, v60  }
0xf4: {  	v62 =	vld [tilespmem:s21+$0x450]  }
0xf5: {  	v1 =	vadd.f32 v2, v1;
	v2 =	vmul.f32 v3, v3  }
0xf6: {  	v3 =	vld [tilespmem:s21+$0x460]  }
0xf7: {  	v1 =	vadd.f32 v2, v1;
	v2 =	vmul.f32 v61, v61  }
0xf8: {  	v63 =	vld [tilespmem:s21+$0x470]  }
0xf9: {  	v1 =	vadd.f32 v2, v1;
	v2 =	vmul.f32 v62, v62;
	_ =	sdelay $0x1  }
0xfa: {  	v1 =	vadd.f32 v2, v1;
	v2 =	vmul.f32 v3, v3;
	_ =	sdelay $0x1  }
0xfb: {  	v1 =	vadd.f32 v2, v1;
	v2 =	vmul.f32 v63, v63;
	_ =	sdelay $0x1  }
0xfc: {  	v1 =	vadd.f32 v2, v1  }
0xfd: {  	s1 =	sadd.s32 $0x1, s1  }
0xfe: {  	s23 =	sadd.s32 s1, s14;
	s1 =	sand.u32 $0xF, s1;
	(xrf2) =	vadd.scan.msk.f32 $0xffff, v1  }
0xff: {  	p2 =	seq.s32 s23, $0x0;
	p3 =	sne.s32 s1, $0x0  }
0x100: {  	p2 =	por !p2, !p3  }
0x101: {  	s1 =	simm.s32 $0xFFFFFFFF;
	p2 =	por !p2, !p2  }
0x102: {  	s1 =	simm.s32 @!p2 $0x0  }
0x103: {  	s1 =	sshll.u32 s1, $0x4  }
0x104: {  	s26 =	sadd.s32 s1, s23  }
0x105: {  	s19 =	sadd.s32 $0x1, s19;
	s21 =	sand.u32 $0xFFFFFFF0, s26  }
0x106: {  	s15 =	sadd.s32 $0x1, s15;
	s1 =	sadd.s32 s1, s19;
	v1 =	vld [tilespmem:s21+$0x18A80]  }
0x107: {  	p2 =	sne.s32 s15, $0x20;
	s1 =	sand.u32 $0xFFFFFFF0, s1  }
.Ltmp6:
0x108: {  	s1 =	ssub.s32 s23, s1;
	v2, _, _ =	vpop (xrf2);
	(pc) =	sbr.rel @p2 .LBB2_3-.Ltmp6, $4  }
0x109: {  	v3 =	vmov s1;
	v2 =	vbroadcast v2, $0xF  }
0x10a: {  	vm0 =	veq.s32 v3, v0  }
0x10b: {  	v1 =	vsel vm0, v2, v1  }
0x10c: {  	s14 =	sadd.s32 $0x20, s14;
	[tilespmem:s21+$0x18A80] =	vst v1  }
0x10d: {  	s1 =	simm.s32 $0x0;
	s2 =	simm.s32 $0x40  }
.LBB2_7:
0x10e: {  	p2 =	sne.s32 s2, $0xFC0;
	v1 =	vld [tilespmem:s1+$0x18A80];
	_ =	sdelay $0x4  }
0x10f: {  	v2 =	vshra.s32 v1, $0x1  }
0x110: {  	v2 =	vadd.s32 $0x1FBD1DF5, v2  }
0x111: {  	(erf) = vrcp.f32 v2;
	_ =	sdelay $0x8  }
0x112: {  	v3 =	vpop (erf)  }
0x113: {  	v3 =	vmul.f32 v3, v1;
	_ =	sdelay $0x1  }
0x114: {  	v2 =	vadd.f32 v2, v3;
	_ =	sdelay $0x1  }
0x115: {  	v2 =	vmul.f32 $5.000000000e-01, v2;
	_ =	sdelay $0x1  }
0x116: {  	(erf) = vrcp.f32 v2;
	_ =	sdelay $0x8  }
0x117: {  	v3 =	vpop (erf)  }
0x118: {  	v3 =	vmul.f32 v3, v1;
	_ =	sdelay $0x1  }
0x119: {  	v2 =	vadd.f32 v3, v2;
	_ =	sdelay $0x1  }
0x11a: {  	v2 =	vmul.f32 $5.000000000e-01, v2;
	_ =	sdelay $0x1  }
0x11b: {  	(erf) = vrcp.f32 v2;
	_ =	sdelay $0x8  }
0x11c: {  	v3 =	vpop (erf)  }
0x11d: {  	v3 =	vmul.f32 v3, v1;
	_ =	sdelay $0x1  }
0x11e: {  	v2 =	vadd.f32 v3, v2;
	_ =	sdelay $0x1  }
0x11f: {  	v2 =	vmul.f32 $5.000000000e-01, v2;
	_ =	sdelay $0x1  }
0x120: {  	(erf) = vrcp.f32 v2;
	_ =	sdelay $0x8  }
0x121: {  	v3 =	vpop (erf)  }
0x122: {  	v1 =	vmul.f32 v3, v1;
	_ =	sdelay $0x1  }
.Ltmp7:
0x123: {  	v1 =	vadd.f32 v1, v2;
	(pc) =	sbr.rel @p2 .LBB2_7-.Ltmp7, $3  }
0x124: {  	_ = 	snop  }
0x125: {  	v1 =	vmul.f32 $5.000000000e-01, v1;
	_ =	sdelay $0x1  }
0x126: {  	[tilespmem:s1+$0x18A80] =	vst v1;
	s1 =	sshra.s32 s2, $0x2;
	s2 =	sadd.s32 $0x40, s2  }
0x127: {  	v1 =	vld [tilespmem:s1+$0x18A80];
	_ =	sdelay $0x4  }
0x128: {  	v2 =	vshra.s32 v1, $0x1  }
0x129: {  	v2 =	vadd.s32 $0x1FBD1DF5, v2  }
0x12a: {  	(erf) = vrcp.f32 v2;
	_ =	sdelay $0x8  }
0x12b: {  	v3 =	vpop (erf)  }
0x12c: {  	v3 =	vmul.f32 v3, v1;
	_ =	sdelay $0x1  }
0x12d: {  	v2 =	vadd.f32 v2, v3;
	_ =	sdelay $0x1  }
0x12e: {  	v2 =	vmul.f32 $5.000000000e-01, v2;
	_ =	sdelay $0x1  }
0x12f: {  	(erf) = vrcp.f32 v2;
	_ =	sdelay $0x8  }
0x130: {  	v3 =	vpop (erf)  }
0x131: {  	v3 =	vmul.f32 v3, v1;
	_ =	sdelay $0x1  }
0x132: {  	v2 =	vadd.f32 v3, v2;
	_ =	sdelay $0x1  }
0x133: {  	v2 =	vmul.f32 $5.000000000e-01, v2;
	_ =	sdelay $0x1  }
0x134: {  	(erf) = vrcp.f32 v2;
	_ =	sdelay $0x8  }
0x135: {  	v3 =	vpop (erf)  }
0x136: {  	v3 =	vmul.f32 v3, v1;
	_ =	sdelay $0x1  }
0x137: {  	v2 =	vadd.f32 v3, v2;
	_ =	sdelay $0x1  }
0x138: {  	v2 =	vmul.f32 $5.000000000e-01, v2;
	_ =	sdelay $0x1  }
0x139: {  	(erf) = vrcp.f32 v2;
	_ =	sdelay $0x8  }
0x13a: {  	v3 =	vpop (erf)  }
0x13b: {  	v1 =	vmul.f32 v3, v1;
	_ =	sdelay $0x1  }
0x13c: {  	v1 =	vadd.f32 v1, v2;
	_ =	sdelay $0x1  }
0x13d: {  	v1 =	vmul.f32 $5.000000000e-01, v1;
	_ =	sdelay $0x1  }
0x13e: {  	[tilespmem:s1+$0x18A80] =	vst v1;
	v1 =	vimm.f32 $+Inf  }
0x13f: {  	[tilespmem:$0x186A0] =	vst v1  }
0x140: {  	[tilespmem:$0x186B0] =	vst v1  }
0x141: {  	[tilespmem:$0x186C0] =	vst v1  }
0x142: {  	[tilespmem:$0x186D0] =	vst v1  }
0x143: {  	[tilespmem:$0x186E0] =	vst v1  }
0x144: {  	[tilespmem:$0x186F0] =	vst v1  }
0x145: {  	[tilespmem:$0x18700] =	vst v1  }
0x146: {  	[tilespmem:$0x18710] =	vst v1  }
0x147: {  	[tilespmem:$0x18720] =	vst v1  }
0x148: {  	[tilespmem:$0x18730] =	vst v1  }
0x149: {  	[tilespmem:$0x18740] =	vst v1  }
0x14a: {  	[tilespmem:$0x18750] =	vst v1  }
0x14b: {  	[tilespmem:$0x18760] =	vst v1  }
0x14c: {  	[tilespmem:$0x18770] =	vst v1  }
0x14d: {  	[tilespmem:$0x18780] =	vst v1  }
0x14e: {  	[tilespmem:$0x18790] =	vst v1  }
0x14f: {  	[tilespmem:$0x187A0] =	vst v1  }
0x150: {  	[tilespmem:$0x187B0] =	vst v1  }
0x151: {  	[tilespmem:$0x187C0] =	vst v1  }
0x152: {  	[tilespmem:$0x187D0] =	vst v1  }
0x153: {  	s2 =	simm.s32 $0x0;
	s7 =	simm.s32 $0x0;
	[tilespmem:$0x187E0] =	vst v1  }
0x154: {  	v7 =	vimm.f32 $+Inf;
	s19 =	simm.s32 $0x19280;
	s21 =	simm.s32 $0x19A80;
	s1 =	simm.s32 $0x0;
	[tilespmem:$0x187F0] =	vst v1  }
.LBB2_9:
0x155: {  	s14 =	smul.u32 $0x7D0, s7;
	_ =	sdelay $0x1  }
0x156: {  	s14 =	sshrl.u32 s14, $0x3  }
0x157: {  	s15 =	sadd.s32 s28, s14  }
0x158: {  	[tilespmem:s19], [sflag:$0x6] =	stream.linear.gather [hbm4b:s15+s1], $0x7D0, $0x38;
	[tilespmem:$0x1E540] =	vst v63  }
0x159: {  	_ =	swait.ge [sflag:s25], $0x7D0  }
0x15a: {  	[sflag:s25] =	ssyncset.done $0x0  }
0x15b: {  	s14 =	sadd.s32 s18, s14;
	[sflag:s25] =	ssyncadd.s32 $0xFFFFF830  }
0x15c: {  	[tilespmem:s21], [sflag:$0x6] =	stream.linear.gather [hbm4b:s14+s1], $0x7D0, $0x38;
	[tilespmem:$0x1E540] =	vst v63  }
0x15d: {  	_ =	swait.ge [sflag:s25], $0x7D0  }
0x15e: {  	[sflag:s25] =	ssyncset.done $0x0  }
0x15f: {  	s14 =	simm.s32 $0x0;
	[sflag:s25] =	ssyncadd.s32 $0xFFFFF830  }
0x160: {  	v1 =	vmov s2;
	s15 =	simm.s32 $0x40;
	v2 =	vld [tilespmem:s14+$0x19A80]  }
.LBB2_10:
0x161: {  	p2 =	sne.s32 s15, $0x1F00;
	v3 =	vld [tilespmem:s14+$0x19280];
	_ =	sdelay $0x3  }
.Ltmp8:
0x162: {  	(pc) =	sbr.rel @p2 .LBB2_10-.Ltmp8, $3  }
0x163: {  	v2 =	vmul.f32 v2, v3;
	_ =	sdelay $0x1  }
0x164: {  	[tilespmem:v1+s14+$0x0 ss:$0x1] =	vst.idx.msk $0xffff, v2;
	s14 =	sshra.s32 s15, $0x2  }
0x165: {  	s15 =	sadd.s32 $0x40, s15;
	v2 =	vld [tilespmem:s14+$0x19A80]  }
0x166: {  	v3 =	vld [tilespmem:s14+$0x19280]  }
0x167: {  	s7 =	sadd.s32 $0x1, s7  }
0x168: {  	p2 =	sne.s32 s7, $0x32  }
.Ltmp9:
0x169: {  	_ = 	snop;
	(pc) =	sbr.rel @p2 .LBB2_9-.Ltmp9, $3  }
0x16a: {  	_ = 	snop  }
0x16b: {  	v2 =	vmul.f32 v2, v3;
	_ =	sdelay $0x1  }
0x16c: {  	s2 =	sadd.s32 $0x7D0, s2;
	[tilespmem:v1+s14+$0x0 ss:$0x1] =	vst.idx.msk $0xffff, v2  }
0x16d: {  	[tilespmem:$0x18980] =	vst v7;
	s2 =	simm.s32 $0x80  }
0x16e: {  	v1 =	vld [tilespmem:s2+$0xFFFFFF90]  }
0x16f: {  	s1 =	simm.s32 $0x0;
	s7 =	simm.s32 $0x1;
	v2 =	vld [tilespmem:s2+$0xFFFFFF80]  }
.LBB2_13:
0x170: {  	p2 =	sne.s32 s7, $0x187;
	v3 =	vld [tilespmem:s2+$0xFFFFFFA0]  }
0x171: {  	v4 =	vld [tilespmem:s2+$0xFFFFFFB0]  }
0x172: {  	v5 =	vld [tilespmem:s2+$0xFFFFFFC0]  }
0x173: {  	v6 =	vld [tilespmem:s2+$0xFFFFFFD0]  }
0x174: {  	v1 =	vmin.f32 v2, v1;
	v2 =	vld [tilespmem:s2+$0xFFFFFFE0]  }
0x175: {  	v1 =	vmin.f32 v1, v3;
	v3 =	vld [tilespmem:s2+$0xFFFFFFF0]  }
0x176: {  	v1 =	vmin.f32 v1, v4;
	v4 =	vld [tilespmem:s2+$0x0]  }
0x177: {  	v1 =	vmin.f32 v1, v5;
	v5 =	vld [tilespmem:s2+$0x10]  }
0x178: {  	v1 =	vmin.f32 v1, v6;
	v6 =	vld [tilespmem:s2+$0x20]  }
0x179: {  	v1 =	vmin.f32 v1, v2;
	v2 =	vld [tilespmem:s2+$0x30]  }
0x17a: {  	v1 =	vmin.f32 v1, v3;
	v3 =	vld [tilespmem:s2+$0x40]  }
0x17b: {  	v1 =	vmin.f32 v1, v4;
	v4 =	vld [tilespmem:s2+$0x50]  }
0x17c: {  	v1 =	vmin.f32 v1, v5;
	v5 =	vld [tilespmem:s2+$0x60]  }
0x17d: {  	v1 =	vmin.f32 v1, v6;
	v6 =	vld [tilespmem:s2+$0x70]  }
0x17e: {  	v1 =	vmin.f32 v1, v2  }
0x17f: {  	v1 =	vmin.f32 v1, v3  }
0x180: {  	v1 =	vmin.f32 v1, v4  }
0x181: {  	v1 =	vmin.f32 v1, v5  }
0x182: {  	v1 =	vmin.f32 v1, v6  }
0x183: {  	(xrf0) =	vmin.scan.msk.f32 $0xffff, v1;
	_ =	sdelay $0x2  }
0x184: {  	s14 =	sand.u32 $0x1F0, s1  }
0x185: {  	v1 =	vld [tilespmem:s14+$0x18800];
	_ =	sdelay $0x1  }
0x186: {  	s15 =	sand.u32 $0xF, s1;
	s1 =	smov.u32 s7;
	v2, _, _ =	vpop (xrf0)  }
0x187: {  	v3 =	vmov s15;
	v2 =	vbroadcast v2, $0xF  }
.Ltmp10:
0x188: {  	vm0 =	veq.s32 v3, v0;
	(pc) =	sbr.rel @p2 .LBB2_13-.Ltmp10, $4  }
0x189: {  	v1 =	vsel vm0, v2, v1  }
0x18a: {  	s2 =	sadd.s32 $0x100, s2;
	[tilespmem:s14+$0x18800] =	vst v1  }
0x18b: {  	v1 =	vld [tilespmem:s2+$0xFFFFFF90]  }
0x18c: {  	s7 =	sadd.s32 $0x1, s7;
	v2 =	vld [tilespmem:s2+$0xFFFFFF80]  }
0x18d: {  	v3 =	vld [tilespmem:s2+$0xFFFFFFA0]  }
0x18e: {  	v4 =	vld [tilespmem:s2+$0xFFFFFFB0]  }
0x18f: {  	v5 =	vld [tilespmem:s2+$0xFFFFFFC0]  }
0x190: {  	v6 =	vld [tilespmem:s2+$0xFFFFFFD0]  }
0x191: {  	v1 =	vmin.f32 v2, v1;
	v2 =	vld [tilespmem:s2+$0xFFFFFFE0]  }
0x192: {  	v1 =	vmin.f32 v1, v3;
	v3 =	vld [tilespmem:s2+$0xFFFFFFF0]  }
0x193: {  	v58 =	vld [tilespmem:s2+$0x0];
	v1 =	vmin.f32 v1, v4  }
0x194: {  	v59 =	vld [tilespmem:s2+$0x10];
	v1 =	vmin.f32 v1, v5  }
0x195: {  	v60 =	vld [tilespmem:s2+$0x20];
	v1 =	vmin.f32 v1, v6  }
0x196: {  	v1 =	vmin.f32 v1, v2;
	v2 =	vld [tilespmem:s2+$0x30]  }
0x197: {  	v1 =	vmin.f32 v1, v3;
	v3 =	vld [tilespmem:s2+$0x40]  }
0x198: {  	v61 =	vld [tilespmem:s2+$0x50];
	v1 =	vmin.f32 v1, v58  }
0x199: {  	v62 =	vld [tilespmem:s2+$0x60];
	v1 =	vmin.f32 v1, v59  }
0x19a: {  	v63 =	vld [tilespmem:s2+$0x70];
	v1 =	vmin.f32 v1, v60  }
0x19b: {  	v1 =	vmin.f32 v1, v2  }
0x19c: {  	v1 =	vmin.f32 v1, v3  }
0x19d: {  	v1 =	vmin.f32 v1, v61  }
0x19e: {  	v1 =	vmin.f32 v1, v62  }
0x19f: {  	v1 =	vmin.f32 v1, v63  }
0x1a0: {  	(xrf0) =	vmin.scan.msk.f32 $0xffff, v1;
	_ =	sdelay $0x2  }
0x1a1: {  	s26 =	sand.u32 $0x1F0, s1  }
0x1a2: {  	v1 =	vld [tilespmem:s26+$0x18800];
	_ =	sdelay $0x1  }
0x1a3: {  	s28 =	sand.u32 $0xF, s1;
	v2, _, _ =	vpop (xrf0)  }
0x1a4: {  	v3 =	vmov s28;
	v2 =	vbroadcast v2, $0xF  }
0x1a5: {  	vm0 =	veq.s32 v3, v0  }
0x1a6: {  	v1 =	vsel vm0, v2, v1  }
0x1a7: {  	[tilespmem:s26+$0x18800] =	vst v1  }
0x1a8: {  	s1 =	simm.s32 $0x18800;
	[tilespmem:$0x18A10] =	vst v7  }
0x1a9: {  	s14 =	simm.s32 $0x0;
	s7 =	simm.s32 $0x1;
	s2 =	simm.s32 $0x0;
	v1 =	vld [tilespmem:s1+$0x0]  }
.LBB2_15:
0x1aa: {  	p2 =	sne.s32 s7, $0x18;
	_ =	sdelay $0x3  }
0x1ab: {  	(xrf0) =	vmin.scan.msk.f32 $0xffff, v1;
	_ =	sdelay $0x2  }
0x1ac: {  	s15 =	sand.u32 $0x10, s2  }
0x1ad: {  	v1 =	vld [tilespmem:s15+$0x18A00];
	_ =	sdelay $0x1  }
0x1ae: {  	s19 =	sand.u32 $0xF, s2;
	s2 =	smov.u32 s7;
	v2, _, _ =	vpop (xrf0)  }
.Ltmp11:
0x1af: {  	v3 =	vmov s19;
	v2 =	vbroadcast v2, $0xF;
	(pc) =	sbr.rel @p2 .LBB2_15-.Ltmp11, $4  }
0x1b0: {  	vm0 =	veq.s32 v3, v0  }
0x1b1: {  	v1 =	vsel vm0, v2, v1  }
0x1b2: {  	s1 =	sadd.s32 $0x10, s1;
	[tilespmem:s15+$0x18A00] =	vst v1  }
0x1b3: {  	s7 =	sadd.s32 $0x1, s7;
	v1 =	vld [tilespmem:s1+$0x0]  }
0x1b4: {  	_ =	sdelay $0x3  }
0x1b5: {  	(xrf0) =	vmin.scan.msk.f32 $0xffff, v1;
	_ =	sdelay $0x2  }
0x1b6: {  	s1 =	sand.u32 $0x10, s2  }
0x1b7: {  	v1 =	vld [tilespmem:s1+$0x18A00];
	_ =	sdelay $0x1  }
0x1b8: {  	s22 =	sand.u32 $0xF, s2;
	v2, _, _ =	vpop (xrf0)  }
0x1b9: {  	v3 =	vmov s22;
	v2 =	vbroadcast v2, $0xF  }
0x1ba: {  	vm0 =	veq.s32 v3, v0  }
0x1bb: {  	v1 =	vsel vm0, v2, v1  }
0x1bc: {  	[tilespmem:s1+$0x18A00] =	vst v1  }
0x1bd: {  	v1 =	vld [tilespmem:$0x18A00]  }
0x1be: {  	v2 =	vld [tilespmem:$0x18A10];
	_ =	sdelay $0x4  }
0x1bf: {  	v3 =	vmin.f32 v1, v2  }
0x1c0: {  	(xrf0) =	vmin.scan.msk.f32 $0xffff, v3;
	_ =	sdelay $0x5  }
0x1c1: {  	v3, _, _ =	vpop (xrf0)  }
0x1c2: {  	v3 =	vbroadcast v3, $0xF;
	_ =	sdelay $0x1  }
0x1c3: {  	vm0 =	veq.f32 v2, v3  }
0x1c4: {  	vm1 =	veq.f32 v1, v3;
	v1 =	vnsel vm0, $0xC0000000, v9  }
0x1c5: {  	v1 =	vsel vm1, v10, v1  }
0x1c6: {  	(xrf0) =	vmin.scan.msk.u32 $0xffff, v1;
	_ =	sdelay $0x5  }
0x1c7: {  	v1, _, _ =	vpop (xrf0)  }
0x1c8: {  	(v2sf) =	vpush v1, $0xF;
	_ =	sdelay $0xe  }
0x1c9: {  	s1 =	spop (v2sf)  }
0x1ca: {  	s2 =	sshll.u32 s1, $0x4  }
0x1cb: {  	v1 =	vld [tilespmem:s2+$0x18800];
	_ =	sdelay $0x4  }
0x1cc: {  	vm0 =	veq.f32 v1, v3  }
0x1cd: {  	v1 =	vmctz.xlane vm0;
	_ =	sdelay $0x1  }
0x1ce: {  	(v2sf) =	vpush v1, $0x0;
	_ =	sdelay $0xe  }
0x1cf: {  	s15 =	spop (v2sf)  }
0x1d0: {  	s7 =	sadd.s32 s15, s2  }
0x1d1: {  	s19 =	sshll.u32 s7, $0x8  }
0x1d2: {  	v1 =	vld [tilespmem:s19+$0xF0]  }
0x1d3: {  	v2 =	vld [tilespmem:s19+$0xE0]  }
0x1d4: {  	v4 =	vld [tilespmem:s19+$0xD0]  }
0x1d5: {  	v5 =	vld [tilespmem:s19+$0xC0]  }
0x1d6: {  	v6 =	vld [tilespmem:s19+$0xB0]  }
0x1d7: {  	v7 =	vld [tilespmem:s19+$0xA0];
	vm0 =	veq.f32 v1, v3  }
0x1d8: {  	v1 =	vld [tilespmem:s19+$0x90];
	vm1 =	veq.f32 v2, v3;
	v2 =	vnsel vm0, $0xC0000000, v11  }
0x1d9: {  	v8 =	vld [tilespmem:s19+$0x80];
	vm0 =	veq.f32 v4, v3;
	v2 =	vsel vm1, v12, v2  }
0x1da: {  	v60 =	vld [tilespmem:s19+$0x70];
	vm1 =	veq.f32 v5, v3;
	v2 =	vsel vm0, v13, v2  }
0x1db: {  	v61 =	vld [tilespmem:s19+$0x60];
	vm0 =	veq.f32 v6, v3;
	v2 =	vsel vm1, v14, v2  }
0x1dc: {  	v62 =	vld [tilespmem:s19+$0x50];
	vm1 =	veq.f32 v7, v3;
	v2 =	vsel vm0, v15, v2  }
0x1dd: {  	v63 =	vld [tilespmem:s19+$0x40];
	vm0 =	veq.f32 v1, v3;
	v1 =	vsel vm1, v16, v2  }
0x1de: {  	v2 =	vld [tilespmem:s19+$0x30];
	vm1 =	veq.f32 v8, v3;
	v1 =	vsel vm0, v17, v1  }
0x1df: {  	v8 =	vld [tilespmem:s19+$0x20];
	vm0 =	veq.f32 v60, v3;
	v1 =	vsel vm1, v18, v1  }
0x1e0: {  	v37 =	vld [tilespmem:s19+$0x10];
	vm1 =	veq.f32 v61, v3;
	v1 =	vsel vm0, v19, v1  }
0x1e1: {  	v38 =	vld [tilespmem:s19+$0x0];
	vm0 =	veq.f32 v62, v3;
	v1 =	vsel vm1, v20, v1  }
0x1e2: {  	vm1 =	veq.f32 v63, v3;
	v1 =	vsel vm0, v21, v1  }
0x1e3: {  	vm0 =	veq.f32 v2, v3;
	v1 =	vsel vm1, v22, v1  }
0x1e4: {  	vm1 =	veq.f32 v8, v3;
	v1 =	vsel vm0, v23, v1  }
0x1e5: {  	vm0 =	veq.f32 v37, v3;
	v1 =	vsel vm1, v46, v1  }
0x1e6: {  	vm1 =	veq.f32 v38, v3;
	v1 =	vsel vm0, v9, v1  }
0x1e7: {  	v1 =	vsel vm1, v10, v1  }
0x1e8: {  	(xrf0) =	vmin.scan.msk.u32 $0xffff, v1;
	_ =	sdelay $0x5  }
0x1e9: {  	v1, _, _ =	vpop (xrf0)  }
0x1ea: {  	(v2sf) =	vpush v1, $0xF;
	_ =	sdelay $0x8  }
0x1eb: {  	s21 =	sand.u32 $0x3F0, s14  }
0x1ec: {  	v1 =	vld [tilespmem:s21+$0x18A80];
	_ =	sdelay $0x1  }
0x1ed: {  	s23 =	sand.u32 $0xF, s14  }
0x1ee: {  	v2 =	vmov s23  }
0x1ef: {  	vm0 =	veq.s32 v2, v0  }
0x1f0: {  	v1 =	vnsel vm0, $0x0, v1;
	s26 =	spop (v2sf)  }
0x1f1: {  	(xrf2) =	vadd.scan.msk.f32 $0xffff, v1;
	s22 =	sadd.s32 s26, s19  }
0x1f2: {  	v1 =	vld [tilespmem:s21+$0x18E80];
	s14 =	sand.u32 $0xF, s26;
	s22 =	sadd.s32 $0x80000000, s22  }
0x1f3: {  	p3 =	sne.s32 s14, $0x0;
	s23 =	sshra.s32 s22, $0x1F;
	p2 =	slt.s32 s22, $0x1  }
0x1f4: {  	s28 =	sshrl.u32 s23, $0x1C;
	p2 =	por !p3, !p2  }
0x1f5: {  	s23 =	simm.s32 $0x1;
	s14 =	sadd.s32 s28, s22;
	p2 =	por !p2, !p2  }
0x1f6: {  	s14 =	sshrl.u32 s14, $0x4;
	s23 =	simm.s32 @!p2 $0x0  }
0x1f7: {  	v1 =	vsel vm0, s22, v1;
	s14 =	ssub.s32 s14, s23  }
0x1f8: {  	[tilespmem:s21+$0x18E80] =	vst v1;
	s14 =	sshll.u32 s14, $0x4  }
0x1f9: {  	v1 =	vld [tilespmem:s14+$0x0];
	_ =	sdelay $0x1  }
0x1fa: {  	v2, _, _ =	vpop (xrf2);
	s18 =	ssub.s32 s22, s14  }
0x1fb: {  	v2 =	vbroadcast v2, $0xF;
	v3 =	vmov s18  }
0x1fc: {  	vm0 =	veq.s32 v3, v0  }
0x1fd: {  	v1 =	vsel vm0, v2, v1  }
0x1fe: {  	[tilespmem:s14+$0x0] =	vst v1  }
0x1ff: {  	v1 =	vld [tilespmem:s19+$0x0]  }
0x200: {  	v2 =	vld [tilespmem:s19+$0x10]  }
0x201: {  	v3 =	vld [tilespmem:s19+$0x20]  }
0x202: {  	v39 =	vld [tilespmem:s19+$0x30]  }
0x203: {  	v52 =	vld [tilespmem:s19+$0x40]  }
0x204: {  	v57 =	vld [tilespmem:s19+$0x50]  }
0x205: {  	v58 =	vld [tilespmem:s19+$0x60];
	v1 =	vmin.f32 v1, v2  }
0x206: {  	v2 =	vld [tilespmem:s19+$0x70];
	v1 =	vmin.f32 v1, v3  }
0x207: {  	v3 =	vld [tilespmem:s19+$0x80];
	v1 =	vmin.f32 v1, v39  }
0x208: {  	v59 =	vld [tilespmem:s19+$0x90];
	v1 =	vmin.f32 v1, v52  }
0x209: {  	v60 =	vld [tilespmem:s19+$0xA0];
	v1 =	vmin.f32 v1, v57  }
0x20a: {  	v61 =	vld [tilespmem:s19+$0xB0];
	v1 =	vmin.f32 v1, v58  }
0x20b: {  	v62 =	vld [tilespmem:s19+$0xC0];
	v1 =	vmin.f32 v1, v2  }
0x20c: {  	v2 =	vld [tilespmem:s19+$0xD0];
	v1 =	vmin.f32 v1, v3  }
0x20d: {  	v3 =	vld [tilespmem:s19+$0xE0];
	v1 =	vmin.f32 v1, v59  }
0x20e: {  	v63 =	vld [tilespmem:s19+$0xF0];
	v1 =	vmin.f32 v1, v60  }
0x20f: {  	v1 =	vmin.f32 v1, v61  }
0x210: {  	v1 =	vmin.f32 v1, v62  }
0x211: {  	s19 =	sand.u32 $0xF, s15;
	v1 =	vmin.f32 v1, v2  }
0x212: {  	p5 =	slt.s32 s7, $0x1;
	s21 =	sshra.s32 s7, $0x1F;
	p6 =	sne.s32 s19, $0x0;
	v1 =	vmin.f32 v1, v3  }
0x213: {  	s22 =	sshrl.u32 s21, $0x1C;
	p2 =	por !p6, !p5;
	v1 =	vmin.f32 v1, v63  }
0x214: {  	s14 =	sadd.s32 s22, s7;
	s15 =	simm.s32 $0x1;
	p2 =	por !p2, !p2;
	(xrf0) =	vmin.scan.msk.f32 $0xffff, v1  }
0x215: {  	s14 =	sshrl.u32 s14, $0x4;
	s15 =	simm.s32 @!p2 $0x0  }
0x216: {  	s14 =	ssub.s32 s14, s15  }
0x217: {  	s14 =	sshll.u32 s14, $0x4  }
0x218: {  	v1 =	vld [tilespmem:s14+$0x18800];
	_ =	sdelay $0x1  }
0x219: {  	s7 =	ssub.s32 s7, s14;
	v2, _, _ =	vpop (xrf0)  }
0x21a: {  	v3 =	vmov s7;
	v2 =	vbroadcast v2, $0xF  }
0x21b: {  	vm0 =	veq.s32 v3, v0  }
0x21c: {  	v1 =	vsel vm0, v2, v1  }
0x21d: {  	[tilespmem:s14+$0x18800] =	vst v1  }
0x21e: {  	v1 =	vld [tilespmem:s2+$0x18800]  }
0x21f: {  	s23 =	sxor.u32 $0x80000000, s1  }
0x220: {  	s26 =	sand.u32 $0xF, s1;
	p4 =	slt.s32 s23, $0x1;
	p5 =	sgt.s32 s1, $0xFFFFFFFF  }
0x221: {  	s28 =	sshra.s32 s23, $0x1F;
	p6 =	sne.s32 s26, $0x0;
	p2 =	por p5, p4  }
0x222: {  	s1 =	sshrl.u32 s28, $0x1C;
	p2 =	por !p6, !p2  }
0x223: {  	s1 =	sadd.s32 s1, s23;
	p2 =	por !p2, !p2;
	s7 =	simm.s32 $0x1;
	(xrf0) =	vmin.scan.msk.f32 $0xffff, v1  }
0x224: {  	s1 =	sshrl.u32 s1, $0x4;
	s7 =	simm.s32 @!p2 $0x0  }
0x225: {  	s1 =	ssub.s32 s1, s7  }
0x226: {  	s1 =	sshll.u32 s1, $0x4  }
0x227: {  	v1 =	vld [tilespmem:s1+$0x18A00]  }
0x228: {  	s2 =	ssub.s32 s23, s1  }
0x229: {  	v2 =	vmov s2;
	v3, _, _ =	vpop (xrf0)  }
0x22a: {  	s7 =	simm.s32 $0x1;
	vm0 =	veq.s32 v2, v0;
	v2 =	vbroadcast v3, $0xF  }
.LBB2_17:
0x22b: {  	p2 =	sne.s32 s7, $0x3FF;
	s22 =	smov.u32 s7;
	s7 =	sadd.s32 $0x1, s7  }
0x22c: {  	v1 =	vsel vm0, v2, v1  }
0x22d: {  	[tilespmem:s1+$0x18A00] =	vst v1  }
0x22e: {  	v2 =	vld [tilespmem:$0x18A00]  }
0x22f: {  	v3 =	vld [tilespmem:$0x18A10];
	_ =	sdelay $0x4  }
0x230: {  	v1 =	vmin.f32 v2, v3  }
0x231: {  	(xrf0) =	vmin.scan.msk.f32 $0xffff, v1;
	_ =	sdelay $0x5  }
0x232: {  	v1, _, _ =	vpop (xrf0)  }
0x233: {  	v1 =	vbroadcast v1, $0xF;
	_ =	sdelay $0x1  }
0x234: {  	vm0 =	veq.f32 v3, v1  }
0x235: {  	vm1 =	veq.f32 v2, v1;
	v2 =	vnsel vm0, $0xC0000000, v9  }
0x236: {  	v2 =	vsel vm1, v10, v2  }
0x237: {  	(xrf0) =	vmin.scan.msk.u32 $0xffff, v2;
	_ =	sdelay $0x5  }
0x238: {  	v2, _, _ =	vpop (xrf0)  }
0x239: {  	(v2sf) =	vpush v2, $0xF;
	_ =	sdelay $0xe  }
0x23a: {  	s1 =	spop (v2sf)  }
0x23b: {  	s14 =	sxor.u32 $0x80000000, s1;
	s15 =	sshll.u32 s1, $0x4;
	s2 =	sand.u32 $0xF, s1  }
0x23c: {  	p4 =	sgt.s32 s1, $0xFFFFFFFF;
	v2 =	vld [tilespmem:s15+$0x18800];
	s19 =	sshra.s32 s14, $0x1F;
	p3 =	slt.s32 s14, $0x1  }
0x23d: {  	s1 =	sshrl.u32 s19, $0x1C;
	p3 =	por p4, p3;
	p4 =	sne.s32 s2, $0x0  }
0x23e: {  	s1 =	sadd.s32 s1, s14;
	p3 =	por !p4, !p3  }
0x23f: {  	s2 =	simm.s32 $0x1;
	p3 =	por !p3, !p3  }
0x240: {  	s1 =	sshrl.u32 s1, $0x4;
	s2 =	simm.s32 @!p3 $0x0  }
0x241: {  	vm0 =	veq.f32 v2, v1;
	s19 =	ssub.s32 s1, s2  }
0x242: {  	v2 =	vmctz.xlane vm0;
	_ =	sdelay $0x1  }
0x243: {  	(v2sf) =	vpush v2, $0x0;
	_ =	sdelay $0xe  }
0x244: {  	s1 =	spop (v2sf)  }
0x245: {  	s21 =	sadd.s32 s1, s15;
	s1 =	sand.u32 $0xF, s1  }
0x246: {  	s2 =	sshll.u32 s21, $0x8;
	s23 =	sshra.s32 s21, $0x1F;
	p3 =	slt.s32 s21, $0x1  }
0x247: {  	p4 =	sne.s32 s1, $0x0;
	v2 =	vld [tilespmem:s2+$0xF0];
	s23 =	sshrl.u32 s23, $0x1C  }
0x248: {  	p3 =	por !p4, !p3;
	v3 =	vld [tilespmem:s2+$0xE0];
	s23 =	sadd.s32 s23, s21  }
0x249: {  	s1 =	simm.s32 $0x1;
	p3 =	por !p3, !p3;
	v4 =	vld [tilespmem:s2+$0xD0]  }
0x24a: {  	s1 =	simm.s32 @!p3 $0x0;
	v5 =	vld [tilespmem:s2+$0xC0]  }
0x24b: {  	v6 =	vld [tilespmem:s2+$0xB0]  }
0x24c: {  	v7 =	vld [tilespmem:s2+$0xA0];
	vm0 =	veq.f32 v2, v1  }
0x24d: {  	v2 =	vld [tilespmem:s2+$0x90];
	vm1 =	veq.f32 v3, v1;
	v3 =	vnsel vm0, $0xC0000000, v11  }
0x24e: {  	v8 =	vld [tilespmem:s2+$0x80];
	vm0 =	veq.f32 v4, v1;
	v3 =	vsel vm1, v12, v3  }
0x24f: {  	v4 =	vld [tilespmem:s2+$0x70];
	vm1 =	veq.f32 v5, v1;
	v3 =	vsel vm0, v13, v3  }
0x250: {  	v5 =	vld [tilespmem:s2+$0x60];
	vm0 =	veq.f32 v6, v1;
	v3 =	vsel vm1, v14, v3  }
0x251: {  	v6 =	vld [tilespmem:s2+$0x50];
	vm1 =	veq.f32 v7, v1;
	v3 =	vsel vm0, v15, v3  }
0x252: {  	v7 =	vld [tilespmem:s2+$0x40];
	vm0 =	veq.f32 v2, v1;
	v2 =	vsel vm1, v16, v3  }
0x253: {  	v3 =	vld [tilespmem:s2+$0x30];
	vm1 =	veq.f32 v8, v1;
	v2 =	vsel vm0, v17, v2  }
0x254: {  	v8 =	vld [tilespmem:s2+$0x20];
	vm0 =	veq.f32 v4, v1;
	v2 =	vsel vm1, v18, v2  }
0x255: {  	v4 =	vld [tilespmem:s2+$0x10];
	vm1 =	veq.f32 v5, v1;
	v2 =	vsel vm0, v19, v2  }
0x256: {  	v5 =	vld [tilespmem:s2+$0x0];
	vm0 =	veq.f32 v6, v1;
	v2 =	vsel vm1, v20, v2  }
0x257: {  	vm1 =	veq.f32 v7, v1;
	v2 =	vsel vm0, v21, v2  }
0x258: {  	vm0 =	veq.f32 v3, v1;
	v2 =	vsel vm1, v22, v2  }
0x259: {  	vm1 =	veq.f32 v8, v1;
	v2 =	vsel vm0, v23, v2  }
0x25a: {  	vm0 =	veq.f32 v4, v1;
	v2 =	vsel vm1, v46, v2  }
0x25b: {  	vm1 =	veq.f32 v5, v1;
	v1 =	vsel vm0, v9, v2  }
0x25c: {  	v1 =	vsel vm1, v10, v1  }
0x25d: {  	(xrf0) =	vmin.scan.msk.u32 $0xffff, v1;
	_ =	sdelay $0x5  }
0x25e: {  	v1, _, _ =	vpop (xrf0)  }
0x25f: {  	(v2sf) =	vpush v1, $0xF;
	_ =	sdelay $0x8  }
0x260: {  	s26 =	sand.u32 $0x3F0, s22  }
0x261: {  	v1 =	vld [tilespmem:s26+$0x18A80];
	_ =	sdelay $0x1  }
0x262: {  	s22 =	sand.u32 $0xF, s22  }
0x263: {  	v3 =	vmov s22;
	v2 =	vld [tilespmem:s26+$0x18E80]  }
0x264: {  	vm0 =	veq.s32 v3, v0  }
0x265: {  	v1 =	vnsel vm0, $0x0, v1;
	s22 =	spop (v2sf)  }
0x266: {  	s28 =	sadd.s32 s22, s2;
	s22 =	sand.u32 $0xF, s22;
	(xrf2) =	vadd.scan.msk.f32 $0xffff, v1  }
0x267: {  	s28 =	sadd.s32 $0x80000000, s28  }
0x268: {  	p4 =	sne.s32 s22, $0x0;
	v1 =	vsel vm0, s28, v2;
	s18 =	sshra.s32 s28, $0x1F;
	p3 =	slt.s32 s28, $0x1  }
0x269: {  	s18 =	sshrl.u32 s18, $0x1C;
	p3 =	por !p4, !p3  }
0x26a: {  	s22 =	simm.s32 $0x1;
	s18 =	sadd.s32 s18, s28;
	p3 =	por !p3, !p3  }
0x26b: {  	s18 =	sshrl.u32 s18, $0x4;
	s22 =	simm.s32 @!p3 $0x0  }
0x26c: {  	s18 =	ssub.s32 s18, s22  }
0x26d: {  	[tilespmem:s26+$0x18E80] =	vst v1;
	s18 =	sshll.u32 s18, $0x4  }
0x26e: {  	s22 =	ssub.s32 s28, s18;
	v1 =	vld [tilespmem:s18+$0x0]  }
0x26f: {  	v2 =	vmov s22  }
0x270: {  	v3, _, _ =	vpop (xrf2)  }
0x271: {  	v3 =	vbroadcast v3, $0xF  }
0x272: {  	vm0 =	veq.s32 v2, v0  }
0x273: {  	v1 =	vsel vm0, v3, v1  }
0x274: {  	[tilespmem:s18+$0x0] =	vst v1  }
0x275: {  	v1 =	vld [tilespmem:s2+$0x20]  }
0x276: {  	v2 =	vld [tilespmem:s2+$0x0]  }
0x277: {  	v3 =	vld [tilespmem:s2+$0x10]  }
0x278: {  	v4 =	vld [tilespmem:s2+$0x30]  }
0x279: {  	v5 =	vld [tilespmem:s2+$0x40]  }
0x27a: {  	v6 =	vld [tilespmem:s2+$0x50]  }
0x27b: {  	v7 =	vld [tilespmem:s2+$0x60]  }
0x27c: {  	v2 =	vmin.f32 v2, v3;
	v3 =	vld [tilespmem:s2+$0x70]  }
0x27d: {  	v1 =	vmin.f32 v2, v1;
	v2 =	vld [tilespmem:s2+$0x80]  }
0x27e: {  	v1 =	vmin.f32 v1, v4;
	v4 =	vld [tilespmem:s2+$0x90]  }
0x27f: {  	v1 =	vmin.f32 v1, v5;
	v5 =	vld [tilespmem:s2+$0xA0]  }
0x280: {  	v1 =	vmin.f32 v1, v6;
	v6 =	vld [tilespmem:s2+$0xB0]  }
0x281: {  	v1 =	vmin.f32 v1, v7;
	v7 =	vld [tilespmem:s2+$0xC0]  }
0x282: {  	v1 =	vmin.f32 v1, v3;
	v3 =	vld [tilespmem:s2+$0xD0]  }
0x283: {  	v1 =	vmin.f32 v1, v2;
	v2 =	vld [tilespmem:s2+$0xE0]  }
0x284: {  	v1 =	vmin.f32 v1, v4;
	v4 =	vld [tilespmem:s2+$0xF0]  }
0x285: {  	v1 =	vmin.f32 v1, v5  }
0x286: {  	v1 =	vmin.f32 v1, v6  }
0x287: {  	v1 =	vmin.f32 v1, v7  }
0x288: {  	v1 =	vmin.f32 v1, v3  }
0x289: {  	v1 =	vmin.f32 v1, v2  }
0x28a: {  	v1 =	vmin.f32 v1, v4  }
0x28b: {  	s2 =	sshrl.u32 s23, $0x4;
	(xrf0) =	vmin.scan.msk.f32 $0xffff, v1  }
0x28c: {  	s1 =	ssub.s32 s2, s1  }
0x28d: {  	s1 =	sshll.u32 s1, $0x4  }
0x28e: {  	s2 =	ssub.s32 s21, s1;
	v1 =	vld [tilespmem:s1+$0x18800];
	_ =	sdelay $0x2  }
0x28f: {  	v2 =	vmov s2;
	v3, _, _ =	vpop (xrf0)  }
0x290: {  	vm0 =	veq.s32 v2, v0;
	v2 =	vbroadcast v3, $0xF;
	_ =	sdelay $0x1  }
0x291: {  	v1 =	vsel vm0, v2, v1  }
0x292: {  	[tilespmem:s1+$0x18800] =	vst v1  }
0x293: {  	s1 =	sshll.u32 s19, $0x4;
	v2 =	vld [tilespmem:s15+$0x18800]  }
0x294: {  	s2 =	ssub.s32 s14, s1;
	v1 =	vld [tilespmem:s1+$0x18A00]  }
0x295: {  	v3 =	vmov s2;
	_ =	sdelay $0x2  }
0x296: {  	(xrf0) =	vmin.scan.msk.f32 $0xffff, v2;
	_ =	sdelay $0x2  }
.Ltmp12:
0x297: {  	(pc) =	sbr.rel @p2 .LBB2_17-.Ltmp12, $3  }
0x298: {  	_ =	sdelay $0x1  }
0x299: {  	v2, _, _ =	vpop (xrf0)  }
0x29a: {  	vm0 =	veq.s32 v3, v0;
	v2 =	vbroadcast v2, $0xF  }
0x29b: {  	_ = 	snop  }
0x29c: {  	v1 =	vsel vm0, v2, v1  }
0x29d: {  	s2 =	simm.s32 $0x18E80;
	[tilespmem:s1+$0x18A00] =	vst v1;
	s1 =	rddreg [dreg:$0x5]  }
0x29e: {  	[spmem:s1] =	stream.linear.scatter [tilespmem:s2], [sflag:$0x6], $0x400, $0x38;
	[tilespmem:$0x1E540] =	vst v63  }
0x29f: {  	_ =	swait.ge [sflag:s25], $0x400  }
0x2a0: {  	[sflag:s25] =	ssyncset.done $0x0  }
0x2a1: {  	[sflag:s25] =	ssyncadd.s32 $0xFFFFFC00  }
0x2a2: {  	s28 =	rddreg [dreg:$0x1]  }
.LBB2_22:
0x2a3: {  	[bflag:$0x0] =	sbarrier.arrive $0xFFFF;
	s19 =	simm.s32 $0x0  }
0x2a4: {  	[tilespmem:s2], [sflag:$0x6] =	stream.linear.gather [spmem:s1], $0x400, $0x38;
	[tilespmem:$0x1E540] =	vst v63  }
0x2a5: {  	s26 =	sadd.s32 $0x0, s30;
	s22 =	sand.u32 $0xF, s19  }
0x2a6: {  	p2 =	seq.s32 s26, $0x0;
	p3 =	sne.s32 s22, $0x0  }
0x2a7: {  	p2 =	por !p2, !p3  }
0x2a8: {  	s2 =	simm.s32 $0xFFFFFFFF;
	p2 =	por !p2, !p2  }
0x2a9: {  	s2 =	simm.s32 @!p2 $0x0  }
0x2aa: {  	_ =	swait.ge [sflag:s25], $0x400;
	s2 =	sshll.u32 s2, $0x4  }
0x2ab: {  	[sflag:s25] =	ssyncset.done $0x0;
	s7 =	sadd.s32 s2, s26  }
0x2ac: {  	[sflag:s25] =	ssyncadd.s32 $0xFFFFFC00;
	s7 =	sand.u32 $0xFFFFFFF0, s7  }
0x2ad: {  	s2 =	sadd.s32 s2, s30;
	v1 =	vld [tilespmem:s7+$0x18E80]  }
0x2ae: {  	s2 =	sand.u32 $0xFFFFFFF0, s2  }
0x2af: {  	s1 =	ssub.s32 s26, s2  }
0x2b0: {  	v2 =	vmov s1  }
0x2b1: {  	vm0 =	veq.s32 v2, v0  }
0x2b2: {  	v1 =	vnsel vm0, $0x0, v1  }
0x2b3: {  	(xrf0) =	vadd.scan.msk.s32 $0xffff, v1;
	_ =	sdelay $0x3  }
0x2b4: {  	v1 =	vld [tilespmem:$0x18E90];
	_ =	sdelay $0x1  }
0x2b5: {  	v4 =	vld [tilespmem:$0x18EA0];
	v3, _, _ =	vpop (xrf0)  }
0x2b6: {  	v2 =	vld [tilespmem:$0x18E80];
	v3 =	vbroadcast v3, $0xF;
	_ =	sdelay $0x1  }
0x2b7: {  	vm13 =	veq.s32 v1, v3;
	v1 =	vld [tilespmem:$0x18EB0]  }
0x2b8: {  	v5 =	vnsel vm13, $0xFFFFFFFF, v25  }
0x2b9: {  	v6 =	vld [tilespmem:$0x18EC0];
	vm0 =	vgt.s32 v5, v0  }
0x2ba: {  	vm1 =	veq.s32 v2, v3;
	vm14 =	veq.s32 v4, v3;
	v2 =	vsel vm0, v5, v0  }
0x2bb: {  	v4 =	vnsel vm14, $0xFFFFFFFF, v56;
	v2 =	vsel vm1, v2, v5;
	v5 =	vld [tilespmem:$0x18ED0]  }
0x2bc: {  	vm0 =	vgt.s32 v2, v4;
	vm15 =	veq.s32 v1, v3  }
0x2bd: {  	v1 =	vsel vm0, v2, v4;
	v2 =	vnsel vm15, $0xFFFFFFFF, v47;
	v4 =	vld [tilespmem:$0x18EE0]  }
0x2be: {  	vm4 =	veq.s32 v6, v3;
	vm0 =	vgt.s32 v1, v2  }
0x2bf: {  	v6 =	vld [tilespmem:$0x18EF0];
	v1 =	vsel vm0, v1, v2;
	v2 =	vnsel vm4, $0xFFFFFFFF, v32  }
0x2c0: {  	vm0 =	vgt.s32 v1, v2;
	vm5 =	veq.s32 v5, v3  }
0x2c1: {  	v5 =	vld [tilespmem:$0x18F00];
	v1 =	vsel vm0, v1, v2;
	v2 =	vnsel vm5, $0xFFFFFFFF, v54  }
0x2c2: {  	vm0 =	vgt.s32 v1, v2;
	vm6 =	veq.s32 v4, v3  }
0x2c3: {  	v4 =	vld [tilespmem:$0x18F10];
	v1 =	vsel vm0, v1, v2;
	v2 =	vnsel vm6, $0xFFFFFFFF, v49  }
0x2c4: {  	vm7 =	veq.s32 v6, v3;
	vm0 =	vgt.s32 v1, v2  }
0x2c5: {  	v6 =	vld [tilespmem:$0x18F20];
	v1 =	vsel vm0, v1, v2;
	v2 =	vnsel vm7, $0xFFFFFFFF, v55  }
0x2c6: {  	vm8 =	veq.s32 v5, v3;
	vm0 =	vgt.s32 v1, v2  }
0x2c7: {  	v5 =	vld [tilespmem:$0x18F30];
	v1 =	vsel vm0, v1, v2;
	v2 =	vnsel vm8, $0xFFFFFFFF, v29  }
0x2c8: {  	vm9 =	veq.s32 v4, v3;
	vm0 =	vgt.s32 v1, v2  }
0x2c9: {  	v4 =	vld [tilespmem:$0x18F40];
	v1 =	vsel vm0, v1, v2;
	v2 =	vnsel vm9, $0xFFFFFFFF, v53  }
0x2ca: {  	vm10 =	veq.s32 v6, v3;
	vm0 =	vgt.s32 v1, v2  }
0x2cb: {  	v6 =	vld [tilespmem:$0x18F50];
	v1 =	vsel vm0, v1, v2;
	v2 =	vnsel vm10, $0xFFFFFFFF, v43  }
0x2cc: {  	vm11 =	veq.s32 v5, v3;
	vm0 =	vgt.s32 v1, v2  }
0x2cd: {  	v5 =	vld [tilespmem:$0x18F60];
	v1 =	vsel vm0, v1, v2;
	v2 =	vnsel vm11, $0xFFFFFFFF, v28  }
0x2ce: {  	vm12 =	veq.s32 v4, v3;
	vm0 =	vgt.s32 v1, v2  }
0x2cf: {  	v4 =	vld [tilespmem:$0x18F70];
	v1 =	vsel vm0, v1, v2;
	v2 =	vnsel vm12, $0xFFFFFFFF, v50  }
0x2d0: {  	vm13 =	veq.s32 v6, v3;
	vm0 =	vgt.s32 v1, v2  }
0x2d1: {  	v6 =	vld [tilespmem:$0x18F80];
	v1 =	vsel vm0, v1, v2;
	v2 =	vnsel vm13, $0xFFFFFFFF, v30  }
0x2d2: {  	vm14 =	veq.s32 v5, v3;
	vm0 =	vgt.s32 v1, v2  }
0x2d3: {  	v5 =	vld [tilespmem:$0x18F90];
	v1 =	vsel vm0, v1, v2;
	v2 =	vnsel vm14, $0xFFFFFFFF, v35  }
0x2d4: {  	vm15 =	veq.s32 v4, v3;
	vm0 =	vgt.s32 v1, v2  }
0x2d5: {  	v4 =	vld [tilespmem:$0x18FA0];
	v1 =	vsel vm0, v1, v2;
	v2 =	vnsel vm15, $0xFFFFFFFF, v45  }
0x2d6: {  	vm4 =	veq.s32 v6, v3;
	vm0 =	vgt.s32 v1, v2  }
0x2d7: {  	v6 =	vld [tilespmem:$0x18FB0];
	v1 =	vsel vm0, v1, v2;
	v2 =	vnsel vm4, $0xFFFFFFFF, v48  }
0x2d8: {  	vm5 =	veq.s32 v5, v3;
	vm0 =	vgt.s32 v1, v2  }
0x2d9: {  	v5 =	vld [tilespmem:$0x18FC0];
	v1 =	vsel vm0, v1, v2;
	v2 =	vnsel vm5, $0xFFFFFFFF, v34  }
0x2da: {  	vm6 =	veq.s32 v4, v3;
	vm0 =	vgt.s32 v1, v2  }
0x2db: {  	v4 =	vld [tilespmem:$0x18FD0];
	v1 =	vsel vm0, v1, v2;
	v2 =	vnsel vm6, $0xFFFFFFFF, v51  }
0x2dc: {  	vm7 =	veq.s32 v6, v3;
	vm0 =	vgt.s32 v1, v2  }
0x2dd: {  	v6 =	vld [tilespmem:$0x18FE0];
	v1 =	vsel vm0, v1, v2;
	v2 =	vnsel vm7, $0xFFFFFFFF, v36  }
0x2de: {  	vm8 =	veq.s32 v5, v3;
	vm0 =	vgt.s32 v1, v2  }
0x2df: {  	v5 =	vld [tilespmem:$0x18FF0];
	v1 =	vsel vm0, v1, v2;
	v2 =	vnsel vm8, $0xFFFFFFFF, v41  }
0x2e0: {  	vm9 =	veq.s32 v4, v3;
	vm0 =	vgt.s32 v1, v2  }
0x2e1: {  	v4 =	vld [tilespmem:$0x19000];
	v1 =	vsel vm0, v1, v2;
	v2 =	vnsel vm9, $0xFFFFFFFF, v44  }
0x2e2: {  	vm10 =	veq.s32 v6, v3;
	vm0 =	vgt.s32 v1, v2  }
0x2e3: {  	v6 =	vld [tilespmem:$0x19010];
	v1 =	vsel vm0, v1, v2;
	v2 =	vnsel vm10, $0xFFFFFFFF, v26  }
0x2e4: {  	vm11 =	veq.s32 v5, v3;
	v5 =	vld [tilespmem:$0x19020];
	vm0 =	vgt.s32 v1, v2  }
0x2e5: {  	v1 =	vsel vm0, v1, v2;
	v2 =	vnsel vm11, $0xFFFFFFFF, v42  }
0x2e6: {  	vm12 =	veq.s32 v4, v3;
	vm0 =	vgt.s32 v1, v2  }
0x2e7: {  	v4 =	vld [tilespmem:$0x19030];
	v1 =	vsel vm0, v1, v2;
	v2 =	vnsel vm12, $0xFFFFFFFF, v40  }
0x2e8: {  	vm13 =	veq.s32 v6, v3;
	v6 =	vld [tilespmem:$0x19040];
	vm0 =	vgt.s32 v1, v2  }
0x2e9: {  	vm14 =	veq.s32 v5, v3;
	v5 =	vld [tilespmem:$0x19050];
	v1 =	vsel vm0, v1, v2;
	v2 =	vnsel vm13, $0xFFFFFFFF, v31  }
0x2ea: {  	vm0 =	vgt.s32 v1, v2  }
0x2eb: {  	v1 =	vsel vm0, v1, v2;
	v2 =	vnsel vm14, $0xFFFFFFFF, v27  }
0x2ec: {  	vm15 =	veq.s32 v4, v3;
	v4 =	vld [tilespmem:$0x19060];
	vm0 =	vgt.s32 v1, v2  }
0x2ed: {  	v1 =	vsel vm0, v1, v2;
	v2 =	vnsel vm15, $0xFFFFFFFF, v33  }
0x2ee: {  	vm4 =	veq.s32 v6, v3;
	vm5 =	veq.s32 v5, v3;
	vm0 =	vgt.s32 v1, v2  }
0x2ef: {  	v6 =	vld [tilespmem:$0x19070];
	v5 =	vor.u32 $0x1D0, v0;
	v1 =	vsel vm0, v1, v2;
	v2 =	vnsel vm4, $0xFFFFFFFF, v24  }
0x2f0: {  	v38 =	vmov v31;
	[tilespmem:$0x1FE40] =	vst v5;
	vm0 =	vgt.s32 v1, v2  }
0x2f1: {  	v31 =	vmovc v43;
	v43 =	vmovc v33;
	vm6 =	veq.s32 v4, v3;
	v1 =	vsel vm0, v1, v2;
	v2 =	vnsel vm5, $0xFFFFFFFF, v5;
	v5 =	vld [tilespmem:$0x19080]  }
0x2f2: {  	v4 =	vor.u32 $0x1E0, v0;
	v33 =	vmovc v48;
	v48 =	vmovc v40;
	v40 =	vmov v34;
	vm0 =	vgt.s32 v1, v2  }
0x2f3: {  	v34 =	vmovc v28;
	v28 =	vmovc v54;
	v54 =	vmov v4;
	v1 =	vsel vm0, v1, v2;
	v2 =	vnsel vm6, $0xFFFFFFFF, v4;
	v4 =	vld [tilespmem:$0x19090]  }
0x2f4: {  	vm7 =	veq.s32 v6, v3;
	v6 =	vor.u32 $0x1F0, v0;
	vm0 =	vgt.s32 v1, v2  }
0x2f5: {  	v60 =	vmov v6;
	v1 =	vsel vm0, v1, v2;
	v2 =	vnsel vm7, $0xFFFFFFFF, v6;
	v6 =	vld [tilespmem:$0x190A0]  }
0x2f6: {  	vm0 =	vgt.s32 v1, v2;
	vm8 =	veq.s32 v5, v3;
	v5 =	vor.u32 $0x200, v0  }
0x2f7: {  	v1 =	vsel vm0, v1, v2;
	v57 =	vmov v5;
	v2 =	vnsel vm8, $0xFFFFFFFF, v5;
	v5 =	vld [tilespmem:$0x190B0]  }
0x2f8: {  	vm0 =	vgt.s32 v1, v2;
	vm9 =	veq.s32 v4, v3;
	v4 =	vor.u32 $0x210, v0  }
0x2f9: {  	v1 =	vsel vm0, v1, v2;
	[tilespmem:$0x1FE50] =	vst v4;
	v2 =	vnsel vm9, $0xFFFFFFFF, v4;
	v4 =	vld [tilespmem:$0x190C0]  }
0x2fa: {  	vm0 =	vgt.s32 v1, v2;
	vm10 =	veq.s32 v6, v3;
	v6 =	vor.u32 $0x220, v0  }
0x2fb: {  	v1 =	vsel vm0, v1, v2;
	[tilespmem:$0x1FE60] =	vst v6;
	v2 =	vnsel vm10, $0xFFFFFFFF, v6;
	v6 =	vld [tilespmem:$0x190D0]  }
0x2fc: {  	vm0 =	vgt.s32 v1, v2;
	vm11 =	veq.s32 v5, v3;
	v5 =	vor.u32 $0x230, v0  }
0x2fd: {  	v1 =	vsel vm0, v1, v2;
	[tilespmem:$0x1FE70] =	vst v5;
	v2 =	vnsel vm11, $0xFFFFFFFF, v5;
	v5 =	vld [tilespmem:$0x190E0]  }
0x2fe: {  	vm0 =	vgt.s32 v1, v2;
	vm12 =	veq.s32 v4, v3;
	v4 =	vor.u32 $0x240, v0  }
0x2ff: {  	v1 =	vsel vm0, v1, v2;
	[tilespmem:$0x1FE80] =	vst v4;
	v2 =	vnsel vm12, $0xFFFFFFFF, v4;
	v4 =	vld [tilespmem:$0x190F0]  }
0x300: {  	vm0 =	vgt.s32 v1, v2;
	vm13 =	veq.s32 v6, v3;
	v6 =	vor.u32 $0x250, v0  }
0x301: {  	v1 =	vsel vm0, v1, v2;
	[tilespmem:$0x1FE90] =	vst v6;
	v2 =	vnsel vm13, $0xFFFFFFFF, v6;
	v6 =	vld [tilespmem:$0x19100]  }
0x302: {  	vm0 =	vgt.s32 v1, v2;
	vm14 =	veq.s32 v5, v3;
	v5 =	vor.u32 $0x260, v0  }
0x303: {  	v1 =	vsel vm0, v1, v2;
	v58 =	vmov v5;
	v2 =	vnsel vm14, $0xFFFFFFFF, v5;
	v5 =	vld [tilespmem:$0x19110]  }
0x304: {  	vm0 =	vgt.s32 v1, v2;
	vm15 =	veq.s32 v4, v3;
	v4 =	vor.u32 $0x270, v0  }
0x305: {  	v1 =	vsel vm0, v1, v2;
	v59 =	vmov v4;
	v2 =	vnsel vm15, $0xFFFFFFFF, v4;
	v4 =	vld [tilespmem:$0x19120]  }
0x306: {  	vm0 =	vgt.s32 v1, v2;
	vm4 =	veq.s32 v6, v3;
	v6 =	vor.u32 $0x280, v0  }
0x307: {  	v1 =	vsel vm0, v1, v2;
	v46 =	vmov v6;
	v2 =	vnsel vm4, $0xFFFFFFFF, v6;
	v6 =	vld [tilespmem:$0x19130]  }
0x308: {  	vm0 =	vgt.s32 v1, v2;
	vm5 =	veq.s32 v5, v3;
	v5 =	vor.u32 $0x290, v0  }
0x309: {  	v1 =	vsel vm0, v1, v2;
	v61 =	vmov v5;
	v2 =	vnsel vm5, $0xFFFFFFFF, v5;
	v5 =	vld [tilespmem:$0x19140]  }
0x30a: {  	vm0 =	vgt.s32 v1, v2;
	vm6 =	veq.s32 v4, v3;
	v4 =	vor.u32 $0x2A0, v0  }
0x30b: {  	v1 =	vsel vm0, v1, v2;
	v62 =	vmov v4;
	v2 =	vnsel vm6, $0xFFFFFFFF, v4;
	v4 =	vld [tilespmem:$0x19150]  }
0x30c: {  	v39 =	vmovc v42;
	v42 =	vmovc v36;
	vm0 =	vgt.s32 v1, v2;
	vm7 =	veq.s32 v6, v3;
	v6 =	vor.u32 $0x2B0, v0  }
0x30d: {  	v36 =	vmovc v30;
	v30 =	vmovc v55;
	v1 =	vsel vm0, v1, v2;
	v55 =	vmov v6;
	v2 =	vnsel vm7, $0xFFFFFFFF, v6;
	v6 =	vld [tilespmem:$0x19160]  }
0x30e: {  	vm0 =	vgt.s32 v1, v2;
	vm8 =	veq.s32 v5, v3;
	v5 =	vor.u32 $0x2C0, v0  }
0x30f: {  	v1 =	vsel vm0, v1, v2;
	v52 =	vmov v5;
	v2 =	vnsel vm8, $0xFFFFFFFF, v5;
	v5 =	vld [tilespmem:$0x19170]  }
0x310: {  	vm0 =	vgt.s32 v1, v2;
	vm9 =	veq.s32 v4, v3;
	v4 =	vor.u32 $0x2D0, v0  }
0x311: {  	v37 =	vmovc v26;
	v1 =	vsel vm0, v1, v2;
	v63 =	vmov v4;
	v2 =	vnsel vm9, $0xFFFFFFFF, v4;
	v4 =	vld [tilespmem:$0x19180]  }
0x312: {  	v26 =	vmovc v47;
	v47 =	vmovc v25;
	vm0 =	vgt.s32 v1, v2;
	vm10 =	veq.s32 v6, v3;
	v6 =	vor.u32 $0x2E0, v0  }
0x313: {  	v7 =	vld [tilespmem:$0x19190];
	v25 =	vmovc v24;
	v24 =	vmovc v56;
	v2 =	vsel vm0, v1, v2;
	v56 =	vmov v6;
	v6 =	vnsel vm10, $0xFFFFFFFF, v6  }
0x314: {  	v1 =	vor.u32 $0x2F0, v0;
	vm0 =	vgt.s32 v2, v6;
	vm11 =	veq.s32 v5, v3  }
0x315: {  	v2 =	vsel vm0, v2, v6;
	v5 =	vnsel vm11, $0xFFFFFFFF, v1;
	v6 =	vld [tilespmem:$0x191A0]  }
0x316: {  	vm0 =	vgt.s32 v2, v5;
	vm12 =	veq.s32 v4, v3;
	v4 =	vor.u32 $0x300, v0  }
0x317: {  	v9 =	vld [tilespmem:$0x191B0];
	v2 =	vsel vm0, v2, v5;
	v8 =	vnsel vm12, $0xFFFFFFFF, v4  }
0x318: {  	vm13 =	veq.s32 v7, v3;
	v5 =	vor.u32 $0x310, v0;
	vm0 =	vgt.s32 v2, v8  }
0x319: {  	v7 =	vnsel vm13, $0xFFFFFFFF, v5;
	v2 =	vsel vm0, v2, v8;
	v8 =	vld [tilespmem:$0x191C0]  }
0x31a: {  	vm0 =	vgt.s32 v2, v7;
	vm14 =	veq.s32 v6, v3;
	v6 =	vor.u32 $0x320, v0  }
0x31b: {  	v11 =	vld [tilespmem:$0x191D0];
	v2 =	vsel vm0, v2, v7;
	v10 =	vnsel vm14, $0xFFFFFFFF, v6  }
0x31c: {  	vm15 =	veq.s32 v9, v3;
	v7 =	vor.u32 $0x330, v0;
	vm0 =	vgt.s32 v2, v10  }
0x31d: {  	v9 =	vnsel vm15, $0xFFFFFFFF, v7;
	v2 =	vsel vm0, v2, v10;
	v10 =	vld [tilespmem:$0x191E0]  }
0x31e: {  	vm0 =	vgt.s32 v2, v9;
	vm4 =	veq.s32 v8, v3;
	v8 =	vor.u32 $0x340, v0  }
0x31f: {  	v13 =	vld [tilespmem:$0x191F0];
	v2 =	vsel vm0, v2, v9;
	v12 =	vnsel vm4, $0xFFFFFFFF, v8  }
0x320: {  	vm5 =	veq.s32 v11, v3;
	v9 =	vor.u32 $0x350, v0;
	vm0 =	vgt.s32 v2, v12  }
0x321: {  	v11 =	vnsel vm5, $0xFFFFFFFF, v9;
	v2 =	vsel vm0, v2, v12;
	v12 =	vld [tilespmem:$0x19200]  }
0x322: {  	vm0 =	vgt.s32 v2, v11;
	vm6 =	veq.s32 v10, v3;
	v10 =	vor.u32 $0x360, v0  }
0x323: {  	v15 =	vld [tilespmem:$0x19210];
	v2 =	vsel vm0, v2, v11;
	v14 =	vnsel vm6, $0xFFFFFFFF, v10  }
0x324: {  	vm7 =	veq.s32 v13, v3;
	v11 =	vor.u32 $0x370, v0;
	vm0 =	vgt.s32 v2, v14  }
0x325: {  	v13 =	vnsel vm7, $0xFFFFFFFF, v11;
	v2 =	vsel vm0, v2, v14;
	v14 =	vld [tilespmem:$0x19220]  }
0x326: {  	vm0 =	vgt.s32 v2, v13;
	vm8 =	veq.s32 v12, v3;
	v12 =	vor.u32 $0x380, v0  }
0x327: {  	v17 =	vld [tilespmem:$0x19230];
	v2 =	vsel vm0, v2, v13;
	v16 =	vnsel vm8, $0xFFFFFFFF, v12  }
0x328: {  	vm9 =	veq.s32 v15, v3;
	v13 =	vor.u32 $0x390, v0;
	vm0 =	vgt.s32 v2, v16  }
0x329: {  	v15 =	vnsel vm9, $0xFFFFFFFF, v13;
	v2 =	vsel vm0, v2, v16;
	v16 =	vld [tilespmem:$0x19240]  }
0x32a: {  	vm0 =	vgt.s32 v2, v15;
	vm10 =	veq.s32 v14, v3;
	v14 =	vor.u32 $0x3A0, v0  }
0x32b: {  	v19 =	vld [tilespmem:$0x19250];
	v2 =	vsel vm0, v2, v15;
	v18 =	vnsel vm10, $0xFFFFFFFF, v14  }
0x32c: {  	vm11 =	veq.s32 v17, v3;
	v15 =	vor.u32 $0x3B0, v0;
	vm0 =	vgt.s32 v2, v18  }
0x32d: {  	v20 =	vld [tilespmem:$0x19260];
	v17 =	vnsel vm11, $0xFFFFFFFF, v15;
	v2 =	vsel vm0, v2, v18  }
0x32e: {  	vm0 =	vgt.s32 v2, v17;
	vm12 =	veq.s32 v16, v3;
	v16 =	vor.u32 $0x3C0, v0  }
0x32f: {  	v21 =	vld [tilespmem:$0x19270];
	v18 =	vsel vm0, v2, v17;
	v2 =	vnsel vm12, $0xFFFFFFFF, v16  }
0x330: {  	vm13 =	veq.s32 v19, v3;
	v17 =	vor.u32 $0x3D0, v0;
	vm0 =	vgt.s32 v18, v2  }
0x331: {  	v19 =	vsel vm0, v18, v2;
	v18 =	vnsel vm13, $0xFFFFFFFF, v17  }
0x332: {  	vm14 =	veq.s32 v20, v3;
	v2 =	vor.u32 $0x3E0, v0;
	vm0 =	vgt.s32 v19, v18  }
0x333: {  	v19 =	vsel vm0, v19, v18;
	v18 =	vnsel vm14, $0xFFFFFFFF, v2  }
0x334: {  	vm15 =	veq.s32 v21, v3;
	v3 =	vor.u32 $0x3F0, v0;
	vm1 =	vgt.s32 v19, v18  }
0x335: {  	v19 =	vsel vm1, v19, v18;
	v18 =	vnsel vm15, $0xFFFFFFFF, v3  }
0x336: {  	vm0 =	vgt.s32 v19, v18  }
0x337: {  	v18 =	vsel vm0, v19, v18  }
0x338: {  	v18 =	vxor.u32 $0x80000000, v18  }
0x339: {  	(xrf0) =	vmax.scan.msk.u32 $0xffff, v18;
	_ =	sdelay $0x4  }
0x33a: {  	s21 =	simm.s32 $0x1  }
0x33b: {  	s15 =	simm.s32 $0x2;
	s14 =	smov.u32 s30;
	s23 =	sand.u32 $0xF, s21;
	v18, _, _ =	vpop (xrf0)  }
0x33c: {  	s2 =	sand.u32 $0x30, s19;
	s7 =	simm.s32 $0x1;
	s1 =	sadd.s32 $0x1, s30;
	(v2sf) =	vpush v18, $0xF  }
.LBB2_23:
0x33d: {  	_ =	sdelay $0xa  }
0x33e: {  	p3 =	seq.s32 s1, $0x0;
	p4 =	sne.s32 s23, $0x0;
	v18 =	vld [tilespmem:s2+$0x1E380]  }
0x33f: {  	p3 =	por !p3, !p4  }
0x340: {  	s18 =	simm.s32 $0xFFFFFFFF;
	p3 =	por !p3, !p3  }
0x341: {  	v21 =	vmov s22;
	s18 =	simm.s32 @!p3 $0x0;
	s26 =	spop (v2sf)  }
0x342: {  	s22 =	smov.u32 s23;
	vm0 =	veq.s32 v21, v0;
	s18 =	sshll.u32 s18, $0x4;
	s23 =	sxor.u32 $0x80000000, s26  }
0x343: {  	s26 =	sadd.s32 s18, s1;
	v18 =	vsel vm0, s23, v18  }
0x344: {  	s14 =	sadd.s32 $0x1, s14;
	s26 =	sand.u32 $0xFFFFFFF0, s26;
	[tilespmem:s2+$0x1E380] =	vst v18  }
0x345: {  	s18 =	sadd.s32 s18, s14;
	v18 =	vld [tilespmem:s26+$0x18E80]  }
0x346: {  	s2 =	sand.u32 $0xFFFFFFF0, s18  }
0x347: {  	s26 =	ssub.s32 s1, s2  }
0x348: {  	v21 =	vmov s26  }
0x349: {  	vm12 =	veq.s32 v21, v0  }
0x34a: {  	v18 =	vnsel vm12, $0x0, v18  }
0x34b: {  	(xrf0) =	vadd.scan.msk.s32 $0xffff, v18;
	_ =	sdelay $0x3  }
0x34c: {  	v21 =	vld [tilespmem:$0x18E90];
	_ =	sdelay $0x1  }
0x34d: {  	v19 =	vld [tilespmem:$0x18E80];
	v18, _, _ =	vpop (xrf0)  }
0x34e: {  	v20 =	vld [tilespmem:$0x18EA0];
	v18 =	vbroadcast v18, $0xF;
	_ =	sdelay $0x1  }
0x34f: {  	vm13 =	veq.s32 v21, v18;
	v21 =	vld [tilespmem:$0x18EB0]  }
0x350: {  	v22 =	vnsel vm13, $0xFFFFFFFF, v47  }
0x351: {  	v23 =	vld [tilespmem:$0x18EC0];
	vm0 =	vgt.s32 v22, v0  }
0x352: {  	vm1 =	veq.s32 v19, v18;
	vm14 =	veq.s32 v20, v18;
	v19 =	vsel vm0, v22, v0  }
0x353: {  	v20 =	vnsel vm14, $0xFFFFFFFF, v24;
	v19 =	vsel vm1, v19, v22;
	v22 =	vld [tilespmem:$0x18ED0]  }
0x354: {  	vm0 =	vgt.s32 v19, v20;
	vm15 =	veq.s32 v21, v18  }
0x355: {  	v21 =	vld [tilespmem:$0x18EE0];
	v19 =	vsel vm0, v19, v20;
	v20 =	vnsel vm15, $0xFFFFFFFF, v26  }
0x356: {  	vm4 =	veq.s32 v23, v18;
	vm0 =	vgt.s32 v19, v20  }
0x357: {  	v23 =	vld [tilespmem:$0x18EF0];
	v19 =	vsel vm0, v19, v20;
	v20 =	vnsel vm4, $0xFFFFFFFF, v32  }
0x358: {  	vm0 =	vgt.s32 v19, v20;
	vm5 =	veq.s32 v22, v18  }
0x359: {  	v22 =	vld [tilespmem:$0x18F00];
	v19 =	vsel vm0, v19, v20;
	v20 =	vnsel vm5, $0xFFFFFFFF, v28  }
0x35a: {  	vm6 =	veq.s32 v21, v18;
	vm0 =	vgt.s32 v19, v20  }
0x35b: {  	v21 =	vld [tilespmem:$0x18F10];
	v19 =	vsel vm0, v19, v20;
	v20 =	vnsel vm6, $0xFFFFFFFF, v49  }
0x35c: {  	vm7 =	veq.s32 v23, v18;
	vm0 =	vgt.s32 v19, v20  }
0x35d: {  	v23 =	vld [tilespmem:$0x18F20];
	v19 =	vsel vm0, v19, v20;
	v20 =	vnsel vm7, $0xFFFFFFFF, v30  }
0x35e: {  	vm8 =	veq.s32 v22, v18;
	vm0 =	vgt.s32 v19, v20  }
0x35f: {  	v22 =	vld [tilespmem:$0x18F30];
	v19 =	vsel vm0, v19, v20;
	v20 =	vnsel vm8, $0xFFFFFFFF, v29  }
0x360: {  	vm9 =	veq.s32 v21, v18;
	vm0 =	vgt.s32 v19, v20  }
0x361: {  	v21 =	vld [tilespmem:$0x18F40];
	v19 =	vsel vm0, v19, v20;
	v20 =	vnsel vm9, $0xFFFFFFFF, v53  }
0x362: {  	vm10 =	veq.s32 v23, v18;
	vm0 =	vgt.s32 v19, v20  }
0x363: {  	v23 =	vld [tilespmem:$0x18F50];
	v19 =	vsel vm0, v19, v20;
	v20 =	vnsel vm10, $0xFFFFFFFF, v31  }
0x364: {  	vm11 =	veq.s32 v22, v18;
	vm0 =	vgt.s32 v19, v20  }
0x365: {  	v22 =	vld [tilespmem:$0x18F60];
	v19 =	vsel vm0, v19, v20;
	v20 =	vnsel vm11, $0xFFFFFFFF, v34  }
0x366: {  	vm12 =	veq.s32 v21, v18;
	vm0 =	vgt.s32 v19, v20  }
0x367: {  	v21 =	vld [tilespmem:$0x18F70];
	v19 =	vsel vm0, v19, v20;
	v20 =	vnsel vm12, $0xFFFFFFFF, v50  }
0x368: {  	vm13 =	veq.s32 v23, v18;
	vm0 =	vgt.s32 v19, v20  }
0x369: {  	v23 =	vld [tilespmem:$0x18F80];
	v19 =	vsel vm0, v19, v20;
	v20 =	vnsel vm13, $0xFFFFFFFF, v36  }
0x36a: {  	vm14 =	veq.s32 v22, v18;
	vm0 =	vgt.s32 v19, v20  }
0x36b: {  	v22 =	vld [tilespmem:$0x18F90];
	v19 =	vsel vm0, v19, v20;
	v20 =	vnsel vm14, $0xFFFFFFFF, v35  }
0x36c: {  	vm15 =	veq.s32 v21, v18;
	vm0 =	vgt.s32 v19, v20  }
0x36d: {  	v21 =	vld [tilespmem:$0x18FA0];
	v19 =	vsel vm0, v19, v20;
	v20 =	vnsel vm15, $0xFFFFFFFF, v45  }
0x36e: {  	vm4 =	veq.s32 v23, v18;
	vm0 =	vgt.s32 v19, v20  }
0x36f: {  	v23 =	vld [tilespmem:$0x18FB0];
	v19 =	vsel vm0, v19, v20;
	v20 =	vnsel vm4, $0xFFFFFFFF, v33  }
0x370: {  	vm5 =	veq.s32 v22, v18;
	vm0 =	vgt.s32 v19, v20  }
0x371: {  	v22 =	vld [tilespmem:$0x18FC0];
	v19 =	vsel vm0, v19, v20;
	v20 =	vnsel vm5, $0xFFFFFFFF, v40  }
0x372: {  	vm6 =	veq.s32 v21, v18;
	vm0 =	vgt.s32 v19, v20  }
0x373: {  	v21 =	vld [tilespmem:$0x18FD0];
	v19 =	vsel vm0, v19, v20;
	v20 =	vnsel vm6, $0xFFFFFFFF, v51  }
0x374: {  	vm7 =	veq.s32 v23, v18;
	vm0 =	vgt.s32 v19, v20  }
0x375: {  	v23 =	vld [tilespmem:$0x18FE0];
	v19 =	vsel vm0, v19, v20;
	v20 =	vnsel vm7, $0xFFFFFFFF, v42  }
0x376: {  	vm8 =	veq.s32 v22, v18;
	vm0 =	vgt.s32 v19, v20  }
0x377: {  	v22 =	vld [tilespmem:$0x18FF0];
	v19 =	vsel vm0, v19, v20;
	v20 =	vnsel vm8, $0xFFFFFFFF, v41  }
0x378: {  	vm9 =	veq.s32 v21, v18;
	vm0 =	vgt.s32 v19, v20  }
0x379: {  	v21 =	vld [tilespmem:$0x19000];
	v19 =	vsel vm0, v19, v20;
	v20 =	vnsel vm9, $0xFFFFFFFF, v44  }
0x37a: {  	vm10 =	veq.s32 v23, v18;
	vm0 =	vgt.s32 v19, v20  }
0x37b: {  	v23 =	vld [tilespmem:$0x19010];
	v19 =	vsel vm0, v19, v20;
	v20 =	vnsel vm10, $0xFFFFFFFF, v37  }
0x37c: {  	vm11 =	veq.s32 v22, v18;
	vm0 =	vgt.s32 v19, v20  }
0x37d: {  	v22 =	vld [tilespmem:$0x19020];
	v19 =	vsel vm0, v19, v20;
	v20 =	vnsel vm11, $0xFFFFFFFF, v39  }
0x37e: {  	vm12 =	veq.s32 v21, v18;
	vm0 =	vgt.s32 v19, v20  }
0x37f: {  	v21 =	vld [tilespmem:$0x19030];
	v19 =	vsel vm0, v19, v20;
	v20 =	vnsel vm12, $0xFFFFFFFF, v48  }
0x380: {  	vm13 =	veq.s32 v23, v18;
	vm0 =	vgt.s32 v19, v20  }
0x381: {  	v23 =	vld [tilespmem:$0x19040];
	v19 =	vsel vm0, v19, v20;
	v20 =	vnsel vm13, $0xFFFFFFFF, v38  }
0x382: {  	vm14 =	veq.s32 v22, v18;
	vm0 =	vgt.s32 v19, v20  }
0x383: {  	v19 =	vsel vm0, v19, v20;
	v20 =	vnsel vm14, $0xFFFFFFFF, v27  }
0x384: {  	vm15 =	veq.s32 v21, v18;
	vm0 =	vgt.s32 v19, v20  }
0x385: {  	v19 =	vsel vm0, v19, v20;
	v20 =	vnsel vm15, $0xFFFFFFFF, v43  }
0x386: {  	vm4 =	veq.s32 v23, v18;
	vm0 =	vgt.s32 v19, v20  }
0x387: {  	v19 =	vsel vm0, v19, v20;
	v20 =	vnsel vm4, $0xFFFFFFFF, v25  }
0x388: {  	v22 =	vld [tilespmem:$0x19050];
	vm0 =	vgt.s32 v19, v20  }
0x389: {  	v19 =	vsel vm0, v19, v20;
	v20 =	vld [tilespmem:$0x1FE40]  }
0x38a: {  	v21 =	vld [tilespmem:$0x19060];
	_ =	sdelay $0x1  }
0x38b: {  	v23 =	vld [tilespmem:$0x19070]  }
0x38c: {  	vm5 =	veq.s32 v22, v18  }
0x38d: {  	v22 =	vld [tilespmem:$0x19080];
	v20 =	vnsel vm5, $0xFFFFFFFF, v20  }
0x38e: {  	vm6 =	veq.s32 v21, v18;
	vm0 =	vgt.s32 v19, v20  }
0x38f: {  	v19 =	vsel vm0, v19, v20;
	v20 =	vnsel vm6, $0xFFFFFFFF, v54  }
0x390: {  	vm7 =	veq.s32 v23, v18;
	vm0 =	vgt.s32 v19, v20  }
0x391: {  	v19 =	vsel vm0, v19, v20;
	v20 =	vnsel vm7, $0xFFFFFFFF, v60  }
0x392: {  	vm8 =	veq.s32 v22, v18;
	vm0 =	vgt.s32 v19, v20  }
0x393: {  	v19 =	vsel vm0, v19, v20;
	v20 =	vnsel vm8, $0xFFFFFFFF, v57  }
0x394: {  	v21 =	vld [tilespmem:$0x19090];
	vm0 =	vgt.s32 v19, v20  }
0x395: {  	v19 =	vsel vm0, v19, v20;
	v20 =	vld [tilespmem:$0x1FE50];
	_ =	sdelay $0x3  }
0x396: {  	vm9 =	veq.s32 v21, v18  }
0x397: {  	v20 =	vnsel vm9, $0xFFFFFFFF, v20  }
0x398: {  	v23 =	vld [tilespmem:$0x190A0];
	vm0 =	vgt.s32 v19, v20  }
0x399: {  	v19 =	vsel vm0, v19, v20;
	v20 =	vld [tilespmem:$0x1FE60];
	_ =	sdelay $0x3  }
0x39a: {  	vm10 =	veq.s32 v23, v18  }
0x39b: {  	v20 =	vnsel vm10, $0xFFFFFFFF, v20  }
0x39c: {  	v22 =	vld [tilespmem:$0x190B0];
	vm0 =	vgt.s32 v19, v20  }
0x39d: {  	v19 =	vsel vm0, v19, v20;
	v20 =	vld [tilespmem:$0x1FE70];
	_ =	sdelay $0x3  }
0x39e: {  	vm11 =	veq.s32 v22, v18  }
0x39f: {  	v20 =	vnsel vm11, $0xFFFFFFFF, v20  }
0x3a0: {  	v21 =	vld [tilespmem:$0x190C0];
	vm0 =	vgt.s32 v19, v20  }
0x3a1: {  	v19 =	vsel vm0, v19, v20;
	v20 =	vld [tilespmem:$0x1FE80];
	_ =	sdelay $0x3  }
0x3a2: {  	vm12 =	veq.s32 v21, v18  }
0x3a3: {  	v20 =	vnsel vm12, $0xFFFFFFFF, v20  }
0x3a4: {  	v23 =	vld [tilespmem:$0x190D0];
	vm0 =	vgt.s32 v19, v20  }
0x3a5: {  	v19 =	vsel vm0, v19, v20;
	v20 =	vld [tilespmem:$0x1FE90]  }
0x3a6: {  	v22 =	vld [tilespmem:$0x190E0];
	_ =	sdelay $0x1  }
0x3a7: {  	v21 =	vld [tilespmem:$0x190F0]  }
0x3a8: {  	vm13 =	veq.s32 v23, v18  }
0x3a9: {  	v23 =	vld [tilespmem:$0x19100];
	v20 =	vnsel vm13, $0xFFFFFFFF, v20  }
0x3aa: {  	vm14 =	veq.s32 v22, v18;
	vm0 =	vgt.s32 v19, v20  }
0x3ab: {  	v22 =	vld [tilespmem:$0x19110];
	v19 =	vsel vm0, v19, v20;
	v20 =	vnsel vm14, $0xFFFFFFFF, v58  }
0x3ac: {  	vm15 =	veq.s32 v21, v18;
	vm0 =	vgt.s32 v19, v20  }
0x3ad: {  	v21 =	vld [tilespmem:$0x19120];
	v19 =	vsel vm0, v19, v20;
	v20 =	vnsel vm15, $0xFFFFFFFF, v59  }
0x3ae: {  	vm4 =	veq.s32 v23, v18;
	vm0 =	vgt.s32 v19, v20  }
0x3af: {  	v23 =	vld [tilespmem:$0x19130];
	v19 =	vsel vm0, v19, v20;
	v20 =	vnsel vm4, $0xFFFFFFFF, v46  }
0x3b0: {  	vm5 =	veq.s32 v22, v18;
	vm0 =	vgt.s32 v19, v20  }
0x3b1: {  	v22 =	vld [tilespmem:$0x19140];
	v19 =	vsel vm0, v19, v20;
	v20 =	vnsel vm5, $0xFFFFFFFF, v61  }
0x3b2: {  	vm6 =	veq.s32 v21, v18;
	vm0 =	vgt.s32 v19, v20  }
0x3b3: {  	v21 =	vld [tilespmem:$0x19150];
	v19 =	vsel vm0, v19, v20;
	v20 =	vnsel vm6, $0xFFFFFFFF, v62  }
0x3b4: {  	vm7 =	veq.s32 v23, v18;
	vm0 =	vgt.s32 v19, v20  }
0x3b5: {  	v23 =	vld [tilespmem:$0x19160];
	v19 =	vsel vm0, v19, v20;
	v20 =	vnsel vm7, $0xFFFFFFFF, v55  }
0x3b6: {  	vm8 =	veq.s32 v22, v18;
	vm0 =	vgt.s32 v19, v20  }
0x3b7: {  	v22 =	vld [tilespmem:$0x19170];
	v19 =	vsel vm0, v19, v20;
	v20 =	vnsel vm8, $0xFFFFFFFF, v52  }
0x3b8: {  	vm9 =	veq.s32 v21, v18;
	vm0 =	vgt.s32 v19, v20  }
0x3b9: {  	v21 =	vld [tilespmem:$0x19180];
	v19 =	vsel vm0, v19, v20;
	v20 =	vnsel vm9, $0xFFFFFFFF, v63  }
0x3ba: {  	vm10 =	veq.s32 v23, v18;
	vm0 =	vgt.s32 v19, v20  }
0x3bb: {  	v23 =	vld [tilespmem:$0x19190];
	v19 =	vsel vm0, v19, v20;
	v20 =	vnsel vm10, $0xFFFFFFFF, v56  }
0x3bc: {  	vm11 =	veq.s32 v22, v18;
	vm0 =	vgt.s32 v19, v20  }
0x3bd: {  	v22 =	vld [tilespmem:$0x191A0];
	v19 =	vsel vm0, v19, v20;
	v20 =	vnsel vm11, $0xFFFFFFFF, v1  }
0x3be: {  	vm12 =	veq.s32 v21, v18;
	vm0 =	vgt.s32 v19, v20  }
0x3bf: {  	v21 =	vld [tilespmem:$0x191B0];
	v19 =	vsel vm0, v19, v20;
	v20 =	vnsel vm12, $0xFFFFFFFF, v4  }
0x3c0: {  	vm13 =	veq.s32 v23, v18;
	vm0 =	vgt.s32 v19, v20  }
0x3c1: {  	v23 =	vld [tilespmem:$0x191C0];
	v19 =	vsel vm0, v19, v20;
	v20 =	vnsel vm13, $0xFFFFFFFF, v5  }
0x3c2: {  	vm14 =	veq.s32 v22, v18;
	vm0 =	vgt.s32 v19, v20  }
0x3c3: {  	v22 =	vld [tilespmem:$0x191D0];
	v19 =	vsel vm0, v19, v20;
	v20 =	vnsel vm14, $0xFFFFFFFF, v6  }
0x3c4: {  	vm15 =	veq.s32 v21, v18;
	vm0 =	vgt.s32 v19, v20  }
0x3c5: {  	v21 =	vld [tilespmem:$0x191E0];
	v19 =	vsel vm0, v19, v20;
	v20 =	vnsel vm15, $0xFFFFFFFF, v7  }
0x3c6: {  	vm4 =	veq.s32 v23, v18;
	vm0 =	vgt.s32 v19, v20  }
0x3c7: {  	v23 =	vld [tilespmem:$0x191F0];
	v19 =	vsel vm0, v19, v20;
	v20 =	vnsel vm4, $0xFFFFFFFF, v8  }
0x3c8: {  	vm5 =	veq.s32 v22, v18;
	vm0 =	vgt.s32 v19, v20  }
0x3c9: {  	v22 =	vld [tilespmem:$0x19200];
	v19 =	vsel vm0, v19, v20;
	v20 =	vnsel vm5, $0xFFFFFFFF, v9  }
0x3ca: {  	vm6 =	veq.s32 v21, v18;
	vm0 =	vgt.s32 v19, v20  }
0x3cb: {  	v21 =	vld [tilespmem:$0x19210];
	v19 =	vsel vm0, v19, v20;
	v20 =	vnsel vm6, $0xFFFFFFFF, v10  }
0x3cc: {  	vm7 =	veq.s32 v23, v18;
	vm0 =	vgt.s32 v19, v20  }
0x3cd: {  	v23 =	vld [tilespmem:$0x19220];
	v19 =	vsel vm0, v19, v20;
	v20 =	vnsel vm7, $0xFFFFFFFF, v11  }
0x3ce: {  	vm8 =	veq.s32 v22, v18;
	vm0 =	vgt.s32 v19, v20  }
0x3cf: {  	v22 =	vld [tilespmem:$0x19230];
	v19 =	vsel vm0, v19, v20;
	v20 =	vnsel vm8, $0xFFFFFFFF, v12  }
0x3d0: {  	vm9 =	veq.s32 v21, v18;
	vm0 =	vgt.s32 v19, v20  }
0x3d1: {  	v21 =	vld [tilespmem:$0x19240];
	v19 =	vsel vm0, v19, v20;
	v20 =	vnsel vm9, $0xFFFFFFFF, v13  }
0x3d2: {  	vm10 =	veq.s32 v23, v18;
	vm0 =	vgt.s32 v19, v20  }
0x3d3: {  	v23 =	vld [tilespmem:$0x19250];
	v19 =	vsel vm0, v19, v20;
	v20 =	vnsel vm10, $0xFFFFFFFF, v14  }
0x3d4: {  	vm11 =	veq.s32 v22, v18;
	vm0 =	vgt.s32 v19, v20  }
0x3d5: {  	v22 =	vld [tilespmem:$0x19260];
	v19 =	vsel vm0, v19, v20;
	v20 =	vnsel vm11, $0xFFFFFFFF, v15  }
0x3d6: {  	vm12 =	veq.s32 v21, v18;
	vm0 =	vgt.s32 v19, v20  }
0x3d7: {  	v21 =	vld [tilespmem:$0x19270];
	v19 =	vsel vm0, v19, v20;
	v20 =	vnsel vm12, $0xFFFFFFFF, v16  }
0x3d8: {  	vm13 =	veq.s32 v23, v18;
	vm0 =	vgt.s32 v19, v20  }
0x3d9: {  	v19 =	vsel vm0, v19, v20;
	v20 =	vnsel vm13, $0xFFFFFFFF, v17  }
0x3da: {  	vm14 =	veq.s32 v22, v18;
	vm0 =	vgt.s32 v19, v20  }
0x3db: {  	v19 =	vsel vm0, v19, v20;
	v20 =	vnsel vm14, $0xFFFFFFFF, v2  }
0x3dc: {  	vm15 =	veq.s32 v21, v18;
	vm0 =	vgt.s32 v19, v20  }
0x3dd: {  	v18 =	vsel vm0, v19, v20;
	v19 =	vnsel vm15, $0xFFFFFFFF, v3  }
0x3de: {  	vm0 =	vgt.s32 v18, v19  }
0x3df: {  	v18 =	vsel vm0, v18, v19  }
0x3e0: {  	v18 =	vxor.u32 $0x80000000, v18  }
0x3e1: {  	(xrf0) =	vmax.scan.msk.u32 $0xffff, v18;
	_ =	sdelay $0x1  }
0x3e2: {  	p2 =	sne.s32 s15, $0x3F  }
.Ltmp13:
0x3e3: {  	_ = 	snop;
	(pc) =	sbr.rel @p2 .LBB2_23-.Ltmp13, $3  }
0x3e4: {  	_ =	sdelay $0x1  }
0x3e5: {  	s2 =	sand.u32 $0x30, s7;
	s7 =	smov.u32 s15;
	v18, _, _ =	vpop (xrf0)  }
0x3e6: {  	s15 =	sadd.s32 $0x1, s15;
	s1 =	sadd.s32 s7, s30;
	s23 =	sand.u32 $0xF, s7;
	(v2sf) =	vpush v18, $0xF  }
0x3e7: {  	_ =	sdelay $0xa  }
0x3e8: {  	p2 =	seq.s32 s1, $0x0;
	p3 =	sne.s32 s23, $0x0;
	v18 =	vld [tilespmem:s2+$0x1E380]  }
0x3e9: {  	p2 =	por !p2, !p3  }
0x3ea: {  	s15 =	simm.s32 $0xFFFFFFFF;
	p2 =	por !p2, !p2  }
0x3eb: {  	v19 =	vmov s22;
	s15 =	simm.s32 @!p2 $0x0;
	s18 =	spop (v2sf)  }
0x3ec: {  	vm0 =	veq.s32 v19, v0;
	s15 =	sshll.u32 s15, $0x4;
	s18 =	sxor.u32 $0x80000000, s18  }
0x3ed: {  	s26 =	sadd.s32 s15, s1;
	v18 =	vsel vm0, s18, v18  }
0x3ee: {  	s14 =	sadd.s32 $0x1, s14;
	s26 =	sand.u32 $0xFFFFFFF0, s26;
	[tilespmem:s2+$0x1E380] =	vst v18  }
0x3ef: {  	s2 =	sadd.s32 s15, s14;
	v18 =	vld [tilespmem:s26+$0x18E80]  }
0x3f0: {  	s2 =	sand.u32 $0xFFFFFFF0, s2  }
0x3f1: {  	s15 =	ssub.s32 s1, s2  }
0x3f2: {  	v23 =	vmov s15  }
0x3f3: {  	vm10 =	veq.s32 v23, v0  }
0x3f4: {  	v18 =	vnsel vm10, $0x0, v18  }
0x3f5: {  	(xrf0) =	vadd.scan.msk.s32 $0xffff, v18;
	_ =	sdelay $0x3  }
0x3f6: {  	v19 =	vld [tilespmem:$0x18E90];
	_ =	sdelay $0x1  }
0x3f7: {  	v20 =	vld [tilespmem:$0x18E80];
	v18, _, _ =	vpop (xrf0)  }
0x3f8: {  	v21 =	vld [tilespmem:$0x18EA0];
	v18 =	vbroadcast v18, $0xF  }
0x3f9: {  	v23 =	vld [tilespmem:$0x18EC0]  }
0x3fa: {  	vm11 =	veq.s32 v19, v18;
	v19 =	vld [tilespmem:$0x18EB0]  }
0x3fb: {  	v22 =	vnsel vm11, $0xFFFFFFFF, v47  }
0x3fc: {  	vm0 =	vgt.s32 v22, v0  }
0x3fd: {  	vm1 =	veq.s32 v20, v18;
	vm12 =	veq.s32 v21, v18;
	v47 =	vsel vm0, v22, v0  }
0x3fe: {  	v21 =	vnsel vm12, $0xFFFFFFFF, v24;
	v20 =	vsel vm1, v47, v22;
	v22 =	vld [tilespmem:$0x18ED0]  }
0x3ff: {  	vm14 =	veq.s32 v23, v18;
	v23 =	vld [tilespmem:$0x18EF0];
	vm0 =	vgt.s32 v20, v21;
	vm13 =	veq.s32 v19, v18  }
0x400: {  	v19 =	vsel vm0, v20, v21;
	v20 =	vnsel vm13, $0xFFFFFFFF, v26;
	v21 =	vld [tilespmem:$0x18EE0]  }
0x401: {  	vm0 =	vgt.s32 v19, v20  }
0x402: {  	v19 =	vsel vm0, v19, v20;
	v20 =	vnsel vm14, $0xFFFFFFFF, v32  }
0x403: {  	vm0 =	vgt.s32 v19, v20;
	vm15 =	veq.s32 v22, v18  }
0x404: {  	v22 =	vld [tilespmem:$0x18F00];
	v19 =	vsel vm0, v19, v20;
	v20 =	vnsel vm15, $0xFFFFFFFF, v28  }
0x405: {  	vm5 =	veq.s32 v23, v18;
	v23 =	vld [tilespmem:$0x18F20];
	vm0 =	vgt.s32 v19, v20;
	vm4 =	veq.s32 v21, v18  }
0x406: {  	v21 =	vld [tilespmem:$0x18F10];
	v19 =	vsel vm0, v19, v20;
	v20 =	vnsel vm4, $0xFFFFFFFF, v49  }
0x407: {  	vm0 =	vgt.s32 v19, v20  }
0x408: {  	v19 =	vsel vm0, v19, v20;
	v20 =	vnsel vm5, $0xFFFFFFFF, v30  }
0x409: {  	vm6 =	veq.s32 v22, v18;
	vm0 =	vgt.s32 v19, v20  }
0x40a: {  	v22 =	vld [tilespmem:$0x18F30];
	v19 =	vsel vm0, v19, v20;
	v20 =	vnsel vm6, $0xFFFFFFFF, v29  }
0x40b: {  	vm8 =	veq.s32 v23, v18;
	v23 =	vld [tilespmem:$0x18F50];
	vm7 =	veq.s32 v21, v18;
	vm0 =	vgt.s32 v19, v20  }
0x40c: {  	v21 =	vld [tilespmem:$0x18F40];
	v19 =	vsel vm0, v19, v20;
	v20 =	vnsel vm7, $0xFFFFFFFF, v53  }
0x40d: {  	vm0 =	vgt.s32 v19, v20  }
0x40e: {  	v19 =	vsel vm0, v19, v20;
	v20 =	vnsel vm8, $0xFFFFFFFF, v31  }
0x40f: {  	vm9 =	veq.s32 v22, v18;
	vm0 =	vgt.s32 v19, v20  }
0x410: {  	v28 =	vmov v34;
	v22 =	vld [tilespmem:$0x18F60];
	v34 =	vnsel vm9, $0xFFFFFFFF, v34;
	v19 =	vsel vm0, v19, v20  }
0x411: {  	vm11 =	veq.s32 v23, v18;
	v23 =	vld [tilespmem:$0x18F80];
	vm10 =	veq.s32 v21, v18;
	vm0 =	vgt.s32 v19, v34  }
0x412: {  	v21 =	vld [tilespmem:$0x18F70];
	v19 =	vsel vm0, v19, v34;
	v34 =	vnsel vm10, $0xFFFFFFFF, v50  }
0x413: {  	vm0 =	vgt.s32 v19, v34  }
0x414: {  	v19 =	vsel vm0, v19, v34;
	v34 =	vnsel vm11, $0xFFFFFFFF, v36  }
0x415: {  	vm12 =	veq.s32 v22, v18;
	vm0 =	vgt.s32 v19, v34  }
0x416: {  	v30 =	vmov v36;
	v22 =	vld [tilespmem:$0x18F90];
	v36 =	vnsel vm12, $0xFFFFFFFF, v35;
	v19 =	vsel vm0, v19, v34  }
0x417: {  	vm14 =	veq.s32 v23, v18;
	v23 =	vld [tilespmem:$0x18FB0];
	vm13 =	veq.s32 v21, v18;
	vm0 =	vgt.s32 v19, v36  }
0x418: {  	v21 =	vld [tilespmem:$0x18FA0];
	v34 =	vnsel vm13, $0xFFFFFFFF, v45;
	v19 =	vsel vm0, v19, v36  }
0x419: {  	vm0 =	vgt.s32 v19, v34  }
0x41a: {  	v36 =	vnsel vm14, $0xFFFFFFFF, v33;
	v19 =	vsel vm0, v19, v34  }
0x41b: {  	vm15 =	veq.s32 v22, v18;
	vm0 =	vgt.s32 v19, v36  }
0x41c: {  	v33 =	vld [tilespmem:$0x18FC0];
	v34 =	vmov v40;
	v40 =	vnsel vm15, $0xFFFFFFFF, v40;
	v19 =	vsel vm0, v19, v36  }
0x41d: {  	vm5 =	veq.s32 v23, v18;
	v23 =	vld [tilespmem:$0x18FE0];
	vm4 =	veq.s32 v21, v18;
	vm0 =	vgt.s32 v19, v40  }
0x41e: {  	v21 =	vld [tilespmem:$0x18FD0];
	v36 =	vnsel vm4, $0xFFFFFFFF, v51;
	v19 =	vsel vm0, v19, v40  }
0x41f: {  	vm0 =	vgt.s32 v19, v36  }
0x420: {  	v40 =	vnsel vm5, $0xFFFFFFFF, v42;
	v19 =	vsel vm0, v19, v36  }
0x421: {  	vm6 =	veq.s32 v33, v18;
	vm0 =	vgt.s32 v19, v40  }
0x422: {  	v33 =	vld [tilespmem:$0x18FF0];
	v36 =	vmov v42;
	v42 =	vnsel vm6, $0xFFFFFFFF, v41;
	v19 =	vsel vm0, v19, v40  }
0x423: {  	vm8 =	veq.s32 v23, v18;
	v23 =	vld [tilespmem:$0x19010];
	vm7 =	veq.s32 v21, v18;
	vm0 =	vgt.s32 v19, v42  }
0x424: {  	v21 =	vld [tilespmem:$0x19000];
	v40 =	vnsel vm7, $0xFFFFFFFF, v44;
	v19 =	vsel vm0, v19, v42  }
0x425: {  	vm0 =	vgt.s32 v19, v40  }
0x426: {  	v42 =	vnsel vm8, $0xFFFFFFFF, v37;
	v19 =	vsel vm0, v19, v40  }
0x427: {  	vm9 =	veq.s32 v33, v18;
	vm0 =	vgt.s32 v19, v42  }
0x428: {  	v26 =	vmovc v37;
	vm11 =	veq.s32 v23, v18;
	v33 =	vnsel vm9, $0xFFFFFFFF, v39;
	v37 =	vld [tilespmem:$0x19020];
	v19 =	vsel vm0, v19, v42  }
0x429: {  	v31 =	vmovc v38;
	vm10 =	veq.s32 v21, v18;
	v42 =	vmovc v39;
	v39 =	vnsel vm11, $0xFFFFFFFF, v38;
	v38 =	vld [tilespmem:$0x19050];
	vm0 =	vgt.s32 v19, v33  }
0x42a: {  	v40 =	vmov v48;
	v48 =	vnsel vm10, $0xFFFFFFFF, v48;
	v19 =	vsel vm0, v19, v33;
	v33 =	vld [tilespmem:$0x19030]  }
0x42b: {  	vm0 =	vgt.s32 v19, v48  }
0x42c: {  	v19 =	vsel vm0, v19, v48;
	v48 =	vld [tilespmem:$0x19040]  }
0x42d: {  	vm12 =	veq.s32 v37, v18;
	vm0 =	vgt.s32 v19, v39  }
0x42e: {  	v37 =	vnsel vm12, $0xFFFFFFFF, v27;
	v19 =	vsel vm0, v19, v39  }
0x42f: {  	vm15 =	veq.s32 v38, v18;
	v38 =	vld [tilespmem:$0x1FE40];
	vm0 =	vgt.s32 v19, v37;
	vm13 =	veq.s32 v33, v18  }
0x430: {  	v33 =	vmov v43;
	v19 =	vsel vm0, v19, v37;
	v39 =	vnsel vm13, $0xFFFFFFFF, v43;
	v43 =	vld [tilespmem:$0x19060]  }
0x431: {  	v37 =	vld [tilespmem:$0x19070];
	vm0 =	vgt.s32 v19, v39;
	vm14 =	veq.s32 v48, v18  }
0x432: {  	v19 =	vsel vm0, v19, v39;
	v48 =	vnsel vm14, $0xFFFFFFFF, v25;
	v39 =	vld [tilespmem:$0x19080]  }
0x433: {  	vm1 =	vgt.s32 v19, v48  }
0x434: {  	v20 =	vnsel vm15, $0xFFFFFFFF, v38;
	v19 =	vsel vm1, v19, v48;
	v48 =	vld [tilespmem:$0x19090]  }
0x435: {  	vm4 =	veq.s32 v43, v18;
	vm1 =	vgt.s32 v19, v20  }
0x436: {  	v19 =	vsel vm1, v19, v20;
	v43 =	vnsel vm4, $0xFFFFFFFF, v54  }
0x437: {  	vm5 =	veq.s32 v37, v18;
	vm1 =	vgt.s32 v19, v43;
	vm6 =	veq.s32 v39, v18;
	v39 =	vld [tilespmem:$0x1FE50]  }
0x438: {  	v54 =	vnsel vm5, $0xFFFFFFFF, v60;
	v60 =	vld [tilespmem:$0x190A0];
	v19 =	vsel vm1, v19, v43  }
0x439: {  	vm1 =	vgt.s32 v19, v54;
	vm7 =	veq.s32 v48, v18;
	v48 =	vld [tilespmem:$0x1FE60]  }
0x43a: {  	v38 =	vld [tilespmem:$0x190B0];
	v37 =	vnsel vm6, $0xFFFFFFFF, v57;
	v19 =	vsel vm1, v19, v54  }
0x43b: {  	v57 =	vld [tilespmem:$0x1FE70];
	vm1 =	vgt.s32 v19, v37  }
0x43c: {  	v43 =	vld [tilespmem:$0x190C0];
	v19 =	vsel vm1, v19, v37;
	v20 =	vnsel vm7, $0xFFFFFFFF, v39  }
0x43d: {  	vm8 =	veq.s32 v60, v18;
	v37 =	vld [tilespmem:$0x1FE80];
	vm1 =	vgt.s32 v19, v20  }
0x43e: {  	v54 =	vld [tilespmem:$0x190D0];
	v19 =	vsel vm1, v19, v20;
	v20 =	vnsel vm8, $0xFFFFFFFF, v48  }
0x43f: {  	vm9 =	veq.s32 v38, v18;
	v39 =	vld [tilespmem:$0x1FE90];
	vm1 =	vgt.s32 v19, v20  }
0x440: {  	v60 =	vld [tilespmem:$0x190E0];
	v19 =	vsel vm1, v19, v20;
	v20 =	vnsel vm9, $0xFFFFFFFF, v57  }
0x441: {  	vm10 =	veq.s32 v43, v18;
	vm1 =	vgt.s32 v19, v20  }
0x442: {  	v38 =	vld [tilespmem:$0x190F0];
	v19 =	vsel vm1, v19, v20;
	v20 =	vnsel vm10, $0xFFFFFFFF, v37  }
0x443: {  	vm11 =	veq.s32 v54, v18;
	vm1 =	vgt.s32 v19, v20  }
0x444: {  	v43 =	vld [tilespmem:$0x19100];
	v19 =	vsel vm1, v19, v20;
	v20 =	vnsel vm11, $0xFFFFFFFF, v39  }
0x445: {  	vm12 =	veq.s32 v60, v18;
	vm1 =	vgt.s32 v19, v20  }
0x446: {  	v54 =	vld [tilespmem:$0x19110];
	v48 =	vnsel vm12, $0xFFFFFFFF, v58;
	v19 =	vsel vm1, v19, v20  }
0x447: {  	vm13 =	veq.s32 v38, v18;
	vm1 =	vgt.s32 v19, v48  }
0x448: {  	v57 =	vnsel vm13, $0xFFFFFFFF, v59;
	v58 =	vld [tilespmem:$0x19120];
	v19 =	vsel vm1, v19, v48  }
0x449: {  	vm14 =	veq.s32 v43, v18;
	vm1 =	vgt.s32 v19, v57  }
0x44a: {  	v60 =	vld [tilespmem:$0x19130];
	v59 =	vnsel vm14, $0xFFFFFFFF, v46;
	v19 =	vsel vm1, v19, v57  }
0x44b: {  	vm15 =	veq.s32 v54, v18;
	vm1 =	vgt.s32 v19, v59  }
0x44c: {  	v37 =	vld [tilespmem:$0x19140];
	v61 =	vnsel vm15, $0xFFFFFFFF, v61;
	v19 =	vsel vm1, v19, v59  }
0x44d: {  	vm4 =	veq.s32 v58, v18;
	vm1 =	vgt.s32 v19, v61  }
0x44e: {  	v39 =	vld [tilespmem:$0x19150];
	v38 =	vnsel vm4, $0xFFFFFFFF, v62;
	v19 =	vsel vm1, v19, v61  }
0x44f: {  	vm5 =	veq.s32 v60, v18;
	vm1 =	vgt.s32 v19, v38  }
0x450: {  	v46 =	vld [tilespmem:$0x19160];
	v43 =	vnsel vm5, $0xFFFFFFFF, v55;
	v19 =	vsel vm1, v19, v38  }
0x451: {  	vm6 =	veq.s32 v37, v18;
	vm1 =	vgt.s32 v19, v43  }
0x452: {  	v48 =	vnsel vm6, $0xFFFFFFFF, v52;
	v52 =	vld [tilespmem:$0x19170];
	v19 =	vsel vm1, v19, v43  }
0x453: {  	vm7 =	veq.s32 v39, v18;
	vm1 =	vgt.s32 v19, v48  }
0x454: {  	v55 =	vld [tilespmem:$0x19180];
	v54 =	vnsel vm7, $0xFFFFFFFF, v63;
	v19 =	vsel vm1, v19, v48  }
0x455: {  	vm8 =	veq.s32 v46, v18;
	vm1 =	vgt.s32 v19, v54  }
0x456: {  	v56 =	vnsel vm8, $0xFFFFFFFF, v56;
	v57 =	vld [tilespmem:$0x19190];
	v19 =	vsel vm1, v19, v54  }
0x457: {  	vm9 =	veq.s32 v52, v18;
	vm1 =	vgt.s32 v19, v56  }
0x458: {  	v58 =	vld [tilespmem:$0x191A0];
	v1 =	vnsel vm9, $0xFFFFFFFF, v1;
	v19 =	vsel vm1, v19, v56  }
0x459: {  	vm10 =	veq.s32 v55, v18;
	vm1 =	vgt.s32 v19, v1  }
0x45a: {  	v4 =	vnsel vm10, $0xFFFFFFFF, v4;
	v59 =	vld [tilespmem:$0x191B0];
	v1 =	vsel vm1, v19, v1  }
0x45b: {  	vm11 =	veq.s32 v57, v18;
	vm1 =	vgt.s32 v1, v4  }
0x45c: {  	v61 =	vld [tilespmem:$0x191C0];
	v60 =	vnsel vm11, $0xFFFFFFFF, v5;
	v1 =	vsel vm1, v1, v4  }
0x45d: {  	vm12 =	veq.s32 v58, v18;
	vm1 =	vgt.s32 v1, v60  }
0x45e: {  	v63 =	vld [tilespmem:$0x191D0];
	v62 =	vnsel vm12, $0xFFFFFFFF, v6;
	v1 =	vsel vm1, v1, v60  }
0x45f: {  	vm13 =	veq.s32 v59, v18;
	vm1 =	vgt.s32 v1, v62  }
0x460: {  	v21 =	vld [tilespmem:$0x191E0];
	v20 =	vnsel vm13, $0xFFFFFFFF, v7;
	v1 =	vsel vm1, v1, v62  }
0x461: {  	vm14 =	veq.s32 v61, v18;
	vm1 =	vgt.s32 v1, v20  }
0x462: {  	v23 =	vld [tilespmem:$0x191F0];
	v22 =	vnsel vm14, $0xFFFFFFFF, v8;
	v1 =	vsel vm1, v1, v20  }
0x463: {  	vm15 =	veq.s32 v63, v18;
	vm1 =	vgt.s32 v1, v22  }
0x464: {  	v37 =	vnsel vm15, $0xFFFFFFFF, v9;
	v38 =	vld [tilespmem:$0x19200];
	v1 =	vsel vm1, v1, v22  }
0x465: {  	vm4 =	veq.s32 v21, v18;
	vm1 =	vgt.s32 v1, v37  }
0x466: {  	v39 =	vnsel vm4, $0xFFFFFFFF, v10;
	v43 =	vld [tilespmem:$0x19210];
	v1 =	vsel vm1, v1, v37  }
0x467: {  	vm5 =	veq.s32 v23, v18;
	vm1 =	vgt.s32 v1, v39  }
0x468: {  	v46 =	vnsel vm5, $0xFFFFFFFF, v11;
	v48 =	vld [tilespmem:$0x19220];
	v1 =	vsel vm1, v1, v39  }
0x469: {  	vm6 =	veq.s32 v38, v18;
	vm1 =	vgt.s32 v1, v46  }
0x46a: {  	v52 =	vnsel vm6, $0xFFFFFFFF, v12;
	v54 =	vld [tilespmem:$0x19230];
	v1 =	vsel vm1, v1, v46  }
0x46b: {  	vm7 =	veq.s32 v43, v18;
	vm1 =	vgt.s32 v1, v52  }
0x46c: {  	v55 =	vnsel vm7, $0xFFFFFFFF, v13;
	v56 =	vld [tilespmem:$0x19240];
	v1 =	vsel vm1, v1, v52  }
0x46d: {  	vm8 =	veq.s32 v48, v18;
	vm1 =	vgt.s32 v1, v55  }
0x46e: {  	v58 =	vld [tilespmem:$0x19250];
	v57 =	vnsel vm8, $0xFFFFFFFF, v14;
	v1 =	vsel vm1, v1, v55  }
0x46f: {  	vm9 =	veq.s32 v54, v18;
	vm1 =	vgt.s32 v1, v57  }
0x470: {  	v59 =	vnsel vm9, $0xFFFFFFFF, v15;
	v60 =	vld [tilespmem:$0x19260];
	v1 =	vsel vm1, v1, v57  }
0x471: {  	vm10 =	veq.s32 v56, v18;
	vm1 =	vgt.s32 v1, v59  }
0x472: {  	v61 =	vnsel vm10, $0xFFFFFFFF, v16;
	v62 =	vld [tilespmem:$0x19270];
	v1 =	vsel vm1, v1, v59  }
0x473: {  	vm11 =	veq.s32 v58, v18;
	vm1 =	vgt.s32 v1, v61  }
0x474: {  	v63 =	vnsel vm11, $0xFFFFFFFF, v17;
	v1 =	vsel vm1, v1, v61  }
0x475: {  	vm12 =	veq.s32 v60, v18;
	vm1 =	vgt.s32 v1, v63  }
0x476: {  	v2 =	vnsel vm12, $0xFFFFFFFF, v2;
	v1 =	vsel vm1, v1, v63  }
0x477: {  	vm13 =	veq.s32 v62, v18;
	vm0 =	vgt.s32 v1, v2  }
0x478: {  	v1 =	vsel vm0, v1, v2;
	v2 =	vnsel vm13, $0xFFFFFFFF, v3  }
0x479: {  	vm0 =	vgt.s32 v1, v2  }
0x47a: {  	v1 =	vsel vm0, v1, v2  }
0x47b: {  	v1 =	vxor.u32 $0x80000000, v1  }
0x47c: {  	(xrf0) =	vmax.scan.msk.u32 $0xffff, v1;
	_ =	sdelay $0x5  }
0x47d: {  	v1, _, _ =	vpop (xrf0)  }
0x47e: {  	(v2sf) =	vpush v1, $0xF;
	_ =	sdelay $0xa  }
0x47f: {  	s22 =	sadd.s32 $0x0, s30;
	s18 =	sand.u32 $0x30, s7;
	s7 =	sand.u32 $0xF, s19  }
0x480: {  	p5 =	seq.s32 s22, $0x0;
	p6 =	sne.s32 s7, $0x0;
	v1 =	vld [tilespmem:s18+$0x1E380]  }
0x481: {  	p2 =	por !p5, !p6  }
0x482: {  	s14 =	simm.s32 $0xFFFFFFFF;
	p2 =	por !p2, !p2  }
0x483: {  	s14 =	simm.s32 @!p2 $0x0;
	v2 =	vmov s23;
	s23 =	spop (v2sf)  }
0x484: {  	s14 =	sshll.u32 s14, $0x4;
	vm14 =	veq.s32 v2, v0;
	s15 =	sxor.u32 $0x80000000, s23  }
0x485: {  	s26 =	sadd.s32 s14, s22;
	v1 =	vsel vm14, s15, v1  }
0x486: {  	s15 =	sand.u32 $0xFFFFFFF0, s26;
	[tilespmem:s18+$0x1E380] =	vst v1  }
0x487: {  	s14 =	sadd.s32 s14, s30;
	v1 =	vld [tilespmem:s15+$0x18E80]  }
0x488: {  	s18 =	sand.u32 $0xFFFFFFF0, s14  }
0x489: {  	s1 =	ssub.s32 s22, s18  }
0x48a: {  	v2 =	vmov s1  }
0x48b: {  	vm15 =	veq.s32 v2, v0  }
0x48c: {  	v1 =	vnsel vm15, $0x0, v1  }
0x48d: {  	(xrf0) =	vadd.scan.msk.s32 $0xffff, v1;
	_ =	sdelay $0x5  }
0x48e: {  	v1, _, _ =	vpop (xrf0)  }
0x48f: {  	(v2sf) =	vpush v1, $0xF;
	_ =	sdelay $0xe  }
0x490: {  	s22 =	spop (v2sf)  }
0x491: {  	p3 =	sge.s32 s22, s3;
	p4 =	slt.s32 s22, s10  }
0x492: {  	p2 =	por !p3, !p4  }
0x493: {  	p2 =	por !p2, !p2  }
0x494: {  	s1 =	sand.u32 @p2 $0x30, s19  }
0x495: {  	v2 =	vld @p2 [tilespmem:s1+$0x1E380]  }
0x496: {  	s1 =	sand.u32 @p2 $0xF, s19  }
0x497: {  	p3 =	por @p2 $0x1, $0x1;
	p4 =	sne.s32 @p2 s1, $0x0  }
0x498: {  	v3 =	vmov @p2 s7;
	v4 =	vlaneseq.u32 @p2;
	p3 =	por @p2 !p3, !p4  }
0x499: {  	vm0 =	veq.s32 @p2 v3, v4;
	p3 =	por @p2 !p3, !p3  }
0x49a: {  	s1 =	simm.s32 @p2 $0x1;
	p3 =	por !p3, !p2;
	v2 =	vnsel @p2 vm0, $0x0, v2  }
0x49b: {  	s1 =	simm.s32 @p3 $0x0;
	(xrf0) =	vadd.scan.msk.s32 @p2 $0xffff, v2  }
0x49c: {  	s1 =	ssub.s32 @p2 $0x0, s1  }
0x49d: {  	s19 =	sshll.u32 @p2 s1, $0x4  }
0x49e: {  	s22 =	sadd.s32 $0x1, s30;
	s7 =	sand.u32 $0xF, s21;
	v2 =	vld @p2 [tilespmem:s19+$0x1E400]  }
0x49f: {  	p5 =	seq.s32 s22, $0x0;
	p6 =	sne.s32 s7, $0x0;
	v3 =	vld @p2 [tilespmem:s19+$0x1E480]  }
0x4a0: {  	p3 =	por !p5, !p6;
	s1 =	ssub.s32 @p2 $0x0, s19  }
0x4a1: {  	s2 =	simm.s32 $0x1;
	s14 =	simm.s32 $0xFFFFFFFF;
	v1 =	vbroadcast @p2 v1, $0xF;
	p3 =	por !p3, !p3;
	v5 =	vmov @p2 s1;
	v6, _, _ =	vpop @p2 (xrf0)  }
0x4a2: {  	s15 =	simm.s32 $0x2;
	s2 =	simm.s32 @!p2 $0x0;
	s14 =	simm.s32 @!p3 $0x0;
	vm0 =	veq.s32 @p2 v5, v4;
	v4 =	vbroadcast @p2 v6, $0xF  }
0x4a3: {  	s23 =	sshll.u32 s14, $0x4;
	s14 =	sadd.s32 $0x1, s30;
	s1 =	sadd.s32 $0x0, s2;
	v1 =	vsel @p2 vm0, v1, v2  }
0x4a4: {  	v47 =	vmov v24;
	v24 =	vmov v25;
	s26 =	sadd.s32 s23, s22;
	s23 =	sadd.s32 s23, s14;
	s2 =	smov.u32 s1;
	[tilespmem:s19+$0x1E400] =	vst @p2 v1;
	v1 =	vsel @p2 vm0, v4, v3  }
.LBB2_25:
0x4a5: {  	s18 =	sand.u32 $0xFFFFFFF0, s26;
	[tilespmem:s19+$0x1E480] =	vst @p2 v1;
	s19 =	smov.u32 s15;
	s15 =	sadd.s32 $0x1, s15  }
0x4a6: {  	p3 =	sne.s32 s15, $0x40;
	v1 =	vld [tilespmem:s18+$0x18E80]  }
0x4a7: {  	s18 =	sand.u32 $0xFFFFFFF0, s23  }
0x4a8: {  	s18 =	ssub.s32 s22, s18  }
0x4a9: {  	v2 =	vmov s18  }
0x4aa: {  	vm0 =	veq.s32 v2, v0  }
0x4ab: {  	v1 =	vnsel vm0, $0x0, v1  }
0x4ac: {  	(xrf0) =	vadd.scan.msk.s32 $0xffff, v1;
	_ =	sdelay $0x5  }
0x4ad: {  	v1, _, _ =	vpop (xrf0)  }
0x4ae: {  	(v2sf) =	vpush v1, $0xF;
	_ =	sdelay $0xe  }
0x4af: {  	s18 =	spop (v2sf)  }
0x4b0: {  	p2 =	sge.s32 s18, s3;
	p4 =	slt.s32 s18, s10  }
0x4b1: {  	p2 =	por !p2, !p4  }
0x4b2: {  	p2 =	por !p2, !p2  }
0x4b3: {  	s18 =	sand.u32 @p2 $0x30, s21  }
0x4b4: {  	v2 =	vmov @p2 s7;
	s7 =	sshra.s32 @p2 s1, $0x1F;
	s21 =	sand.u32 @p2 $0xF, s1;
	v1 =	vbroadcast @p2 v1, $0xF;
	p4 =	slt.s32 @p2 s1, $0x1  }
0x4b5: {  	v3 =	vld @p2 [tilespmem:s18+$0x1E380];
	s7 =	sshrl.u32 @p2 s7, $0x1C;
	p5 =	sne.s32 @p2 s21, $0x0;
	s18 =	simm.s32 $0x1  }
0x4b6: {  	s7 =	sadd.s32 @p2 s7, s1;
	p4 =	por @p2 !p4, !p5;
	s18 =	simm.s32 @!p2 $0x0  }
0x4b7: {  	s7 =	sshrl.u32 @p2 s7, $0x4;
	p4 =	por @p2 !p4, !p4;
	s1 =	sadd.s32 s18, s1  }
0x4b8: {  	v4 =	vlaneseq.u32 @p2;
	s21 =	smov.u32 s19;
	s18 =	simm.s32 @p2 $0x1;
	p4 =	por !p4, !p2  }
0x4b9: {  	vm0 =	veq.s32 @p2 v2, v4;
	s18 =	simm.s32 @p4 $0x0  }
0x4ba: {  	v2 =	vnsel @p2 vm0, $0x0, v3;
	s7 =	ssub.s32 @p2 s7, s18  }
0x4bb: {  	s19 =	sshll.u32 @p2 s7, $0x4;
	(xrf0) =	vadd.scan.msk.s32 @p2 $0xffff, v2  }
0x4bc: {  	s18 =	ssub.s32 @p2 s2, s19;
	v2 =	vld @p2 [tilespmem:s19+$0x1E400];
	s2 =	smov.u32 s1;
	_ =	sdelay $0x1  }
0x4bd: {  	s22 =	sadd.s32 s21, s30;
	s7 =	sand.u32 $0xF, s21  }
0x4be: {  	p4 =	seq.s32 s22, $0x0;
	p5 =	sne.s32 s7, $0x0;
	v3 =	vmov @p2 s18;
	v5 =	vld @p2 [tilespmem:s19+$0x1E480]  }
.Ltmp14:
0x4bf: {  	p4 =	por !p4, !p5;
	vm0 =	veq.s32 @p2 v3, v4;
	(pc) =	sbr.rel @p3 .LBB2_25-.Ltmp14, $4  }
0x4c0: {  	s18 =	simm.s32 $0xFFFFFFFF;
	p4 =	por !p4, !p4;
	v1 =	vsel @p2 vm0, v1, v2;
	v2, _, _ =	vpop @p2 (xrf0)  }
0x4c1: {  	s18 =	simm.s32 @!p4 $0x0;
	[tilespmem:s19+$0x1E400] =	vst @p2 v1;
	v1 =	vbroadcast @p2 v2, $0xF  }
0x4c2: {  	s14 =	sadd.s32 $0x1, s14;
	s18 =	sshll.u32 s18, $0x4  }
0x4c3: {  	s26 =	sadd.s32 s18, s22;
	s23 =	sadd.s32 s18, s14;
	v1 =	vsel @p2 vm0, v1, v5  }
0x4c4: {  	s14 =	sand.u32 $0xFFFFFFF0, s26;
	[tilespmem:s19+$0x1E480] =	vst @p2 v1  }
0x4c5: {  	v1 =	vld [tilespmem:s14+$0x18E80]  }
0x4c6: {  	s18 =	sand.u32 $0xFFFFFFF0, s23  }
0x4c7: {  	s14 =	ssub.s32 s22, s18  }
0x4c8: {  	v2 =	vmov s14  }
0x4c9: {  	vm0 =	veq.s32 v2, v0  }
0x4ca: {  	v1 =	vnsel vm0, $0x0, v1  }
0x4cb: {  	(xrf0) =	vadd.scan.msk.s32 $0xffff, v1;
	_ =	sdelay $0x5  }
0x4cc: {  	v1, _, _ =	vpop (xrf0)  }
0x4cd: {  	(v2sf) =	vpush v1, $0xF;
	_ =	sdelay $0xe  }
0x4ce: {  	s19 =	spop (v2sf)  }
0x4cf: {  	p4 =	sge.s32 s19, s3;
	p3 =	slt.s32 s19, s10  }
0x4d0: {  	p2 =	por !p4, !p3  }
0x4d1: {  	p2 =	por !p2, !p2  }
0x4d2: {  	s14 =	sand.u32 @p2 $0x30, s21  }
0x4d3: {  	v2 =	vld @p2 [tilespmem:s14+$0x1E380]  }
0x4d4: {  	s14 =	sand.u32 @p2 $0xF, s1  }
0x4d5: {  	p3 =	slt.s32 @p2 s1, $0x1;
	p4 =	sne.s32 @p2 s14, $0x0  }
0x4d6: {  	v3 =	vmov @p2 s7;
	s7 =	sshra.s32 @p2 s1, $0x1F;
	v4 =	vlaneseq.u32 @p2;
	p3 =	por @p2 !p3, !p4  }
0x4d7: {  	s7 =	sshrl.u32 @p2 s7, $0x1C;
	vm0 =	veq.s32 @p2 v3, v4;
	p3 =	por @p2 !p3, !p3  }
0x4d8: {  	s7 =	sadd.s32 @p2 s7, s1;
	s14 =	simm.s32 @p2 $0x1;
	p3 =	por !p3, !p2;
	v2 =	vnsel @p2 vm0, $0x0, v2  }
0x4d9: {  	v25 =	vld [tilespmem:$0x1FFA0];
	s7 =	sshrl.u32 @p2 s7, $0x4;
	s14 =	simm.s32 @p3 $0x0;
	(xrf0) =	vadd.scan.msk.s32 @p2 $0xffff, v2  }
0x4da: {  	v10 =	vld [tilespmem:$0x1FEB0];
	s7 =	ssub.s32 @p2 s7, s14  }
0x4db: {  	v11 =	vld [tilespmem:$0x1FEC0];
	s7 =	sshll.u32 @p2 s7, $0x4  }
0x4dc: {  	v2 =	vld @p2 [tilespmem:s7+$0x1E400]  }
0x4dd: {  	v3 =	vld @p2 [tilespmem:s7+$0x1E480]  }
0x4de: {  	v12 =	vld [tilespmem:$0x1FED0];
	s2 =	ssub.s32 @p2 s2, s7  }
0x4df: {  	v13 =	vld [tilespmem:$0x1FEE0];
	v1 =	vbroadcast @p2 v1, $0xF;
	v5 =	vmov @p2 s2;
	v6, _, _ =	vpop @p2 (xrf0)  }
0x4e0: {  	v14 =	vld [tilespmem:$0x1FEF0];
	vm0 =	veq.s32 @p2 v5, v4;
	v4 =	vbroadcast @p2 v6, $0xF  }
0x4e1: {  	v15 =	vld [tilespmem:$0x1FF00];
	v1 =	vsel @p2 vm0, v1, v2  }
0x4e2: {  	v16 =	vld [tilespmem:$0x1FF10];
	[tilespmem:s7+$0x1E400] =	vst @p2 v1;
	v1 =	vsel @p2 vm0, v4, v3  }
0x4e3: {  	v17 =	vld [tilespmem:$0x1FF20];
	s2 =	simm.s32 $0x1;
	[tilespmem:s7+$0x1E480] =	vst @p2 v1  }
0x4e4: {  	s2 =	simm.s32 @!p2 $0x0;
	v1 =	vld [tilespmem:$0x1E400]  }
0x4e5: {  	s21 =	sadd.s32 s2, s1;
	v2 =	vld [tilespmem:$0x1E480]  }
0x4e6: {  	v18 =	vld [tilespmem:$0x1FF30];
	v61 =	vmov s21  }
0x4e7: {  	v56 =	vmov v47;
	s1 =	sadd.s32 $0x1F, s21;
	vm14 =	vgt.s32 v61, v47;
	v47 =	vld [tilespmem:$0x1FFE0]  }
0x4e8: {  	s22 =	sand.u32 $0x1F, s1;
	v3 =	vld [tilespmem:$0x1E410]  }
0x4e9: {  	s23 =	sshra.s32 s1, $0x1F;
	p5 =	slt.s32 s1, $0x1;
	p6 =	sne.s32 s22, $0x0;
	v63 =	vld [tilespmem:$0x1E490];
	v62 =	vbroadcast v1, $0x0  }
0x4ea: {  	vm12 =	vgt.s32 v61, v0;
	s26 =	sshrl.u32 s23, $0x1B;
	p2 =	por !p5, !p6;
	v8 =	vld [tilespmem:$0x1E420];
	v7 =	vbroadcast v2, $0x0  }
0x4eb: {  	s2 =	simm.s32 $0x1;
	s1 =	sadd.s32 s26, s1;
	v9 =	vld [tilespmem:$0x1E4A0];
	p2 =	por !p2, !p2;
	v1 =	vsel vm12, v1, v62  }
0x4ec: {  	vm13 =	vgt.s32 v61, v25;
	s1 =	sshra.s32 s1, $0x5;
	s2 =	simm.s32 @!p2 $0x0;
	[tilespmem:$0x1E400] =	vst v1;
	v1 =	vsel vm12, v2, v7;
	v2 =	vld [tilespmem:$0x1E430]  }
0x4ed: {  	s1 =	ssub.s32 s1, s2;
	[tilespmem:$0x1E480] =	vst v1;
	v1 =	vsel vm13, v3, v62;
	v3 =	vld [tilespmem:$0x1E4B0]  }
0x4ee: {  	v19 =	vld [tilespmem:$0x1FF40];
	p2 =	slt.s32 s1, $0x1;
	[tilespmem:$0x1E410] =	vst v1;
	v1 =	vsel vm13, v63, v7  }
.Ltmp15:
0x4ef: {  	v20 =	vld [tilespmem:$0x1FF50];
	[tilespmem:$0x1E490] =	vst v1;
	v1 =	vsel vm14, v8, v62;
	(pc) =	sbr.rel @p2 .LBB2_29-.Ltmp15, $4  }
0x4f0: {  	v21 =	vld [tilespmem:$0x1FF60];
	vm15 =	vgt.s32 v61, v47;
	[tilespmem:$0x1E420] =	vst v1;
	v1 =	vsel vm14, v9, v7  }
0x4f1: {  	v22 =	vld [tilespmem:$0x1FF70];
	[tilespmem:$0x1E4A0] =	vst v1;
	v1 =	vsel vm15, v2, v62  }
0x4f2: {  	v23 =	vld [tilespmem:$0x1FF80];
	[tilespmem:$0x1E430] =	vst v1;
	v1 =	vsel vm15, v3, v7  }
0x4f3: {  	v46 =	vld [tilespmem:$0x1FF90];
	[tilespmem:$0x1E4B0] =	vst v1  }
0x4f4: {  	s2 =	simm.s32 $0x1E410;
	s7 =	simm.s32 $0x1E490  }
.LBB2_28:
0x4f5: {  	v1 =	vld [tilespmem:s7+$0xFFFFFFF0];
	_ =	sdelay $0x4  }
0x4f6: {  	[tilespmem:$0x1E280] =	vst v1  }
0x4f7: {  	v1 =	vld [tilespmem:s2+$0xFFFFFFF0];
	_ =	sdelay $0x2  }
0x4f8: {  	v2 =	vld [tilespmem:$0x1E280];
	_ =	sdelay $0x1  }
0x4f9: {  	[tilespmem:$0x1E300] =	vst v1  }
0x4fa: {  	v1 =	vld [tilespmem:s7+$0x0];
	_ =	sdelay $0x1  }
0x4fb: {  	v3 =	vshll.u32 v2, $0x1  }
0x4fc: {  	v2 =	vand.u32 $0x7, v2;
	v3 =	vand.u32 $0xFFFFFFF0, v3  }
0x4fd: {  	v4 =	vshrl.u32 v0, $0x3;
	v2 =	vor.u32 v2, v3;
	v3 =	vand.u32 $0x7, v0  }
0x4fe: {  	v4 =	vmul.u32 $0x8, v4;
	[tilespmem:$0x1E290] =	vst v1;
	v1 =	vperm.xlane v2, v3  }
0x4ff: {  	v6 =	vor.u32 $0x8, v0;
	v5 =	vld [tilespmem:s2+$0x0]  }
0x500: {  	v2 =	vperm.xlane v2, v6;
	v1 =	vadd.s32 v4, v1;
	_ =	sdelay $0x1  }
0x501: {  	v2 =	vadd.s32 v4, v2;
	_ =	sdelay $0x1  }
0x502: {  	vm0 =	vmmov $0xffff;
	[tilespmem:$0x1E310] =	vst v5  }
0x503: {  	[tilespmem:s24], [sflag:$0x1] =	stream.indirect_vreg.gather [hbm4b:s5+s8], $0x80, v1, vm0, $0xb8;
	[tilespmem:$0x1E540] =	vst v63  }
0x504: {  	_ = 	snop  }
0x505: {  	[tilespmem:s31], [sflag:$0x1] =	stream.indirect_vreg.gather [hbm4b:s5+s8], $0x80, v2, vm0, $0xb8;
	[tilespmem:$0x1E540] =	vst v63  }
0x506: {  	v1 =	vld [tilespmem:$0x1E290];
	_ =	sdelay $0x4  }
0x507: {  	v2 =	vshll.u32 v1, $0x1  }
0x508: {  	v1 =	vand.u32 $0x7, v1;
	v2 =	vand.u32 $0xFFFFFFF0, v2  }
0x509: {  	v1 =	vor.u32 v1, v2  }
0x50a: {  	v2 =	vperm.xlane v1, v3;
	_ =	sdelay $0x1  }
0x50b: {  	v1 =	vperm.xlane v1, v6;
	v2 =	vadd.s32 v4, v2;
	_ =	sdelay $0x1  }
0x50c: {  	v1 =	vadd.s32 v4, v1;
	_ =	sdelay $0x2  }
0x50d: {  	[tilespmem:s4], [sflag:$0x1] =	stream.indirect_vreg.gather [hbm4b:s5+s8], $0x80, v2, vm0, $0xb8;
	[tilespmem:$0x1E540] =	vst v63  }
0x50e: {  	_ = 	snop  }
0x50f: {  	[tilespmem:s9], [sflag:$0x1] =	stream.indirect_vreg.gather [hbm4b:s5+s8], $0x80, v1, vm0, $0xb8;
	[tilespmem:$0x1E540] =	vst v63  }
0x510: {  	_ =	swait.ge [sflag:s29], $0x2000  }
0x511: {  	[sflag:s29] =	ssyncset.done $0x0  }
0x512: {  	[sflag:s29] =	ssyncadd.s32 $0xFFFFE000  }
0x513: {  	v1 =	vld [tilespmem:$0x1E300];
	_ =	sdelay $0x4  }
0x514: {  	v2 =	vshll.u32 v1, $0x1  }
0x515: {  	v1 =	vand.u32 $0x7, v1;
	v2 =	vand.u32 $0xFFFFFFF0, v2  }
0x516: {  	v1 =	vor.u32 v1, v2  }
0x517: {  	v2 =	vperm.xlane v1, v3;
	_ =	sdelay $0x1  }
0x518: {  	v1 =	vperm.xlane v1, v6;
	v2 =	vadd.s32 v4, v2;
	_ =	sdelay $0x1  }
0x519: {  	v1 =	vadd.s32 v4, v1;
	_ =	sdelay $0x2  }
0x51a: {  	[hbm4b:s6+s8] =	stream.indirect_vreg.scatter [tilespmem:s24], [sflag:$0x1], $0x80, v2, vm0, $0xb8;
	[tilespmem:$0x1E540] =	vst v63  }
0x51b: {  	_ = 	snop  }
0x51c: {  	[hbm4b:s6+s8] =	stream.indirect_vreg.scatter [tilespmem:s31], [sflag:$0x1], $0x80, v1, vm0, $0xb8;
	[tilespmem:$0x1E540] =	vst v63  }
0x51d: {  	v1 =	vld [tilespmem:$0x1E310];
	_ =	sdelay $0x4  }
0x51e: {  	v2 =	vshll.u32 v1, $0x1  }
0x51f: {  	v1 =	vand.u32 $0x7, v1;
	v2 =	vand.u32 $0xFFFFFFF0, v2  }
0x520: {  	v1 =	vor.u32 v1, v2  }
0x521: {  	v2 =	vperm.xlane v1, v3;
	_ =	sdelay $0x1  }
0x522: {  	v1 =	vperm.xlane v1, v6;
	v2 =	vadd.s32 v4, v2;
	_ =	sdelay $0x1  }
0x523: {  	v1 =	vadd.s32 v4, v1;
	_ =	sdelay $0x1  }
0x524: {  	p2 =	sne.s32 s1, $0x1  }
0x525: {  	[hbm4b:s6+s8] =	stream.indirect_vreg.scatter [tilespmem:s4], [sflag:$0x1], $0x80, v2, vm0, $0xb8;
	[tilespmem:$0x1E540] =	vst v63  }
.Ltmp16:
0x526: {  	_ = 	snop;
	(pc) =	sbr.rel @p2 .LBB2_28-.Ltmp16, $4  }
0x527: {  	[hbm4b:s6+s8] =	stream.indirect_vreg.scatter [tilespmem:s9], [sflag:$0x1], $0x80, v1, vm0, $0xb8;
	[tilespmem:$0x1E540] =	vst v63  }
0x528: {  	_ =	swait.ge [sflag:s29], $0x2000  }
0x529: {  	s1 =	sadd.s32 $0xFFFFFFFF, s1;
	[sflag:s29] =	ssyncset.done $0x0  }
0x52a: {  	s7 =	sadd.s32 $0x20, s7;
	s2 =	sadd.s32 $0x20, s2;
	[sflag:s29] =	ssyncadd.s32 $0xFFFFE000  }
.Ltmp17:
0x52b: {  	_ = 	snop;
	(pc) =	sbr.rel .LBB2_29-.Ltmp17, $1  }
0x52c: {  	_ =	sdelay $0x3  }
.LBB2_30:
0x52d: {  	_ =	sfence.sel $0x180000  }
0x52e: {  	[bflag:$0x0] =	sbarrier.arrive $0xFFFF  }
0x52f: {  	_ =	strace $0x90000047  }
0x530: {  	[bflag:$0x2] =	sbarrier.arrive $0xFFFF  }
0x531: {  	s0 =	rddreg [dreg:$0x6]  }
0x532: {  	s0 =	sadd.s32 @!p0 $0x100000, s0  }
0x533: {  	[sflag:s0] =	ssyncadd.tile.s32 @!p0 $0x1;
	_ =	shalt  }
.Lfunc_end2:
_tile_overlayer_lowered:
.L_overlay_start_2:
0x534: {  	(tag) =	ssettag $0x2  }
0x535: {  	s0 =	rddreg [dreg:$0x0];
	s2 =	stileid.u32  }
0x536: {  	s1 =	rddreg [dreg:$0x1];
	p0 =	sne.s32 s2, $0x0  }
0x537: {  	s3 =	rddreg [dreg:$0x2];
	[bflag:$0x3] =	sbarrier.arrive $0xFFFF;
	s2 =	simm.s32 @!p0 $0x1C06  }
0x538: {  	[timem:s3], [sflag:s2] =	dma.local @!p0 [hbm:s0], s1  }
0x539: {  	s0 =	simm.s32 @!p0 $0x6  }
0x53a: {  	_ =	swait.ge @!p0 [sflag:s0], s1  }
0x53b: {  	s1 =	ssub.s32 @!p0 $0x0, s1;
	[sflag:s0] =	ssyncset.done @!p0 $0x0  }
0x53c: {  	[sflag:s0] =	ssyncadd.s32 @!p0 s1  }
0x53d: {  	[bflag:$0x3] =	sbarrier.arrive $0xFFFF  }
0x53e: {  	_ =	shalt  }

</sc_bundles>
